<compile_context>
chip_gen: v7x
topology: tpu7x:2x2x1
jax: 0.10.2.dev20260603
libtpu: 0.0.44.dev20260713+nightly
codegen_flags: <defaults>
</compile_context>

<pallas_src>
import functools
import math

import jax
import jax.numpy as jnp
from jax import lax
from jax.experimental import pallas as pl
from jax.experimental.pallas import tpu as pltpu
from jax.experimental.pallas import tpu_sc as plsc

D = 64
SCALE = math.sqrt(D)
L = 16
NC, NS = 2, 16
NW = NC * NS
TB = 128
NQ = TB // L
NBUF = 4


@functools.partial(jax.jit, static_argnums=(2, 3))
def _embed(xt, tp, s_len, n_tok):
    mesh = plsc.VectorSubcoreMesh(core_axis_name="c", subcore_axis_name="s")

    @functools.partial(
        pl.kernel,
        out_type=jax.ShapeDtypeStruct((s_len, D, n_tok), jnp.float32),
        mesh=mesh,
        scratch_types=[
            pltpu.VMEM((s_len, TB), jnp.int32),
            pltpu.VMEM((NBUF, 1, TB), jnp.int32),
            pltpu.VMEM((NBUF, TB, 128), jnp.float32),
            pltpu.VMEM((NBUF, D, TB), jnp.float32),
            pltpu.SemaphoreType.DMA((NBUF,)),
            pltpu.SemaphoreType.DMA((NBUF,)),
        ],
        compiler_params=pltpu.CompilerParams(needs_layout_passes=False),
    )
    def run(xt_hbm, tp_hbm, out_hbm, raw_v, gidx_v, rows_v, t_v, gsem, osem):
        w = lax.axis_index("s") * NC + lax.axis_index("c")
        col = w * TB
        pltpu.sync_copy(xt_hbm.at[:, pl.ds(col, TB)], raw_v)

        def prep(g, slot):
            for q in range(NQ):
                gidx_v[slot, 0, pl.ds(q * L, L)] = (
                    raw_v[g, pl.ds(q * L, L)] >> 1)

        def gather(slot):
            return pltpu.make_async_copy(
                tp_hbm.at[gidx_v.at[slot, 0]], rows_v.at[slot],
                gsem.at[slot])

        def put(g, slot):
            return pltpu.make_async_copy(
                t_v.at[slot],
                out_hbm.at[g, :, pl.ds(col, TB)],
                osem.at[slot])

        for slot in range(NBUF):
            prep(slot, slot)
            gather(slot).start()

        iota = lax.iota(jnp.int32, L)
        rowv = [iota + q * L for q in range(NQ)]

        @pl.loop(0, s_len, step=NBUF)
        def _outer(g0):
            for slot in range(NBUF):
                g = g0 + slot
                gather(slot).wait()
                offs = [
                    (raw_v[g, pl.ds(q * L, L)] & 1) * D for q in range(NQ)
                ]

                @pl.when(g0 > 0)
                def _():
                    put(g - NBUF, slot).wait()

                @plsc.parallel_loop(0, D, unroll=8)
                def _tr(d):
                    for q in range(NQ):
                        vals = plsc.load_gather(
                            rows_v.at[slot], [rowv[q], offs[q] + d])
                        t_v[slot, d, pl.ds(q * L, L)] = vals * SCALE

                put(g, slot).start()
                nxt = g + NBUF

                @pl.when(nxt < s_len)
                def _():
                    prep(nxt, slot)
                    gather(slot).start()

        for slot in range(NBUF):
            put(s_len - NBUF + slot, slot).wait()

    return run(xt, tp)


def kernel(x, table):
    n_tok, s_len = x.shape
    tp = table.reshape(table.shape[0] // 2, 2 * table.shape[1])
    xt = x.T.astype(jnp.int32)
    phys = _embed(xt, tp, s_len, n_tok)
    return lax.transpose(phys, (2, 0, 1))

# --- scband reference (transcript-rebuilt; emitter-appended) ---
"""Pipeline reference for scband-token-embedding-19104014533074 (READ-ONLY COPY).

The authoritative reference and input builder live on the scoring server;
editing this copy changes nothing except your own understanding.
"""

import jax, jax.numpy as jnp
import numpy as np
import math

N_TOKEN = 1000000
EMBD_DIM = 64

def setup_inputs(seed: int = 0) -> dict:
    key = jax.random.key(seed)
    k1, k2 = jax.random.split(key)
    x = jax.random.randint(k1, (4096, 200), 0, N_TOKEN, dtype=jnp.int64 if jax.config.jax_enable_x64 else jnp.int32)
    table = jax.random.normal(k2, (N_TOKEN, EMBD_DIM), dtype=jnp.float32)
    return {"x": x, "table": table}

def reference(x, table):
    # TokenEmbedding.forward: embedding lookup scaled by sqrt(embd_dim)
    emb = jnp.take(table, x, axis=0)
    return emb * math.sqrt(EMBD_DIM)

if __name__ == "__main__":
    import jax
    _d = setup_inputs()
    print(jax.jit(kernel)(*tuple(_d.values())))

</pallas_src>

<mosaic_0001>
#map = affine_map<(d0, d1) -> (0, 0)>
#map1 = affine_map<(d0, d1) -> (0, 0, 0)>
module attributes {stable_mosaic.version = 14 : i64} {
  func.func @run(%arg0: i32, %arg1: i32, %arg2: memref<200x4096xi32, #tpu.memory_space<hbm>>, %arg3: memref<500000x128xf32, #tpu.memory_space<hbm>>, %arg4: memref<200x64x4096xf32, #tpu.memory_space<hbm>>, %arg5: memref<200x128xi32, #tpu.memory_space<vmem>>, %arg6: memref<4x1x128xi32, #tpu.memory_space<vmem>>, %arg7: memref<4x128x128xf32, #tpu.memory_space<vmem>>, %arg8: memref<4x64x128xf32, #tpu.memory_space<vmem>>, %arg9: memref<4x!tpu.dma_semaphore, #tpu.memory_space<semaphore_mem>>, %arg10: memref<4x!tpu.dma_semaphore, #tpu.memory_space<semaphore_mem>>) attributes {dimension_semantics = [#tpu.dimension_semantics<core_parallel>, #tpu.dimension_semantics<subcore_parallel>], iteration_bounds = array<i64: 2, 16>, scalar_prefetch = 0 : i64, scratch_operands = 6 : i64, tpu.core_type = #tpu.core_type<sc_vector_subcore>, window_params = [{transform_indices = #map}, {transform_indices = #map}, {transform_indices = #map1}]} {
    %mul3A = arith.constant 2 : i32
    %mul3A_0 = arith.muli %arg1, %mul3A : i32
    %add3A = arith.addi %mul3A_0, %arg0 : i32
    %mul3A_1 = arith.constant 128 : i32
    %mul3A_2 = arith.muli %add3A, %mul3A_1 : i32
    "tpu.region"() ({
      %run_scoped3A = tpu.sem_alloc : memref<!tpu.dma_semaphore, #tpu.memory_space<semaphore_mem>>
      %dma_start3A_582 = arith.constant 0 : i32
      %dma_start3A_583 = tpu.memref_slice %arg2[%dma_start3A_582, %mul3A_2] : memref<200x4096xi32, #tpu.memory_space<hbm>> -> memref<200x128xi32, #tpu.memory_space<hbm>>
      %dma_start3A_584 = arith.constant 0 : i32
      %dma_start3A_585 = tpu.memref_slice %arg2[%dma_start3A_584, %mul3A_2] : memref<200x4096xi32, #tpu.memory_space<hbm>> -> memref<200x128xi32, #tpu.memory_space<hbm>>
      tpu.enqueue_dma source(%dma_start3A_585 : memref<200x128xi32, #tpu.memory_space<hbm>>) target(%arg5 : memref<200x128xi32, #tpu.memory_space<vmem>>) target_semaphore(%run_scoped3A : memref<!tpu.dma_semaphore, #tpu.memory_space<semaphore_mem>>)
      %dma_wait3A_586 = arith.constant 0 : i32
      %dma_wait3A_587 = tpu.memref_slice %arg2[%dma_wait3A_586, %mul3A_2] : memref<200x4096xi32, #tpu.memory_space<hbm>> -> memref<200x128xi32, #tpu.memory_space<hbm>>
      %dma_wait3A_588 = arith.constant 0 : i32
      %dma_wait3A_589 = tpu.memref_slice %arg2[%dma_wait3A_588, %mul3A_2] : memref<200x4096xi32, #tpu.memory_space<hbm>> -> memref<200x128xi32, #tpu.memory_space<hbm>>
      tpu.wait_dma2 semaphore(%run_scoped3A : memref<!tpu.dma_semaphore, #tpu.memory_space<semaphore_mem>>) src(%dma_wait3A_589 : memref<200x128xi32, #tpu.memory_space<hbm>>) dst(%arg5 : memref<200x128xi32, #tpu.memory_space<vmem>>)
      tpu.yield
    }) : () -> ()
    %get3A = arith.constant 0 : i32
    %get3A_3 = arith.index_cast %get3A : i32 to index
    %get3A_4 = arith.constant 0 : index
    %get3A_5 = tpu.vector_load %arg5[%get3A_3, %get3A_4] {strides = array<i32>} : memref<200x128xi32, #tpu.memory_space<vmem>>, vector<16xi32>,
    %shift_right_arithmetic3A = arith.constant 1 : i32
    %shift_right_arithmetic3A_6 = vector.broadcast %shift_right_arithmetic3A : i32 to vector<16xi32>
    %shift_right_arithmetic3A_7 = arith.shrsi %get3A_5, %shift_right_arithmetic3A_6 : vector<16xi32>
    %swap3A = arith.constant 0 : i32
    %swap3A_8 = arith.constant 0 : i32
    %swap3A_9 = arith.index_cast %swap3A : i32 to index
    %swap3A_10 = arith.index_cast %swap3A_8 : i32 to index
    %swap3A_11 = arith.constant 0 : index
    %swap3A_12 = tpu.vector_load %arg6[%swap3A_9, %swap3A_10, %swap3A_11] {strides = array<i32>} : memref<4x1x128xi32, #tpu.memory_space<vmem>>, vector<16xi32>,
    tpu.vector_store %arg6[%swap3A_9, %swap3A_10, %swap3A_11], %shift_right_arithmetic3A_7 {strides = array<i32>} : memref<4x1x128xi32, #tpu.memory_space<vmem>>, vector<16xi32>,
    %get3A_13 = arith.constant 0 : i32
    %get3A_14 = arith.index_cast %get3A_13 : i32 to index
    %get3A_15 = arith.constant 16 : index
    %get3A_16 = tpu.vector_load %arg5[%get3A_14, %get3A_15] {strides = array<i32>} : memref<200x128xi32, #tpu.memory_space<vmem>>, vector<16xi32>,
    %shift_right_arithmetic3A_17 = arith.constant 1 : i32
    %shift_right_arithmetic3A_18 = vector.broadcast %shift_right_arithmetic3A_17 : i32 to vector<16xi32>
    %shift_right_arithmetic3A_19 = arith.shrsi %get3A_16, %shift_right_arithmetic3A_18 : vector<16xi32>
    %swap3A_20 = arith.constant 0 : i32
    %swap3A_21 = arith.constant 0 : i32
    %swap3A_22 = arith.index_cast %swap3A_20 : i32 to index
    %swap3A_23 = arith.index_cast %swap3A_21 : i32 to index
    %swap3A_24 = arith.constant 16 : index
    %swap3A_25 = tpu.vector_load %arg6[%swap3A_22, %swap3A_23, %swap3A_24] {strides = array<i32>} : memref<4x1x128xi32, #tpu.memory_space<vmem>>, vector<16xi32>,
    tpu.vector_store %arg6[%swap3A_22, %swap3A_23, %swap3A_24], %shift_right_arithmetic3A_19 {strides = array<i32>} : memref<4x1x128xi32, #tpu.memory_space<vmem>>, vector<16xi32>,
    %get3A_26 = arith.constant 0 : i32
    %get3A_27 = arith.index_cast %get3A_26 : i32 to index
    %get3A_28 = arith.constant 32 : index
    %get3A_29 = tpu.vector_load %arg5[%get3A_27, %get3A_28] {strides = array<i32>} : memref<200x128xi32, #tpu.memory_space<vmem>>, vector<16xi32>,
    %shift_right_arithmetic3A_30 = arith.constant 1 : i32
    %shift_right_arithmetic3A_31 = vector.broadcast %shift_right_arithmetic3A_30 : i32 to vector<16xi32>
    %shift_right_arithmetic3A_32 = arith.shrsi %get3A_29, %shift_right_arithmetic3A_31 : vector<16xi32>
    %swap3A_33 = arith.constant 0 : i32
    %swap3A_34 = arith.constant 0 : i32
    %swap3A_35 = arith.index_cast %swap3A_33 : i32 to index
    %swap3A_36 = arith.index_cast %swap3A_34 : i32 to index
    %swap3A_37 = arith.constant 32 : index
    %swap3A_38 = tpu.vector_load %arg6[%swap3A_35, %swap3A_36, %swap3A_37] {strides = array<i32>} : memref<4x1x128xi32, #tpu.memory_space<vmem>>, vector<16xi32>,
    tpu.vector_store %arg6[%swap3A_35, %swap3A_36, %swap3A_37], %shift_right_arithmetic3A_32 {strides = array<i32>} : memref<4x1x128xi32, #tpu.memory_space<vmem>>, vector<16xi32>,
    %get3A_39 = arith.constant 0 : i32
    %get3A_40 = arith.index_cast %get3A_39 : i32 to index
    %get3A_41 = arith.constant 48 : index
    %get3A_42 = tpu.vector_load %arg5[%get3A_40, %get3A_41] {strides = array<i32>} : memref<200x128xi32, #tpu.memory_space<vmem>>, vector<16xi32>,
    %shift_right_arithmetic3A_43 = arith.constant 1 : i32
    %shift_right_arithmetic3A_44 = vector.broadcast %shift_right_arithmetic3A_43 : i32 to vector<16xi32>
    %shift_right_arithmetic3A_45 = arith.shrsi %get3A_42, %shift_right_arithmetic3A_44 : vector<16xi32>
    %swap3A_46 = arith.constant 0 : i32
    %swap3A_47 = arith.constant 0 : i32
    %swap3A_48 = arith.index_cast %swap3A_46 : i32 to index
    %swap3A_49 = arith.index_cast %swap3A_47 : i32 to index
    %swap3A_50 = arith.constant 48 : index
    %swap3A_51 = tpu.vector_load %arg6[%swap3A_48, %swap3A_49, %swap3A_50] {strides = array<i32>} : memref<4x1x128xi32, #tpu.memory_space<vmem>>, vector<16xi32>,
    tpu.vector_store %arg6[%swap3A_48, %swap3A_49, %swap3A_50], %shift_right_arithmetic3A_45 {strides = array<i32>} : memref<4x1x128xi32, #tpu.memory_space<vmem>>, vector<16xi32>,
    %get3A_52 = arith.constant 0 : i32
    %get3A_53 = arith.index_cast %get3A_52 : i32 to index
    %get3A_54 = arith.constant 64 : index
    %get3A_55 = tpu.vector_load %arg5[%get3A_53, %get3A_54] {strides = array<i32>} : memref<200x128xi32, #tpu.memory_space<vmem>>, vector<16xi32>,
    %shift_right_arithmetic3A_56 = arith.constant 1 : i32
    %shift_right_arithmetic3A_57 = vector.broadcast %shift_right_arithmetic3A_56 : i32 to vector<16xi32>
    %shift_right_arithmetic3A_58 = arith.shrsi %get3A_55, %shift_right_arithmetic3A_57 : vector<16xi32>
    %swap3A_59 = arith.constant 0 : i32
    %swap3A_60 = arith.constant 0 : i32
    %swap3A_61 = arith.index_cast %swap3A_59 : i32 to index
    %swap3A_62 = arith.index_cast %swap3A_60 : i32 to index
    %swap3A_63 = arith.constant 64 : index
    %swap3A_64 = tpu.vector_load %arg6[%swap3A_61, %swap3A_62, %swap3A_63] {strides = array<i32>} : memref<4x1x128xi32, #tpu.memory_space<vmem>>, vector<16xi32>,
    tpu.vector_store %arg6[%swap3A_61, %swap3A_62, %swap3A_63], %shift_right_arithmetic3A_58 {strides = array<i32>} : memref<4x1x128xi32, #tpu.memory_space<vmem>>, vector<16xi32>,
    %get3A_65 = arith.constant 0 : i32
    %get3A_66 = arith.index_cast %get3A_65 : i32 to index
    %get3A_67 = arith.constant 80 : index
    %get3A_68 = tpu.vector_load %arg5[%get3A_66, %get3A_67] {strides = array<i32>} : memref<200x128xi32, #tpu.memory_space<vmem>>, vector<16xi32>,
    %shift_right_arithmetic3A_69 = arith.constant 1 : i32
    %shift_right_arithmetic3A_70 = vector.broadcast %shift_right_arithmetic3A_69 : i32 to vector<16xi32>
    %shift_right_arithmetic3A_71 = arith.shrsi %get3A_68, %shift_right_arithmetic3A_70 : vector<16xi32>
    %swap3A_72 = arith.constant 0 : i32
    %swap3A_73 = arith.constant 0 : i32
    %swap3A_74 = arith.index_cast %swap3A_72 : i32 to index
    %swap3A_75 = arith.index_cast %swap3A_73 : i32 to index
    %swap3A_76 = arith.constant 80 : index
    %swap3A_77 = tpu.vector_load %arg6[%swap3A_74, %swap3A_75, %swap3A_76] {strides = array<i32>} : memref<4x1x128xi32, #tpu.memory_space<vmem>>, vector<16xi32>,
    tpu.vector_store %arg6[%swap3A_74, %swap3A_75, %swap3A_76], %shift_right_arithmetic3A_71 {strides = array<i32>} : memref<4x1x128xi32, #tpu.memory_space<vmem>>, vector<16xi32>,
    %get3A_78 = arith.constant 0 : i32
    %get3A_79 = arith.index_cast %get3A_78 : i32 to index
    %get3A_80 = arith.constant 96 : index
    %get3A_81 = tpu.vector_load %arg5[%get3A_79, %get3A_80] {strides = array<i32>} : memref<200x128xi32, #tpu.memory_space<vmem>>, vector<16xi32>,
    %shift_right_arithmetic3A_82 = arith.constant 1 : i32
    %shift_right_arithmetic3A_83 = vector.broadcast %shift_right_arithmetic3A_82 : i32 to vector<16xi32>
    %shift_right_arithmetic3A_84 = arith.shrsi %get3A_81, %shift_right_arithmetic3A_83 : vector<16xi32>
    %swap3A_85 = arith.constant 0 : i32
    %swap3A_86 = arith.constant 0 : i32
    %swap3A_87 = arith.index_cast %swap3A_85 : i32 to index
    %swap3A_88 = arith.index_cast %swap3A_86 : i32 to index
    %swap3A_89 = arith.constant 96 : index
    %swap3A_90 = tpu.vector_load %arg6[%swap3A_87, %swap3A_88, %swap3A_89] {strides = array<i32>} : memref<4x1x128xi32, #tpu.memory_space<vmem>>, vector<16xi32>,
    tpu.vector_store %arg6[%swap3A_87, %swap3A_88, %swap3A_89], %shift_right_arithmetic3A_84 {strides = array<i32>} : memref<4x1x128xi32, #tpu.memory_space<vmem>>, vector<16xi32>,
    %get3A_91 = arith.constant 0 : i32
    %get3A_92 = arith.index_cast %get3A_91 : i32 to index
    %get3A_93 = arith.constant 112 : index
    %get3A_94 = tpu.vector_load %arg5[%get3A_92, %get3A_93] {strides = array<i32>} : memref<200x128xi32, #tpu.memory_space<vmem>>, vector<16xi32>,
    %shift_right_arithmetic3A_95 = arith.constant 1 : i32
    %shift_right_arithmetic3A_96 = vector.broadcast %shift_right_arithmetic3A_95 : i32 to vector<16xi32>
    %shift_right_arithmetic3A_97 = arith.shrsi %get3A_94, %shift_right_arithmetic3A_96 : vector<16xi32>
    %swap3A_98 = arith.constant 0 : i32
    %swap3A_99 = arith.constant 0 : i32
    %swap3A_100 = arith.index_cast %swap3A_98 : i32 to index
    %swap3A_101 = arith.index_cast %swap3A_99 : i32 to index
    %swap3A_102 = arith.constant 112 : index
    %swap3A_103 = tpu.vector_load %arg6[%swap3A_100, %swap3A_101, %swap3A_102] {strides = array<i32>} : memref<4x1x128xi32, #tpu.memory_space<vmem>>, vector<16xi32>,
    tpu.vector_store %arg6[%swap3A_100, %swap3A_101, %swap3A_102], %shift_right_arithmetic3A_97 {strides = array<i32>} : memref<4x1x128xi32, #tpu.memory_space<vmem>>, vector<16xi32>,
    %dma_start3A = arith.constant 0 : i32
    %dma_start3A_104 = arith.constant 0 : i32
    %dma_start3A_105 = arith.constant 0 : i32
    %dma_start3A_106 = arith.constant 0 : i32
    %dma_start3A_107 = arith.constant 0 : i32
    %dma_start3A_108 = arith.constant 0 : i32
    %dma_start3A_109 = tpu.memref_slice %arg7[%dma_start3A_105, %dma_start3A_107, %dma_start3A_108] : memref<4x128x128xf32, #tpu.memory_space<vmem>> -> memref<1x128x128xf32, #tpu.memory_space<vmem>>
    %dma_start3A_110 = tpu.memref_squeeze %dma_start3A_109 : memref<1x128x128xf32, #tpu.memory_space<vmem>> -> memref<128x128xf32, #tpu.memory_space<vmem>>
    %dma_start3A_111 = arith.constant 0 : i32
    %dma_start3A_112 = tpu.memref_slice %arg6[%dma_start3A, %dma_start3A_104, %dma_start3A_111] : memref<4x1x128xi32, #tpu.memory_space<vmem>> -> memref<1x1x128xi32, #tpu.memory_space<vmem>>
    %dma_start3A_113 = tpu.memref_squeeze %dma_start3A_112 : memref<1x1x128xi32, #tpu.memory_space<vmem>> -> memref<128xi32, #tpu.memory_space<vmem>>
    %dma_start3A_114 = arith.constant 0 : i32
    %dma_start3A_115 = arith.constant 0 : i32
    %dma_start3A_116 = tpu.memref_slice %arg3[%dma_start3A_114, %dma_start3A_115] : memref<500000x128xf32, #tpu.memory_space<hbm>> -> memref<500000x128xf32, #tpu.memory_space<hbm>>
    %dma_start3A_117 = tpu.memref_slice %arg9[%dma_start3A_106] : memref<4x!tpu.dma_semaphore, #tpu.memory_space<semaphore_mem>> -> memref<1x!tpu.dma_semaphore, #tpu.memory_space<semaphore_mem>>
    %dma_start3A_118 = tpu.memref_squeeze %dma_start3A_117 : memref<1x!tpu.dma_semaphore, #tpu.memory_space<semaphore_mem>> -> memref<!tpu.dma_semaphore, #tpu.memory_space<semaphore_mem>>
    tpu.enqueue_indirect_dma source(%dma_start3A_116 : memref<500000x128xf32, #tpu.memory_space<hbm>>) target(%dma_start3A_110 : memref<128x128xf32, #tpu.memory_space<vmem>>) offsets(%dma_start3A_113 : memref<128xi32, #tpu.memory_space<vmem>>) semaphore(%dma_start3A_118 : memref<!tpu.dma_semaphore, #tpu.memory_space<semaphore_mem>>)
    %get3A_119 = arith.constant 1 : i32
    %get3A_120 = arith.index_cast %get3A_119 : i32 to index
    %get3A_121 = arith.constant 0 : index
    %get3A_122 = tpu.vector_load %arg5[%get3A_120, %get3A_121] {strides = array<i32>} : memref<200x128xi32, #tpu.memory_space<vmem>>, vector<16xi32>,
    %shift_right_arithmetic3A_123 = arith.constant 1 : i32
    %shift_right_arithmetic3A_124 = vector.broadcast %shift_right_arithmetic3A_123 : i32 to vector<16xi32>
    %shift_right_arithmetic3A_125 = arith.shrsi %get3A_122, %shift_right_arithmetic3A_124 : vector<16xi32>
    %swap3A_126 = arith.constant 1 : i32
    %swap3A_127 = arith.constant 0 : i32
    %swap3A_128 = arith.index_cast %swap3A_126 : i32 to index
    %swap3A_129 = arith.index_cast %swap3A_127 : i32 to index
    %swap3A_130 = arith.constant 0 : index
    %swap3A_131 = tpu.vector_load %arg6[%swap3A_128, %swap3A_129, %swap3A_130] {strides = array<i32>} : memref<4x1x128xi32, #tpu.memory_space<vmem>>, vector<16xi32>,
    tpu.vector_store %arg6[%swap3A_128, %swap3A_129, %swap3A_130], %shift_right_arithmetic3A_125 {strides = array<i32>} : memref<4x1x128xi32, #tpu.memory_space<vmem>>, vector<16xi32>,
    %get3A_132 = arith.constant 1 : i32
    %get3A_133 = arith.index_cast %get3A_132 : i32 to index
    %get3A_134 = arith.constant 16 : index
    %get3A_135 = tpu.vector_load %arg5[%get3A_133, %get3A_134] {strides = array<i32>} : memref<200x128xi32, #tpu.memory_space<vmem>>, vector<16xi32>,
    %shift_right_arithmetic3A_136 = arith.constant 1 : i32
    %shift_right_arithmetic3A_137 = vector.broadcast %shift_right_arithmetic3A_136 : i32 to vector<16xi32>
    %shift_right_arithmetic3A_138 = arith.shrsi %get3A_135, %shift_right_arithmetic3A_137 : vector<16xi32>
    %swap3A_139 = arith.constant 1 : i32
    %swap3A_140 = arith.constant 0 : i32
    %swap3A_141 = arith.index_cast %swap3A_139 : i32 to index
    %swap3A_142 = arith.index_cast %swap3A_140 : i32 to index
    %swap3A_143 = arith.constant 16 : index
    %swap3A_144 = tpu.vector_load %arg6[%swap3A_141, %swap3A_142, %swap3A_143] {strides = array<i32>} : memref<4x1x128xi32, #tpu.memory_space<vmem>>, vector<16xi32>,
    tpu.vector_store %arg6[%swap3A_141, %swap3A_142, %swap3A_143], %shift_right_arithmetic3A_138 {strides = array<i32>} : memref<4x1x128xi32, #tpu.memory_space<vmem>>, vector<16xi32>,
    %get3A_145 = arith.constant 1 : i32
    %get3A_146 = arith.index_cast %get3A_145 : i32 to index
    %get3A_147 = arith.constant 32 : index
    %get3A_148 = tpu.vector_load %arg5[%get3A_146, %get3A_147] {strides = array<i32>} : memref<200x128xi32, #tpu.memory_space<vmem>>, vector<16xi32>,
    %shift_right_arithmetic3A_149 = arith.constant 1 : i32
    %shift_right_arithmetic3A_150 = vector.broadcast %shift_right_arithmetic3A_149 : i32 to vector<16xi32>
    %shift_right_arithmetic3A_151 = arith.shrsi %get3A_148, %shift_right_arithmetic3A_150 : vector<16xi32>
    %swap3A_152 = arith.constant 1 : i32
    %swap3A_153 = arith.constant 0 : i32
    %swap3A_154 = arith.index_cast %swap3A_152 : i32 to index
    %swap3A_155 = arith.index_cast %swap3A_153 : i32 to index
    %swap3A_156 = arith.constant 32 : index
    %swap3A_157 = tpu.vector_load %arg6[%swap3A_154, %swap3A_155, %swap3A_156] {strides = array<i32>} : memref<4x1x128xi32, #tpu.memory_space<vmem>>, vector<16xi32>,
    tpu.vector_store %arg6[%swap3A_154, %swap3A_155, %swap3A_156], %shift_right_arithmetic3A_151 {strides = array<i32>} : memref<4x1x128xi32, #tpu.memory_space<vmem>>, vector<16xi32>,
    %get3A_158 = arith.constant 1 : i32
    %get3A_159 = arith.index_cast %get3A_158 : i32 to index
    %get3A_160 = arith.constant 48 : index
    %get3A_161 = tpu.vector_load %arg5[%get3A_159, %get3A_160] {strides = array<i32>} : memref<200x128xi32, #tpu.memory_space<vmem>>, vector<16xi32>,
    %shift_right_arithmetic3A_162 = arith.constant 1 : i32
    %shift_right_arithmetic3A_163 = vector.broadcast %shift_right_arithmetic3A_162 : i32 to vector<16xi32>
    %shift_right_arithmetic3A_164 = arith.shrsi %get3A_161, %shift_right_arithmetic3A_163 : vector<16xi32>
    %swap3A_165 = arith.constant 1 : i32
    %swap3A_166 = arith.constant 0 : i32
    %swap3A_167 = arith.index_cast %swap3A_165 : i32 to index
    %swap3A_168 = arith.index_cast %swap3A_166 : i32 to index
    %swap3A_169 = arith.constant 48 : index
    %swap3A_170 = tpu.vector_load %arg6[%swap3A_167, %swap3A_168, %swap3A_169] {strides = array<i32>} : memref<4x1x128xi32, #tpu.memory_space<vmem>>, vector<16xi32>,
    tpu.vector_store %arg6[%swap3A_167, %swap3A_168, %swap3A_169], %shift_right_arithmetic3A_164 {strides = array<i32>} : memref<4x1x128xi32, #tpu.memory_space<vmem>>, vector<16xi32>,
    %get3A_171 = arith.constant 1 : i32
    %get3A_172 = arith.index_cast %get3A_171 : i32 to index
    %get3A_173 = arith.constant 64 : index
    %get3A_174 = tpu.vector_load %arg5[%get3A_172, %get3A_173] {strides = array<i32>} : memref<200x128xi32, #tpu.memory_space<vmem>>, vector<16xi32>,
    %shift_right_arithmetic3A_175 = arith.constant 1 : i32
    %shift_right_arithmetic3A_176 = vector.broadcast %shift_right_arithmetic3A_175 : i32 to vector<16xi32>
    %shift_right_arithmetic3A_177 = arith.shrsi %get3A_174, %shift_right_arithmetic3A_176 : vector<16xi32>
    %swap3A_178 = arith.constant 1 : i32
    %swap3A_179 = arith.constant 0 : i32
    %swap3A_180 = arith.index_cast %swap3A_178 : i32 to index
    %swap3A_181 = arith.index_cast %swap3A_179 : i32 to index
    %swap3A_182 = arith.constant 64 : index
    %swap3A_183 = tpu.vector_load %arg6[%swap3A_180, %swap3A_181, %swap3A_182] {strides = array<i32>} : memref<4x1x128xi32, #tpu.memory_space<vmem>>, vector<16xi32>,
    tpu.vector_store %arg6[%swap3A_180, %swap3A_181, %swap3A_182], %shift_right_arithmetic3A_177 {strides = array<i32>} : memref<4x1x128xi32, #tpu.memory_space<vmem>>, vector<16xi32>,
    %get3A_184 = arith.constant 1 : i32
    %get3A_185 = arith.index_cast %get3A_184 : i32 to index
    %get3A_186 = arith.constant 80 : index
    %get3A_187 = tpu.vector_load %arg5[%get3A_185, %get3A_186] {strides = array<i32>} : memref<200x128xi32, #tpu.memory_space<vmem>>, vector<16xi32>,
    %shift_right_arithmetic3A_188 = arith.constant 1 : i32
    %shift_right_arithmetic3A_189 = vector.broadcast %shift_right_arithmetic3A_188 : i32 to vector<16xi32>
    %shift_right_arithmetic3A_190 = arith.shrsi %get3A_187, %shift_right_arithmetic3A_189 : vector<16xi32>
    %swap3A_191 = arith.constant 1 : i32
    %swap3A_192 = arith.constant 0 : i32
    %swap3A_193 = arith.index_cast %swap3A_191 : i32 to index
    %swap3A_194 = arith.index_cast %swap3A_192 : i32 to index
    %swap3A_195 = arith.constant 80 : index
    %swap3A_196 = tpu.vector_load %arg6[%swap3A_193, %swap3A_194, %swap3A_195] {strides = array<i32>} : memref<4x1x128xi32, #tpu.memory_space<vmem>>, vector<16xi32>,
    tpu.vector_store %arg6[%swap3A_193, %swap3A_194, %swap3A_195], %shift_right_arithmetic3A_190 {strides = array<i32>} : memref<4x1x128xi32, #tpu.memory_space<vmem>>, vector<16xi32>,
    %get3A_197 = arith.constant 1 : i32
    %get3A_198 = arith.index_cast %get3A_197 : i32 to index
    %get3A_199 = arith.constant 96 : index
    %get3A_200 = tpu.vector_load %arg5[%get3A_198, %get3A_199] {strides = array<i32>} : memref<200x128xi32, #tpu.memory_space<vmem>>, vector<16xi32>,
    %shift_right_arithmetic3A_201 = arith.constant 1 : i32
    %shift_right_arithmetic3A_202 = vector.broadcast %shift_right_arithmetic3A_201 : i32 to vector<16xi32>
    %shift_right_arithmetic3A_203 = arith.shrsi %get3A_200, %shift_right_arithmetic3A_202 : vector<16xi32>
    %swap3A_204 = arith.constant 1 : i32
    %swap3A_205 = arith.constant 0 : i32
    %swap3A_206 = arith.index_cast %swap3A_204 : i32 to index
    %swap3A_207 = arith.index_cast %swap3A_205 : i32 to index
    %swap3A_208 = arith.constant 96 : index
    %swap3A_209 = tpu.vector_load %arg6[%swap3A_206, %swap3A_207, %swap3A_208] {strides = array<i32>} : memref<4x1x128xi32, #tpu.memory_space<vmem>>, vector<16xi32>,
    tpu.vector_store %arg6[%swap3A_206, %swap3A_207, %swap3A_208], %shift_right_arithmetic3A_203 {strides = array<i32>} : memref<4x1x128xi32, #tpu.memory_space<vmem>>, vector<16xi32>,
    %get3A_210 = arith.constant 1 : i32
    %get3A_211 = arith.index_cast %get3A_210 : i32 to index
    %get3A_212 = arith.constant 112 : index
    %get3A_213 = tpu.vector_load %arg5[%get3A_211, %get3A_212] {strides = array<i32>} : memref<200x128xi32, #tpu.memory_space<vmem>>, vector<16xi32>,
    %shift_right_arithmetic3A_214 = arith.constant 1 : i32
    %shift_right_arithmetic3A_215 = vector.broadcast %shift_right_arithmetic3A_214 : i32 to vector<16xi32>
    %shift_right_arithmetic3A_216 = arith.shrsi %get3A_213, %shift_right_arithmetic3A_215 : vector<16xi32>
    %swap3A_217 = arith.constant 1 : i32
    %swap3A_218 = arith.constant 0 : i32
    %swap3A_219 = arith.index_cast %swap3A_217 : i32 to index
    %swap3A_220 = arith.index_cast %swap3A_218 : i32 to index
    %swap3A_221 = arith.constant 112 : index
    %swap3A_222 = tpu.vector_load %arg6[%swap3A_219, %swap3A_220, %swap3A_221] {strides = array<i32>} : memref<4x1x128xi32, #tpu.memory_space<vmem>>, vector<16xi32>,
    tpu.vector_store %arg6[%swap3A_219, %swap3A_220, %swap3A_221], %shift_right_arithmetic3A_216 {strides = array<i32>} : memref<4x1x128xi32, #tpu.memory_space<vmem>>, vector<16xi32>,
    %dma_start3A_223 = arith.constant 1 : i32
    %dma_start3A_224 = arith.constant 0 : i32
    %dma_start3A_225 = arith.constant 1 : i32
    %dma_start3A_226 = arith.constant 1 : i32
    %dma_start3A_227 = arith.constant 0 : i32
    %dma_start3A_228 = arith.constant 0 : i32
    %dma_start3A_229 = tpu.memref_slice %arg7[%dma_start3A_225, %dma_start3A_227, %dma_start3A_228] : memref<4x128x128xf32, #tpu.memory_space<vmem>> -> memref<1x128x128xf32, #tpu.memory_space<vmem>>
    %dma_start3A_230 = tpu.memref_squeeze %dma_start3A_229 : memref<1x128x128xf32, #tpu.memory_space<vmem>> -> memref<128x128xf32, #tpu.memory_space<vmem>>
    %dma_start3A_231 = arith.constant 0 : i32
    %dma_start3A_232 = tpu.memref_slice %arg6[%dma_start3A_223, %dma_start3A_224, %dma_start3A_231] : memref<4x1x128xi32, #tpu.memory_space<vmem>> -> memref<1x1x128xi32, #tpu.memory_space<vmem>>
    %dma_start3A_233 = tpu.memref_squeeze %dma_start3A_232 : memref<1x1x128xi32, #tpu.memory_space<vmem>> -> memref<128xi32, #tpu.memory_space<vmem>>
    %dma_start3A_234 = arith.constant 0 : i32
    %dma_start3A_235 = arith.constant 0 : i32
    %dma_start3A_236 = tpu.memref_slice %arg3[%dma_start3A_234, %dma_start3A_235] : memref<500000x128xf32, #tpu.memory_space<hbm>> -> memref<500000x128xf32, #tpu.memory_space<hbm>>
    %dma_start3A_237 = tpu.memref_slice %arg9[%dma_start3A_226] : memref<4x!tpu.dma_semaphore, #tpu.memory_space<semaphore_mem>> -> memref<1x!tpu.dma_semaphore, #tpu.memory_space<semaphore_mem>>
    %dma_start3A_238 = tpu.memref_squeeze %dma_start3A_237 : memref<1x!tpu.dma_semaphore, #tpu.memory_space<semaphore_mem>> -> memref<!tpu.dma_semaphore, #tpu.memory_space<semaphore_mem>>
    tpu.enqueue_indirect_dma source(%dma_start3A_236 : memref<500000x128xf32, #tpu.memory_space<hbm>>) target(%dma_start3A_230 : memref<128x128xf32, #tpu.memory_space<vmem>>) offsets(%dma_start3A_233 : memref<128xi32, #tpu.memory_space<vmem>>) semaphore(%dma_start3A_238 : memref<!tpu.dma_semaphore, #tpu.memory_space<semaphore_mem>>)
    %get3A_239 = arith.constant 2 : i32
    %get3A_240 = arith.index_cast %get3A_239 : i32 to index
    %get3A_241 = arith.constant 0 : index
    %get3A_242 = tpu.vector_load %arg5[%get3A_240, %get3A_241] {strides = array<i32>} : memref<200x128xi32, #tpu.memory_space<vmem>>, vector<16xi32>,
    %shift_right_arithmetic3A_243 = arith.constant 1 : i32
    %shift_right_arithmetic3A_244 = vector.broadcast %shift_right_arithmetic3A_243 : i32 to vector<16xi32>
    %shift_right_arithmetic3A_245 = arith.shrsi %get3A_242, %shift_right_arithmetic3A_244 : vector<16xi32>
    %swap3A_246 = arith.constant 2 : i32
    %swap3A_247 = arith.constant 0 : i32
    %swap3A_248 = arith.index_cast %swap3A_246 : i32 to index
    %swap3A_249 = arith.index_cast %swap3A_247 : i32 to index
    %swap3A_250 = arith.constant 0 : index
    %swap3A_251 = tpu.vector_load %arg6[%swap3A_248, %swap3A_249, %swap3A_250] {strides = array<i32>} : memref<4x1x128xi32, #tpu.memory_space<vmem>>, vector<16xi32>,
    tpu.vector_store %arg6[%swap3A_248, %swap3A_249, %swap3A_250], %shift_right_arithmetic3A_245 {strides = array<i32>} : memref<4x1x128xi32, #tpu.memory_space<vmem>>, vector<16xi32>,
    %get3A_252 = arith.constant 2 : i32
    %get3A_253 = arith.index_cast %get3A_252 : i32 to index
    %get3A_254 = arith.constant 16 : index
    %get3A_255 = tpu.vector_load %arg5[%get3A_253, %get3A_254] {strides = array<i32>} : memref<200x128xi32, #tpu.memory_space<vmem>>, vector<16xi32>,
    %shift_right_arithmetic3A_256 = arith.constant 1 : i32
    %shift_right_arithmetic3A_257 = vector.broadcast %shift_right_arithmetic3A_256 : i32 to vector<16xi32>
    %shift_right_arithmetic3A_258 = arith.shrsi %get3A_255, %shift_right_arithmetic3A_257 : vector<16xi32>
    %swap3A_259 = arith.constant 2 : i32
    %swap3A_260 = arith.constant 0 : i32
    %swap3A_261 = arith.index_cast %swap3A_259 : i32 to index
    %swap3A_262 = arith.index_cast %swap3A_260 : i32 to index
    %swap3A_263 = arith.constant 16 : index
    %swap3A_264 = tpu.vector_load %arg6[%swap3A_261, %swap3A_262, %swap3A_263] {strides = array<i32>} : memref<4x1x128xi32, #tpu.memory_space<vmem>>, vector<16xi32>,
    tpu.vector_store %arg6[%swap3A_261, %swap3A_262, %swap3A_263], %shift_right_arithmetic3A_258 {strides = array<i32>} : memref<4x1x128xi32, #tpu.memory_space<vmem>>, vector<16xi32>,
    %get3A_265 = arith.constant 2 : i32
    %get3A_266 = arith.index_cast %get3A_265 : i32 to index
    %get3A_267 = arith.constant 32 : index
    %get3A_268 = tpu.vector_load %arg5[%get3A_266, %get3A_267] {strides = array<i32>} : memref<200x128xi32, #tpu.memory_space<vmem>>, vector<16xi32>,
    %shift_right_arithmetic3A_269 = arith.constant 1 : i32
    %shift_right_arithmetic3A_270 = vector.broadcast %shift_right_arithmetic3A_269 : i32 to vector<16xi32>
    %shift_right_arithmetic3A_271 = arith.shrsi %get3A_268, %shift_right_arithmetic3A_270 : vector<16xi32>
    %swap3A_272 = arith.constant 2 : i32
    %swap3A_273 = arith.constant 0 : i32
    %swap3A_274 = arith.index_cast %swap3A_272 : i32 to index
    %swap3A_275 = arith.index_cast %swap3A_273 : i32 to index
    %swap3A_276 = arith.constant 32 : index
    %swap3A_277 = tpu.vector_load %arg6[%swap3A_274, %swap3A_275, %swap3A_276] {strides = array<i32>} : memref<4x1x128xi32, #tpu.memory_space<vmem>>, vector<16xi32>,
    tpu.vector_store %arg6[%swap3A_274, %swap3A_275, %swap3A_276], %shift_right_arithmetic3A_271 {strides = array<i32>} : memref<4x1x128xi32, #tpu.memory_space<vmem>>, vector<16xi32>,
    %get3A_278 = arith.constant 2 : i32
    %get3A_279 = arith.index_cast %get3A_278 : i32 to index
    %get3A_280 = arith.constant 48 : index
    %get3A_281 = tpu.vector_load %arg5[%get3A_279, %get3A_280] {strides = array<i32>} : memref<200x128xi32, #tpu.memory_space<vmem>>, vector<16xi32>,
    %shift_right_arithmetic3A_282 = arith.constant 1 : i32
    %shift_right_arithmetic3A_283 = vector.broadcast %shift_right_arithmetic3A_282 : i32 to vector<16xi32>
    %shift_right_arithmetic3A_284 = arith.shrsi %get3A_281, %shift_right_arithmetic3A_283 : vector<16xi32>
    %swap3A_285 = arith.constant 2 : i32
    %swap3A_286 = arith.constant 0 : i32
    %swap3A_287 = arith.index_cast %swap3A_285 : i32 to index
    %swap3A_288 = arith.index_cast %swap3A_286 : i32 to index
    %swap3A_289 = arith.constant 48 : index
    %swap3A_290 = tpu.vector_load %arg6[%swap3A_287, %swap3A_288, %swap3A_289] {strides = array<i32>} : memref<4x1x128xi32, #tpu.memory_space<vmem>>, vector<16xi32>,
    tpu.vector_store %arg6[%swap3A_287, %swap3A_288, %swap3A_289], %shift_right_arithmetic3A_284 {strides = array<i32>} : memref<4x1x128xi32, #tpu.memory_space<vmem>>, vector<16xi32>,
    %get3A_291 = arith.constant 2 : i32
    %get3A_292 = arith.index_cast %get3A_291 : i32 to index
    %get3A_293 = arith.constant 64 : index
    %get3A_294 = tpu.vector_load %arg5[%get3A_292, %get3A_293] {strides = array<i32>} : memref<200x128xi32, #tpu.memory_space<vmem>>, vector<16xi32>,
    %shift_right_arithmetic3A_295 = arith.constant 1 : i32
    %shift_right_arithmetic3A_296 = vector.broadcast %shift_right_arithmetic3A_295 : i32 to vector<16xi32>
    %shift_right_arithmetic3A_297 = arith.shrsi %get3A_294, %shift_right_arithmetic3A_296 : vector<16xi32>
    %swap3A_298 = arith.constant 2 : i32
    %swap3A_299 = arith.constant 0 : i32
    %swap3A_300 = arith.index_cast %swap3A_298 : i32 to index
    %swap3A_301 = arith.index_cast %swap3A_299 : i32 to index
    %swap3A_302 = arith.constant 64 : index
    %swap3A_303 = tpu.vector_load %arg6[%swap3A_300, %swap3A_301, %swap3A_302] {strides = array<i32>} : memref<4x1x128xi32, #tpu.memory_space<vmem>>, vector<16xi32>,
    tpu.vector_store %arg6[%swap3A_300, %swap3A_301, %swap3A_302], %shift_right_arithmetic3A_297 {strides = array<i32>} : memref<4x1x128xi32, #tpu.memory_space<vmem>>, vector<16xi32>,
    %get3A_304 = arith.constant 2 : i32
    %get3A_305 = arith.index_cast %get3A_304 : i32 to index
    %get3A_306 = arith.constant 80 : index
    %get3A_307 = tpu.vector_load %arg5[%get3A_305, %get3A_306] {strides = array<i32>} : memref<200x128xi32, #tpu.memory_space<vmem>>, vector<16xi32>,
    %shift_right_arithmetic3A_308 = arith.constant 1 : i32
    %shift_right_arithmetic3A_309 = vector.broadcast %shift_right_arithmetic3A_308 : i32 to vector<16xi32>
    %shift_right_arithmetic3A_310 = arith.shrsi %get3A_307, %shift_right_arithmetic3A_309 : vector<16xi32>
    %swap3A_311 = arith.constant 2 : i32
    %swap3A_312 = arith.constant 0 : i32
    %swap3A_313 = arith.index_cast %swap3A_311 : i32 to index
    %swap3A_314 = arith.index_cast %swap3A_312 : i32 to index
    %swap3A_315 = arith.constant 80 : index
    %swap3A_316 = tpu.vector_load %arg6[%swap3A_313, %swap3A_314, %swap3A_315] {strides = array<i32>} : memref<4x1x128xi32, #tpu.memory_space<vmem>>, vector<16xi32>,
    tpu.vector_store %arg6[%swap3A_313, %swap3A_314, %swap3A_315], %shift_right_arithmetic3A_310 {strides = array<i32>} : memref<4x1x128xi32, #tpu.memory_space<vmem>>, vector<16xi32>,
    %get3A_317 = arith.constant 2 : i32
    %get3A_318 = arith.index_cast %get3A_317 : i32 to index
    %get3A_319 = arith.constant 96 : index
    %get3A_320 = tpu.vector_load %arg5[%get3A_318, %get3A_319] {strides = array<i32>} : memref<200x128xi32, #tpu.memory_space<vmem>>, vector<16xi32>,
    %shift_right_arithmetic3A_321 = arith.constant 1 : i32
    %shift_right_arithmetic3A_322 = vector.broadcast %shift_right_arithmetic3A_321 : i32 to vector<16xi32>
    %shift_right_arithmetic3A_323 = arith.shrsi %get3A_320, %shift_right_arithmetic3A_322 : vector<16xi32>
    %swap3A_324 = arith.constant 2 : i32
    %swap3A_325 = arith.constant 0 : i32
    %swap3A_326 = arith.index_cast %swap3A_324 : i32 to index
    %swap3A_327 = arith.index_cast %swap3A_325 : i32 to index
    %swap3A_328 = arith.constant 96 : index
    %swap3A_329 = tpu.vector_load %arg6[%swap3A_326, %swap3A_327, %swap3A_328] {strides = array<i32>} : memref<4x1x128xi32, #tpu.memory_space<vmem>>, vector<16xi32>,
    tpu.vector_store %arg6[%swap3A_326, %swap3A_327, %swap3A_328], %shift_right_arithmetic3A_323 {strides = array<i32>} : memref<4x1x128xi32, #tpu.memory_space<vmem>>, vector<16xi32>,
    %get3A_330 = arith.constant 2 : i32
    %get3A_331 = arith.index_cast %get3A_330 : i32 to index
    %get3A_332 = arith.constant 112 : index
    %get3A_333 = tpu.vector_load %arg5[%get3A_331, %get3A_332] {strides = array<i32>} : memref<200x128xi32, #tpu.memory_space<vmem>>, vector<16xi32>,
    %shift_right_arithmetic3A_334 = arith.constant 1 : i32
    %shift_right_arithmetic3A_335 = vector.broadcast %shift_right_arithmetic3A_334 : i32 to vector<16xi32>
    %shift_right_arithmetic3A_336 = arith.shrsi %get3A_333, %shift_right_arithmetic3A_335 : vector<16xi32>
    %swap3A_337 = arith.constant 2 : i32
    %swap3A_338 = arith.constant 0 : i32
    %swap3A_339 = arith.index_cast %swap3A_337 : i32 to index
    %swap3A_340 = arith.index_cast %swap3A_338 : i32 to index
    %swap3A_341 = arith.constant 112 : index
    %swap3A_342 = tpu.vector_load %arg6[%swap3A_339, %swap3A_340, %swap3A_341] {strides = array<i32>} : memref<4x1x128xi32, #tpu.memory_space<vmem>>, vector<16xi32>,
    tpu.vector_store %arg6[%swap3A_339, %swap3A_340, %swap3A_341], %shift_right_arithmetic3A_336 {strides = array<i32>} : memref<4x1x128xi32, #tpu.memory_space<vmem>>, vector<16xi32>,
    %dma_start3A_343 = arith.constant 2 : i32
    %dma_start3A_344 = arith.constant 0 : i32
    %dma_start3A_345 = arith.constant 2 : i32
    %dma_start3A_346 = arith.constant 2 : i32
    %dma_start3A_347 = arith.constant 0 : i32
    %dma_start3A_348 = arith.constant 0 : i32
    %dma_start3A_349 = tpu.memref_slice %arg7[%dma_start3A_345, %dma_start3A_347, %dma_start3A_348] : memref<4x128x128xf32, #tpu.memory_space<vmem>> -> memref<1x128x128xf32, #tpu.memory_space<vmem>>
    %dma_start3A_350 = tpu.memref_squeeze %dma_start3A_349 : memref<1x128x128xf32, #tpu.memory_space<vmem>> -> memref<128x128xf32, #tpu.memory_space<vmem>>
    %dma_start3A_351 = arith.constant 0 : i32
    %dma_start3A_352 = tpu.memref_slice %arg6[%dma_start3A_343, %dma_start3A_344, %dma_start3A_351] : memref<4x1x128xi32, #tpu.memory_space<vmem>> -> memref<1x1x128xi32, #tpu.memory_space<vmem>>
    %dma_start3A_353 = tpu.memref_squeeze %dma_start3A_352 : memref<1x1x128xi32, #tpu.memory_space<vmem>> -> memref<128xi32, #tpu.memory_space<vmem>>
    %dma_start3A_354 = arith.constant 0 : i32
    %dma_start3A_355 = arith.constant 0 : i32
    %dma_start3A_356 = tpu.memref_slice %arg3[%dma_start3A_354, %dma_start3A_355] : memref<500000x128xf32, #tpu.memory_space<hbm>> -> memref<500000x128xf32, #tpu.memory_space<hbm>>
    %dma_start3A_357 = tpu.memref_slice %arg9[%dma_start3A_346] : memref<4x!tpu.dma_semaphore, #tpu.memory_space<semaphore_mem>> -> memref<1x!tpu.dma_semaphore, #tpu.memory_space<semaphore_mem>>
    %dma_start3A_358 = tpu.memref_squeeze %dma_start3A_357 : memref<1x!tpu.dma_semaphore, #tpu.memory_space<semaphore_mem>> -> memref<!tpu.dma_semaphore, #tpu.memory_space<semaphore_mem>>
    tpu.enqueue_indirect_dma source(%dma_start3A_356 : memref<500000x128xf32, #tpu.memory_space<hbm>>) target(%dma_start3A_350 : memref<128x128xf32, #tpu.memory_space<vmem>>) offsets(%dma_start3A_353 : memref<128xi32, #tpu.memory_space<vmem>>) semaphore(%dma_start3A_358 : memref<!tpu.dma_semaphore, #tpu.memory_space<semaphore_mem>>)
    %get3A_359 = arith.constant 3 : i32
    %get3A_360 = arith.index_cast %get3A_359 : i32 to index
    %get3A_361 = arith.constant 0 : index
    %get3A_362 = tpu.vector_load %arg5[%get3A_360, %get3A_361] {strides = array<i32>} : memref<200x128xi32, #tpu.memory_space<vmem>>, vector<16xi32>,
    %shift_right_arithmetic3A_363 = arith.constant 1 : i32
    %shift_right_arithmetic3A_364 = vector.broadcast %shift_right_arithmetic3A_363 : i32 to vector<16xi32>
    %shift_right_arithmetic3A_365 = arith.shrsi %get3A_362, %shift_right_arithmetic3A_364 : vector<16xi32>
    %swap3A_366 = arith.constant 3 : i32
    %swap3A_367 = arith.constant 0 : i32
    %swap3A_368 = arith.index_cast %swap3A_366 : i32 to index
    %swap3A_369 = arith.index_cast %swap3A_367 : i32 to index
    %swap3A_370 = arith.constant 0 : index
    %swap3A_371 = tpu.vector_load %arg6[%swap3A_368, %swap3A_369, %swap3A_370] {strides = array<i32>} : memref<4x1x128xi32, #tpu.memory_space<vmem>>, vector<16xi32>,
    tpu.vector_store %arg6[%swap3A_368, %swap3A_369, %swap3A_370], %shift_right_arithmetic3A_365 {strides = array<i32>} : memref<4x1x128xi32, #tpu.memory_space<vmem>>, vector<16xi32>,
    %get3A_372 = arith.constant 3 : i32
    %get3A_373 = arith.index_cast %get3A_372 : i32 to index
    %get3A_374 = arith.constant 16 : index
    %get3A_375 = tpu.vector_load %arg5[%get3A_373, %get3A_374] {strides = array<i32>} : memref<200x128xi32, #tpu.memory_space<vmem>>, vector<16xi32>,
    %shift_right_arithmetic3A_376 = arith.constant 1 : i32
    %shift_right_arithmetic3A_377 = vector.broadcast %shift_right_arithmetic3A_376 : i32 to vector<16xi32>
    %shift_right_arithmetic3A_378 = arith.shrsi %get3A_375, %shift_right_arithmetic3A_377 : vector<16xi32>
    %swap3A_379 = arith.constant 3 : i32
    %swap3A_380 = arith.constant 0 : i32
    %swap3A_381 = arith.index_cast %swap3A_379 : i32 to index
    %swap3A_382 = arith.index_cast %swap3A_380 : i32 to index
    %swap3A_383 = arith.constant 16 : index
    %swap3A_384 = tpu.vector_load %arg6[%swap3A_381, %swap3A_382, %swap3A_383] {strides = array<i32>} : memref<4x1x128xi32, #tpu.memory_space<vmem>>, vector<16xi32>,
    tpu.vector_store %arg6[%swap3A_381, %swap3A_382, %swap3A_383], %shift_right_arithmetic3A_378 {strides = array<i32>} : memref<4x1x128xi32, #tpu.memory_space<vmem>>, vector<16xi32>,
    %get3A_385 = arith.constant 3 : i32
    %get3A_386 = arith.index_cast %get3A_385 : i32 to index
    %get3A_387 = arith.constant 32 : index
    %get3A_388 = tpu.vector_load %arg5[%get3A_386, %get3A_387] {strides = array<i32>} : memref<200x128xi32, #tpu.memory_space<vmem>>, vector<16xi32>,
    %shift_right_arithmetic3A_389 = arith.constant 1 : i32
    %shift_right_arithmetic3A_390 = vector.broadcast %shift_right_arithmetic3A_389 : i32 to vector<16xi32>
    %shift_right_arithmetic3A_391 = arith.shrsi %get3A_388, %shift_right_arithmetic3A_390 : vector<16xi32>
    %swap3A_392 = arith.constant 3 : i32
    %swap3A_393 = arith.constant 0 : i32
    %swap3A_394 = arith.index_cast %swap3A_392 : i32 to index
    %swap3A_395 = arith.index_cast %swap3A_393 : i32 to index
    %swap3A_396 = arith.constant 32 : index
    %swap3A_397 = tpu.vector_load %arg6[%swap3A_394, %swap3A_395, %swap3A_396] {strides = array<i32>} : memref<4x1x128xi32, #tpu.memory_space<vmem>>, vector<16xi32>,
    tpu.vector_store %arg6[%swap3A_394, %swap3A_395, %swap3A_396], %shift_right_arithmetic3A_391 {strides = array<i32>} : memref<4x1x128xi32, #tpu.memory_space<vmem>>, vector<16xi32>,
    %get3A_398 = arith.constant 3 : i32
    %get3A_399 = arith.index_cast %get3A_398 : i32 to index
    %get3A_400 = arith.constant 48 : index
    %get3A_401 = tpu.vector_load %arg5[%get3A_399, %get3A_400] {strides = array<i32>} : memref<200x128xi32, #tpu.memory_space<vmem>>, vector<16xi32>,
    %shift_right_arithmetic3A_402 = arith.constant 1 : i32
    %shift_right_arithmetic3A_403 = vector.broadcast %shift_right_arithmetic3A_402 : i32 to vector<16xi32>
    %shift_right_arithmetic3A_404 = arith.shrsi %get3A_401, %shift_right_arithmetic3A_403 : vector<16xi32>
    %swap3A_405 = arith.constant 3 : i32
    %swap3A_406 = arith.constant 0 : i32
    %swap3A_407 = arith.index_cast %swap3A_405 : i32 to index
    %swap3A_408 = arith.index_cast %swap3A_406 : i32 to index
    %swap3A_409 = arith.constant 48 : index
    %swap3A_410 = tpu.vector_load %arg6[%swap3A_407, %swap3A_408, %swap3A_409] {strides = array<i32>} : memref<4x1x128xi32, #tpu.memory_space<vmem>>, vector<16xi32>,
    tpu.vector_store %arg6[%swap3A_407, %swap3A_408, %swap3A_409], %shift_right_arithmetic3A_404 {strides = array<i32>} : memref<4x1x128xi32, #tpu.memory_space<vmem>>, vector<16xi32>,
    %get3A_411 = arith.constant 3 : i32
    %get3A_412 = arith.index_cast %get3A_411 : i32 to index
    %get3A_413 = arith.constant 64 : index
    %get3A_414 = tpu.vector_load %arg5[%get3A_412, %get3A_413] {strides = array<i32>} : memref<200x128xi32, #tpu.memory_space<vmem>>, vector<16xi32>,
    %shift_right_arithmetic3A_415 = arith.constant 1 : i32
    %shift_right_arithmetic3A_416 = vector.broadcast %shift_right_arithmetic3A_415 : i32 to vector<16xi32>
    %shift_right_arithmetic3A_417 = arith.shrsi %get3A_414, %shift_right_arithmetic3A_416 : vector<16xi32>
    %swap3A_418 = arith.constant 3 : i32
    %swap3A_419 = arith.constant 0 : i32
    %swap3A_420 = arith.index_cast %swap3A_418 : i32 to index
    %swap3A_421 = arith.index_cast %swap3A_419 : i32 to index
    %swap3A_422 = arith.constant 64 : index
    %swap3A_423 = tpu.vector_load %arg6[%swap3A_420, %swap3A_421, %swap3A_422] {strides = array<i32>} : memref<4x1x128xi32, #tpu.memory_space<vmem>>, vector<16xi32>,
    tpu.vector_store %arg6[%swap3A_420, %swap3A_421, %swap3A_422], %shift_right_arithmetic3A_417 {strides = array<i32>} : memref<4x1x128xi32, #tpu.memory_space<vmem>>, vector<16xi32>,
    %get3A_424 = arith.constant 3 : i32
    %get3A_425 = arith.index_cast %get3A_424 : i32 to index
    %get3A_426 = arith.constant 80 : index
    %get3A_427 = tpu.vector_load %arg5[%get3A_425, %get3A_426] {strides = array<i32>} : memref<200x128xi32, #tpu.memory_space<vmem>>, vector<16xi32>,
    %shift_right_arithmetic3A_428 = arith.constant 1 : i32
    %shift_right_arithmetic3A_429 = vector.broadcast %shift_right_arithmetic3A_428 : i32 to vector<16xi32>
    %shift_right_arithmetic3A_430 = arith.shrsi %get3A_427, %shift_right_arithmetic3A_429 : vector<16xi32>
    %swap3A_431 = arith.constant 3 : i32
    %swap3A_432 = arith.constant 0 : i32
    %swap3A_433 = arith.index_cast %swap3A_431 : i32 to index
    %swap3A_434 = arith.index_cast %swap3A_432 : i32 to index
    %swap3A_435 = arith.constant 80 : index
    %swap3A_436 = tpu.vector_load %arg6[%swap3A_433, %swap3A_434, %swap3A_435] {strides = array<i32>} : memref<4x1x128xi32, #tpu.memory_space<vmem>>, vector<16xi32>,
    tpu.vector_store %arg6[%swap3A_433, %swap3A_434, %swap3A_435], %shift_right_arithmetic3A_430 {strides = array<i32>} : memref<4x1x128xi32, #tpu.memory_space<vmem>>, vector<16xi32>,
    %get3A_437 = arith.constant 3 : i32
    %get3A_438 = arith.index_cast %get3A_437 : i32 to index
    %get3A_439 = arith.constant 96 : index
    %get3A_440 = tpu.vector_load %arg5[%get3A_438, %get3A_439] {strides = array<i32>} : memref<200x128xi32, #tpu.memory_space<vmem>>, vector<16xi32>,
    %shift_right_arithmetic3A_441 = arith.constant 1 : i32
    %shift_right_arithmetic3A_442 = vector.broadcast %shift_right_arithmetic3A_441 : i32 to vector<16xi32>
    %shift_right_arithmetic3A_443 = arith.shrsi %get3A_440, %shift_right_arithmetic3A_442 : vector<16xi32>
    %swap3A_444 = arith.constant 3 : i32
    %swap3A_445 = arith.constant 0 : i32
    %swap3A_446 = arith.index_cast %swap3A_444 : i32 to index
    %swap3A_447 = arith.index_cast %swap3A_445 : i32 to index
    %swap3A_448 = arith.constant 96 : index
    %swap3A_449 = tpu.vector_load %arg6[%swap3A_446, %swap3A_447, %swap3A_448] {strides = array<i32>} : memref<4x1x128xi32, #tpu.memory_space<vmem>>, vector<16xi32>,
    tpu.vector_store %arg6[%swap3A_446, %swap3A_447, %swap3A_448], %shift_right_arithmetic3A_443 {strides = array<i32>} : memref<4x1x128xi32, #tpu.memory_space<vmem>>, vector<16xi32>,
    %get3A_450 = arith.constant 3 : i32
    %get3A_451 = arith.index_cast %get3A_450 : i32 to index
    %get3A_452 = arith.constant 112 : index
    %get3A_453 = tpu.vector_load %arg5[%get3A_451, %get3A_452] {strides = array<i32>} : memref<200x128xi32, #tpu.memory_space<vmem>>, vector<16xi32>,
    %shift_right_arithmetic3A_454 = arith.constant 1 : i32
    %shift_right_arithmetic3A_455 = vector.broadcast %shift_right_arithmetic3A_454 : i32 to vector<16xi32>
    %shift_right_arithmetic3A_456 = arith.shrsi %get3A_453, %shift_right_arithmetic3A_455 : vector<16xi32>
    %swap3A_457 = arith.constant 3 : i32
    %swap3A_458 = arith.constant 0 : i32
    %swap3A_459 = arith.index_cast %swap3A_457 : i32 to index
    %swap3A_460 = arith.index_cast %swap3A_458 : i32 to index
    %swap3A_461 = arith.constant 112 : index
    %swap3A_462 = tpu.vector_load %arg6[%swap3A_459, %swap3A_460, %swap3A_461] {strides = array<i32>} : memref<4x1x128xi32, #tpu.memory_space<vmem>>, vector<16xi32>,
    tpu.vector_store %arg6[%swap3A_459, %swap3A_460, %swap3A_461], %shift_right_arithmetic3A_456 {strides = array<i32>} : memref<4x1x128xi32, #tpu.memory_space<vmem>>, vector<16xi32>,
    %dma_start3A_463 = arith.constant 3 : i32
    %dma_start3A_464 = arith.constant 0 : i32
    %dma_start3A_465 = arith.constant 3 : i32
    %dma_start3A_466 = arith.constant 3 : i32
    %dma_start3A_467 = arith.constant 0 : i32
    %dma_start3A_468 = arith.constant 0 : i32
    %dma_start3A_469 = tpu.memref_slice %arg7[%dma_start3A_465, %dma_start3A_467, %dma_start3A_468] : memref<4x128x128xf32, #tpu.memory_space<vmem>> -> memref<1x128x128xf32, #tpu.memory_space<vmem>>
    %dma_start3A_470 = tpu.memref_squeeze %dma_start3A_469 : memref<1x128x128xf32, #tpu.memory_space<vmem>> -> memref<128x128xf32, #tpu.memory_space<vmem>>
    %dma_start3A_471 = arith.constant 0 : i32
    %dma_start3A_472 = tpu.memref_slice %arg6[%dma_start3A_463, %dma_start3A_464, %dma_start3A_471] : memref<4x1x128xi32, #tpu.memory_space<vmem>> -> memref<1x1x128xi32, #tpu.memory_space<vmem>>
    %dma_start3A_473 = tpu.memref_squeeze %dma_start3A_472 : memref<1x1x128xi32, #tpu.memory_space<vmem>> -> memref<128xi32, #tpu.memory_space<vmem>>
    %dma_start3A_474 = arith.constant 0 : i32
    %dma_start3A_475 = arith.constant 0 : i32
    %dma_start3A_476 = tpu.memref_slice %arg3[%dma_start3A_474, %dma_start3A_475] : memref<500000x128xf32, #tpu.memory_space<hbm>> -> memref<500000x128xf32, #tpu.memory_space<hbm>>
    %dma_start3A_477 = tpu.memref_slice %arg9[%dma_start3A_466] : memref<4x!tpu.dma_semaphore, #tpu.memory_space<semaphore_mem>> -> memref<1x!tpu.dma_semaphore, #tpu.memory_space<semaphore_mem>>
    %dma_start3A_478 = tpu.memref_squeeze %dma_start3A_477 : memref<1x!tpu.dma_semaphore, #tpu.memory_space<semaphore_mem>> -> memref<!tpu.dma_semaphore, #tpu.memory_space<semaphore_mem>>
    tpu.enqueue_indirect_dma source(%dma_start3A_476 : memref<500000x128xf32, #tpu.memory_space<hbm>>) target(%dma_start3A_470 : memref<128x128xf32, #tpu.memory_space<vmem>>) offsets(%dma_start3A_473 : memref<128xi32, #tpu.memory_space<vmem>>) semaphore(%dma_start3A_478 : memref<!tpu.dma_semaphore, #tpu.memory_space<semaphore_mem>>)
    %iota3A = tpu.iota {dimensions = array<i32: 0>} : vector<16xi32>
    %add3A_479 = arith.constant 0 : i32
    %add3A_480 = vector.broadcast %add3A_479 : i32 to vector<16xi32>
    %add3A_481 = arith.addi %iota3A, %add3A_480 : vector<16xi32>
    %add3A_482 = arith.constant 16 : i32
    %add3A_483 = vector.broadcast %add3A_482 : i32 to vector<16xi32>
    %add3A_484 = arith.addi %iota3A, %add3A_483 : vector<16xi32>
    %add3A_485 = arith.constant 32 : i32
    %add3A_486 = vector.broadcast %add3A_485 : i32 to vector<16xi32>
    %add3A_487 = arith.addi %iota3A, %add3A_486 : vector<16xi32>
    %add3A_488 = arith.constant 48 : i32
    %add3A_489 = vector.broadcast %add3A_488 : i32 to vector<16xi32>
    %add3A_490 = arith.addi %iota3A, %add3A_489 : vector<16xi32>
    %add3A_491 = arith.constant 64 : i32
    %add3A_492 = vector.broadcast %add3A_491 : i32 to vector<16xi32>
    %add3A_493 = arith.addi %iota3A, %add3A_492 : vector<16xi32>
    %add3A_494 = arith.constant 80 : i32
    %add3A_495 = vector.broadcast %add3A_494 : i32 to vector<16xi32>
    %add3A_496 = arith.addi %iota3A, %add3A_495 : vector<16xi32>
    %add3A_497 = arith.constant 96 : i32
    %add3A_498 = vector.broadcast %add3A_497 : i32 to vector<16xi32>
    %add3A_499 = arith.addi %iota3A, %add3A_498 : vector<16xi32>
    %add3A_500 = arith.constant 112 : i32
    %add3A_501 = vector.broadcast %add3A_500 : i32 to vector<16xi32>
    %add3A_502 = arith.addi %iota3A, %add3A_501 : vector<16xi32>
    %scan3A = arith.constant 0 : i32
    %scan3A_503 = arith.constant 50 : i32
    %scan3A_504 = arith.addi %scan3A, %scan3A_503 : i32
    %scan3A_505 = arith.constant 1 : i32
    scf.for %scan3A_582 = %scan3A to %scan3A_504 step %scan3A_505  : i32 {
      %mul3A_583 = arith.constant 4 : i32
      %mul3A_584 = arith.muli %scan3A_582, %mul3A_583 : i32
      %add3A_585 = arith.constant 0 : i32
      %add3A_586 = arith.addi %add3A_585, %mul3A_584 : i32
      %add3A_587 = arith.constant 0 : i32
      %add3A_588 = arith.addi %add3A_586, %add3A_587 : i32
      %dma_wait3A_589 = arith.constant 0 : i32
      %dma_wait3A_590 = arith.constant 0 : i32
      %dma_wait3A_591 = arith.constant 0 : i32
      %dma_wait3A_592 = arith.constant 0 : i32
      %dma_wait3A_593 = arith.constant 0 : i32
      %dma_wait3A_594 = arith.constant 0 : i32
      %dma_wait3A_595 = tpu.memref_slice %arg7[%dma_wait3A_591, %dma_wait3A_593, %dma_wait3A_594] : memref<4x128x128xf32, #tpu.memory_space<vmem>> -> memref<1x128x128xf32, #tpu.memory_space<vmem>>
      %dma_wait3A_596 = tpu.memref_squeeze %dma_wait3A_595 : memref<1x128x128xf32, #tpu.memory_space<vmem>> -> memref<128x128xf32, #tpu.memory_space<vmem>>
      %dma_wait3A_597 = arith.constant 0 : i32
      %dma_wait3A_598 = tpu.memref_slice %arg6[%dma_wait3A_589, %dma_wait3A_590, %dma_wait3A_597] : memref<4x1x128xi32, #tpu.memory_space<vmem>> -> memref<1x1x128xi32, #tpu.memory_space<vmem>>
      %dma_wait3A_599 = tpu.memref_squeeze %dma_wait3A_598 : memref<1x1x128xi32, #tpu.memory_space<vmem>> -> memref<128xi32, #tpu.memory_space<vmem>>
      %dma_wait3A_600 = arith.constant 0 : i32
      %dma_wait3A_601 = arith.constant 0 : i32
      %dma_wait3A_602 = tpu.memref_slice %arg3[%dma_wait3A_600, %dma_wait3A_601] : memref<500000x128xf32, #tpu.memory_space<hbm>> -> memref<500000x128xf32, #tpu.memory_space<hbm>>
      %dma_wait3A_603 = tpu.memref_slice %arg9[%dma_wait3A_592] : memref<4x!tpu.dma_semaphore, #tpu.memory_space<semaphore_mem>> -> memref<1x!tpu.dma_semaphore, #tpu.memory_space<semaphore_mem>>
      %dma_wait3A_604 = tpu.memref_squeeze %dma_wait3A_603 : memref<1x!tpu.dma_semaphore, #tpu.memory_space<semaphore_mem>> -> memref<!tpu.dma_semaphore, #tpu.memory_space<semaphore_mem>>
      tpu.wait_indirect_dma semaphore(%dma_wait3A_604 : memref<!tpu.dma_semaphore, #tpu.memory_space<semaphore_mem>>) src(%dma_wait3A_602 : memref<500000x128xf32, #tpu.memory_space<hbm>>) dst(%dma_wait3A_596 : memref<128x128xf32, #tpu.memory_space<vmem>>)
      %get3A_605 = arith.index_cast %add3A_588 : i32 to index
      %get3A_606 = arith.constant 0 : index
      %get3A_607 = tpu.vector_load %arg5[%get3A_605, %get3A_606] {strides = array<i32>} : memref<200x128xi32, #tpu.memory_space<vmem>>, vector<16xi32>,
      %and3A = arith.constant 1 : i32
      %and3A_608 = vector.broadcast %and3A : i32 to vector<16xi32>
      %and3A_609 = arith.andi %get3A_607, %and3A_608 : vector<16xi32>
      %mul3A_610 = arith.constant 64 : i32
      %mul3A_611 = vector.broadcast %mul3A_610 : i32 to vector<16xi32>
      %mul3A_612 = arith.muli %and3A_609, %mul3A_611 : vector<16xi32>
      %get3A_613 = arith.index_cast %add3A_588 : i32 to index
      %get3A_614 = arith.constant 16 : index
      %get3A_615 = tpu.vector_load %arg5[%get3A_613, %get3A_614] {strides = array<i32>} : memref<200x128xi32, #tpu.memory_space<vmem>>, vector<16xi32>,
      %and3A_616 = arith.constant 1 : i32
      %and3A_617 = vector.broadcast %and3A_616 : i32 to vector<16xi32>
      %and3A_618 = arith.andi %get3A_615, %and3A_617 : vector<16xi32>
      %mul3A_619 = arith.constant 64 : i32
      %mul3A_620 = vector.broadcast %mul3A_619 : i32 to vector<16xi32>
      %mul3A_621 = arith.muli %and3A_618, %mul3A_620 : vector<16xi32>
      %get3A_622 = arith.index_cast %add3A_588 : i32 to index
      %get3A_623 = arith.constant 32 : index
      %get3A_624 = tpu.vector_load %arg5[%get3A_622, %get3A_623] {strides = array<i32>} : memref<200x128xi32, #tpu.memory_space<vmem>>, vector<16xi32>,
      %and3A_625 = arith.constant 1 : i32
      %and3A_626 = vector.broadcast %and3A_625 : i32 to vector<16xi32>
      %and3A_627 = arith.andi %get3A_624, %and3A_626 : vector<16xi32>
      %mul3A_628 = arith.constant 64 : i32
      %mul3A_629 = vector.broadcast %mul3A_628 : i32 to vector<16xi32>
      %mul3A_630 = arith.muli %and3A_627, %mul3A_629 : vector<16xi32>
      %get3A_631 = arith.index_cast %add3A_588 : i32 to index
      %get3A_632 = arith.constant 48 : index
      %get3A_633 = tpu.vector_load %arg5[%get3A_631, %get3A_632] {strides = array<i32>} : memref<200x128xi32, #tpu.memory_space<vmem>>, vector<16xi32>,
      %and3A_634 = arith.constant 1 : i32
      %and3A_635 = vector.broadcast %and3A_634 : i32 to vector<16xi32>
      %and3A_636 = arith.andi %get3A_633, %and3A_635 : vector<16xi32>
      %mul3A_637 = arith.constant 64 : i32
      %mul3A_638 = vector.broadcast %mul3A_637 : i32 to vector<16xi32>
      %mul3A_639 = arith.muli %and3A_636, %mul3A_638 : vector<16xi32>
      %get3A_640 = arith.index_cast %add3A_588 : i32 to index
      %get3A_641 = arith.constant 64 : index
      %get3A_642 = tpu.vector_load %arg5[%get3A_640, %get3A_641] {strides = array<i32>} : memref<200x128xi32, #tpu.memory_space<vmem>>, vector<16xi32>,
      %and3A_643 = arith.constant 1 : i32
      %and3A_644 = vector.broadcast %and3A_643 : i32 to vector<16xi32>
      %and3A_645 = arith.andi %get3A_642, %and3A_644 : vector<16xi32>
      %mul3A_646 = arith.constant 64 : i32
      %mul3A_647 = vector.broadcast %mul3A_646 : i32 to vector<16xi32>
      %mul3A_648 = arith.muli %and3A_645, %mul3A_647 : vector<16xi32>
      %get3A_649 = arith.index_cast %add3A_588 : i32 to index
      %get3A_650 = arith.constant 80 : index
      %get3A_651 = tpu.vector_load %arg5[%get3A_649, %get3A_650] {strides = array<i32>} : memref<200x128xi32, #tpu.memory_space<vmem>>, vector<16xi32>,
      %and3A_652 = arith.constant 1 : i32
      %and3A_653 = vector.broadcast %and3A_652 : i32 to vector<16xi32>
      %and3A_654 = arith.andi %get3A_651, %and3A_653 : vector<16xi32>
      %mul3A_655 = arith.constant 64 : i32
      %mul3A_656 = vector.broadcast %mul3A_655 : i32 to vector<16xi32>
      %mul3A_657 = arith.muli %and3A_654, %mul3A_656 : vector<16xi32>
      %get3A_658 = arith.index_cast %add3A_588 : i32 to index
      %get3A_659 = arith.constant 96 : index
      %get3A_660 = tpu.vector_load %arg5[%get3A_658, %get3A_659] {strides = array<i32>} : memref<200x128xi32, #tpu.memory_space<vmem>>, vector<16xi32>,
      %and3A_661 = arith.constant 1 : i32
      %and3A_662 = vector.broadcast %and3A_661 : i32 to vector<16xi32>
      %and3A_663 = arith.andi %get3A_660, %and3A_662 : vector<16xi32>
      %mul3A_664 = arith.constant 64 : i32
      %mul3A_665 = vector.broadcast %mul3A_664 : i32 to vector<16xi32>
      %mul3A_666 = arith.muli %and3A_663, %mul3A_665 : vector<16xi32>
      %get3A_667 = arith.index_cast %add3A_588 : i32 to index
      %get3A_668 = arith.constant 112 : index
      %get3A_669 = tpu.vector_load %arg5[%get3A_667, %get3A_668] {strides = array<i32>} : memref<200x128xi32, #tpu.memory_space<vmem>>, vector<16xi32>,
      %and3A_670 = arith.constant 1 : i32
      %and3A_671 = vector.broadcast %and3A_670 : i32 to vector<16xi32>
      %and3A_672 = arith.andi %get3A_669, %and3A_671 : vector<16xi32>
      %mul3A_673 = arith.constant 64 : i32
      %mul3A_674 = vector.broadcast %mul3A_673 : i32 to vector<16xi32>
      %mul3A_675 = arith.muli %and3A_672, %mul3A_674 : vector<16xi32>
      %gt3A = arith.constant 0 : i32
      %gt3A_676 = arith.cmpi sgt, %add3A_586, %gt3A : i32
      %convert_element_type3A = arith.extui %gt3A_676 : i1 to i32
      %cond3A = arith.constant 0 : i32
      %cond3A_677 = arith.cmpi ne, %convert_element_type3A, %cond3A : i32
      scf.if %cond3A_677 {
        %sub3A = arith.constant 4 : i32
        %sub3A_1073 = arith.subi %add3A_588, %sub3A : i32
        %dma_wait3A_1074 = arith.constant 0 : i32
        %dma_wait3A_1075 = arith.constant 0 : i32
        %dma_wait3A_1076 = arith.constant 0 : i32
        %dma_wait3A_1077 = arith.constant 0 : i32
        %dma_wait3A_1078 = tpu.memref_slice %arg8[%dma_wait3A_1074, %dma_wait3A_1076, %dma_wait3A_1077] : memref<4x64x128xf32, #tpu.memory_space<vmem>> -> memref<1x64x128xf32, #tpu.memory_space<vmem>>
        %dma_wait3A_1079 = tpu.memref_squeeze %dma_wait3A_1078 : memref<1x64x128xf32, #tpu.memory_space<vmem>> -> memref<64x128xf32, #tpu.memory_space<vmem>>
        %dma_wait3A_1080 = arith.constant 0 : i32
        %dma_wait3A_1081 = tpu.memref_slice %arg4[%sub3A_1073, %dma_wait3A_1080, %mul3A_2] : memref<200x64x4096xf32, #tpu.memory_space<hbm>> -> memref<1x64x128xf32, #tpu.memory_space<hbm>>
        %dma_wait3A_1082 = tpu.memref_squeeze %dma_wait3A_1081 : memref<1x64x128xf32, #tpu.memory_space<hbm>> -> memref<64x128xf32, #tpu.memory_space<hbm>>
        %dma_wait3A_1083 = tpu.memref_slice %arg10[%dma_wait3A_1075] : memref<4x!tpu.dma_semaphore, #tpu.memory_space<semaphore_mem>> -> memref<1x!tpu.dma_semaphore, #tpu.memory_space<semaphore_mem>>
        %dma_wait3A_1084 = tpu.memref_squeeze %dma_wait3A_1083 : memref<1x!tpu.dma_semaphore, #tpu.memory_space<semaphore_mem>> -> memref<!tpu.dma_semaphore, #tpu.memory_space<semaphore_mem>>
        %dma_wait3A_1085 = arith.constant 0 : i32
        %dma_wait3A_1086 = tpu.memref_slice %arg4[%sub3A_1073, %dma_wait3A_1085, %mul3A_2] : memref<200x64x4096xf32, #tpu.memory_space<hbm>> -> memref<1x64x128xf32, #tpu.memory_space<hbm>>
        %dma_wait3A_1087 = tpu.memref_squeeze %dma_wait3A_1086 : memref<1x64x128xf32, #tpu.memory_space<hbm>> -> memref<64x128xf32, #tpu.memory_space<hbm>>
        %dma_wait3A_1088 = arith.constant 0 : i32
        %dma_wait3A_1089 = arith.constant 0 : i32
        %dma_wait3A_1090 = tpu.memref_slice %arg8[%dma_wait3A_1074, %dma_wait3A_1088, %dma_wait3A_1089] : memref<4x64x128xf32, #tpu.memory_space<vmem>> -> memref<1x64x128xf32, #tpu.memory_space<vmem>>
        %dma_wait3A_1091 = tpu.memref_squeeze %dma_wait3A_1090 : memref<1x64x128xf32, #tpu.memory_space<vmem>> -> memref<64x128xf32, #tpu.memory_space<vmem>>
        tpu.wait_dma2 semaphore(%dma_wait3A_1084 : memref<!tpu.dma_semaphore, #tpu.memory_space<semaphore_mem>>) src(%dma_wait3A_1091 : memref<64x128xf32, #tpu.memory_space<vmem>>) dst(%dma_wait3A_1087 : memref<64x128xf32, #tpu.memory_space<hbm>>)
      } else {
      }
      %parallel_loop3A = arith.constant 0 : i32
      %parallel_loop3A_678 = arith.constant 64 : i32
      %parallel_loop3A_679 = arith.constant 1 : i32
      scf.for %parallel_loop3A_1073 = %parallel_loop3A to %parallel_loop3A_678 step %parallel_loop3A_679  : i32 {
        %parallel_loop3A_1074 = vector.broadcast %parallel_loop3A_1073 : i32 to vector<16xi32>
        %parallel_loop3A_1075 = arith.addi %mul3A_612, %parallel_loop3A_1074 : vector<16xi32>
        %parallel_loop3A_1076 = arith.constant 0 : i32
        %parallel_loop3A_1077 = arith.constant 0 : i32
        %parallel_loop3A_1078 = arith.constant 0 : i32
        %parallel_loop3A_1079 = tpu.memref_slice %arg7[%parallel_loop3A_1076, %parallel_loop3A_1077, %parallel_loop3A_1078] : memref<4x128x128xf32, #tpu.memory_space<vmem>> -> memref<1x128x128xf32, #tpu.memory_space<vmem>>
        %parallel_loop3A_1080 = tpu.memref_squeeze %parallel_loop3A_1079 : memref<1x128x128xf32, #tpu.memory_space<vmem>> -> memref<128x128xf32, #tpu.memory_space<vmem>>
        %parallel_loop3A_1081 = tpu.vector_load_idx %parallel_loop3A_1080[%add3A_481, %parallel_loop3A_1075] : memref<128x128xf32, #tpu.memory_space<vmem>>[vector<16xi32>, vector<16xi32>], vector<16xf32>,
        %parallel_loop3A_1082 = arith.constant 8.000000e+00 : f32
        %parallel_loop3A_1083 = vector.broadcast %parallel_loop3A_1082 : f32 to vector<16xf32>
        %parallel_loop3A_1084 = arith.mulf %parallel_loop3A_1081, %parallel_loop3A_1083 : vector<16xf32>
        %parallel_loop3A_1085 = arith.constant 0 : i32
        %parallel_loop3A_1086 = arith.index_cast %parallel_loop3A_1085 : i32 to index
        %parallel_loop3A_1087 = arith.index_cast %parallel_loop3A_1073 : i32 to index
        %parallel_loop3A_1088 = arith.constant 0 : index
        %parallel_loop3A_1089 = tpu.vector_load %arg8[%parallel_loop3A_1086, %parallel_loop3A_1087, %parallel_loop3A_1088] {strides = array<i32>} : memref<4x64x128xf32, #tpu.memory_space<vmem>>, vector<16xf32>,
        tpu.vector_store %arg8[%parallel_loop3A_1086, %parallel_loop3A_1087, %parallel_loop3A_1088], %parallel_loop3A_1084 {strides = array<i32>} : memref<4x64x128xf32, #tpu.memory_space<vmem>>, vector<16xf32>,
        %parallel_loop3A_1090 = vector.broadcast %parallel_loop3A_1073 : i32 to vector<16xi32>
        %parallel_loop3A_1091 = arith.addi %mul3A_621, %parallel_loop3A_1090 : vector<16xi32>
        %parallel_loop3A_1092 = arith.constant 0 : i32
        %parallel_loop3A_1093 = arith.constant 0 : i32
        %parallel_loop3A_1094 = arith.constant 0 : i32
        %parallel_loop3A_1095 = tpu.memref_slice %arg7[%parallel_loop3A_1092, %parallel_loop3A_1093, %parallel_loop3A_1094] : memref<4x128x128xf32, #tpu.memory_space<vmem>> -> memref<1x128x128xf32, #tpu.memory_space<vmem>>
        %parallel_loop3A_1096 = tpu.memref_squeeze %parallel_loop3A_1095 : memref<1x128x128xf32, #tpu.memory_space<vmem>> -> memref<128x128xf32, #tpu.memory_space<vmem>>
        %parallel_loop3A_1097 = tpu.vector_load_idx %parallel_loop3A_1096[%add3A_484, %parallel_loop3A_1091] : memref<128x128xf32, #tpu.memory_space<vmem>>[vector<16xi32>, vector<16xi32>], vector<16xf32>,
        %parallel_loop3A_1098 = arith.constant 8.000000e+00 : f32
        %parallel_loop3A_1099 = vector.broadcast %parallel_loop3A_1098 : f32 to vector<16xf32>
        %parallel_loop3A_1100 = arith.mulf %parallel_loop3A_1097, %parallel_loop3A_1099 : vector<16xf32>
        %parallel_loop3A_1101 = arith.constant 0 : i32
        %parallel_loop3A_1102 = arith.index_cast %parallel_loop3A_1101 : i32 to index
        %parallel_loop3A_1103 = arith.index_cast %parallel_loop3A_1073 : i32 to index
        %parallel_loop3A_1104 = arith.constant 16 : index
        %parallel_loop3A_1105 = tpu.vector_load %arg8[%parallel_loop3A_1102, %parallel_loop3A_1103, %parallel_loop3A_1104] {strides = array<i32>} : memref<4x64x128xf32, #tpu.memory_space<vmem>>, vector<16xf32>,
        tpu.vector_store %arg8[%parallel_loop3A_1102, %parallel_loop3A_1103, %parallel_loop3A_1104], %parallel_loop3A_1100 {strides = array<i32>} : memref<4x64x128xf32, #tpu.memory_space<vmem>>, vector<16xf32>,
        %parallel_loop3A_1106 = vector.broadcast %parallel_loop3A_1073 : i32 to vector<16xi32>
        %parallel_loop3A_1107 = arith.addi %mul3A_630, %parallel_loop3A_1106 : vector<16xi32>
        %parallel_loop3A_1108 = arith.constant 0 : i32
        %parallel_loop3A_1109 = arith.constant 0 : i32
        %parallel_loop3A_1110 = arith.constant 0 : i32
        %parallel_loop3A_1111 = tpu.memref_slice %arg7[%parallel_loop3A_1108, %parallel_loop3A_1109, %parallel_loop3A_1110] : memref<4x128x128xf32, #tpu.memory_space<vmem>> -> memref<1x128x128xf32, #tpu.memory_space<vmem>>
        %parallel_loop3A_1112 = tpu.memref_squeeze %parallel_loop3A_1111 : memref<1x128x128xf32, #tpu.memory_space<vmem>> -> memref<128x128xf32, #tpu.memory_space<vmem>>
        %parallel_loop3A_1113 = tpu.vector_load_idx %parallel_loop3A_1112[%add3A_487, %parallel_loop3A_1107] : memref<128x128xf32, #tpu.memory_space<vmem>>[vector<16xi32>, vector<16xi32>], vector<16xf32>,
        %parallel_loop3A_1114 = arith.constant 8.000000e+00 : f32
        %parallel_loop3A_1115 = vector.broadcast %parallel_loop3A_1114 : f32 to vector<16xf32>
        %parallel_loop3A_1116 = arith.mulf %parallel_loop3A_1113, %parallel_loop3A_1115 : vector<16xf32>
        %parallel_loop3A_1117 = arith.constant 0 : i32
        %parallel_loop3A_1118 = arith.index_cast %parallel_loop3A_1117 : i32 to index
        %parallel_loop3A_1119 = arith.index_cast %parallel_loop3A_1073 : i32 to index
        %parallel_loop3A_1120 = arith.constant 32 : index
        %parallel_loop3A_1121 = tpu.vector_load %arg8[%parallel_loop3A_1118, %parallel_loop3A_1119, %parallel_loop3A_1120] {strides = array<i32>} : memref<4x64x128xf32, #tpu.memory_space<vmem>>, vector<16xf32>,
        tpu.vector_store %arg8[%parallel_loop3A_1118, %parallel_loop3A_1119, %parallel_loop3A_1120], %parallel_loop3A_1116 {strides = array<i32>} : memref<4x64x128xf32, #tpu.memory_space<vmem>>, vector<16xf32>,
        %parallel_loop3A_1122 = vector.broadcast %parallel_loop3A_1073 : i32 to vector<16xi32>
        %parallel_loop3A_1123 = arith.addi %mul3A_639, %parallel_loop3A_1122 : vector<16xi32>
        %parallel_loop3A_1124 = arith.constant 0 : i32
        %parallel_loop3A_1125 = arith.constant 0 : i32
        %parallel_loop3A_1126 = arith.constant 0 : i32
        %parallel_loop3A_1127 = tpu.memref_slice %arg7[%parallel_loop3A_1124, %parallel_loop3A_1125, %parallel_loop3A_1126] : memref<4x128x128xf32, #tpu.memory_space<vmem>> -> memref<1x128x128xf32, #tpu.memory_space<vmem>>
        %parallel_loop3A_1128 = tpu.memref_squeeze %parallel_loop3A_1127 : memref<1x128x128xf32, #tpu.memory_space<vmem>> -> memref<128x128xf32, #tpu.memory_space<vmem>>
        %parallel_loop3A_1129 = tpu.vector_load_idx %parallel_loop3A_1128[%add3A_490, %parallel_loop3A_1123] : memref<128x128xf32, #tpu.memory_space<vmem>>[vector<16xi32>, vector<16xi32>], vector<16xf32>,
        %parallel_loop3A_1130 = arith.constant 8.000000e+00 : f32
        %parallel_loop3A_1131 = vector.broadcast %parallel_loop3A_1130 : f32 to vector<16xf32>
        %parallel_loop3A_1132 = arith.mulf %parallel_loop3A_1129, %parallel_loop3A_1131 : vector<16xf32>
        %parallel_loop3A_1133 = arith.constant 0 : i32
        %parallel_loop3A_1134 = arith.index_cast %parallel_loop3A_1133 : i32 to index
        %parallel_loop3A_1135 = arith.index_cast %parallel_loop3A_1073 : i32 to index
        %parallel_loop3A_1136 = arith.constant 48 : index
        %parallel_loop3A_1137 = tpu.vector_load %arg8[%parallel_loop3A_1134, %parallel_loop3A_1135, %parallel_loop3A_1136] {strides = array<i32>} : memref<4x64x128xf32, #tpu.memory_space<vmem>>, vector<16xf32>,
        tpu.vector_store %arg8[%parallel_loop3A_1134, %parallel_loop3A_1135, %parallel_loop3A_1136], %parallel_loop3A_1132 {strides = array<i32>} : memref<4x64x128xf32, #tpu.memory_space<vmem>>, vector<16xf32>,
        %parallel_loop3A_1138 = vector.broadcast %parallel_loop3A_1073 : i32 to vector<16xi32>
        %parallel_loop3A_1139 = arith.addi %mul3A_648, %parallel_loop3A_1138 : vector<16xi32>
        %parallel_loop3A_1140 = arith.constant 0 : i32
        %parallel_loop3A_1141 = arith.constant 0 : i32
        %parallel_loop3A_1142 = arith.constant 0 : i32
        %parallel_loop3A_1143 = tpu.memref_slice %arg7[%parallel_loop3A_1140, %parallel_loop3A_1141, %parallel_loop3A_1142] : memref<4x128x128xf32, #tpu.memory_space<vmem>> -> memref<1x128x128xf32, #tpu.memory_space<vmem>>
        %parallel_loop3A_1144 = tpu.memref_squeeze %parallel_loop3A_1143 : memref<1x128x128xf32, #tpu.memory_space<vmem>> -> memref<128x128xf32, #tpu.memory_space<vmem>>
        %parallel_loop3A_1145 = tpu.vector_load_idx %parallel_loop3A_1144[%add3A_493, %parallel_loop3A_1139] : memref<128x128xf32, #tpu.memory_space<vmem>>[vector<16xi32>, vector<16xi32>], vector<16xf32>,
        %parallel_loop3A_1146 = arith.constant 8.000000e+00 : f32
        %parallel_loop3A_1147 = vector.broadcast %parallel_loop3A_1146 : f32 to vector<16xf32>
        %parallel_loop3A_1148 = arith.mulf %parallel_loop3A_1145, %parallel_loop3A_1147 : vector<16xf32>
        %parallel_loop3A_1149 = arith.constant 0 : i32
        %parallel_loop3A_1150 = arith.index_cast %parallel_loop3A_1149 : i32 to index
        %parallel_loop3A_1151 = arith.index_cast %parallel_loop3A_1073 : i32 to index
        %parallel_loop3A_1152 = arith.constant 64 : index
        %parallel_loop3A_1153 = tpu.vector_load %arg8[%parallel_loop3A_1150, %parallel_loop3A_1151, %parallel_loop3A_1152] {strides = array<i32>} : memref<4x64x128xf32, #tpu.memory_space<vmem>>, vector<16xf32>,
        tpu.vector_store %arg8[%parallel_loop3A_1150, %parallel_loop3A_1151, %parallel_loop3A_1152], %parallel_loop3A_1148 {strides = array<i32>} : memref<4x64x128xf32, #tpu.memory_space<vmem>>, vector<16xf32>,
        %parallel_loop3A_1154 = vector.broadcast %parallel_loop3A_1073 : i32 to vector<16xi32>
        %parallel_loop3A_1155 = arith.addi %mul3A_657, %parallel_loop3A_1154 : vector<16xi32>
        %parallel_loop3A_1156 = arith.constant 0 : i32
        %parallel_loop3A_1157 = arith.constant 0 : i32
        %parallel_loop3A_1158 = arith.constant 0 : i32
        %parallel_loop3A_1159 = tpu.memref_slice %arg7[%parallel_loop3A_1156, %parallel_loop3A_1157, %parallel_loop3A_1158] : memref<4x128x128xf32, #tpu.memory_space<vmem>> -> memref<1x128x128xf32, #tpu.memory_space<vmem>>
        %parallel_loop3A_1160 = tpu.memref_squeeze %parallel_loop3A_1159 : memref<1x128x128xf32, #tpu.memory_space<vmem>> -> memref<128x128xf32, #tpu.memory_space<vmem>>
        %parallel_loop3A_1161 = tpu.vector_load_idx %parallel_loop3A_1160[%add3A_496, %parallel_loop3A_1155] : memref<128x128xf32, #tpu.memory_space<vmem>>[vector<16xi32>, vector<16xi32>], vector<16xf32>,
        %parallel_loop3A_1162 = arith.constant 8.000000e+00 : f32
        %parallel_loop3A_1163 = vector.broadcast %parallel_loop3A_1162 : f32 to vector<16xf32>
        %parallel_loop3A_1164 = arith.mulf %parallel_loop3A_1161, %parallel_loop3A_1163 : vector<16xf32>
        %parallel_loop3A_1165 = arith.constant 0 : i32
        %parallel_loop3A_1166 = arith.index_cast %parallel_loop3A_1165 : i32 to index
        %parallel_loop3A_1167 = arith.index_cast %parallel_loop3A_1073 : i32 to index
        %parallel_loop3A_1168 = arith.constant 80 : index
        %parallel_loop3A_1169 = tpu.vector_load %arg8[%parallel_loop3A_1166, %parallel_loop3A_1167, %parallel_loop3A_1168] {strides = array<i32>} : memref<4x64x128xf32, #tpu.memory_space<vmem>>, vector<16xf32>,
        tpu.vector_store %arg8[%parallel_loop3A_1166, %parallel_loop3A_1167, %parallel_loop3A_1168], %parallel_loop3A_1164 {strides = array<i32>} : memref<4x64x128xf32, #tpu.memory_space<vmem>>, vector<16xf32>,
        %parallel_loop3A_1170 = vector.broadcast %parallel_loop3A_1073 : i32 to vector<16xi32>
        %parallel_loop3A_1171 = arith.addi %mul3A_666, %parallel_loop3A_1170 : vector<16xi32>
        %parallel_loop3A_1172 = arith.constant 0 : i32
        %parallel_loop3A_1173 = arith.constant 0 : i32
        %parallel_loop3A_1174 = arith.constant 0 : i32
        %parallel_loop3A_1175 = tpu.memref_slice %arg7[%parallel_loop3A_1172, %parallel_loop3A_1173, %parallel_loop3A_1174] : memref<4x128x128xf32, #tpu.memory_space<vmem>> -> memref<1x128x128xf32, #tpu.memory_space<vmem>>
        %parallel_loop3A_1176 = tpu.memref_squeeze %parallel_loop3A_1175 : memref<1x128x128xf32, #tpu.memory_space<vmem>> -> memref<128x128xf32, #tpu.memory_space<vmem>>
        %parallel_loop3A_1177 = tpu.vector_load_idx %parallel_loop3A_1176[%add3A_499, %parallel_loop3A_1171] : memref<128x128xf32, #tpu.memory_space<vmem>>[vector<16xi32>, vector<16xi32>], vector<16xf32>,
        %parallel_loop3A_1178 = arith.constant 8.000000e+00 : f32
        %parallel_loop3A_1179 = vector.broadcast %parallel_loop3A_1178 : f32 to vector<16xf32>
        %parallel_loop3A_1180 = arith.mulf %parallel_loop3A_1177, %parallel_loop3A_1179 : vector<16xf32>
        %parallel_loop3A_1181 = arith.constant 0 : i32
        %parallel_loop3A_1182 = arith.index_cast %parallel_loop3A_1181 : i32 to index
        %parallel_loop3A_1183 = arith.index_cast %parallel_loop3A_1073 : i32 to index
        %parallel_loop3A_1184 = arith.constant 96 : index
        %parallel_loop3A_1185 = tpu.vector_load %arg8[%parallel_loop3A_1182, %parallel_loop3A_1183, %parallel_loop3A_1184] {strides = array<i32>} : memref<4x64x128xf32, #tpu.memory_space<vmem>>, vector<16xf32>,
        tpu.vector_store %arg8[%parallel_loop3A_1182, %parallel_loop3A_1183, %parallel_loop3A_1184], %parallel_loop3A_1180 {strides = array<i32>} : memref<4x64x128xf32, #tpu.memory_space<vmem>>, vector<16xf32>,
        %parallel_loop3A_1186 = vector.broadcast %parallel_loop3A_1073 : i32 to vector<16xi32>
        %parallel_loop3A_1187 = arith.addi %mul3A_675, %parallel_loop3A_1186 : vector<16xi32>
        %parallel_loop3A_1188 = arith.constant 0 : i32
        %parallel_loop3A_1189 = arith.constant 0 : i32
        %parallel_loop3A_1190 = arith.constant 0 : i32
        %parallel_loop3A_1191 = tpu.memref_slice %arg7[%parallel_loop3A_1188, %parallel_loop3A_1189, %parallel_loop3A_1190] : memref<4x128x128xf32, #tpu.memory_space<vmem>> -> memref<1x128x128xf32, #tpu.memory_space<vmem>>
        %parallel_loop3A_1192 = tpu.memref_squeeze %parallel_loop3A_1191 : memref<1x128x128xf32, #tpu.memory_space<vmem>> -> memref<128x128xf32, #tpu.memory_space<vmem>>
        %parallel_loop3A_1193 = tpu.vector_load_idx %parallel_loop3A_1192[%add3A_502, %parallel_loop3A_1187] : memref<128x128xf32, #tpu.memory_space<vmem>>[vector<16xi32>, vector<16xi32>], vector<16xf32>,
        %parallel_loop3A_1194 = arith.constant 8.000000e+00 : f32
        %parallel_loop3A_1195 = vector.broadcast %parallel_loop3A_1194 : f32 to vector<16xf32>
        %parallel_loop3A_1196 = arith.mulf %parallel_loop3A_1193, %parallel_loop3A_1195 : vector<16xf32>
        %parallel_loop3A_1197 = arith.constant 0 : i32
        %parallel_loop3A_1198 = arith.index_cast %parallel_loop3A_1197 : i32 to index
        %parallel_loop3A_1199 = arith.index_cast %parallel_loop3A_1073 : i32 to index
        %parallel_loop3A_1200 = arith.constant 112 : index
        %parallel_loop3A_1201 = tpu.vector_load %arg8[%parallel_loop3A_1198, %parallel_loop3A_1199, %parallel_loop3A_1200] {strides = array<i32>} : memref<4x64x128xf32, #tpu.memory_space<vmem>>, vector<16xf32>,
        tpu.vector_store %arg8[%parallel_loop3A_1198, %parallel_loop3A_1199, %parallel_loop3A_1200], %parallel_loop3A_1196 {strides = array<i32>} : memref<4x64x128xf32, #tpu.memory_space<vmem>>, vector<16xf32>,
      } {sc.loop_unroll_factor = 8 : i64, sc.parallel_access}
      %dma_start3A_680 = arith.constant 0 : i32
      %dma_start3A_681 = arith.constant 0 : i32
      %dma_start3A_682 = arith.constant 0 : i32
      %dma_start3A_683 = arith.constant 0 : i32
      %dma_start3A_684 = tpu.memref_slice %arg8[%dma_start3A_680, %dma_start3A_682, %dma_start3A_683] : memref<4x64x128xf32, #tpu.memory_space<vmem>> -> memref<1x64x128xf32, #tpu.memory_space<vmem>>
      %dma_start3A_685 = tpu.memref_squeeze %dma_start3A_684 : memref<1x64x128xf32, #tpu.memory_space<vmem>> -> memref<64x128xf32, #tpu.memory_space<vmem>>
      %dma_start3A_686 = arith.constant 0 : i32
      %dma_start3A_687 = tpu.memref_slice %arg4[%add3A_588, %dma_start3A_686, %mul3A_2] : memref<200x64x4096xf32, #tpu.memory_space<hbm>> -> memref<1x64x128xf32, #tpu.memory_space<hbm>>
      %dma_start3A_688 = tpu.memref_squeeze %dma_start3A_687 : memref<1x64x128xf32, #tpu.memory_space<hbm>> -> memref<64x128xf32, #tpu.memory_space<hbm>>
      %dma_start3A_689 = tpu.memref_slice %arg10[%dma_start3A_681] : memref<4x!tpu.dma_semaphore, #tpu.memory_space<semaphore_mem>> -> memref<1x!tpu.dma_semaphore, #tpu.memory_space<semaphore_mem>>
      %dma_start3A_690 = tpu.memref_squeeze %dma_start3A_689 : memref<1x!tpu.dma_semaphore, #tpu.memory_space<semaphore_mem>> -> memref<!tpu.dma_semaphore, #tpu.memory_space<semaphore_mem>>
      %dma_start3A_691 = arith.constant 0 : i32
      %dma_start3A_692 = tpu.memref_slice %arg4[%add3A_588, %dma_start3A_691, %mul3A_2] : memref<200x64x4096xf32, #tpu.memory_space<hbm>> -> memref<1x64x128xf32, #tpu.memory_space<hbm>>
      %dma_start3A_693 = tpu.memref_squeeze %dma_start3A_692 : memref<1x64x128xf32, #tpu.memory_space<hbm>> -> memref<64x128xf32, #tpu.memory_space<hbm>>
      %dma_start3A_694 = arith.constant 0 : i32
      %dma_start3A_695 = arith.constant 0 : i32
      %dma_start3A_696 = tpu.memref_slice %arg8[%dma_start3A_680, %dma_start3A_694, %dma_start3A_695] : memref<4x64x128xf32, #tpu.memory_space<vmem>> -> memref<1x64x128xf32, #tpu.memory_space<vmem>>
      %dma_start3A_697 = tpu.memref_squeeze %dma_start3A_696 : memref<1x64x128xf32, #tpu.memory_space<vmem>> -> memref<64x128xf32, #tpu.memory_space<vmem>>
      tpu.enqueue_dma source(%dma_start3A_697 : memref<64x128xf32, #tpu.memory_space<vmem>>) target(%dma_start3A_693 : memref<64x128xf32, #tpu.memory_space<hbm>>) target_semaphore(%dma_start3A_690 : memref<!tpu.dma_semaphore, #tpu.memory_space<semaphore_mem>>)
      %add3A_698 = arith.constant 4 : i32
      %add3A_699 = arith.addi %add3A_588, %add3A_698 : i32
      %lt3A = arith.constant 200 : i32
      %lt3A_700 = arith.cmpi slt, %add3A_699, %lt3A : i32
      %convert_element_type3A_701 = arith.extui %lt3A_700 : i1 to i32
      %cond3A_702 = arith.constant 0 : i32
      %cond3A_703 = arith.cmpi ne, %convert_element_type3A_701, %cond3A_702 : i32
      scf.if %cond3A_703 {
        %get3A_1073 = arith.index_cast %add3A_699 : i32 to index
        %get3A_1074 = arith.constant 0 : index
        %get3A_1075 = tpu.vector_load %arg5[%get3A_1073, %get3A_1074] {strides = array<i32>} : memref<200x128xi32, #tpu.memory_space<vmem>>, vector<16xi32>,
        %shift_right_arithmetic3A_1076 = arith.constant 1 : i32
        %shift_right_arithmetic3A_1077 = vector.broadcast %shift_right_arithmetic3A_1076 : i32 to vector<16xi32>
        %shift_right_arithmetic3A_1078 = arith.shrsi %get3A_1075, %shift_right_arithmetic3A_1077 : vector<16xi32>
        %swap3A_1079 = arith.constant 0 : i32
        %swap3A_1080 = arith.constant 0 : i32
        %swap3A_1081 = arith.index_cast %swap3A_1079 : i32 to index
        %swap3A_1082 = arith.index_cast %swap3A_1080 : i32 to index
        %swap3A_1083 = arith.constant 0 : index
        %swap3A_1084 = tpu.vector_load %arg6[%swap3A_1081, %swap3A_1082, %swap3A_1083] {strides = array<i32>} : memref<4x1x128xi32, #tpu.memory_space<vmem>>, vector<16xi32>,
        tpu.vector_store %arg6[%swap3A_1081, %swap3A_1082, %swap3A_1083], %shift_right_arithmetic3A_1078 {strides = array<i32>} : memref<4x1x128xi32, #tpu.memory_space<vmem>>, vector<16xi32>,
        %get3A_1085 = arith.index_cast %add3A_699 : i32 to index
        %get3A_1086 = arith.constant 16 : index
        %get3A_1087 = tpu.vector_load %arg5[%get3A_1085, %get3A_1086] {strides = array<i32>} : memref<200x128xi32, #tpu.memory_space<vmem>>, vector<16xi32>,
        %shift_right_arithmetic3A_1088 = arith.constant 1 : i32
        %shift_right_arithmetic3A_1089 = vector.broadcast %shift_right_arithmetic3A_1088 : i32 to vector<16xi32>
        %shift_right_arithmetic3A_1090 = arith.shrsi %get3A_1087, %shift_right_arithmetic3A_1089 : vector<16xi32>
        %swap3A_1091 = arith.constant 0 : i32
        %swap3A_1092 = arith.constant 0 : i32
        %swap3A_1093 = arith.index_cast %swap3A_1091 : i32 to index
        %swap3A_1094 = arith.index_cast %swap3A_1092 : i32 to index
        %swap3A_1095 = arith.constant 16 : index
        %swap3A_1096 = tpu.vector_load %arg6[%swap3A_1093, %swap3A_1094, %swap3A_1095] {strides = array<i32>} : memref<4x1x128xi32, #tpu.memory_space<vmem>>, vector<16xi32>,
        tpu.vector_store %arg6[%swap3A_1093, %swap3A_1094, %swap3A_1095], %shift_right_arithmetic3A_1090 {strides = array<i32>} : memref<4x1x128xi32, #tpu.memory_space<vmem>>, vector<16xi32>,
        %get3A_1097 = arith.index_cast %add3A_699 : i32 to index
        %get3A_1098 = arith.constant 32 : index
        %get3A_1099 = tpu.vector_load %arg5[%get3A_1097, %get3A_1098] {strides = array<i32>} : memref<200x128xi32, #tpu.memory_space<vmem>>, vector<16xi32>,
        %shift_right_arithmetic3A_1100 = arith.constant 1 : i32
        %shift_right_arithmetic3A_1101 = vector.broadcast %shift_right_arithmetic3A_1100 : i32 to vector<16xi32>
        %shift_right_arithmetic3A_1102 = arith.shrsi %get3A_1099, %shift_right_arithmetic3A_1101 : vector<16xi32>
        %swap3A_1103 = arith.constant 0 : i32
        %swap3A_1104 = arith.constant 0 : i32
        %swap3A_1105 = arith.index_cast %swap3A_1103 : i32 to index
        %swap3A_1106 = arith.index_cast %swap3A_1104 : i32 to index
        %swap3A_1107 = arith.constant 32 : index
        %swap3A_1108 = tpu.vector_load %arg6[%swap3A_1105, %swap3A_1106, %swap3A_1107] {strides = array<i32>} : memref<4x1x128xi32, #tpu.memory_space<vmem>>, vector<16xi32>,
        tpu.vector_store %arg6[%swap3A_1105, %swap3A_1106, %swap3A_1107], %shift_right_arithmetic3A_1102 {strides = array<i32>} : memref<4x1x128xi32, #tpu.memory_space<vmem>>, vector<16xi32>,
        %get3A_1109 = arith.index_cast %add3A_699 : i32 to index
        %get3A_1110 = arith.constant 48 : index
        %get3A_1111 = tpu.vector_load %arg5[%get3A_1109, %get3A_1110] {strides = array<i32>} : memref<200x128xi32, #tpu.memory_space<vmem>>, vector<16xi32>,
        %shift_right_arithmetic3A_1112 = arith.constant 1 : i32
        %shift_right_arithmetic3A_1113 = vector.broadcast %shift_right_arithmetic3A_1112 : i32 to vector<16xi32>
        %shift_right_arithmetic3A_1114 = arith.shrsi %get3A_1111, %shift_right_arithmetic3A_1113 : vector<16xi32>
        %swap3A_1115 = arith.constant 0 : i32
        %swap3A_1116 = arith.constant 0 : i32
        %swap3A_1117 = arith.index_cast %swap3A_1115 : i32 to index
        %swap3A_1118 = arith.index_cast %swap3A_1116 : i32 to index
        %swap3A_1119 = arith.constant 48 : index
        %swap3A_1120 = tpu.vector_load %arg6[%swap3A_1117, %swap3A_1118, %swap3A_1119] {strides = array<i32>} : memref<4x1x128xi32, #tpu.memory_space<vmem>>, vector<16xi32>,
        tpu.vector_store %arg6[%swap3A_1117, %swap3A_1118, %swap3A_1119], %shift_right_arithmetic3A_1114 {strides = array<i32>} : memref<4x1x128xi32, #tpu.memory_space<vmem>>, vector<16xi32>,
        %get3A_1121 = arith.index_cast %add3A_699 : i32 to index
        %get3A_1122 = arith.constant 64 : index
        %get3A_1123 = tpu.vector_load %arg5[%get3A_1121, %get3A_1122] {strides = array<i32>} : memref<200x128xi32, #tpu.memory_space<vmem>>, vector<16xi32>,
        %shift_right_arithmetic3A_1124 = arith.constant 1 : i32
        %shift_right_arithmetic3A_1125 = vector.broadcast %shift_right_arithmetic3A_1124 : i32 to vector<16xi32>
        %shift_right_arithmetic3A_1126 = arith.shrsi %get3A_1123, %shift_right_arithmetic3A_1125 : vector<16xi32>
        %swap3A_1127 = arith.constant 0 : i32
        %swap3A_1128 = arith.constant 0 : i32
        %swap3A_1129 = arith.index_cast %swap3A_1127 : i32 to index
        %swap3A_1130 = arith.index_cast %swap3A_1128 : i32 to index
        %swap3A_1131 = arith.constant 64 : index
        %swap3A_1132 = tpu.vector_load %arg6[%swap3A_1129, %swap3A_1130, %swap3A_1131] {strides = array<i32>} : memref<4x1x128xi32, #tpu.memory_space<vmem>>, vector<16xi32>,
        tpu.vector_store %arg6[%swap3A_1129, %swap3A_1130, %swap3A_1131], %shift_right_arithmetic3A_1126 {strides = array<i32>} : memref<4x1x128xi32, #tpu.memory_space<vmem>>, vector<16xi32>,
        %get3A_1133 = arith.index_cast %add3A_699 : i32 to index
        %get3A_1134 = arith.constant 80 : index
        %get3A_1135 = tpu.vector_load %arg5[%get3A_1133, %get3A_1134] {strides = array<i32>} : memref<200x128xi32, #tpu.memory_space<vmem>>, vector<16xi32>,
        %shift_right_arithmetic3A_1136 = arith.constant 1 : i32
        %shift_right_arithmetic3A_1137 = vector.broadcast %shift_right_arithmetic3A_1136 : i32 to vector<16xi32>
        %shift_right_arithmetic3A_1138 = arith.shrsi %get3A_1135, %shift_right_arithmetic3A_1137 : vector<16xi32>
        %swap3A_1139 = arith.constant 0 : i32
        %swap3A_1140 = arith.constant 0 : i32
        %swap3A_1141 = arith.index_cast %swap3A_1139 : i32 to index
        %swap3A_1142 = arith.index_cast %swap3A_1140 : i32 to index
        %swap3A_1143 = arith.constant 80 : index
        %swap3A_1144 = tpu.vector_load %arg6[%swap3A_1141, %swap3A_1142, %swap3A_1143] {strides = array<i32>} : memref<4x1x128xi32, #tpu.memory_space<vmem>>, vector<16xi32>,
        tpu.vector_store %arg6[%swap3A_1141, %swap3A_1142, %swap3A_1143], %shift_right_arithmetic3A_1138 {strides = array<i32>} : memref<4x1x128xi32, #tpu.memory_space<vmem>>, vector<16xi32>,
        %get3A_1145 = arith.index_cast %add3A_699 : i32 to index
        %get3A_1146 = arith.constant 96 : index
        %get3A_1147 = tpu.vector_load %arg5[%get3A_1145, %get3A_1146] {strides = array<i32>} : memref<200x128xi32, #tpu.memory_space<vmem>>, vector<16xi32>,
        %shift_right_arithmetic3A_1148 = arith.constant 1 : i32
        %shift_right_arithmetic3A_1149 = vector.broadcast %shift_right_arithmetic3A_1148 : i32 to vector<16xi32>
        %shift_right_arithmetic3A_1150 = arith.shrsi %get3A_1147, %shift_right_arithmetic3A_1149 : vector<16xi32>
        %swap3A_1151 = arith.constant 0 : i32
        %swap3A_1152 = arith.constant 0 : i32
        %swap3A_1153 = arith.index_cast %swap3A_1151 : i32 to index
        %swap3A_1154 = arith.index_cast %swap3A_1152 : i32 to index
        %swap3A_1155 = arith.constant 96 : index
        %swap3A_1156 = tpu.vector_load %arg6[%swap3A_1153, %swap3A_1154, %swap3A_1155] {strides = array<i32>} : memref<4x1x128xi32, #tpu.memory_space<vmem>>, vector<16xi32>,
        tpu.vector_store %arg6[%swap3A_1153, %swap3A_1154, %swap3A_1155], %shift_right_arithmetic3A_1150 {strides = array<i32>} : memref<4x1x128xi32, #tpu.memory_space<vmem>>, vector<16xi32>,
        %get3A_1157 = arith.index_cast %add3A_699 : i32 to index
        %get3A_1158 = arith.constant 112 : index
        %get3A_1159 = tpu.vector_load %arg5[%get3A_1157, %get3A_1158] {strides = array<i32>} : memref<200x128xi32, #tpu.memory_space<vmem>>, vector<16xi32>,
        %shift_right_arithmetic3A_1160 = arith.constant 1 : i32
        %shift_right_arithmetic3A_1161 = vector.broadcast %shift_right_arithmetic3A_1160 : i32 to vector<16xi32>
        %shift_right_arithmetic3A_1162 = arith.shrsi %get3A_1159, %shift_right_arithmetic3A_1161 : vector<16xi32>
        %swap3A_1163 = arith.constant 0 : i32
        %swap3A_1164 = arith.constant 0 : i32
        %swap3A_1165 = arith.index_cast %swap3A_1163 : i32 to index
        %swap3A_1166 = arith.index_cast %swap3A_1164 : i32 to index
        %swap3A_1167 = arith.constant 112 : index
        %swap3A_1168 = tpu.vector_load %arg6[%swap3A_1165, %swap3A_1166, %swap3A_1167] {strides = array<i32>} : memref<4x1x128xi32, #tpu.memory_space<vmem>>, vector<16xi32>,
        tpu.vector_store %arg6[%swap3A_1165, %swap3A_1166, %swap3A_1167], %shift_right_arithmetic3A_1162 {strides = array<i32>} : memref<4x1x128xi32, #tpu.memory_space<vmem>>, vector<16xi32>,
        %dma_start3A_1169 = arith.constant 0 : i32
        %dma_start3A_1170 = arith.constant 0 : i32
        %dma_start3A_1171 = arith.constant 0 : i32
        %dma_start3A_1172 = arith.constant 0 : i32
        %dma_start3A_1173 = arith.constant 0 : i32
        %dma_start3A_1174 = arith.constant 0 : i32
        %dma_start3A_1175 = tpu.memref_slice %arg7[%dma_start3A_1171, %dma_start3A_1173, %dma_start3A_1174] : memref<4x128x128xf32, #tpu.memory_space<vmem>> -> memref<1x128x128xf32, #tpu.memory_space<vmem>>
        %dma_start3A_1176 = tpu.memref_squeeze %dma_start3A_1175 : memref<1x128x128xf32, #tpu.memory_space<vmem>> -> memref<128x128xf32, #tpu.memory_space<vmem>>
        %dma_start3A_1177 = arith.constant 0 : i32
        %dma_start3A_1178 = tpu.memref_slice %arg6[%dma_start3A_1169, %dma_start3A_1170, %dma_start3A_1177] : memref<4x1x128xi32, #tpu.memory_space<vmem>> -> memref<1x1x128xi32, #tpu.memory_space<vmem>>
        %dma_start3A_1179 = tpu.memref_squeeze %dma_start3A_1178 : memref<1x1x128xi32, #tpu.memory_space<vmem>> -> memref<128xi32, #tpu.memory_space<vmem>>
        %dma_start3A_1180 = arith.constant 0 : i32
        %dma_start3A_1181 = arith.constant 0 : i32
        %dma_start3A_1182 = tpu.memref_slice %arg3[%dma_start3A_1180, %dma_start3A_1181] : memref<500000x128xf32, #tpu.memory_space<hbm>> -> memref<500000x128xf32, #tpu.memory_space<hbm>>
        %dma_start3A_1183 = tpu.memref_slice %arg9[%dma_start3A_1172] : memref<4x!tpu.dma_semaphore, #tpu.memory_space<semaphore_mem>> -> memref<1x!tpu.dma_semaphore, #tpu.memory_space<semaphore_mem>>
        %dma_start3A_1184 = tpu.memref_squeeze %dma_start3A_1183 : memref<1x!tpu.dma_semaphore, #tpu.memory_space<semaphore_mem>> -> memref<!tpu.dma_semaphore, #tpu.memory_space<semaphore_mem>>
        tpu.enqueue_indirect_dma source(%dma_start3A_1182 : memref<500000x128xf32, #tpu.memory_space<hbm>>) target(%dma_start3A_1176 : memref<128x128xf32, #tpu.memory_space<vmem>>) offsets(%dma_start3A_1179 : memref<128xi32, #tpu.memory_space<vmem>>) semaphore(%dma_start3A_1184 : memref<!tpu.dma_semaphore, #tpu.memory_space<semaphore_mem>>)
      } else {
      }
      %add3A_704 = arith.constant 1 : i32
      %add3A_705 = arith.addi %add3A_586, %add3A_704 : i32
      %dma_wait3A_706 = arith.constant 1 : i32
      %dma_wait3A_707 = arith.constant 0 : i32
      %dma_wait3A_708 = arith.constant 1 : i32
      %dma_wait3A_709 = arith.constant 1 : i32
      %dma_wait3A_710 = arith.constant 0 : i32
      %dma_wait3A_711 = arith.constant 0 : i32
      %dma_wait3A_712 = tpu.memref_slice %arg7[%dma_wait3A_708, %dma_wait3A_710, %dma_wait3A_711] : memref<4x128x128xf32, #tpu.memory_space<vmem>> -> memref<1x128x128xf32, #tpu.memory_space<vmem>>
      %dma_wait3A_713 = tpu.memref_squeeze %dma_wait3A_712 : memref<1x128x128xf32, #tpu.memory_space<vmem>> -> memref<128x128xf32, #tpu.memory_space<vmem>>
      %dma_wait3A_714 = arith.constant 0 : i32
      %dma_wait3A_715 = tpu.memref_slice %arg6[%dma_wait3A_706, %dma_wait3A_707, %dma_wait3A_714] : memref<4x1x128xi32, #tpu.memory_space<vmem>> -> memref<1x1x128xi32, #tpu.memory_space<vmem>>
      %dma_wait3A_716 = tpu.memref_squeeze %dma_wait3A_715 : memref<1x1x128xi32, #tpu.memory_space<vmem>> -> memref<128xi32, #tpu.memory_space<vmem>>
      %dma_wait3A_717 = arith.constant 0 : i32
      %dma_wait3A_718 = arith.constant 0 : i32
      %dma_wait3A_719 = tpu.memref_slice %arg3[%dma_wait3A_717, %dma_wait3A_718] : memref<500000x128xf32, #tpu.memory_space<hbm>> -> memref<500000x128xf32, #tpu.memory_space<hbm>>
      %dma_wait3A_720 = tpu.memref_slice %arg9[%dma_wait3A_709] : memref<4x!tpu.dma_semaphore, #tpu.memory_space<semaphore_mem>> -> memref<1x!tpu.dma_semaphore, #tpu.memory_space<semaphore_mem>>
      %dma_wait3A_721 = tpu.memref_squeeze %dma_wait3A_720 : memref<1x!tpu.dma_semaphore, #tpu.memory_space<semaphore_mem>> -> memref<!tpu.dma_semaphore, #tpu.memory_space<semaphore_mem>>
      tpu.wait_indirect_dma semaphore(%dma_wait3A_721 : memref<!tpu.dma_semaphore, #tpu.memory_space<semaphore_mem>>) src(%dma_wait3A_719 : memref<500000x128xf32, #tpu.memory_space<hbm>>) dst(%dma_wait3A_713 : memref<128x128xf32, #tpu.memory_space<vmem>>)
      %get3A_722 = arith.index_cast %add3A_705 : i32 to index
      %get3A_723 = arith.constant 0 : index
      %get3A_724 = tpu.vector_load %arg5[%get3A_722, %get3A_723] {strides = array<i32>} : memref<200x128xi32, #tpu.memory_space<vmem>>, vector<16xi32>,
      %and3A_725 = arith.constant 1 : i32
      %and3A_726 = vector.broadcast %and3A_725 : i32 to vector<16xi32>
      %and3A_727 = arith.andi %get3A_724, %and3A_726 : vector<16xi32>
      %mul3A_728 = arith.constant 64 : i32
      %mul3A_729 = vector.broadcast %mul3A_728 : i32 to vector<16xi32>
      %mul3A_730 = arith.muli %and3A_727, %mul3A_729 : vector<16xi32>
      %get3A_731 = arith.index_cast %add3A_705 : i32 to index
      %get3A_732 = arith.constant 16 : index
      %get3A_733 = tpu.vector_load %arg5[%get3A_731, %get3A_732] {strides = array<i32>} : memref<200x128xi32, #tpu.memory_space<vmem>>, vector<16xi32>,
      %and3A_734 = arith.constant 1 : i32
      %and3A_735 = vector.broadcast %and3A_734 : i32 to vector<16xi32>
      %and3A_736 = arith.andi %get3A_733, %and3A_735 : vector<16xi32>
      %mul3A_737 = arith.constant 64 : i32
      %mul3A_738 = vector.broadcast %mul3A_737 : i32 to vector<16xi32>
      %mul3A_739 = arith.muli %and3A_736, %mul3A_738 : vector<16xi32>
      %get3A_740 = arith.index_cast %add3A_705 : i32 to index
      %get3A_741 = arith.constant 32 : index
      %get3A_742 = tpu.vector_load %arg5[%get3A_740, %get3A_741] {strides = array<i32>} : memref<200x128xi32, #tpu.memory_space<vmem>>, vector<16xi32>,
      %and3A_743 = arith.constant 1 : i32
      %and3A_744 = vector.broadcast %and3A_743 : i32 to vector<16xi32>
      %and3A_745 = arith.andi %get3A_742, %and3A_744 : vector<16xi32>
      %mul3A_746 = arith.constant 64 : i32
      %mul3A_747 = vector.broadcast %mul3A_746 : i32 to vector<16xi32>
      %mul3A_748 = arith.muli %and3A_745, %mul3A_747 : vector<16xi32>
      %get3A_749 = arith.index_cast %add3A_705 : i32 to index
      %get3A_750 = arith.constant 48 : index
      %get3A_751 = tpu.vector_load %arg5[%get3A_749, %get3A_750] {strides = array<i32>} : memref<200x128xi32, #tpu.memory_space<vmem>>, vector<16xi32>,
      %and3A_752 = arith.constant 1 : i32
      %and3A_753 = vector.broadcast %and3A_752 : i32 to vector<16xi32>
      %and3A_754 = arith.andi %get3A_751, %and3A_753 : vector<16xi32>
      %mul3A_755 = arith.constant 64 : i32
      %mul3A_756 = vector.broadcast %mul3A_755 : i32 to vector<16xi32>
      %mul3A_757 = arith.muli %and3A_754, %mul3A_756 : vector<16xi32>
      %get3A_758 = arith.index_cast %add3A_705 : i32 to index
      %get3A_759 = arith.constant 64 : index
      %get3A_760 = tpu.vector_load %arg5[%get3A_758, %get3A_759] {strides = array<i32>} : memref<200x128xi32, #tpu.memory_space<vmem>>, vector<16xi32>,
      %and3A_761 = arith.constant 1 : i32
      %and3A_762 = vector.broadcast %and3A_761 : i32 to vector<16xi32>
      %and3A_763 = arith.andi %get3A_760, %and3A_762 : vector<16xi32>
      %mul3A_764 = arith.constant 64 : i32
      %mul3A_765 = vector.broadcast %mul3A_764 : i32 to vector<16xi32>
      %mul3A_766 = arith.muli %and3A_763, %mul3A_765 : vector<16xi32>
      %get3A_767 = arith.index_cast %add3A_705 : i32 to index
      %get3A_768 = arith.constant 80 : index
      %get3A_769 = tpu.vector_load %arg5[%get3A_767, %get3A_768] {strides = array<i32>} : memref<200x128xi32, #tpu.memory_space<vmem>>, vector<16xi32>,
      %and3A_770 = arith.constant 1 : i32
      %and3A_771 = vector.broadcast %and3A_770 : i32 to vector<16xi32>
      %and3A_772 = arith.andi %get3A_769, %and3A_771 : vector<16xi32>
      %mul3A_773 = arith.constant 64 : i32
      %mul3A_774 = vector.broadcast %mul3A_773 : i32 to vector<16xi32>
      %mul3A_775 = arith.muli %and3A_772, %mul3A_774 : vector<16xi32>
      %get3A_776 = arith.index_cast %add3A_705 : i32 to index
      %get3A_777 = arith.constant 96 : index
      %get3A_778 = tpu.vector_load %arg5[%get3A_776, %get3A_777] {strides = array<i32>} : memref<200x128xi32, #tpu.memory_space<vmem>>, vector<16xi32>,
      %and3A_779 = arith.constant 1 : i32
      %and3A_780 = vector.broadcast %and3A_779 : i32 to vector<16xi32>
      %and3A_781 = arith.andi %get3A_778, %and3A_780 : vector<16xi32>
      %mul3A_782 = arith.constant 64 : i32
      %mul3A_783 = vector.broadcast %mul3A_782 : i32 to vector<16xi32>
      %mul3A_784 = arith.muli %and3A_781, %mul3A_783 : vector<16xi32>
      %get3A_785 = arith.index_cast %add3A_705 : i32 to index
      %get3A_786 = arith.constant 112 : index
      %get3A_787 = tpu.vector_load %arg5[%get3A_785, %get3A_786] {strides = array<i32>} : memref<200x128xi32, #tpu.memory_space<vmem>>, vector<16xi32>,
      %and3A_788 = arith.constant 1 : i32
      %and3A_789 = vector.broadcast %and3A_788 : i32 to vector<16xi32>
      %and3A_790 = arith.andi %get3A_787, %and3A_789 : vector<16xi32>
      %mul3A_791 = arith.constant 64 : i32
      %mul3A_792 = vector.broadcast %mul3A_791 : i32 to vector<16xi32>
      %mul3A_793 = arith.muli %and3A_790, %mul3A_792 : vector<16xi32>
      %gt3A_794 = arith.constant 0 : i32
      %gt3A_795 = arith.cmpi sgt, %add3A_586, %gt3A_794 : i32
      %convert_element_type3A_796 = arith.extui %gt3A_795 : i1 to i32
      %cond3A_797 = arith.constant 0 : i32
      %cond3A_798 = arith.cmpi ne, %convert_element_type3A_796, %cond3A_797 : i32
      scf.if %cond3A_798 {
        %sub3A = arith.constant 4 : i32
        %sub3A_1073 = arith.subi %add3A_705, %sub3A : i32
        %dma_wait3A_1074 = arith.constant 1 : i32
        %dma_wait3A_1075 = arith.constant 1 : i32
        %dma_wait3A_1076 = arith.constant 0 : i32
        %dma_wait3A_1077 = arith.constant 0 : i32
        %dma_wait3A_1078 = tpu.memref_slice %arg8[%dma_wait3A_1074, %dma_wait3A_1076, %dma_wait3A_1077] : memref<4x64x128xf32, #tpu.memory_space<vmem>> -> memref<1x64x128xf32, #tpu.memory_space<vmem>>
        %dma_wait3A_1079 = tpu.memref_squeeze %dma_wait3A_1078 : memref<1x64x128xf32, #tpu.memory_space<vmem>> -> memref<64x128xf32, #tpu.memory_space<vmem>>
        %dma_wait3A_1080 = arith.constant 0 : i32
        %dma_wait3A_1081 = tpu.memref_slice %arg4[%sub3A_1073, %dma_wait3A_1080, %mul3A_2] : memref<200x64x4096xf32, #tpu.memory_space<hbm>> -> memref<1x64x128xf32, #tpu.memory_space<hbm>>
        %dma_wait3A_1082 = tpu.memref_squeeze %dma_wait3A_1081 : memref<1x64x128xf32, #tpu.memory_space<hbm>> -> memref<64x128xf32, #tpu.memory_space<hbm>>
        %dma_wait3A_1083 = tpu.memref_slice %arg10[%dma_wait3A_1075] : memref<4x!tpu.dma_semaphore, #tpu.memory_space<semaphore_mem>> -> memref<1x!tpu.dma_semaphore, #tpu.memory_space<semaphore_mem>>
        %dma_wait3A_1084 = tpu.memref_squeeze %dma_wait3A_1083 : memref<1x!tpu.dma_semaphore, #tpu.memory_space<semaphore_mem>> -> memref<!tpu.dma_semaphore, #tpu.memory_space<semaphore_mem>>
        %dma_wait3A_1085 = arith.constant 0 : i32
        %dma_wait3A_1086 = tpu.memref_slice %arg4[%sub3A_1073, %dma_wait3A_1085, %mul3A_2] : memref<200x64x4096xf32, #tpu.memory_space<hbm>> -> memref<1x64x128xf32, #tpu.memory_space<hbm>>
        %dma_wait3A_1087 = tpu.memref_squeeze %dma_wait3A_1086 : memref<1x64x128xf32, #tpu.memory_space<hbm>> -> memref<64x128xf32, #tpu.memory_space<hbm>>
        %dma_wait3A_1088 = arith.constant 0 : i32
        %dma_wait3A_1089 = arith.constant 0 : i32
        %dma_wait3A_1090 = tpu.memref_slice %arg8[%dma_wait3A_1074, %dma_wait3A_1088, %dma_wait3A_1089] : memref<4x64x128xf32, #tpu.memory_space<vmem>> -> memref<1x64x128xf32, #tpu.memory_space<vmem>>
        %dma_wait3A_1091 = tpu.memref_squeeze %dma_wait3A_1090 : memref<1x64x128xf32, #tpu.memory_space<vmem>> -> memref<64x128xf32, #tpu.memory_space<vmem>>
        tpu.wait_dma2 semaphore(%dma_wait3A_1084 : memref<!tpu.dma_semaphore, #tpu.memory_space<semaphore_mem>>) src(%dma_wait3A_1091 : memref<64x128xf32, #tpu.memory_space<vmem>>) dst(%dma_wait3A_1087 : memref<64x128xf32, #tpu.memory_space<hbm>>)
      } else {
      }
      %parallel_loop3A_799 = arith.constant 0 : i32
      %parallel_loop3A_800 = arith.constant 64 : i32
      %parallel_loop3A_801 = arith.constant 1 : i32
      scf.for %parallel_loop3A_1073 = %parallel_loop3A_799 to %parallel_loop3A_800 step %parallel_loop3A_801  : i32 {
        %parallel_loop3A_1074 = vector.broadcast %parallel_loop3A_1073 : i32 to vector<16xi32>
        %parallel_loop3A_1075 = arith.addi %mul3A_730, %parallel_loop3A_1074 : vector<16xi32>
        %parallel_loop3A_1076 = arith.constant 1 : i32
        %parallel_loop3A_1077 = arith.constant 0 : i32
        %parallel_loop3A_1078 = arith.constant 0 : i32
        %parallel_loop3A_1079 = tpu.memref_slice %arg7[%parallel_loop3A_1076, %parallel_loop3A_1077, %parallel_loop3A_1078] : memref<4x128x128xf32, #tpu.memory_space<vmem>> -> memref<1x128x128xf32, #tpu.memory_space<vmem>>
        %parallel_loop3A_1080 = tpu.memref_squeeze %parallel_loop3A_1079 : memref<1x128x128xf32, #tpu.memory_space<vmem>> -> memref<128x128xf32, #tpu.memory_space<vmem>>
        %parallel_loop3A_1081 = tpu.vector_load_idx %parallel_loop3A_1080[%add3A_481, %parallel_loop3A_1075] : memref<128x128xf32, #tpu.memory_space<vmem>>[vector<16xi32>, vector<16xi32>], vector<16xf32>,
        %parallel_loop3A_1082 = arith.constant 8.000000e+00 : f32
        %parallel_loop3A_1083 = vector.broadcast %parallel_loop3A_1082 : f32 to vector<16xf32>
        %parallel_loop3A_1084 = arith.mulf %parallel_loop3A_1081, %parallel_loop3A_1083 : vector<16xf32>
        %parallel_loop3A_1085 = arith.constant 1 : i32
        %parallel_loop3A_1086 = arith.index_cast %parallel_loop3A_1085 : i32 to index
        %parallel_loop3A_1087 = arith.index_cast %parallel_loop3A_1073 : i32 to index
        %parallel_loop3A_1088 = arith.constant 0 : index
        %parallel_loop3A_1089 = tpu.vector_load %arg8[%parallel_loop3A_1086, %parallel_loop3A_1087, %parallel_loop3A_1088] {strides = array<i32>} : memref<4x64x128xf32, #tpu.memory_space<vmem>>, vector<16xf32>,
        tpu.vector_store %arg8[%parallel_loop3A_1086, %parallel_loop3A_1087, %parallel_loop3A_1088], %parallel_loop3A_1084 {strides = array<i32>} : memref<4x64x128xf32, #tpu.memory_space<vmem>>, vector<16xf32>,
        %parallel_loop3A_1090 = vector.broadcast %parallel_loop3A_1073 : i32 to vector<16xi32>
        %parallel_loop3A_1091 = arith.addi %mul3A_739, %parallel_loop3A_1090 : vector<16xi32>
        %parallel_loop3A_1092 = arith.constant 1 : i32
        %parallel_loop3A_1093 = arith.constant 0 : i32
        %parallel_loop3A_1094 = arith.constant 0 : i32
        %parallel_loop3A_1095 = tpu.memref_slice %arg7[%parallel_loop3A_1092, %parallel_loop3A_1093, %parallel_loop3A_1094] : memref<4x128x128xf32, #tpu.memory_space<vmem>> -> memref<1x128x128xf32, #tpu.memory_space<vmem>>
        %parallel_loop3A_1096 = tpu.memref_squeeze %parallel_loop3A_1095 : memref<1x128x128xf32, #tpu.memory_space<vmem>> -> memref<128x128xf32, #tpu.memory_space<vmem>>
        %parallel_loop3A_1097 = tpu.vector_load_idx %parallel_loop3A_1096[%add3A_484, %parallel_loop3A_1091] : memref<128x128xf32, #tpu.memory_space<vmem>>[vector<16xi32>, vector<16xi32>], vector<16xf32>,
        %parallel_loop3A_1098 = arith.constant 8.000000e+00 : f32
        %parallel_loop3A_1099 = vector.broadcast %parallel_loop3A_1098 : f32 to vector<16xf32>
        %parallel_loop3A_1100 = arith.mulf %parallel_loop3A_1097, %parallel_loop3A_1099 : vector<16xf32>
        %parallel_loop3A_1101 = arith.constant 1 : i32
        %parallel_loop3A_1102 = arith.index_cast %parallel_loop3A_1101 : i32 to index
        %parallel_loop3A_1103 = arith.index_cast %parallel_loop3A_1073 : i32 to index
        %parallel_loop3A_1104 = arith.constant 16 : index
        %parallel_loop3A_1105 = tpu.vector_load %arg8[%parallel_loop3A_1102, %parallel_loop3A_1103, %parallel_loop3A_1104] {strides = array<i32>} : memref<4x64x128xf32, #tpu.memory_space<vmem>>, vector<16xf32>,
        tpu.vector_store %arg8[%parallel_loop3A_1102, %parallel_loop3A_1103, %parallel_loop3A_1104], %parallel_loop3A_1100 {strides = array<i32>} : memref<4x64x128xf32, #tpu.memory_space<vmem>>, vector<16xf32>,
        %parallel_loop3A_1106 = vector.broadcast %parallel_loop3A_1073 : i32 to vector<16xi32>
        %parallel_loop3A_1107 = arith.addi %mul3A_748, %parallel_loop3A_1106 : vector<16xi32>
        %parallel_loop3A_1108 = arith.constant 1 : i32
        %parallel_loop3A_1109 = arith.constant 0 : i32
        %parallel_loop3A_1110 = arith.constant 0 : i32
        %parallel_loop3A_1111 = tpu.memref_slice %arg7[%parallel_loop3A_1108, %parallel_loop3A_1109, %parallel_loop3A_1110] : memref<4x128x128xf32, #tpu.memory_space<vmem>> -> memref<1x128x128xf32, #tpu.memory_space<vmem>>
        %parallel_loop3A_1112 = tpu.memref_squeeze %parallel_loop3A_1111 : memref<1x128x128xf32, #tpu.memory_space<vmem>> -> memref<128x128xf32, #tpu.memory_space<vmem>>
        %parallel_loop3A_1113 = tpu.vector_load_idx %parallel_loop3A_1112[%add3A_487, %parallel_loop3A_1107] : memref<128x128xf32, #tpu.memory_space<vmem>>[vector<16xi32>, vector<16xi32>], vector<16xf32>,
        %parallel_loop3A_1114 = arith.constant 8.000000e+00 : f32
        %parallel_loop3A_1115 = vector.broadcast %parallel_loop3A_1114 : f32 to vector<16xf32>
        %parallel_loop3A_1116 = arith.mulf %parallel_loop3A_1113, %parallel_loop3A_1115 : vector<16xf32>
        %parallel_loop3A_1117 = arith.constant 1 : i32
        %parallel_loop3A_1118 = arith.index_cast %parallel_loop3A_1117 : i32 to index
        %parallel_loop3A_1119 = arith.index_cast %parallel_loop3A_1073 : i32 to index
        %parallel_loop3A_1120 = arith.constant 32 : index
        %parallel_loop3A_1121 = tpu.vector_load %arg8[%parallel_loop3A_1118, %parallel_loop3A_1119, %parallel_loop3A_1120] {strides = array<i32>} : memref<4x64x128xf32, #tpu.memory_space<vmem>>, vector<16xf32>,
        tpu.vector_store %arg8[%parallel_loop3A_1118, %parallel_loop3A_1119, %parallel_loop3A_1120], %parallel_loop3A_1116 {strides = array<i32>} : memref<4x64x128xf32, #tpu.memory_space<vmem>>, vector<16xf32>,
        %parallel_loop3A_1122 = vector.broadcast %parallel_loop3A_1073 : i32 to vector<16xi32>
        %parallel_loop3A_1123 = arith.addi %mul3A_757, %parallel_loop3A_1122 : vector<16xi32>
        %parallel_loop3A_1124 = arith.constant 1 : i32
        %parallel_loop3A_1125 = arith.constant 0 : i32
        %parallel_loop3A_1126 = arith.constant 0 : i32
        %parallel_loop3A_1127 = tpu.memref_slice %arg7[%parallel_loop3A_1124, %parallel_loop3A_1125, %parallel_loop3A_1126] : memref<4x128x128xf32, #tpu.memory_space<vmem>> -> memref<1x128x128xf32, #tpu.memory_space<vmem>>
        %parallel_loop3A_1128 = tpu.memref_squeeze %parallel_loop3A_1127 : memref<1x128x128xf32, #tpu.memory_space<vmem>> -> memref<128x128xf32, #tpu.memory_space<vmem>>
        %parallel_loop3A_1129 = tpu.vector_load_idx %parallel_loop3A_1128[%add3A_490, %parallel_loop3A_1123] : memref<128x128xf32, #tpu.memory_space<vmem>>[vector<16xi32>, vector<16xi32>], vector<16xf32>,
        %parallel_loop3A_1130 = arith.constant 8.000000e+00 : f32
        %parallel_loop3A_1131 = vector.broadcast %parallel_loop3A_1130 : f32 to vector<16xf32>
        %parallel_loop3A_1132 = arith.mulf %parallel_loop3A_1129, %parallel_loop3A_1131 : vector<16xf32>
        %parallel_loop3A_1133 = arith.constant 1 : i32
        %parallel_loop3A_1134 = arith.index_cast %parallel_loop3A_1133 : i32 to index
        %parallel_loop3A_1135 = arith.index_cast %parallel_loop3A_1073 : i32 to index
        %parallel_loop3A_1136 = arith.constant 48 : index
        %parallel_loop3A_1137 = tpu.vector_load %arg8[%parallel_loop3A_1134, %parallel_loop3A_1135, %parallel_loop3A_1136] {strides = array<i32>} : memref<4x64x128xf32, #tpu.memory_space<vmem>>, vector<16xf32>,
        tpu.vector_store %arg8[%parallel_loop3A_1134, %parallel_loop3A_1135, %parallel_loop3A_1136], %parallel_loop3A_1132 {strides = array<i32>} : memref<4x64x128xf32, #tpu.memory_space<vmem>>, vector<16xf32>,
        %parallel_loop3A_1138 = vector.broadcast %parallel_loop3A_1073 : i32 to vector<16xi32>
        %parallel_loop3A_1139 = arith.addi %mul3A_766, %parallel_loop3A_1138 : vector<16xi32>
        %parallel_loop3A_1140 = arith.constant 1 : i32
        %parallel_loop3A_1141 = arith.constant 0 : i32
        %parallel_loop3A_1142 = arith.constant 0 : i32
        %parallel_loop3A_1143 = tpu.memref_slice %arg7[%parallel_loop3A_1140, %parallel_loop3A_1141, %parallel_loop3A_1142] : memref<4x128x128xf32, #tpu.memory_space<vmem>> -> memref<1x128x128xf32, #tpu.memory_space<vmem>>
        %parallel_loop3A_1144 = tpu.memref_squeeze %parallel_loop3A_1143 : memref<1x128x128xf32, #tpu.memory_space<vmem>> -> memref<128x128xf32, #tpu.memory_space<vmem>>
        %parallel_loop3A_1145 = tpu.vector_load_idx %parallel_loop3A_1144[%add3A_493, %parallel_loop3A_1139] : memref<128x128xf32, #tpu.memory_space<vmem>>[vector<16xi32>, vector<16xi32>], vector<16xf32>,
        %parallel_loop3A_1146 = arith.constant 8.000000e+00 : f32
        %parallel_loop3A_1147 = vector.broadcast %parallel_loop3A_1146 : f32 to vector<16xf32>
        %parallel_loop3A_1148 = arith.mulf %parallel_loop3A_1145, %parallel_loop3A_1147 : vector<16xf32>
        %parallel_loop3A_1149 = arith.constant 1 : i32
        %parallel_loop3A_1150 = arith.index_cast %parallel_loop3A_1149 : i32 to index
        %parallel_loop3A_1151 = arith.index_cast %parallel_loop3A_1073 : i32 to index
        %parallel_loop3A_1152 = arith.constant 64 : index
        %parallel_loop3A_1153 = tpu.vector_load %arg8[%parallel_loop3A_1150, %parallel_loop3A_1151, %parallel_loop3A_1152] {strides = array<i32>} : memref<4x64x128xf32, #tpu.memory_space<vmem>>, vector<16xf32>,
        tpu.vector_store %arg8[%parallel_loop3A_1150, %parallel_loop3A_1151, %parallel_loop3A_1152], %parallel_loop3A_1148 {strides = array<i32>} : memref<4x64x128xf32, #tpu.memory_space<vmem>>, vector<16xf32>,
        %parallel_loop3A_1154 = vector.broadcast %parallel_loop3A_1073 : i32 to vector<16xi32>
        %parallel_loop3A_1155 = arith.addi %mul3A_775, %parallel_loop3A_1154 : vector<16xi32>
        %parallel_loop3A_1156 = arith.constant 1 : i32
        %parallel_loop3A_1157 = arith.constant 0 : i32
        %parallel_loop3A_1158 = arith.constant 0 : i32
        %parallel_loop3A_1159 = tpu.memref_slice %arg7[%parallel_loop3A_1156, %parallel_loop3A_1157, %parallel_loop3A_1158] : memref<4x128x128xf32, #tpu.memory_space<vmem>> -> memref<1x128x128xf32, #tpu.memory_space<vmem>>
        %parallel_loop3A_1160 = tpu.memref_squeeze %parallel_loop3A_1159 : memref<1x128x128xf32, #tpu.memory_space<vmem>> -> memref<128x128xf32, #tpu.memory_space<vmem>>
        %parallel_loop3A_1161 = tpu.vector_load_idx %parallel_loop3A_1160[%add3A_496, %parallel_loop3A_1155] : memref<128x128xf32, #tpu.memory_space<vmem>>[vector<16xi32>, vector<16xi32>], vector<16xf32>,
        %parallel_loop3A_1162 = arith.constant 8.000000e+00 : f32
        %parallel_loop3A_1163 = vector.broadcast %parallel_loop3A_1162 : f32 to vector<16xf32>
        %parallel_loop3A_1164 = arith.mulf %parallel_loop3A_1161, %parallel_loop3A_1163 : vector<16xf32>
        %parallel_loop3A_1165 = arith.constant 1 : i32
        %parallel_loop3A_1166 = arith.index_cast %parallel_loop3A_1165 : i32 to index
        %parallel_loop3A_1167 = arith.index_cast %parallel_loop3A_1073 : i32 to index
        %parallel_loop3A_1168 = arith.constant 80 : index
        %parallel_loop3A_1169 = tpu.vector_load %arg8[%parallel_loop3A_1166, %parallel_loop3A_1167, %parallel_loop3A_1168] {strides = array<i32>} : memref<4x64x128xf32, #tpu.memory_space<vmem>>, vector<16xf32>,
        tpu.vector_store %arg8[%parallel_loop3A_1166, %parallel_loop3A_1167, %parallel_loop3A_1168], %parallel_loop3A_1164 {strides = array<i32>} : memref<4x64x128xf32, #tpu.memory_space<vmem>>, vector<16xf32>,
        %parallel_loop3A_1170 = vector.broadcast %parallel_loop3A_1073 : i32 to vector<16xi32>
        %parallel_loop3A_1171 = arith.addi %mul3A_784, %parallel_loop3A_1170 : vector<16xi32>
        %parallel_loop3A_1172 = arith.constant 1 : i32
        %parallel_loop3A_1173 = arith.constant 0 : i32
        %parallel_loop3A_1174 = arith.constant 0 : i32
        %parallel_loop3A_1175 = tpu.memref_slice %arg7[%parallel_loop3A_1172, %parallel_loop3A_1173, %parallel_loop3A_1174] : memref<4x128x128xf32, #tpu.memory_space<vmem>> -> memref<1x128x128xf32, #tpu.memory_space<vmem>>
        %parallel_loop3A_1176 = tpu.memref_squeeze %parallel_loop3A_1175 : memref<1x128x128xf32, #tpu.memory_space<vmem>> -> memref<128x128xf32, #tpu.memory_space<vmem>>
        %parallel_loop3A_1177 = tpu.vector_load_idx %parallel_loop3A_1176[%add3A_499, %parallel_loop3A_1171] : memref<128x128xf32, #tpu.memory_space<vmem>>[vector<16xi32>, vector<16xi32>], vector<16xf32>,
        %parallel_loop3A_1178 = arith.constant 8.000000e+00 : f32
        %parallel_loop3A_1179 = vector.broadcast %parallel_loop3A_1178 : f32 to vector<16xf32>
        %parallel_loop3A_1180 = arith.mulf %parallel_loop3A_1177, %parallel_loop3A_1179 : vector<16xf32>
        %parallel_loop3A_1181 = arith.constant 1 : i32
        %parallel_loop3A_1182 = arith.index_cast %parallel_loop3A_1181 : i32 to index
        %parallel_loop3A_1183 = arith.index_cast %parallel_loop3A_1073 : i32 to index
        %parallel_loop3A_1184 = arith.constant 96 : index
        %parallel_loop3A_1185 = tpu.vector_load %arg8[%parallel_loop3A_1182, %parallel_loop3A_1183, %parallel_loop3A_1184] {strides = array<i32>} : memref<4x64x128xf32, #tpu.memory_space<vmem>>, vector<16xf32>,
        tpu.vector_store %arg8[%parallel_loop3A_1182, %parallel_loop3A_1183, %parallel_loop3A_1184], %parallel_loop3A_1180 {strides = array<i32>} : memref<4x64x128xf32, #tpu.memory_space<vmem>>, vector<16xf32>,
        %parallel_loop3A_1186 = vector.broadcast %parallel_loop3A_1073 : i32 to vector<16xi32>
        %parallel_loop3A_1187 = arith.addi %mul3A_793, %parallel_loop3A_1186 : vector<16xi32>
        %parallel_loop3A_1188 = arith.constant 1 : i32
        %parallel_loop3A_1189 = arith.constant 0 : i32
        %parallel_loop3A_1190 = arith.constant 0 : i32
        %parallel_loop3A_1191 = tpu.memref_slice %arg7[%parallel_loop3A_1188, %parallel_loop3A_1189, %parallel_loop3A_1190] : memref<4x128x128xf32, #tpu.memory_space<vmem>> -> memref<1x128x128xf32, #tpu.memory_space<vmem>>
        %parallel_loop3A_1192 = tpu.memref_squeeze %parallel_loop3A_1191 : memref<1x128x128xf32, #tpu.memory_space<vmem>> -> memref<128x128xf32, #tpu.memory_space<vmem>>
        %parallel_loop3A_1193 = tpu.vector_load_idx %parallel_loop3A_1192[%add3A_502, %parallel_loop3A_1187] : memref<128x128xf32, #tpu.memory_space<vmem>>[vector<16xi32>, vector<16xi32>], vector<16xf32>,
        %parallel_loop3A_1194 = arith.constant 8.000000e+00 : f32
        %parallel_loop3A_1195 = vector.broadcast %parallel_loop3A_1194 : f32 to vector<16xf32>
        %parallel_loop3A_1196 = arith.mulf %parallel_loop3A_1193, %parallel_loop3A_1195 : vector<16xf32>
        %parallel_loop3A_1197 = arith.constant 1 : i32
        %parallel_loop3A_1198 = arith.index_cast %parallel_loop3A_1197 : i32 to index
        %parallel_loop3A_1199 = arith.index_cast %parallel_loop3A_1073 : i32 to index
        %parallel_loop3A_1200 = arith.constant 112 : index
        %parallel_loop3A_1201 = tpu.vector_load %arg8[%parallel_loop3A_1198, %parallel_loop3A_1199, %parallel_loop3A_1200] {strides = array<i32>} : memref<4x64x128xf32, #tpu.memory_space<vmem>>, vector<16xf32>,
        tpu.vector_store %arg8[%parallel_loop3A_1198, %parallel_loop3A_1199, %parallel_loop3A_1200], %parallel_loop3A_1196 {strides = array<i32>} : memref<4x64x128xf32, #tpu.memory_space<vmem>>, vector<16xf32>,
      } {sc.loop_unroll_factor = 8 : i64, sc.parallel_access}
      %dma_start3A_802 = arith.constant 1 : i32
      %dma_start3A_803 = arith.constant 1 : i32
      %dma_start3A_804 = arith.constant 0 : i32
      %dma_start3A_805 = arith.constant 0 : i32
      %dma_start3A_806 = tpu.memref_slice %arg8[%dma_start3A_802, %dma_start3A_804, %dma_start3A_805] : memref<4x64x128xf32, #tpu.memory_space<vmem>> -> memref<1x64x128xf32, #tpu.memory_space<vmem>>
      %dma_start3A_807 = tpu.memref_squeeze %dma_start3A_806 : memref<1x64x128xf32, #tpu.memory_space<vmem>> -> memref<64x128xf32, #tpu.memory_space<vmem>>
      %dma_start3A_808 = arith.constant 0 : i32
      %dma_start3A_809 = tpu.memref_slice %arg4[%add3A_705, %dma_start3A_808, %mul3A_2] : memref<200x64x4096xf32, #tpu.memory_space<hbm>> -> memref<1x64x128xf32, #tpu.memory_space<hbm>>
      %dma_start3A_810 = tpu.memref_squeeze %dma_start3A_809 : memref<1x64x128xf32, #tpu.memory_space<hbm>> -> memref<64x128xf32, #tpu.memory_space<hbm>>
      %dma_start3A_811 = tpu.memref_slice %arg10[%dma_start3A_803] : memref<4x!tpu.dma_semaphore, #tpu.memory_space<semaphore_mem>> -> memref<1x!tpu.dma_semaphore, #tpu.memory_space<semaphore_mem>>
      %dma_start3A_812 = tpu.memref_squeeze %dma_start3A_811 : memref<1x!tpu.dma_semaphore, #tpu.memory_space<semaphore_mem>> -> memref<!tpu.dma_semaphore, #tpu.memory_space<semaphore_mem>>
      %dma_start3A_813 = arith.constant 0 : i32
      %dma_start3A_814 = tpu.memref_slice %arg4[%add3A_705, %dma_start3A_813, %mul3A_2] : memref<200x64x4096xf32, #tpu.memory_space<hbm>> -> memref<1x64x128xf32, #tpu.memory_space<hbm>>
      %dma_start3A_815 = tpu.memref_squeeze %dma_start3A_814 : memref<1x64x128xf32, #tpu.memory_space<hbm>> -> memref<64x128xf32, #tpu.memory_space<hbm>>
      %dma_start3A_816 = arith.constant 0 : i32
      %dma_start3A_817 = arith.constant 0 : i32
      %dma_start3A_818 = tpu.memref_slice %arg8[%dma_start3A_802, %dma_start3A_816, %dma_start3A_817] : memref<4x64x128xf32, #tpu.memory_space<vmem>> -> memref<1x64x128xf32, #tpu.memory_space<vmem>>
      %dma_start3A_819 = tpu.memref_squeeze %dma_start3A_818 : memref<1x64x128xf32, #tpu.memory_space<vmem>> -> memref<64x128xf32, #tpu.memory_space<vmem>>
      tpu.enqueue_dma source(%dma_start3A_819 : memref<64x128xf32, #tpu.memory_space<vmem>>) target(%dma_start3A_815 : memref<64x128xf32, #tpu.memory_space<hbm>>) target_semaphore(%dma_start3A_812 : memref<!tpu.dma_semaphore, #tpu.memory_space<semaphore_mem>>)
      %add3A_820 = arith.constant 4 : i32
      %add3A_821 = arith.addi %add3A_705, %add3A_820 : i32
      %lt3A_822 = arith.constant 200 : i32
      %lt3A_823 = arith.cmpi slt, %add3A_821, %lt3A_822 : i32
      %convert_element_type3A_824 = arith.extui %lt3A_823 : i1 to i32
      %cond3A_825 = arith.constant 0 : i32
      %cond3A_826 = arith.cmpi ne, %convert_element_type3A_824, %cond3A_825 : i32
      scf.if %cond3A_826 {
        %get3A_1073 = arith.index_cast %add3A_821 : i32 to index
        %get3A_1074 = arith.constant 0 : index
        %get3A_1075 = tpu.vector_load %arg5[%get3A_1073, %get3A_1074] {strides = array<i32>} : memref<200x128xi32, #tpu.memory_space<vmem>>, vector<16xi32>,
        %shift_right_arithmetic3A_1076 = arith.constant 1 : i32
        %shift_right_arithmetic3A_1077 = vector.broadcast %shift_right_arithmetic3A_1076 : i32 to vector<16xi32>
        %shift_right_arithmetic3A_1078 = arith.shrsi %get3A_1075, %shift_right_arithmetic3A_1077 : vector<16xi32>
        %swap3A_1079 = arith.constant 1 : i32
        %swap3A_1080 = arith.constant 0 : i32
        %swap3A_1081 = arith.index_cast %swap3A_1079 : i32 to index
        %swap3A_1082 = arith.index_cast %swap3A_1080 : i32 to index
        %swap3A_1083 = arith.constant 0 : index
        %swap3A_1084 = tpu.vector_load %arg6[%swap3A_1081, %swap3A_1082, %swap3A_1083] {strides = array<i32>} : memref<4x1x128xi32, #tpu.memory_space<vmem>>, vector<16xi32>,
        tpu.vector_store %arg6[%swap3A_1081, %swap3A_1082, %swap3A_1083], %shift_right_arithmetic3A_1078 {strides = array<i32>} : memref<4x1x128xi32, #tpu.memory_space<vmem>>, vector<16xi32>,
        %get3A_1085 = arith.index_cast %add3A_821 : i32 to index
        %get3A_1086 = arith.constant 16 : index
        %get3A_1087 = tpu.vector_load %arg5[%get3A_1085, %get3A_1086] {strides = array<i32>} : memref<200x128xi32, #tpu.memory_space<vmem>>, vector<16xi32>,
        %shift_right_arithmetic3A_1088 = arith.constant 1 : i32
        %shift_right_arithmetic3A_1089 = vector.broadcast %shift_right_arithmetic3A_1088 : i32 to vector<16xi32>
        %shift_right_arithmetic3A_1090 = arith.shrsi %get3A_1087, %shift_right_arithmetic3A_1089 : vector<16xi32>
        %swap3A_1091 = arith.constant 1 : i32
        %swap3A_1092 = arith.constant 0 : i32
        %swap3A_1093 = arith.index_cast %swap3A_1091 : i32 to index
        %swap3A_1094 = arith.index_cast %swap3A_1092 : i32 to index
        %swap3A_1095 = arith.constant 16 : index
        %swap3A_1096 = tpu.vector_load %arg6[%swap3A_1093, %swap3A_1094, %swap3A_1095] {strides = array<i32>} : memref<4x1x128xi32, #tpu.memory_space<vmem>>, vector<16xi32>,
        tpu.vector_store %arg6[%swap3A_1093, %swap3A_1094, %swap3A_1095], %shift_right_arithmetic3A_1090 {strides = array<i32>} : memref<4x1x128xi32, #tpu.memory_space<vmem>>, vector<16xi32>,
        %get3A_1097 = arith.index_cast %add3A_821 : i32 to index
        %get3A_1098 = arith.constant 32 : index
        %get3A_1099 = tpu.vector_load %arg5[%get3A_1097, %get3A_1098] {strides = array<i32>} : memref<200x128xi32, #tpu.memory_space<vmem>>, vector<16xi32>,
        %shift_right_arithmetic3A_1100 = arith.constant 1 : i32
        %shift_right_arithmetic3A_1101 = vector.broadcast %shift_right_arithmetic3A_1100 : i32 to vector<16xi32>
        %shift_right_arithmetic3A_1102 = arith.shrsi %get3A_1099, %shift_right_arithmetic3A_1101 : vector<16xi32>
        %swap3A_1103 = arith.constant 1 : i32
        %swap3A_1104 = arith.constant 0 : i32
        %swap3A_1105 = arith.index_cast %swap3A_1103 : i32 to index
        %swap3A_1106 = arith.index_cast %swap3A_1104 : i32 to index
        %swap3A_1107 = arith.constant 32 : index
        %swap3A_1108 = tpu.vector_load %arg6[%swap3A_1105, %swap3A_1106, %swap3A_1107] {strides = array<i32>} : memref<4x1x128xi32, #tpu.memory_space<vmem>>, vector<16xi32>,
        tpu.vector_store %arg6[%swap3A_1105, %swap3A_1106, %swap3A_1107], %shift_right_arithmetic3A_1102 {strides = array<i32>} : memref<4x1x128xi32, #tpu.memory_space<vmem>>, vector<16xi32>,
        %get3A_1109 = arith.index_cast %add3A_821 : i32 to index
        %get3A_1110 = arith.constant 48 : index
        %get3A_1111 = tpu.vector_load %arg5[%get3A_1109, %get3A_1110] {strides = array<i32>} : memref<200x128xi32, #tpu.memory_space<vmem>>, vector<16xi32>,
        %shift_right_arithmetic3A_1112 = arith.constant 1 : i32
        %shift_right_arithmetic3A_1113 = vector.broadcast %shift_right_arithmetic3A_1112 : i32 to vector<16xi32>
        %shift_right_arithmetic3A_1114 = arith.shrsi %get3A_1111, %shift_right_arithmetic3A_1113 : vector<16xi32>
        %swap3A_1115 = arith.constant 1 : i32
        %swap3A_1116 = arith.constant 0 : i32
        %swap3A_1117 = arith.index_cast %swap3A_1115 : i32 to index
        %swap3A_1118 = arith.index_cast %swap3A_1116 : i32 to index
        %swap3A_1119 = arith.constant 48 : index
        %swap3A_1120 = tpu.vector_load %arg6[%swap3A_1117, %swap3A_1118, %swap3A_1119] {strides = array<i32>} : memref<4x1x128xi32, #tpu.memory_space<vmem>>, vector<16xi32>,
        tpu.vector_store %arg6[%swap3A_1117, %swap3A_1118, %swap3A_1119], %shift_right_arithmetic3A_1114 {strides = array<i32>} : memref<4x1x128xi32, #tpu.memory_space<vmem>>, vector<16xi32>,
        %get3A_1121 = arith.index_cast %add3A_821 : i32 to index
        %get3A_1122 = arith.constant 64 : index
        %get3A_1123 = tpu.vector_load %arg5[%get3A_1121, %get3A_1122] {strides = array<i32>} : memref<200x128xi32, #tpu.memory_space<vmem>>, vector<16xi32>,
        %shift_right_arithmetic3A_1124 = arith.constant 1 : i32
        %shift_right_arithmetic3A_1125 = vector.broadcast %shift_right_arithmetic3A_1124 : i32 to vector<16xi32>
        %shift_right_arithmetic3A_1126 = arith.shrsi %get3A_1123, %shift_right_arithmetic3A_1125 : vector<16xi32>
        %swap3A_1127 = arith.constant 1 : i32
        %swap3A_1128 = arith.constant 0 : i32
        %swap3A_1129 = arith.index_cast %swap3A_1127 : i32 to index
        %swap3A_1130 = arith.index_cast %swap3A_1128 : i32 to index
        %swap3A_1131 = arith.constant 64 : index
        %swap3A_1132 = tpu.vector_load %arg6[%swap3A_1129, %swap3A_1130, %swap3A_1131] {strides = array<i32>} : memref<4x1x128xi32, #tpu.memory_space<vmem>>, vector<16xi32>,
        tpu.vector_store %arg6[%swap3A_1129, %swap3A_1130, %swap3A_1131], %shift_right_arithmetic3A_1126 {strides = array<i32>} : memref<4x1x128xi32, #tpu.memory_space<vmem>>, vector<16xi32>,
        %get3A_1133 = arith.index_cast %add3A_821 : i32 to index
        %get3A_1134 = arith.constant 80 : index
        %get3A_1135 = tpu.vector_load %arg5[%get3A_1133, %get3A_1134] {strides = array<i32>} : memref<200x128xi32, #tpu.memory_space<vmem>>, vector<16xi32>,
        %shift_right_arithmetic3A_1136 = arith.constant 1 : i32
        %shift_right_arithmetic3A_1137 = vector.broadcast %shift_right_arithmetic3A_1136 : i32 to vector<16xi32>
        %shift_right_arithmetic3A_1138 = arith.shrsi %get3A_1135, %shift_right_arithmetic3A_1137 : vector<16xi32>
        %swap3A_1139 = arith.constant 1 : i32
        %swap3A_1140 = arith.constant 0 : i32
        %swap3A_1141 = arith.index_cast %swap3A_1139 : i32 to index
        %swap3A_1142 = arith.index_cast %swap3A_1140 : i32 to index
        %swap3A_1143 = arith.constant 80 : index
        %swap3A_1144 = tpu.vector_load %arg6[%swap3A_1141, %swap3A_1142, %swap3A_1143] {strides = array<i32>} : memref<4x1x128xi32, #tpu.memory_space<vmem>>, vector<16xi32>,
        tpu.vector_store %arg6[%swap3A_1141, %swap3A_1142, %swap3A_1143], %shift_right_arithmetic3A_1138 {strides = array<i32>} : memref<4x1x128xi32, #tpu.memory_space<vmem>>, vector<16xi32>,
        %get3A_1145 = arith.index_cast %add3A_821 : i32 to index
        %get3A_1146 = arith.constant 96 : index
        %get3A_1147 = tpu.vector_load %arg5[%get3A_1145, %get3A_1146] {strides = array<i32>} : memref<200x128xi32, #tpu.memory_space<vmem>>, vector<16xi32>,
        %shift_right_arithmetic3A_1148 = arith.constant 1 : i32
        %shift_right_arithmetic3A_1149 = vector.broadcast %shift_right_arithmetic3A_1148 : i32 to vector<16xi32>
        %shift_right_arithmetic3A_1150 = arith.shrsi %get3A_1147, %shift_right_arithmetic3A_1149 : vector<16xi32>
        %swap3A_1151 = arith.constant 1 : i32
        %swap3A_1152 = arith.constant 0 : i32
        %swap3A_1153 = arith.index_cast %swap3A_1151 : i32 to index
        %swap3A_1154 = arith.index_cast %swap3A_1152 : i32 to index
        %swap3A_1155 = arith.constant 96 : index
        %swap3A_1156 = tpu.vector_load %arg6[%swap3A_1153, %swap3A_1154, %swap3A_1155] {strides = array<i32>} : memref<4x1x128xi32, #tpu.memory_space<vmem>>, vector<16xi32>,
        tpu.vector_store %arg6[%swap3A_1153, %swap3A_1154, %swap3A_1155], %shift_right_arithmetic3A_1150 {strides = array<i32>} : memref<4x1x128xi32, #tpu.memory_space<vmem>>, vector<16xi32>,
        %get3A_1157 = arith.index_cast %add3A_821 : i32 to index
        %get3A_1158 = arith.constant 112 : index
        %get3A_1159 = tpu.vector_load %arg5[%get3A_1157, %get3A_1158] {strides = array<i32>} : memref<200x128xi32, #tpu.memory_space<vmem>>, vector<16xi32>,
        %shift_right_arithmetic3A_1160 = arith.constant 1 : i32
        %shift_right_arithmetic3A_1161 = vector.broadcast %shift_right_arithmetic3A_1160 : i32 to vector<16xi32>
        %shift_right_arithmetic3A_1162 = arith.shrsi %get3A_1159, %shift_right_arithmetic3A_1161 : vector<16xi32>
        %swap3A_1163 = arith.constant 1 : i32
        %swap3A_1164 = arith.constant 0 : i32
        %swap3A_1165 = arith.index_cast %swap3A_1163 : i32 to index
        %swap3A_1166 = arith.index_cast %swap3A_1164 : i32 to index
        %swap3A_1167 = arith.constant 112 : index
        %swap3A_1168 = tpu.vector_load %arg6[%swap3A_1165, %swap3A_1166, %swap3A_1167] {strides = array<i32>} : memref<4x1x128xi32, #tpu.memory_space<vmem>>, vector<16xi32>,
        tpu.vector_store %arg6[%swap3A_1165, %swap3A_1166, %swap3A_1167], %shift_right_arithmetic3A_1162 {strides = array<i32>} : memref<4x1x128xi32, #tpu.memory_space<vmem>>, vector<16xi32>,
        %dma_start3A_1169 = arith.constant 1 : i32
        %dma_start3A_1170 = arith.constant 0 : i32
        %dma_start3A_1171 = arith.constant 1 : i32
        %dma_start3A_1172 = arith.constant 1 : i32
        %dma_start3A_1173 = arith.constant 0 : i32
        %dma_start3A_1174 = arith.constant 0 : i32
        %dma_start3A_1175 = tpu.memref_slice %arg7[%dma_start3A_1171, %dma_start3A_1173, %dma_start3A_1174] : memref<4x128x128xf32, #tpu.memory_space<vmem>> -> memref<1x128x128xf32, #tpu.memory_space<vmem>>
        %dma_start3A_1176 = tpu.memref_squeeze %dma_start3A_1175 : memref<1x128x128xf32, #tpu.memory_space<vmem>> -> memref<128x128xf32, #tpu.memory_space<vmem>>
        %dma_start3A_1177 = arith.constant 0 : i32
        %dma_start3A_1178 = tpu.memref_slice %arg6[%dma_start3A_1169, %dma_start3A_1170, %dma_start3A_1177] : memref<4x1x128xi32, #tpu.memory_space<vmem>> -> memref<1x1x128xi32, #tpu.memory_space<vmem>>
        %dma_start3A_1179 = tpu.memref_squeeze %dma_start3A_1178 : memref<1x1x128xi32, #tpu.memory_space<vmem>> -> memref<128xi32, #tpu.memory_space<vmem>>
        %dma_start3A_1180 = arith.constant 0 : i32
        %dma_start3A_1181 = arith.constant 0 : i32
        %dma_start3A_1182 = tpu.memref_slice %arg3[%dma_start3A_1180, %dma_start3A_1181] : memref<500000x128xf32, #tpu.memory_space<hbm>> -> memref<500000x128xf32, #tpu.memory_space<hbm>>
        %dma_start3A_1183 = tpu.memref_slice %arg9[%dma_start3A_1172] : memref<4x!tpu.dma_semaphore, #tpu.memory_space<semaphore_mem>> -> memref<1x!tpu.dma_semaphore, #tpu.memory_space<semaphore_mem>>
        %dma_start3A_1184 = tpu.memref_squeeze %dma_start3A_1183 : memref<1x!tpu.dma_semaphore, #tpu.memory_space<semaphore_mem>> -> memref<!tpu.dma_semaphore, #tpu.memory_space<semaphore_mem>>
        tpu.enqueue_indirect_dma source(%dma_start3A_1182 : memref<500000x128xf32, #tpu.memory_space<hbm>>) target(%dma_start3A_1176 : memref<128x128xf32, #tpu.memory_space<vmem>>) offsets(%dma_start3A_1179 : memref<128xi32, #tpu.memory_space<vmem>>) semaphore(%dma_start3A_1184 : memref<!tpu.dma_semaphore, #tpu.memory_space<semaphore_mem>>)
      } else {
      }
      %add3A_827 = arith.constant 2 : i32
      %add3A_828 = arith.addi %add3A_586, %add3A_827 : i32
      %dma_wait3A_829 = arith.constant 2 : i32
      %dma_wait3A_830 = arith.constant 0 : i32
      %dma_wait3A_831 = arith.constant 2 : i32
      %dma_wait3A_832 = arith.constant 2 : i32
      %dma_wait3A_833 = arith.constant 0 : i32
      %dma_wait3A_834 = arith.constant 0 : i32
      %dma_wait3A_835 = tpu.memref_slice %arg7[%dma_wait3A_831, %dma_wait3A_833, %dma_wait3A_834] : memref<4x128x128xf32, #tpu.memory_space<vmem>> -> memref<1x128x128xf32, #tpu.memory_space<vmem>>
      %dma_wait3A_836 = tpu.memref_squeeze %dma_wait3A_835 : memref<1x128x128xf32, #tpu.memory_space<vmem>> -> memref<128x128xf32, #tpu.memory_space<vmem>>
      %dma_wait3A_837 = arith.constant 0 : i32
      %dma_wait3A_838 = tpu.memref_slice %arg6[%dma_wait3A_829, %dma_wait3A_830, %dma_wait3A_837] : memref<4x1x128xi32, #tpu.memory_space<vmem>> -> memref<1x1x128xi32, #tpu.memory_space<vmem>>
      %dma_wait3A_839 = tpu.memref_squeeze %dma_wait3A_838 : memref<1x1x128xi32, #tpu.memory_space<vmem>> -> memref<128xi32, #tpu.memory_space<vmem>>
      %dma_wait3A_840 = arith.constant 0 : i32
      %dma_wait3A_841 = arith.constant 0 : i32
      %dma_wait3A_842 = tpu.memref_slice %arg3[%dma_wait3A_840, %dma_wait3A_841] : memref<500000x128xf32, #tpu.memory_space<hbm>> -> memref<500000x128xf32, #tpu.memory_space<hbm>>
      %dma_wait3A_843 = tpu.memref_slice %arg9[%dma_wait3A_832] : memref<4x!tpu.dma_semaphore, #tpu.memory_space<semaphore_mem>> -> memref<1x!tpu.dma_semaphore, #tpu.memory_space<semaphore_mem>>
      %dma_wait3A_844 = tpu.memref_squeeze %dma_wait3A_843 : memref<1x!tpu.dma_semaphore, #tpu.memory_space<semaphore_mem>> -> memref<!tpu.dma_semaphore, #tpu.memory_space<semaphore_mem>>
      tpu.wait_indirect_dma semaphore(%dma_wait3A_844 : memref<!tpu.dma_semaphore, #tpu.memory_space<semaphore_mem>>) src(%dma_wait3A_842 : memref<500000x128xf32, #tpu.memory_space<hbm>>) dst(%dma_wait3A_836 : memref<128x128xf32, #tpu.memory_space<vmem>>)
      %get3A_845 = arith.index_cast %add3A_828 : i32 to index
      %get3A_846 = arith.constant 0 : index
      %get3A_847 = tpu.vector_load %arg5[%get3A_845, %get3A_846] {strides = array<i32>} : memref<200x128xi32, #tpu.memory_space<vmem>>, vector<16xi32>,
      %and3A_848 = arith.constant 1 : i32
      %and3A_849 = vector.broadcast %and3A_848 : i32 to vector<16xi32>
      %and3A_850 = arith.andi %get3A_847, %and3A_849 : vector<16xi32>
      %mul3A_851 = arith.constant 64 : i32
      %mul3A_852 = vector.broadcast %mul3A_851 : i32 to vector<16xi32>
      %mul3A_853 = arith.muli %and3A_850, %mul3A_852 : vector<16xi32>
      %get3A_854 = arith.index_cast %add3A_828 : i32 to index
      %get3A_855 = arith.constant 16 : index
      %get3A_856 = tpu.vector_load %arg5[%get3A_854, %get3A_855] {strides = array<i32>} : memref<200x128xi32, #tpu.memory_space<vmem>>, vector<16xi32>,
      %and3A_857 = arith.constant 1 : i32
      %and3A_858 = vector.broadcast %and3A_857 : i32 to vector<16xi32>
      %and3A_859 = arith.andi %get3A_856, %and3A_858 : vector<16xi32>
      %mul3A_860 = arith.constant 64 : i32
      %mul3A_861 = vector.broadcast %mul3A_860 : i32 to vector<16xi32>
      %mul3A_862 = arith.muli %and3A_859, %mul3A_861 : vector<16xi32>
      %get3A_863 = arith.index_cast %add3A_828 : i32 to index
      %get3A_864 = arith.constant 32 : index
      %get3A_865 = tpu.vector_load %arg5[%get3A_863, %get3A_864] {strides = array<i32>} : memref<200x128xi32, #tpu.memory_space<vmem>>, vector<16xi32>,
      %and3A_866 = arith.constant 1 : i32
      %and3A_867 = vector.broadcast %and3A_866 : i32 to vector<16xi32>
      %and3A_868 = arith.andi %get3A_865, %and3A_867 : vector<16xi32>
      %mul3A_869 = arith.constant 64 : i32
      %mul3A_870 = vector.broadcast %mul3A_869 : i32 to vector<16xi32>
      %mul3A_871 = arith.muli %and3A_868, %mul3A_870 : vector<16xi32>
      %get3A_872 = arith.index_cast %add3A_828 : i32 to index
      %get3A_873 = arith.constant 48 : index
      %get3A_874 = tpu.vector_load %arg5[%get3A_872, %get3A_873] {strides = array<i32>} : memref<200x128xi32, #tpu.memory_space<vmem>>, vector<16xi32>,
      %and3A_875 = arith.constant 1 : i32
      %and3A_876 = vector.broadcast %and3A_875 : i32 to vector<16xi32>
      %and3A_877 = arith.andi %get3A_874, %and3A_876 : vector<16xi32>
      %mul3A_878 = arith.constant 64 : i32
      %mul3A_879 = vector.broadcast %mul3A_878 : i32 to vector<16xi32>
      %mul3A_880 = arith.muli %and3A_877, %mul3A_879 : vector<16xi32>
      %get3A_881 = arith.index_cast %add3A_828 : i32 to index
      %get3A_882 = arith.constant 64 : index
      %get3A_883 = tpu.vector_load %arg5[%get3A_881, %get3A_882] {strides = array<i32>} : memref<200x128xi32, #tpu.memory_space<vmem>>, vector<16xi32>,
      %and3A_884 = arith.constant 1 : i32
      %and3A_885 = vector.broadcast %and3A_884 : i32 to vector<16xi32>
      %and3A_886 = arith.andi %get3A_883, %and3A_885 : vector<16xi32>
      %mul3A_887 = arith.constant 64 : i32
      %mul3A_888 = vector.broadcast %mul3A_887 : i32 to vector<16xi32>
      %mul3A_889 = arith.muli %and3A_886, %mul3A_888 : vector<16xi32>
      %get3A_890 = arith.index_cast %add3A_828 : i32 to index
      %get3A_891 = arith.constant 80 : index
      %get3A_892 = tpu.vector_load %arg5[%get3A_890, %get3A_891] {strides = array<i32>} : memref<200x128xi32, #tpu.memory_space<vmem>>, vector<16xi32>,
      %and3A_893 = arith.constant 1 : i32
      %and3A_894 = vector.broadcast %and3A_893 : i32 to vector<16xi32>
      %and3A_895 = arith.andi %get3A_892, %and3A_894 : vector<16xi32>
      %mul3A_896 = arith.constant 64 : i32
      %mul3A_897 = vector.broadcast %mul3A_896 : i32 to vector<16xi32>
      %mul3A_898 = arith.muli %and3A_895, %mul3A_897 : vector<16xi32>
      %get3A_899 = arith.index_cast %add3A_828 : i32 to index
      %get3A_900 = arith.constant 96 : index
      %get3A_901 = tpu.vector_load %arg5[%get3A_899, %get3A_900] {strides = array<i32>} : memref<200x128xi32, #tpu.memory_space<vmem>>, vector<16xi32>,
      %and3A_902 = arith.constant 1 : i32
      %and3A_903 = vector.broadcast %and3A_902 : i32 to vector<16xi32>
      %and3A_904 = arith.andi %get3A_901, %and3A_903 : vector<16xi32>
      %mul3A_905 = arith.constant 64 : i32
      %mul3A_906 = vector.broadcast %mul3A_905 : i32 to vector<16xi32>
      %mul3A_907 = arith.muli %and3A_904, %mul3A_906 : vector<16xi32>
      %get3A_908 = arith.index_cast %add3A_828 : i32 to index
      %get3A_909 = arith.constant 112 : index
      %get3A_910 = tpu.vector_load %arg5[%get3A_908, %get3A_909] {strides = array<i32>} : memref<200x128xi32, #tpu.memory_space<vmem>>, vector<16xi32>,
      %and3A_911 = arith.constant 1 : i32
      %and3A_912 = vector.broadcast %and3A_911 : i32 to vector<16xi32>
      %and3A_913 = arith.andi %get3A_910, %and3A_912 : vector<16xi32>
      %mul3A_914 = arith.constant 64 : i32
      %mul3A_915 = vector.broadcast %mul3A_914 : i32 to vector<16xi32>
      %mul3A_916 = arith.muli %and3A_913, %mul3A_915 : vector<16xi32>
      %gt3A_917 = arith.constant 0 : i32
      %gt3A_918 = arith.cmpi sgt, %add3A_586, %gt3A_917 : i32
      %convert_element_type3A_919 = arith.extui %gt3A_918 : i1 to i32
      %cond3A_920 = arith.constant 0 : i32
      %cond3A_921 = arith.cmpi ne, %convert_element_type3A_919, %cond3A_920 : i32
      scf.if %cond3A_921 {
        %sub3A = arith.constant 4 : i32
        %sub3A_1073 = arith.subi %add3A_828, %sub3A : i32
        %dma_wait3A_1074 = arith.constant 2 : i32
        %dma_wait3A_1075 = arith.constant 2 : i32
        %dma_wait3A_1076 = arith.constant 0 : i32
        %dma_wait3A_1077 = arith.constant 0 : i32
        %dma_wait3A_1078 = tpu.memref_slice %arg8[%dma_wait3A_1074, %dma_wait3A_1076, %dma_wait3A_1077] : memref<4x64x128xf32, #tpu.memory_space<vmem>> -> memref<1x64x128xf32, #tpu.memory_space<vmem>>
        %dma_wait3A_1079 = tpu.memref_squeeze %dma_wait3A_1078 : memref<1x64x128xf32, #tpu.memory_space<vmem>> -> memref<64x128xf32, #tpu.memory_space<vmem>>
        %dma_wait3A_1080 = arith.constant 0 : i32
        %dma_wait3A_1081 = tpu.memref_slice %arg4[%sub3A_1073, %dma_wait3A_1080, %mul3A_2] : memref<200x64x4096xf32, #tpu.memory_space<hbm>> -> memref<1x64x128xf32, #tpu.memory_space<hbm>>
        %dma_wait3A_1082 = tpu.memref_squeeze %dma_wait3A_1081 : memref<1x64x128xf32, #tpu.memory_space<hbm>> -> memref<64x128xf32, #tpu.memory_space<hbm>>
        %dma_wait3A_1083 = tpu.memref_slice %arg10[%dma_wait3A_1075] : memref<4x!tpu.dma_semaphore, #tpu.memory_space<semaphore_mem>> -> memref<1x!tpu.dma_semaphore, #tpu.memory_space<semaphore_mem>>
        %dma_wait3A_1084 = tpu.memref_squeeze %dma_wait3A_1083 : memref<1x!tpu.dma_semaphore, #tpu.memory_space<semaphore_mem>> -> memref<!tpu.dma_semaphore, #tpu.memory_space<semaphore_mem>>
        %dma_wait3A_1085 = arith.constant 0 : i32
        %dma_wait3A_1086 = tpu.memref_slice %arg4[%sub3A_1073, %dma_wait3A_1085, %mul3A_2] : memref<200x64x4096xf32, #tpu.memory_space<hbm>> -> memref<1x64x128xf32, #tpu.memory_space<hbm>>
        %dma_wait3A_1087 = tpu.memref_squeeze %dma_wait3A_1086 : memref<1x64x128xf32, #tpu.memory_space<hbm>> -> memref<64x128xf32, #tpu.memory_space<hbm>>
        %dma_wait3A_1088 = arith.constant 0 : i32
        %dma_wait3A_1089 = arith.constant 0 : i32
        %dma_wait3A_1090 = tpu.memref_slice %arg8[%dma_wait3A_1074, %dma_wait3A_1088, %dma_wait3A_1089] : memref<4x64x128xf32, #tpu.memory_space<vmem>> -> memref<1x64x128xf32, #tpu.memory_space<vmem>>
        %dma_wait3A_1091 = tpu.memref_squeeze %dma_wait3A_1090 : memref<1x64x128xf32, #tpu.memory_space<vmem>> -> memref<64x128xf32, #tpu.memory_space<vmem>>
        tpu.wait_dma2 semaphore(%dma_wait3A_1084 : memref<!tpu.dma_semaphore, #tpu.memory_space<semaphore_mem>>) src(%dma_wait3A_1091 : memref<64x128xf32, #tpu.memory_space<vmem>>) dst(%dma_wait3A_1087 : memref<64x128xf32, #tpu.memory_space<hbm>>)
      } else {
      }
      %parallel_loop3A_922 = arith.constant 0 : i32
      %parallel_loop3A_923 = arith.constant 64 : i32
      %parallel_loop3A_924 = arith.constant 1 : i32
      scf.for %parallel_loop3A_1073 = %parallel_loop3A_922 to %parallel_loop3A_923 step %parallel_loop3A_924  : i32 {
        %parallel_loop3A_1074 = vector.broadcast %parallel_loop3A_1073 : i32 to vector<16xi32>
        %parallel_loop3A_1075 = arith.addi %mul3A_853, %parallel_loop3A_1074 : vector<16xi32>
        %parallel_loop3A_1076 = arith.constant 2 : i32
        %parallel_loop3A_1077 = arith.constant 0 : i32
        %parallel_loop3A_1078 = arith.constant 0 : i32
        %parallel_loop3A_1079 = tpu.memref_slice %arg7[%parallel_loop3A_1076, %parallel_loop3A_1077, %parallel_loop3A_1078] : memref<4x128x128xf32, #tpu.memory_space<vmem>> -> memref<1x128x128xf32, #tpu.memory_space<vmem>>
        %parallel_loop3A_1080 = tpu.memref_squeeze %parallel_loop3A_1079 : memref<1x128x128xf32, #tpu.memory_space<vmem>> -> memref<128x128xf32, #tpu.memory_space<vmem>>
        %parallel_loop3A_1081 = tpu.vector_load_idx %parallel_loop3A_1080[%add3A_481, %parallel_loop3A_1075] : memref<128x128xf32, #tpu.memory_space<vmem>>[vector<16xi32>, vector<16xi32>], vector<16xf32>,
        %parallel_loop3A_1082 = arith.constant 8.000000e+00 : f32
        %parallel_loop3A_1083 = vector.broadcast %parallel_loop3A_1082 : f32 to vector<16xf32>
        %parallel_loop3A_1084 = arith.mulf %parallel_loop3A_1081, %parallel_loop3A_1083 : vector<16xf32>
        %parallel_loop3A_1085 = arith.constant 2 : i32
        %parallel_loop3A_1086 = arith.index_cast %parallel_loop3A_1085 : i32 to index
        %parallel_loop3A_1087 = arith.index_cast %parallel_loop3A_1073 : i32 to index
        %parallel_loop3A_1088 = arith.constant 0 : index
        %parallel_loop3A_1089 = tpu.vector_load %arg8[%parallel_loop3A_1086, %parallel_loop3A_1087, %parallel_loop3A_1088] {strides = array<i32>} : memref<4x64x128xf32, #tpu.memory_space<vmem>>, vector<16xf32>,
        tpu.vector_store %arg8[%parallel_loop3A_1086, %parallel_loop3A_1087, %parallel_loop3A_1088], %parallel_loop3A_1084 {strides = array<i32>} : memref<4x64x128xf32, #tpu.memory_space<vmem>>, vector<16xf32>,
        %parallel_loop3A_1090 = vector.broadcast %parallel_loop3A_1073 : i32 to vector<16xi32>
        %parallel_loop3A_1091 = arith.addi %mul3A_862, %parallel_loop3A_1090 : vector<16xi32>
        %parallel_loop3A_1092 = arith.constant 2 : i32
        %parallel_loop3A_1093 = arith.constant 0 : i32
        %parallel_loop3A_1094 = arith.constant 0 : i32
        %parallel_loop3A_1095 = tpu.memref_slice %arg7[%parallel_loop3A_1092, %parallel_loop3A_1093, %parallel_loop3A_1094] : memref<4x128x128xf32, #tpu.memory_space<vmem>> -> memref<1x128x128xf32, #tpu.memory_space<vmem>>
        %parallel_loop3A_1096 = tpu.memref_squeeze %parallel_loop3A_1095 : memref<1x128x128xf32, #tpu.memory_space<vmem>> -> memref<128x128xf32, #tpu.memory_space<vmem>>
        %parallel_loop3A_1097 = tpu.vector_load_idx %parallel_loop3A_1096[%add3A_484, %parallel_loop3A_1091] : memref<128x128xf32, #tpu.memory_space<vmem>>[vector<16xi32>, vector<16xi32>], vector<16xf32>,
        %parallel_loop3A_1098 = arith.constant 8.000000e+00 : f32
        %parallel_loop3A_1099 = vector.broadcast %parallel_loop3A_1098 : f32 to vector<16xf32>
        %parallel_loop3A_1100 = arith.mulf %parallel_loop3A_1097, %parallel_loop3A_1099 : vector<16xf32>
        %parallel_loop3A_1101 = arith.constant 2 : i32
        %parallel_loop3A_1102 = arith.index_cast %parallel_loop3A_1101 : i32 to index
        %parallel_loop3A_1103 = arith.index_cast %parallel_loop3A_1073 : i32 to index
        %parallel_loop3A_1104 = arith.constant 16 : index
        %parallel_loop3A_1105 = tpu.vector_load %arg8[%parallel_loop3A_1102, %parallel_loop3A_1103, %parallel_loop3A_1104] {strides = array<i32>} : memref<4x64x128xf32, #tpu.memory_space<vmem>>, vector<16xf32>,
        tpu.vector_store %arg8[%parallel_loop3A_1102, %parallel_loop3A_1103, %parallel_loop3A_1104], %parallel_loop3A_1100 {strides = array<i32>} : memref<4x64x128xf32, #tpu.memory_space<vmem>>, vector<16xf32>,
        %parallel_loop3A_1106 = vector.broadcast %parallel_loop3A_1073 : i32 to vector<16xi32>
        %parallel_loop3A_1107 = arith.addi %mul3A_871, %parallel_loop3A_1106 : vector<16xi32>
        %parallel_loop3A_1108 = arith.constant 2 : i32
        %parallel_loop3A_1109 = arith.constant 0 : i32
        %parallel_loop3A_1110 = arith.constant 0 : i32
        %parallel_loop3A_1111 = tpu.memref_slice %arg7[%parallel_loop3A_1108, %parallel_loop3A_1109, %parallel_loop3A_1110] : memref<4x128x128xf32, #tpu.memory_space<vmem>> -> memref<1x128x128xf32, #tpu.memory_space<vmem>>
        %parallel_loop3A_1112 = tpu.memref_squeeze %parallel_loop3A_1111 : memref<1x128x128xf32, #tpu.memory_space<vmem>> -> memref<128x128xf32, #tpu.memory_space<vmem>>
        %parallel_loop3A_1113 = tpu.vector_load_idx %parallel_loop3A_1112[%add3A_487, %parallel_loop3A_1107] : memref<128x128xf32, #tpu.memory_space<vmem>>[vector<16xi32>, vector<16xi32>], vector<16xf32>,
        %parallel_loop3A_1114 = arith.constant 8.000000e+00 : f32
        %parallel_loop3A_1115 = vector.broadcast %parallel_loop3A_1114 : f32 to vector<16xf32>
        %parallel_loop3A_1116 = arith.mulf %parallel_loop3A_1113, %parallel_loop3A_1115 : vector<16xf32>
        %parallel_loop3A_1117 = arith.constant 2 : i32
        %parallel_loop3A_1118 = arith.index_cast %parallel_loop3A_1117 : i32 to index
        %parallel_loop3A_1119 = arith.index_cast %parallel_loop3A_1073 : i32 to index
        %parallel_loop3A_1120 = arith.constant 32 : index
        %parallel_loop3A_1121 = tpu.vector_load %arg8[%parallel_loop3A_1118, %parallel_loop3A_1119, %parallel_loop3A_1120] {strides = array<i32>} : memref<4x64x128xf32, #tpu.memory_space<vmem>>, vector<16xf32>,
        tpu.vector_store %arg8[%parallel_loop3A_1118, %parallel_loop3A_1119, %parallel_loop3A_1120], %parallel_loop3A_1116 {strides = array<i32>} : memref<4x64x128xf32, #tpu.memory_space<vmem>>, vector<16xf32>,
        %parallel_loop3A_1122 = vector.broadcast %parallel_loop3A_1073 : i32 to vector<16xi32>
        %parallel_loop3A_1123 = arith.addi %mul3A_880, %parallel_loop3A_1122 : vector<16xi32>
        %parallel_loop3A_1124 = arith.constant 2 : i32
        %parallel_loop3A_1125 = arith.constant 0 : i32
        %parallel_loop3A_1126 = arith.constant 0 : i32
        %parallel_loop3A_1127 = tpu.memref_slice %arg7[%parallel_loop3A_1124, %parallel_loop3A_1125, %parallel_loop3A_1126] : memref<4x128x128xf32, #tpu.memory_space<vmem>> -> memref<1x128x128xf32, #tpu.memory_space<vmem>>
        %parallel_loop3A_1128 = tpu.memref_squeeze %parallel_loop3A_1127 : memref<1x128x128xf32, #tpu.memory_space<vmem>> -> memref<128x128xf32, #tpu.memory_space<vmem>>
        %parallel_loop3A_1129 = tpu.vector_load_idx %parallel_loop3A_1128[%add3A_490, %parallel_loop3A_1123] : memref<128x128xf32, #tpu.memory_space<vmem>>[vector<16xi32>, vector<16xi32>], vector<16xf32>,
        %parallel_loop3A_1130 = arith.constant 8.000000e+00 : f32
        %parallel_loop3A_1131 = vector.broadcast %parallel_loop3A_1130 : f32 to vector<16xf32>
        %parallel_loop3A_1132 = arith.mulf %parallel_loop3A_1129, %parallel_loop3A_1131 : vector<16xf32>
        %parallel_loop3A_1133 = arith.constant 2 : i32
        %parallel_loop3A_1134 = arith.index_cast %parallel_loop3A_1133 : i32 to index
        %parallel_loop3A_1135 = arith.index_cast %parallel_loop3A_1073 : i32 to index
        %parallel_loop3A_1136 = arith.constant 48 : index
        %parallel_loop3A_1137 = tpu.vector_load %arg8[%parallel_loop3A_1134, %parallel_loop3A_1135, %parallel_loop3A_1136] {strides = array<i32>} : memref<4x64x128xf32, #tpu.memory_space<vmem>>, vector<16xf32>,
        tpu.vector_store %arg8[%parallel_loop3A_1134, %parallel_loop3A_1135, %parallel_loop3A_1136], %parallel_loop3A_1132 {strides = array<i32>} : memref<4x64x128xf32, #tpu.memory_space<vmem>>, vector<16xf32>,
        %parallel_loop3A_1138 = vector.broadcast %parallel_loop3A_1073 : i32 to vector<16xi32>
        %parallel_loop3A_1139 = arith.addi %mul3A_889, %parallel_loop3A_1138 : vector<16xi32>
        %parallel_loop3A_1140 = arith.constant 2 : i32
        %parallel_loop3A_1141 = arith.constant 0 : i32
        %parallel_loop3A_1142 = arith.constant 0 : i32
        %parallel_loop3A_1143 = tpu.memref_slice %arg7[%parallel_loop3A_1140, %parallel_loop3A_1141, %parallel_loop3A_1142] : memref<4x128x128xf32, #tpu.memory_space<vmem>> -> memref<1x128x128xf32, #tpu.memory_space<vmem>>
        %parallel_loop3A_1144 = tpu.memref_squeeze %parallel_loop3A_1143 : memref<1x128x128xf32, #tpu.memory_space<vmem>> -> memref<128x128xf32, #tpu.memory_space<vmem>>
        %parallel_loop3A_1145 = tpu.vector_load_idx %parallel_loop3A_1144[%add3A_493, %parallel_loop3A_1139] : memref<128x128xf32, #tpu.memory_space<vmem>>[vector<16xi32>, vector<16xi32>], vector<16xf32>,
        %parallel_loop3A_1146 = arith.constant 8.000000e+00 : f32
        %parallel_loop3A_1147 = vector.broadcast %parallel_loop3A_1146 : f32 to vector<16xf32>
        %parallel_loop3A_1148 = arith.mulf %parallel_loop3A_1145, %parallel_loop3A_1147 : vector<16xf32>
        %parallel_loop3A_1149 = arith.constant 2 : i32
        %parallel_loop3A_1150 = arith.index_cast %parallel_loop3A_1149 : i32 to index
        %parallel_loop3A_1151 = arith.index_cast %parallel_loop3A_1073 : i32 to index
        %parallel_loop3A_1152 = arith.constant 64 : index
        %parallel_loop3A_1153 = tpu.vector_load %arg8[%parallel_loop3A_1150, %parallel_loop3A_1151, %parallel_loop3A_1152] {strides = array<i32>} : memref<4x64x128xf32, #tpu.memory_space<vmem>>, vector<16xf32>,
        tpu.vector_store %arg8[%parallel_loop3A_1150, %parallel_loop3A_1151, %parallel_loop3A_1152], %parallel_loop3A_1148 {strides = array<i32>} : memref<4x64x128xf32, #tpu.memory_space<vmem>>, vector<16xf32>,
        %parallel_loop3A_1154 = vector.broadcast %parallel_loop3A_1073 : i32 to vector<16xi32>
        %parallel_loop3A_1155 = arith.addi %mul3A_898, %parallel_loop3A_1154 : vector<16xi32>
        %parallel_loop3A_1156 = arith.constant 2 : i32
        %parallel_loop3A_1157 = arith.constant 0 : i32
        %parallel_loop3A_1158 = arith.constant 0 : i32
        %parallel_loop3A_1159 = tpu.memref_slice %arg7[%parallel_loop3A_1156, %parallel_loop3A_1157, %parallel_loop3A_1158] : memref<4x128x128xf32, #tpu.memory_space<vmem>> -> memref<1x128x128xf32, #tpu.memory_space<vmem>>
        %parallel_loop3A_1160 = tpu.memref_squeeze %parallel_loop3A_1159 : memref<1x128x128xf32, #tpu.memory_space<vmem>> -> memref<128x128xf32, #tpu.memory_space<vmem>>
        %parallel_loop3A_1161 = tpu.vector_load_idx %parallel_loop3A_1160[%add3A_496, %parallel_loop3A_1155] : memref<128x128xf32, #tpu.memory_space<vmem>>[vector<16xi32>, vector<16xi32>], vector<16xf32>,
        %parallel_loop3A_1162 = arith.constant 8.000000e+00 : f32
        %parallel_loop3A_1163 = vector.broadcast %parallel_loop3A_1162 : f32 to vector<16xf32>
        %parallel_loop3A_1164 = arith.mulf %parallel_loop3A_1161, %parallel_loop3A_1163 : vector<16xf32>
        %parallel_loop3A_1165 = arith.constant 2 : i32
        %parallel_loop3A_1166 = arith.index_cast %parallel_loop3A_1165 : i32 to index
        %parallel_loop3A_1167 = arith.index_cast %parallel_loop3A_1073 : i32 to index
        %parallel_loop3A_1168 = arith.constant 80 : index
        %parallel_loop3A_1169 = tpu.vector_load %arg8[%parallel_loop3A_1166, %parallel_loop3A_1167, %parallel_loop3A_1168] {strides = array<i32>} : memref<4x64x128xf32, #tpu.memory_space<vmem>>, vector<16xf32>,
        tpu.vector_store %arg8[%parallel_loop3A_1166, %parallel_loop3A_1167, %parallel_loop3A_1168], %parallel_loop3A_1164 {strides = array<i32>} : memref<4x64x128xf32, #tpu.memory_space<vmem>>, vector<16xf32>,
        %parallel_loop3A_1170 = vector.broadcast %parallel_loop3A_1073 : i32 to vector<16xi32>
        %parallel_loop3A_1171 = arith.addi %mul3A_907, %parallel_loop3A_1170 : vector<16xi32>
        %parallel_loop3A_1172 = arith.constant 2 : i32
        %parallel_loop3A_1173 = arith.constant 0 : i32
        %parallel_loop3A_1174 = arith.constant 0 : i32
        %parallel_loop3A_1175 = tpu.memref_slice %arg7[%parallel_loop3A_1172, %parallel_loop3A_1173, %parallel_loop3A_1174] : memref<4x128x128xf32, #tpu.memory_space<vmem>> -> memref<1x128x128xf32, #tpu.memory_space<vmem>>
        %parallel_loop3A_1176 = tpu.memref_squeeze %parallel_loop3A_1175 : memref<1x128x128xf32, #tpu.memory_space<vmem>> -> memref<128x128xf32, #tpu.memory_space<vmem>>
        %parallel_loop3A_1177 = tpu.vector_load_idx %parallel_loop3A_1176[%add3A_499, %parallel_loop3A_1171] : memref<128x128xf32, #tpu.memory_space<vmem>>[vector<16xi32>, vector<16xi32>], vector<16xf32>,
        %parallel_loop3A_1178 = arith.constant 8.000000e+00 : f32
        %parallel_loop3A_1179 = vector.broadcast %parallel_loop3A_1178 : f32 to vector<16xf32>
        %parallel_loop3A_1180 = arith.mulf %parallel_loop3A_1177, %parallel_loop3A_1179 : vector<16xf32>
        %parallel_loop3A_1181 = arith.constant 2 : i32
        %parallel_loop3A_1182 = arith.index_cast %parallel_loop3A_1181 : i32 to index
        %parallel_loop3A_1183 = arith.index_cast %parallel_loop3A_1073 : i32 to index
        %parallel_loop3A_1184 = arith.constant 96 : index
        %parallel_loop3A_1185 = tpu.vector_load %arg8[%parallel_loop3A_1182, %parallel_loop3A_1183, %parallel_loop3A_1184] {strides = array<i32>} : memref<4x64x128xf32, #tpu.memory_space<vmem>>, vector<16xf32>,
        tpu.vector_store %arg8[%parallel_loop3A_1182, %parallel_loop3A_1183, %parallel_loop3A_1184], %parallel_loop3A_1180 {strides = array<i32>} : memref<4x64x128xf32, #tpu.memory_space<vmem>>, vector<16xf32>,
        %parallel_loop3A_1186 = vector.broadcast %parallel_loop3A_1073 : i32 to vector<16xi32>
        %parallel_loop3A_1187 = arith.addi %mul3A_916, %parallel_loop3A_1186 : vector<16xi32>
        %parallel_loop3A_1188 = arith.constant 2 : i32
        %parallel_loop3A_1189 = arith.constant 0 : i32
        %parallel_loop3A_1190 = arith.constant 0 : i32
        %parallel_loop3A_1191 = tpu.memref_slice %arg7[%parallel_loop3A_1188, %parallel_loop3A_1189, %parallel_loop3A_1190] : memref<4x128x128xf32, #tpu.memory_space<vmem>> -> memref<1x128x128xf32, #tpu.memory_space<vmem>>
        %parallel_loop3A_1192 = tpu.memref_squeeze %parallel_loop3A_1191 : memref<1x128x128xf32, #tpu.memory_space<vmem>> -> memref<128x128xf32, #tpu.memory_space<vmem>>
        %parallel_loop3A_1193 = tpu.vector_load_idx %parallel_loop3A_1192[%add3A_502, %parallel_loop3A_1187] : memref<128x128xf32, #tpu.memory_space<vmem>>[vector<16xi32>, vector<16xi32>], vector<16xf32>,
        %parallel_loop3A_1194 = arith.constant 8.000000e+00 : f32
        %parallel_loop3A_1195 = vector.broadcast %parallel_loop3A_1194 : f32 to vector<16xf32>
        %parallel_loop3A_1196 = arith.mulf %parallel_loop3A_1193, %parallel_loop3A_1195 : vector<16xf32>
        %parallel_loop3A_1197 = arith.constant 2 : i32
        %parallel_loop3A_1198 = arith.index_cast %parallel_loop3A_1197 : i32 to index
        %parallel_loop3A_1199 = arith.index_cast %parallel_loop3A_1073 : i32 to index
        %parallel_loop3A_1200 = arith.constant 112 : index
        %parallel_loop3A_1201 = tpu.vector_load %arg8[%parallel_loop3A_1198, %parallel_loop3A_1199, %parallel_loop3A_1200] {strides = array<i32>} : memref<4x64x128xf32, #tpu.memory_space<vmem>>, vector<16xf32>,
        tpu.vector_store %arg8[%parallel_loop3A_1198, %parallel_loop3A_1199, %parallel_loop3A_1200], %parallel_loop3A_1196 {strides = array<i32>} : memref<4x64x128xf32, #tpu.memory_space<vmem>>, vector<16xf32>,
      } {sc.loop_unroll_factor = 8 : i64, sc.parallel_access}
      %dma_start3A_925 = arith.constant 2 : i32
      %dma_start3A_926 = arith.constant 2 : i32
      %dma_start3A_927 = arith.constant 0 : i32
      %dma_start3A_928 = arith.constant 0 : i32
      %dma_start3A_929 = tpu.memref_slice %arg8[%dma_start3A_925, %dma_start3A_927, %dma_start3A_928] : memref<4x64x128xf32, #tpu.memory_space<vmem>> -> memref<1x64x128xf32, #tpu.memory_space<vmem>>
      %dma_start3A_930 = tpu.memref_squeeze %dma_start3A_929 : memref<1x64x128xf32, #tpu.memory_space<vmem>> -> memref<64x128xf32, #tpu.memory_space<vmem>>
      %dma_start3A_931 = arith.constant 0 : i32
      %dma_start3A_932 = tpu.memref_slice %arg4[%add3A_828, %dma_start3A_931, %mul3A_2] : memref<200x64x4096xf32, #tpu.memory_space<hbm>> -> memref<1x64x128xf32, #tpu.memory_space<hbm>>
      %dma_start3A_933 = tpu.memref_squeeze %dma_start3A_932 : memref<1x64x128xf32, #tpu.memory_space<hbm>> -> memref<64x128xf32, #tpu.memory_space<hbm>>
      %dma_start3A_934 = tpu.memref_slice %arg10[%dma_start3A_926] : memref<4x!tpu.dma_semaphore, #tpu.memory_space<semaphore_mem>> -> memref<1x!tpu.dma_semaphore, #tpu.memory_space<semaphore_mem>>
      %dma_start3A_935 = tpu.memref_squeeze %dma_start3A_934 : memref<1x!tpu.dma_semaphore, #tpu.memory_space<semaphore_mem>> -> memref<!tpu.dma_semaphore, #tpu.memory_space<semaphore_mem>>
      %dma_start3A_936 = arith.constant 0 : i32
      %dma_start3A_937 = tpu.memref_slice %arg4[%add3A_828, %dma_start3A_936, %mul3A_2] : memref<200x64x4096xf32, #tpu.memory_space<hbm>> -> memref<1x64x128xf32, #tpu.memory_space<hbm>>
      %dma_start3A_938 = tpu.memref_squeeze %dma_start3A_937 : memref<1x64x128xf32, #tpu.memory_space<hbm>> -> memref<64x128xf32, #tpu.memory_space<hbm>>
      %dma_start3A_939 = arith.constant 0 : i32
      %dma_start3A_940 = arith.constant 0 : i32
      %dma_start3A_941 = tpu.memref_slice %arg8[%dma_start3A_925, %dma_start3A_939, %dma_start3A_940] : memref<4x64x128xf32, #tpu.memory_space<vmem>> -> memref<1x64x128xf32, #tpu.memory_space<vmem>>
      %dma_start3A_942 = tpu.memref_squeeze %dma_start3A_941 : memref<1x64x128xf32, #tpu.memory_space<vmem>> -> memref<64x128xf32, #tpu.memory_space<vmem>>
      tpu.enqueue_dma source(%dma_start3A_942 : memref<64x128xf32, #tpu.memory_space<vmem>>) target(%dma_start3A_938 : memref<64x128xf32, #tpu.memory_space<hbm>>) target_semaphore(%dma_start3A_935 : memref<!tpu.dma_semaphore, #tpu.memory_space<semaphore_mem>>)
      %add3A_943 = arith.constant 4 : i32
      %add3A_944 = arith.addi %add3A_828, %add3A_943 : i32
      %lt3A_945 = arith.constant 200 : i32
      %lt3A_946 = arith.cmpi slt, %add3A_944, %lt3A_945 : i32
      %convert_element_type3A_947 = arith.extui %lt3A_946 : i1 to i32
      %cond3A_948 = arith.constant 0 : i32
      %cond3A_949 = arith.cmpi ne, %convert_element_type3A_947, %cond3A_948 : i32
      scf.if %cond3A_949 {
        %get3A_1073 = arith.index_cast %add3A_944 : i32 to index
        %get3A_1074 = arith.constant 0 : index
        %get3A_1075 = tpu.vector_load %arg5[%get3A_1073, %get3A_1074] {strides = array<i32>} : memref<200x128xi32, #tpu.memory_space<vmem>>, vector<16xi32>,
        %shift_right_arithmetic3A_1076 = arith.constant 1 : i32
        %shift_right_arithmetic3A_1077 = vector.broadcast %shift_right_arithmetic3A_1076 : i32 to vector<16xi32>
        %shift_right_arithmetic3A_1078 = arith.shrsi %get3A_1075, %shift_right_arithmetic3A_1077 : vector<16xi32>
        %swap3A_1079 = arith.constant 2 : i32
        %swap3A_1080 = arith.constant 0 : i32
        %swap3A_1081 = arith.index_cast %swap3A_1079 : i32 to index
        %swap3A_1082 = arith.index_cast %swap3A_1080 : i32 to index
        %swap3A_1083 = arith.constant 0 : index
        %swap3A_1084 = tpu.vector_load %arg6[%swap3A_1081, %swap3A_1082, %swap3A_1083] {strides = array<i32>} : memref<4x1x128xi32, #tpu.memory_space<vmem>>, vector<16xi32>,
        tpu.vector_store %arg6[%swap3A_1081, %swap3A_1082, %swap3A_1083], %shift_right_arithmetic3A_1078 {strides = array<i32>} : memref<4x1x128xi32, #tpu.memory_space<vmem>>, vector<16xi32>,
        %get3A_1085 = arith.index_cast %add3A_944 : i32 to index
        %get3A_1086 = arith.constant 16 : index
        %get3A_1087 = tpu.vector_load %arg5[%get3A_1085, %get3A_1086] {strides = array<i32>} : memref<200x128xi32, #tpu.memory_space<vmem>>, vector<16xi32>,
        %shift_right_arithmetic3A_1088 = arith.constant 1 : i32
        %shift_right_arithmetic3A_1089 = vector.broadcast %shift_right_arithmetic3A_1088 : i32 to vector<16xi32>
        %shift_right_arithmetic3A_1090 = arith.shrsi %get3A_1087, %shift_right_arithmetic3A_1089 : vector<16xi32>
        %swap3A_1091 = arith.constant 2 : i32
        %swap3A_1092 = arith.constant 0 : i32
        %swap3A_1093 = arith.index_cast %swap3A_1091 : i32 to index
        %swap3A_1094 = arith.index_cast %swap3A_1092 : i32 to index
        %swap3A_1095 = arith.constant 16 : index
        %swap3A_1096 = tpu.vector_load %arg6[%swap3A_1093, %swap3A_1094, %swap3A_1095] {strides = array<i32>} : memref<4x1x128xi32, #tpu.memory_space<vmem>>, vector<16xi32>,
        tpu.vector_store %arg6[%swap3A_1093, %swap3A_1094, %swap3A_1095], %shift_right_arithmetic3A_1090 {strides = array<i32>} : memref<4x1x128xi32, #tpu.memory_space<vmem>>, vector<16xi32>,
        %get3A_1097 = arith.index_cast %add3A_944 : i32 to index
        %get3A_1098 = arith.constant 32 : index
        %get3A_1099 = tpu.vector_load %arg5[%get3A_1097, %get3A_1098] {strides = array<i32>} : memref<200x128xi32, #tpu.memory_space<vmem>>, vector<16xi32>,
        %shift_right_arithmetic3A_1100 = arith.constant 1 : i32
        %shift_right_arithmetic3A_1101 = vector.broadcast %shift_right_arithmetic3A_1100 : i32 to vector<16xi32>
        %shift_right_arithmetic3A_1102 = arith.shrsi %get3A_1099, %shift_right_arithmetic3A_1101 : vector<16xi32>
        %swap3A_1103 = arith.constant 2 : i32
        %swap3A_1104 = arith.constant 0 : i32
        %swap3A_1105 = arith.index_cast %swap3A_1103 : i32 to index
        %swap3A_1106 = arith.index_cast %swap3A_1104 : i32 to index
        %swap3A_1107 = arith.constant 32 : index
        %swap3A_1108 = tpu.vector_load %arg6[%swap3A_1105, %swap3A_1106, %swap3A_1107] {strides = array<i32>} : memref<4x1x128xi32, #tpu.memory_space<vmem>>, vector<16xi32>,
        tpu.vector_store %arg6[%swap3A_1105, %swap3A_1106, %swap3A_1107], %shift_right_arithmetic3A_1102 {strides = array<i32>} : memref<4x1x128xi32, #tpu.memory_space<vmem>>, vector<16xi32>,
        %get3A_1109 = arith.index_cast %add3A_944 : i32 to index
        %get3A_1110 = arith.constant 48 : index
        %get3A_1111 = tpu.vector_load %arg5[%get3A_1109, %get3A_1110] {strides = array<i32>} : memref<200x128xi32, #tpu.memory_space<vmem>>, vector<16xi32>,
        %shift_right_arithmetic3A_1112 = arith.constant 1 : i32
        %shift_right_arithmetic3A_1113 = vector.broadcast %shift_right_arithmetic3A_1112 : i32 to vector<16xi32>
        %shift_right_arithmetic3A_1114 = arith.shrsi %get3A_1111, %shift_right_arithmetic3A_1113 : vector<16xi32>
        %swap3A_1115 = arith.constant 2 : i32
        %swap3A_1116 = arith.constant 0 : i32
        %swap3A_1117 = arith.index_cast %swap3A_1115 : i32 to index
        %swap3A_1118 = arith.index_cast %swap3A_1116 : i32 to index
        %swap3A_1119 = arith.constant 48 : index
        %swap3A_1120 = tpu.vector_load %arg6[%swap3A_1117, %swap3A_1118, %swap3A_1119] {strides = array<i32>} : memref<4x1x128xi32, #tpu.memory_space<vmem>>, vector<16xi32>,
        tpu.vector_store %arg6[%swap3A_1117, %swap3A_1118, %swap3A_1119], %shift_right_arithmetic3A_1114 {strides = array<i32>} : memref<4x1x128xi32, #tpu.memory_space<vmem>>, vector<16xi32>,
        %get3A_1121 = arith.index_cast %add3A_944 : i32 to index
        %get3A_1122 = arith.constant 64 : index
        %get3A_1123 = tpu.vector_load %arg5[%get3A_1121, %get3A_1122] {strides = array<i32>} : memref<200x128xi32, #tpu.memory_space<vmem>>, vector<16xi32>,
        %shift_right_arithmetic3A_1124 = arith.constant 1 : i32
        %shift_right_arithmetic3A_1125 = vector.broadcast %shift_right_arithmetic3A_1124 : i32 to vector<16xi32>
        %shift_right_arithmetic3A_1126 = arith.shrsi %get3A_1123, %shift_right_arithmetic3A_1125 : vector<16xi32>
        %swap3A_1127 = arith.constant 2 : i32
        %swap3A_1128 = arith.constant 0 : i32
        %swap3A_1129 = arith.index_cast %swap3A_1127 : i32 to index
        %swap3A_1130 = arith.index_cast %swap3A_1128 : i32 to index
        %swap3A_1131 = arith.constant 64 : index
        %swap3A_1132 = tpu.vector_load %arg6[%swap3A_1129, %swap3A_1130, %swap3A_1131] {strides = array<i32>} : memref<4x1x128xi32, #tpu.memory_space<vmem>>, vector<16xi32>,
        tpu.vector_store %arg6[%swap3A_1129, %swap3A_1130, %swap3A_1131], %shift_right_arithmetic3A_1126 {strides = array<i32>} : memref<4x1x128xi32, #tpu.memory_space<vmem>>, vector<16xi32>,
        %get3A_1133 = arith.index_cast %add3A_944 : i32 to index
        %get3A_1134 = arith.constant 80 : index
        %get3A_1135 = tpu.vector_load %arg5[%get3A_1133, %get3A_1134] {strides = array<i32>} : memref<200x128xi32, #tpu.memory_space<vmem>>, vector<16xi32>,
        %shift_right_arithmetic3A_1136 = arith.constant 1 : i32
        %shift_right_arithmetic3A_1137 = vector.broadcast %shift_right_arithmetic3A_1136 : i32 to vector<16xi32>
        %shift_right_arithmetic3A_1138 = arith.shrsi %get3A_1135, %shift_right_arithmetic3A_1137 : vector<16xi32>
        %swap3A_1139 = arith.constant 2 : i32
        %swap3A_1140 = arith.constant 0 : i32
        %swap3A_1141 = arith.index_cast %swap3A_1139 : i32 to index
        %swap3A_1142 = arith.index_cast %swap3A_1140 : i32 to index
        %swap3A_1143 = arith.constant 80 : index
        %swap3A_1144 = tpu.vector_load %arg6[%swap3A_1141, %swap3A_1142, %swap3A_1143] {strides = array<i32>} : memref<4x1x128xi32, #tpu.memory_space<vmem>>, vector<16xi32>,
        tpu.vector_store %arg6[%swap3A_1141, %swap3A_1142, %swap3A_1143], %shift_right_arithmetic3A_1138 {strides = array<i32>} : memref<4x1x128xi32, #tpu.memory_space<vmem>>, vector<16xi32>,
        %get3A_1145 = arith.index_cast %add3A_944 : i32 to index
        %get3A_1146 = arith.constant 96 : index
        %get3A_1147 = tpu.vector_load %arg5[%get3A_1145, %get3A_1146] {strides = array<i32>} : memref<200x128xi32, #tpu.memory_space<vmem>>, vector<16xi32>,
        %shift_right_arithmetic3A_1148 = arith.constant 1 : i32
        %shift_right_arithmetic3A_1149 = vector.broadcast %shift_right_arithmetic3A_1148 : i32 to vector<16xi32>
        %shift_right_arithmetic3A_1150 = arith.shrsi %get3A_1147, %shift_right_arithmetic3A_1149 : vector<16xi32>
        %swap3A_1151 = arith.constant 2 : i32
        %swap3A_1152 = arith.constant 0 : i32
        %swap3A_1153 = arith.index_cast %swap3A_1151 : i32 to index
        %swap3A_1154 = arith.index_cast %swap3A_1152 : i32 to index
        %swap3A_1155 = arith.constant 96 : index
        %swap3A_1156 = tpu.vector_load %arg6[%swap3A_1153, %swap3A_1154, %swap3A_1155] {strides = array<i32>} : memref<4x1x128xi32, #tpu.memory_space<vmem>>, vector<16xi32>,
        tpu.vector_store %arg6[%swap3A_1153, %swap3A_1154, %swap3A_1155], %shift_right_arithmetic3A_1150 {strides = array<i32>} : memref<4x1x128xi32, #tpu.memory_space<vmem>>, vector<16xi32>,
        %get3A_1157 = arith.index_cast %add3A_944 : i32 to index
        %get3A_1158 = arith.constant 112 : index
        %get3A_1159 = tpu.vector_load %arg5[%get3A_1157, %get3A_1158] {strides = array<i32>} : memref<200x128xi32, #tpu.memory_space<vmem>>, vector<16xi32>,
        %shift_right_arithmetic3A_1160 = arith.constant 1 : i32
        %shift_right_arithmetic3A_1161 = vector.broadcast %shift_right_arithmetic3A_1160 : i32 to vector<16xi32>
        %shift_right_arithmetic3A_1162 = arith.shrsi %get3A_1159, %shift_right_arithmetic3A_1161 : vector<16xi32>
        %swap3A_1163 = arith.constant 2 : i32
        %swap3A_1164 = arith.constant 0 : i32
        %swap3A_1165 = arith.index_cast %swap3A_1163 : i32 to index
        %swap3A_1166 = arith.index_cast %swap3A_1164 : i32 to index
        %swap3A_1167 = arith.constant 112 : index
        %swap3A_1168 = tpu.vector_load %arg6[%swap3A_1165, %swap3A_1166, %swap3A_1167] {strides = array<i32>} : memref<4x1x128xi32, #tpu.memory_space<vmem>>, vector<16xi32>,
        tpu.vector_store %arg6[%swap3A_1165, %swap3A_1166, %swap3A_1167], %shift_right_arithmetic3A_1162 {strides = array<i32>} : memref<4x1x128xi32, #tpu.memory_space<vmem>>, vector<16xi32>,
        %dma_start3A_1169 = arith.constant 2 : i32
        %dma_start3A_1170 = arith.constant 0 : i32
        %dma_start3A_1171 = arith.constant 2 : i32
        %dma_start3A_1172 = arith.constant 2 : i32
        %dma_start3A_1173 = arith.constant 0 : i32
        %dma_start3A_1174 = arith.constant 0 : i32
        %dma_start3A_1175 = tpu.memref_slice %arg7[%dma_start3A_1171, %dma_start3A_1173, %dma_start3A_1174] : memref<4x128x128xf32, #tpu.memory_space<vmem>> -> memref<1x128x128xf32, #tpu.memory_space<vmem>>
        %dma_start3A_1176 = tpu.memref_squeeze %dma_start3A_1175 : memref<1x128x128xf32, #tpu.memory_space<vmem>> -> memref<128x128xf32, #tpu.memory_space<vmem>>
        %dma_start3A_1177 = arith.constant 0 : i32
        %dma_start3A_1178 = tpu.memref_slice %arg6[%dma_start3A_1169, %dma_start3A_1170, %dma_start3A_1177] : memref<4x1x128xi32, #tpu.memory_space<vmem>> -> memref<1x1x128xi32, #tpu.memory_space<vmem>>
        %dma_start3A_1179 = tpu.memref_squeeze %dma_start3A_1178 : memref<1x1x128xi32, #tpu.memory_space<vmem>> -> memref<128xi32, #tpu.memory_space<vmem>>
        %dma_start3A_1180 = arith.constant 0 : i32
        %dma_start3A_1181 = arith.constant 0 : i32
        %dma_start3A_1182 = tpu.memref_slice %arg3[%dma_start3A_1180, %dma_start3A_1181] : memref<500000x128xf32, #tpu.memory_space<hbm>> -> memref<500000x128xf32, #tpu.memory_space<hbm>>
        %dma_start3A_1183 = tpu.memref_slice %arg9[%dma_start3A_1172] : memref<4x!tpu.dma_semaphore, #tpu.memory_space<semaphore_mem>> -> memref<1x!tpu.dma_semaphore, #tpu.memory_space<semaphore_mem>>
        %dma_start3A_1184 = tpu.memref_squeeze %dma_start3A_1183 : memref<1x!tpu.dma_semaphore, #tpu.memory_space<semaphore_mem>> -> memref<!tpu.dma_semaphore, #tpu.memory_space<semaphore_mem>>
        tpu.enqueue_indirect_dma source(%dma_start3A_1182 : memref<500000x128xf32, #tpu.memory_space<hbm>>) target(%dma_start3A_1176 : memref<128x128xf32, #tpu.memory_space<vmem>>) offsets(%dma_start3A_1179 : memref<128xi32, #tpu.memory_space<vmem>>) semaphore(%dma_start3A_1184 : memref<!tpu.dma_semaphore, #tpu.memory_space<semaphore_mem>>)
      } else {
      }
      %add3A_950 = arith.constant 3 : i32
      %add3A_951 = arith.addi %add3A_586, %add3A_950 : i32
      %dma_wait3A_952 = arith.constant 3 : i32
      %dma_wait3A_953 = arith.constant 0 : i32
      %dma_wait3A_954 = arith.constant 3 : i32
      %dma_wait3A_955 = arith.constant 3 : i32
      %dma_wait3A_956 = arith.constant 0 : i32
      %dma_wait3A_957 = arith.constant 0 : i32
      %dma_wait3A_958 = tpu.memref_slice %arg7[%dma_wait3A_954, %dma_wait3A_956, %dma_wait3A_957] : memref<4x128x128xf32, #tpu.memory_space<vmem>> -> memref<1x128x128xf32, #tpu.memory_space<vmem>>
      %dma_wait3A_959 = tpu.memref_squeeze %dma_wait3A_958 : memref<1x128x128xf32, #tpu.memory_space<vmem>> -> memref<128x128xf32, #tpu.memory_space<vmem>>
      %dma_wait3A_960 = arith.constant 0 : i32
      %dma_wait3A_961 = tpu.memref_slice %arg6[%dma_wait3A_952, %dma_wait3A_953, %dma_wait3A_960] : memref<4x1x128xi32, #tpu.memory_space<vmem>> -> memref<1x1x128xi32, #tpu.memory_space<vmem>>
      %dma_wait3A_962 = tpu.memref_squeeze %dma_wait3A_961 : memref<1x1x128xi32, #tpu.memory_space<vmem>> -> memref<128xi32, #tpu.memory_space<vmem>>
      %dma_wait3A_963 = arith.constant 0 : i32
      %dma_wait3A_964 = arith.constant 0 : i32
      %dma_wait3A_965 = tpu.memref_slice %arg3[%dma_wait3A_963, %dma_wait3A_964] : memref<500000x128xf32, #tpu.memory_space<hbm>> -> memref<500000x128xf32, #tpu.memory_space<hbm>>
      %dma_wait3A_966 = tpu.memref_slice %arg9[%dma_wait3A_955] : memref<4x!tpu.dma_semaphore, #tpu.memory_space<semaphore_mem>> -> memref<1x!tpu.dma_semaphore, #tpu.memory_space<semaphore_mem>>
      %dma_wait3A_967 = tpu.memref_squeeze %dma_wait3A_966 : memref<1x!tpu.dma_semaphore, #tpu.memory_space<semaphore_mem>> -> memref<!tpu.dma_semaphore, #tpu.memory_space<semaphore_mem>>
      tpu.wait_indirect_dma semaphore(%dma_wait3A_967 : memref<!tpu.dma_semaphore, #tpu.memory_space<semaphore_mem>>) src(%dma_wait3A_965 : memref<500000x128xf32, #tpu.memory_space<hbm>>) dst(%dma_wait3A_959 : memref<128x128xf32, #tpu.memory_space<vmem>>)
      %get3A_968 = arith.index_cast %add3A_951 : i32 to index
      %get3A_969 = arith.constant 0 : index
      %get3A_970 = tpu.vector_load %arg5[%get3A_968, %get3A_969] {strides = array<i32>} : memref<200x128xi32, #tpu.memory_space<vmem>>, vector<16xi32>,
      %and3A_971 = arith.constant 1 : i32
      %and3A_972 = vector.broadcast %and3A_971 : i32 to vector<16xi32>
      %and3A_973 = arith.andi %get3A_970, %and3A_972 : vector<16xi32>
      %mul3A_974 = arith.constant 64 : i32
      %mul3A_975 = vector.broadcast %mul3A_974 : i32 to vector<16xi32>
      %mul3A_976 = arith.muli %and3A_973, %mul3A_975 : vector<16xi32>
      %get3A_977 = arith.index_cast %add3A_951 : i32 to index
      %get3A_978 = arith.constant 16 : index
      %get3A_979 = tpu.vector_load %arg5[%get3A_977, %get3A_978] {strides = array<i32>} : memref<200x128xi32, #tpu.memory_space<vmem>>, vector<16xi32>,
      %and3A_980 = arith.constant 1 : i32
      %and3A_981 = vector.broadcast %and3A_980 : i32 to vector<16xi32>
      %and3A_982 = arith.andi %get3A_979, %and3A_981 : vector<16xi32>
      %mul3A_983 = arith.constant 64 : i32
      %mul3A_984 = vector.broadcast %mul3A_983 : i32 to vector<16xi32>
      %mul3A_985 = arith.muli %and3A_982, %mul3A_984 : vector<16xi32>
      %get3A_986 = arith.index_cast %add3A_951 : i32 to index
      %get3A_987 = arith.constant 32 : index
      %get3A_988 = tpu.vector_load %arg5[%get3A_986, %get3A_987] {strides = array<i32>} : memref<200x128xi32, #tpu.memory_space<vmem>>, vector<16xi32>,
      %and3A_989 = arith.constant 1 : i32
      %and3A_990 = vector.broadcast %and3A_989 : i32 to vector<16xi32>
      %and3A_991 = arith.andi %get3A_988, %and3A_990 : vector<16xi32>
      %mul3A_992 = arith.constant 64 : i32
      %mul3A_993 = vector.broadcast %mul3A_992 : i32 to vector<16xi32>
      %mul3A_994 = arith.muli %and3A_991, %mul3A_993 : vector<16xi32>
      %get3A_995 = arith.index_cast %add3A_951 : i32 to index
      %get3A_996 = arith.constant 48 : index
      %get3A_997 = tpu.vector_load %arg5[%get3A_995, %get3A_996] {strides = array<i32>} : memref<200x128xi32, #tpu.memory_space<vmem>>, vector<16xi32>,
      %and3A_998 = arith.constant 1 : i32
      %and3A_999 = vector.broadcast %and3A_998 : i32 to vector<16xi32>
      %and3A_1000 = arith.andi %get3A_997, %and3A_999 : vector<16xi32>
      %mul3A_1001 = arith.constant 64 : i32
      %mul3A_1002 = vector.broadcast %mul3A_1001 : i32 to vector<16xi32>
      %mul3A_1003 = arith.muli %and3A_1000, %mul3A_1002 : vector<16xi32>
      %get3A_1004 = arith.index_cast %add3A_951 : i32 to index
      %get3A_1005 = arith.constant 64 : index
      %get3A_1006 = tpu.vector_load %arg5[%get3A_1004, %get3A_1005] {strides = array<i32>} : memref<200x128xi32, #tpu.memory_space<vmem>>, vector<16xi32>,
      %and3A_1007 = arith.constant 1 : i32
      %and3A_1008 = vector.broadcast %and3A_1007 : i32 to vector<16xi32>
      %and3A_1009 = arith.andi %get3A_1006, %and3A_1008 : vector<16xi32>
      %mul3A_1010 = arith.constant 64 : i32
      %mul3A_1011 = vector.broadcast %mul3A_1010 : i32 to vector<16xi32>
      %mul3A_1012 = arith.muli %and3A_1009, %mul3A_1011 : vector<16xi32>
      %get3A_1013 = arith.index_cast %add3A_951 : i32 to index
      %get3A_1014 = arith.constant 80 : index
      %get3A_1015 = tpu.vector_load %arg5[%get3A_1013, %get3A_1014] {strides = array<i32>} : memref<200x128xi32, #tpu.memory_space<vmem>>, vector<16xi32>,
      %and3A_1016 = arith.constant 1 : i32
      %and3A_1017 = vector.broadcast %and3A_1016 : i32 to vector<16xi32>
      %and3A_1018 = arith.andi %get3A_1015, %and3A_1017 : vector<16xi32>
      %mul3A_1019 = arith.constant 64 : i32
      %mul3A_1020 = vector.broadcast %mul3A_1019 : i32 to vector<16xi32>
      %mul3A_1021 = arith.muli %and3A_1018, %mul3A_1020 : vector<16xi32>
      %get3A_1022 = arith.index_cast %add3A_951 : i32 to index
      %get3A_1023 = arith.constant 96 : index
      %get3A_1024 = tpu.vector_load %arg5[%get3A_1022, %get3A_1023] {strides = array<i32>} : memref<200x128xi32, #tpu.memory_space<vmem>>, vector<16xi32>,
      %and3A_1025 = arith.constant 1 : i32
      %and3A_1026 = vector.broadcast %and3A_1025 : i32 to vector<16xi32>
      %and3A_1027 = arith.andi %get3A_1024, %and3A_1026 : vector<16xi32>
      %mul3A_1028 = arith.constant 64 : i32
      %mul3A_1029 = vector.broadcast %mul3A_1028 : i32 to vector<16xi32>
      %mul3A_1030 = arith.muli %and3A_1027, %mul3A_1029 : vector<16xi32>
      %get3A_1031 = arith.index_cast %add3A_951 : i32 to index
      %get3A_1032 = arith.constant 112 : index
      %get3A_1033 = tpu.vector_load %arg5[%get3A_1031, %get3A_1032] {strides = array<i32>} : memref<200x128xi32, #tpu.memory_space<vmem>>, vector<16xi32>,
      %and3A_1034 = arith.constant 1 : i32
      %and3A_1035 = vector.broadcast %and3A_1034 : i32 to vector<16xi32>
      %and3A_1036 = arith.andi %get3A_1033, %and3A_1035 : vector<16xi32>
      %mul3A_1037 = arith.constant 64 : i32
      %mul3A_1038 = vector.broadcast %mul3A_1037 : i32 to vector<16xi32>
      %mul3A_1039 = arith.muli %and3A_1036, %mul3A_1038 : vector<16xi32>
      %gt3A_1040 = arith.constant 0 : i32
      %gt3A_1041 = arith.cmpi sgt, %add3A_586, %gt3A_1040 : i32
      %convert_element_type3A_1042 = arith.extui %gt3A_1041 : i1 to i32
      %cond3A_1043 = arith.constant 0 : i32
      %cond3A_1044 = arith.cmpi ne, %convert_element_type3A_1042, %cond3A_1043 : i32
      scf.if %cond3A_1044 {
        %sub3A = arith.constant 4 : i32
        %sub3A_1073 = arith.subi %add3A_951, %sub3A : i32
        %dma_wait3A_1074 = arith.constant 3 : i32
        %dma_wait3A_1075 = arith.constant 3 : i32
        %dma_wait3A_1076 = arith.constant 0 : i32
        %dma_wait3A_1077 = arith.constant 0 : i32
        %dma_wait3A_1078 = tpu.memref_slice %arg8[%dma_wait3A_1074, %dma_wait3A_1076, %dma_wait3A_1077] : memref<4x64x128xf32, #tpu.memory_space<vmem>> -> memref<1x64x128xf32, #tpu.memory_space<vmem>>
        %dma_wait3A_1079 = tpu.memref_squeeze %dma_wait3A_1078 : memref<1x64x128xf32, #tpu.memory_space<vmem>> -> memref<64x128xf32, #tpu.memory_space<vmem>>
        %dma_wait3A_1080 = arith.constant 0 : i32
        %dma_wait3A_1081 = tpu.memref_slice %arg4[%sub3A_1073, %dma_wait3A_1080, %mul3A_2] : memref<200x64x4096xf32, #tpu.memory_space<hbm>> -> memref<1x64x128xf32, #tpu.memory_space<hbm>>
        %dma_wait3A_1082 = tpu.memref_squeeze %dma_wait3A_1081 : memref<1x64x128xf32, #tpu.memory_space<hbm>> -> memref<64x128xf32, #tpu.memory_space<hbm>>
        %dma_wait3A_1083 = tpu.memref_slice %arg10[%dma_wait3A_1075] : memref<4x!tpu.dma_semaphore, #tpu.memory_space<semaphore_mem>> -> memref<1x!tpu.dma_semaphore, #tpu.memory_space<semaphore_mem>>
        %dma_wait3A_1084 = tpu.memref_squeeze %dma_wait3A_1083 : memref<1x!tpu.dma_semaphore, #tpu.memory_space<semaphore_mem>> -> memref<!tpu.dma_semaphore, #tpu.memory_space<semaphore_mem>>
        %dma_wait3A_1085 = arith.constant 0 : i32
        %dma_wait3A_1086 = tpu.memref_slice %arg4[%sub3A_1073, %dma_wait3A_1085, %mul3A_2] : memref<200x64x4096xf32, #tpu.memory_space<hbm>> -> memref<1x64x128xf32, #tpu.memory_space<hbm>>
        %dma_wait3A_1087 = tpu.memref_squeeze %dma_wait3A_1086 : memref<1x64x128xf32, #tpu.memory_space<hbm>> -> memref<64x128xf32, #tpu.memory_space<hbm>>
        %dma_wait3A_1088 = arith.constant 0 : i32
        %dma_wait3A_1089 = arith.constant 0 : i32
        %dma_wait3A_1090 = tpu.memref_slice %arg8[%dma_wait3A_1074, %dma_wait3A_1088, %dma_wait3A_1089] : memref<4x64x128xf32, #tpu.memory_space<vmem>> -> memref<1x64x128xf32, #tpu.memory_space<vmem>>
        %dma_wait3A_1091 = tpu.memref_squeeze %dma_wait3A_1090 : memref<1x64x128xf32, #tpu.memory_space<vmem>> -> memref<64x128xf32, #tpu.memory_space<vmem>>
        tpu.wait_dma2 semaphore(%dma_wait3A_1084 : memref<!tpu.dma_semaphore, #tpu.memory_space<semaphore_mem>>) src(%dma_wait3A_1091 : memref<64x128xf32, #tpu.memory_space<vmem>>) dst(%dma_wait3A_1087 : memref<64x128xf32, #tpu.memory_space<hbm>>)
      } else {
      }
      %parallel_loop3A_1045 = arith.constant 0 : i32
      %parallel_loop3A_1046 = arith.constant 64 : i32
      %parallel_loop3A_1047 = arith.constant 1 : i32
      scf.for %parallel_loop3A_1073 = %parallel_loop3A_1045 to %parallel_loop3A_1046 step %parallel_loop3A_1047  : i32 {
        %parallel_loop3A_1074 = vector.broadcast %parallel_loop3A_1073 : i32 to vector<16xi32>
        %parallel_loop3A_1075 = arith.addi %mul3A_976, %parallel_loop3A_1074 : vector<16xi32>
        %parallel_loop3A_1076 = arith.constant 3 : i32
        %parallel_loop3A_1077 = arith.constant 0 : i32
        %parallel_loop3A_1078 = arith.constant 0 : i32
        %parallel_loop3A_1079 = tpu.memref_slice %arg7[%parallel_loop3A_1076, %parallel_loop3A_1077, %parallel_loop3A_1078] : memref<4x128x128xf32, #tpu.memory_space<vmem>> -> memref<1x128x128xf32, #tpu.memory_space<vmem>>
        %parallel_loop3A_1080 = tpu.memref_squeeze %parallel_loop3A_1079 : memref<1x128x128xf32, #tpu.memory_space<vmem>> -> memref<128x128xf32, #tpu.memory_space<vmem>>
        %parallel_loop3A_1081 = tpu.vector_load_idx %parallel_loop3A_1080[%add3A_481, %parallel_loop3A_1075] : memref<128x128xf32, #tpu.memory_space<vmem>>[vector<16xi32>, vector<16xi32>], vector<16xf32>,
        %parallel_loop3A_1082 = arith.constant 8.000000e+00 : f32
        %parallel_loop3A_1083 = vector.broadcast %parallel_loop3A_1082 : f32 to vector<16xf32>
        %parallel_loop3A_1084 = arith.mulf %parallel_loop3A_1081, %parallel_loop3A_1083 : vector<16xf32>
        %parallel_loop3A_1085 = arith.constant 3 : i32
        %parallel_loop3A_1086 = arith.index_cast %parallel_loop3A_1085 : i32 to index
        %parallel_loop3A_1087 = arith.index_cast %parallel_loop3A_1073 : i32 to index
        %parallel_loop3A_1088 = arith.constant 0 : index
        %parallel_loop3A_1089 = tpu.vector_load %arg8[%parallel_loop3A_1086, %parallel_loop3A_1087, %parallel_loop3A_1088] {strides = array<i32>} : memref<4x64x128xf32, #tpu.memory_space<vmem>>, vector<16xf32>,
        tpu.vector_store %arg8[%parallel_loop3A_1086, %parallel_loop3A_1087, %parallel_loop3A_1088], %parallel_loop3A_1084 {strides = array<i32>} : memref<4x64x128xf32, #tpu.memory_space<vmem>>, vector<16xf32>,
        %parallel_loop3A_1090 = vector.broadcast %parallel_loop3A_1073 : i32 to vector<16xi32>
        %parallel_loop3A_1091 = arith.addi %mul3A_985, %parallel_loop3A_1090 : vector<16xi32>
        %parallel_loop3A_1092 = arith.constant 3 : i32
        %parallel_loop3A_1093 = arith.constant 0 : i32
        %parallel_loop3A_1094 = arith.constant 0 : i32
        %parallel_loop3A_1095 = tpu.memref_slice %arg7[%parallel_loop3A_1092, %parallel_loop3A_1093, %parallel_loop3A_1094] : memref<4x128x128xf32, #tpu.memory_space<vmem>> -> memref<1x128x128xf32, #tpu.memory_space<vmem>>
        %parallel_loop3A_1096 = tpu.memref_squeeze %parallel_loop3A_1095 : memref<1x128x128xf32, #tpu.memory_space<vmem>> -> memref<128x128xf32, #tpu.memory_space<vmem>>
        %parallel_loop3A_1097 = tpu.vector_load_idx %parallel_loop3A_1096[%add3A_484, %parallel_loop3A_1091] : memref<128x128xf32, #tpu.memory_space<vmem>>[vector<16xi32>, vector<16xi32>], vector<16xf32>,
        %parallel_loop3A_1098 = arith.constant 8.000000e+00 : f32
        %parallel_loop3A_1099 = vector.broadcast %parallel_loop3A_1098 : f32 to vector<16xf32>
        %parallel_loop3A_1100 = arith.mulf %parallel_loop3A_1097, %parallel_loop3A_1099 : vector<16xf32>
        %parallel_loop3A_1101 = arith.constant 3 : i32
        %parallel_loop3A_1102 = arith.index_cast %parallel_loop3A_1101 : i32 to index
        %parallel_loop3A_1103 = arith.index_cast %parallel_loop3A_1073 : i32 to index
        %parallel_loop3A_1104 = arith.constant 16 : index
        %parallel_loop3A_1105 = tpu.vector_load %arg8[%parallel_loop3A_1102, %parallel_loop3A_1103, %parallel_loop3A_1104] {strides = array<i32>} : memref<4x64x128xf32, #tpu.memory_space<vmem>>, vector<16xf32>,
        tpu.vector_store %arg8[%parallel_loop3A_1102, %parallel_loop3A_1103, %parallel_loop3A_1104], %parallel_loop3A_1100 {strides = array<i32>} : memref<4x64x128xf32, #tpu.memory_space<vmem>>, vector<16xf32>,
        %parallel_loop3A_1106 = vector.broadcast %parallel_loop3A_1073 : i32 to vector<16xi32>
        %parallel_loop3A_1107 = arith.addi %mul3A_994, %parallel_loop3A_1106 : vector<16xi32>
        %parallel_loop3A_1108 = arith.constant 3 : i32
        %parallel_loop3A_1109 = arith.constant 0 : i32
        %parallel_loop3A_1110 = arith.constant 0 : i32
        %parallel_loop3A_1111 = tpu.memref_slice %arg7[%parallel_loop3A_1108, %parallel_loop3A_1109, %parallel_loop3A_1110] : memref<4x128x128xf32, #tpu.memory_space<vmem>> -> memref<1x128x128xf32, #tpu.memory_space<vmem>>
        %parallel_loop3A_1112 = tpu.memref_squeeze %parallel_loop3A_1111 : memref<1x128x128xf32, #tpu.memory_space<vmem>> -> memref<128x128xf32, #tpu.memory_space<vmem>>
        %parallel_loop3A_1113 = tpu.vector_load_idx %parallel_loop3A_1112[%add3A_487, %parallel_loop3A_1107] : memref<128x128xf32, #tpu.memory_space<vmem>>[vector<16xi32>, vector<16xi32>], vector<16xf32>,
        %parallel_loop3A_1114 = arith.constant 8.000000e+00 : f32
        %parallel_loop3A_1115 = vector.broadcast %parallel_loop3A_1114 : f32 to vector<16xf32>
        %parallel_loop3A_1116 = arith.mulf %parallel_loop3A_1113, %parallel_loop3A_1115 : vector<16xf32>
        %parallel_loop3A_1117 = arith.constant 3 : i32
        %parallel_loop3A_1118 = arith.index_cast %parallel_loop3A_1117 : i32 to index
        %parallel_loop3A_1119 = arith.index_cast %parallel_loop3A_1073 : i32 to index
        %parallel_loop3A_1120 = arith.constant 32 : index
        %parallel_loop3A_1121 = tpu.vector_load %arg8[%parallel_loop3A_1118, %parallel_loop3A_1119, %parallel_loop3A_1120] {strides = array<i32>} : memref<4x64x128xf32, #tpu.memory_space<vmem>>, vector<16xf32>,
        tpu.vector_store %arg8[%parallel_loop3A_1118, %parallel_loop3A_1119, %parallel_loop3A_1120], %parallel_loop3A_1116 {strides = array<i32>} : memref<4x64x128xf32, #tpu.memory_space<vmem>>, vector<16xf32>,
        %parallel_loop3A_1122 = vector.broadcast %parallel_loop3A_1073 : i32 to vector<16xi32>
        %parallel_loop3A_1123 = arith.addi %mul3A_1003, %parallel_loop3A_1122 : vector<16xi32>
        %parallel_loop3A_1124 = arith.constant 3 : i32
        %parallel_loop3A_1125 = arith.constant 0 : i32
        %parallel_loop3A_1126 = arith.constant 0 : i32
        %parallel_loop3A_1127 = tpu.memref_slice %arg7[%parallel_loop3A_1124, %parallel_loop3A_1125, %parallel_loop3A_1126] : memref<4x128x128xf32, #tpu.memory_space<vmem>> -> memref<1x128x128xf32, #tpu.memory_space<vmem>>
        %parallel_loop3A_1128 = tpu.memref_squeeze %parallel_loop3A_1127 : memref<1x128x128xf32, #tpu.memory_space<vmem>> -> memref<128x128xf32, #tpu.memory_space<vmem>>
        %parallel_loop3A_1129 = tpu.vector_load_idx %parallel_loop3A_1128[%add3A_490, %parallel_loop3A_1123] : memref<128x128xf32, #tpu.memory_space<vmem>>[vector<16xi32>, vector<16xi32>], vector<16xf32>,
        %parallel_loop3A_1130 = arith.constant 8.000000e+00 : f32
        %parallel_loop3A_1131 = vector.broadcast %parallel_loop3A_1130 : f32 to vector<16xf32>
        %parallel_loop3A_1132 = arith.mulf %parallel_loop3A_1129, %parallel_loop3A_1131 : vector<16xf32>
        %parallel_loop3A_1133 = arith.constant 3 : i32
        %parallel_loop3A_1134 = arith.index_cast %parallel_loop3A_1133 : i32 to index
        %parallel_loop3A_1135 = arith.index_cast %parallel_loop3A_1073 : i32 to index
        %parallel_loop3A_1136 = arith.constant 48 : index
        %parallel_loop3A_1137 = tpu.vector_load %arg8[%parallel_loop3A_1134, %parallel_loop3A_1135, %parallel_loop3A_1136] {strides = array<i32>} : memref<4x64x128xf32, #tpu.memory_space<vmem>>, vector<16xf32>,
        tpu.vector_store %arg8[%parallel_loop3A_1134, %parallel_loop3A_1135, %parallel_loop3A_1136], %parallel_loop3A_1132 {strides = array<i32>} : memref<4x64x128xf32, #tpu.memory_space<vmem>>, vector<16xf32>,
        %parallel_loop3A_1138 = vector.broadcast %parallel_loop3A_1073 : i32 to vector<16xi32>
        %parallel_loop3A_1139 = arith.addi %mul3A_1012, %parallel_loop3A_1138 : vector<16xi32>
        %parallel_loop3A_1140 = arith.constant 3 : i32
        %parallel_loop3A_1141 = arith.constant 0 : i32
        %parallel_loop3A_1142 = arith.constant 0 : i32
        %parallel_loop3A_1143 = tpu.memref_slice %arg7[%parallel_loop3A_1140, %parallel_loop3A_1141, %parallel_loop3A_1142] : memref<4x128x128xf32, #tpu.memory_space<vmem>> -> memref<1x128x128xf32, #tpu.memory_space<vmem>>
        %parallel_loop3A_1144 = tpu.memref_squeeze %parallel_loop3A_1143 : memref<1x128x128xf32, #tpu.memory_space<vmem>> -> memref<128x128xf32, #tpu.memory_space<vmem>>
        %parallel_loop3A_1145 = tpu.vector_load_idx %parallel_loop3A_1144[%add3A_493, %parallel_loop3A_1139] : memref<128x128xf32, #tpu.memory_space<vmem>>[vector<16xi32>, vector<16xi32>], vector<16xf32>,
        %parallel_loop3A_1146 = arith.constant 8.000000e+00 : f32
        %parallel_loop3A_1147 = vector.broadcast %parallel_loop3A_1146 : f32 to vector<16xf32>
        %parallel_loop3A_1148 = arith.mulf %parallel_loop3A_1145, %parallel_loop3A_1147 : vector<16xf32>
        %parallel_loop3A_1149 = arith.constant 3 : i32
        %parallel_loop3A_1150 = arith.index_cast %parallel_loop3A_1149 : i32 to index
        %parallel_loop3A_1151 = arith.index_cast %parallel_loop3A_1073 : i32 to index
        %parallel_loop3A_1152 = arith.constant 64 : index
        %parallel_loop3A_1153 = tpu.vector_load %arg8[%parallel_loop3A_1150, %parallel_loop3A_1151, %parallel_loop3A_1152] {strides = array<i32>} : memref<4x64x128xf32, #tpu.memory_space<vmem>>, vector<16xf32>,
        tpu.vector_store %arg8[%parallel_loop3A_1150, %parallel_loop3A_1151, %parallel_loop3A_1152], %parallel_loop3A_1148 {strides = array<i32>} : memref<4x64x128xf32, #tpu.memory_space<vmem>>, vector<16xf32>,
        %parallel_loop3A_1154 = vector.broadcast %parallel_loop3A_1073 : i32 to vector<16xi32>
        %parallel_loop3A_1155 = arith.addi %mul3A_1021, %parallel_loop3A_1154 : vector<16xi32>
        %parallel_loop3A_1156 = arith.constant 3 : i32
        %parallel_loop3A_1157 = arith.constant 0 : i32
        %parallel_loop3A_1158 = arith.constant 0 : i32
        %parallel_loop3A_1159 = tpu.memref_slice %arg7[%parallel_loop3A_1156, %parallel_loop3A_1157, %parallel_loop3A_1158] : memref<4x128x128xf32, #tpu.memory_space<vmem>> -> memref<1x128x128xf32, #tpu.memory_space<vmem>>
        %parallel_loop3A_1160 = tpu.memref_squeeze %parallel_loop3A_1159 : memref<1x128x128xf32, #tpu.memory_space<vmem>> -> memref<128x128xf32, #tpu.memory_space<vmem>>
        %parallel_loop3A_1161 = tpu.vector_load_idx %parallel_loop3A_1160[%add3A_496, %parallel_loop3A_1155] : memref<128x128xf32, #tpu.memory_space<vmem>>[vector<16xi32>, vector<16xi32>], vector<16xf32>,
        %parallel_loop3A_1162 = arith.constant 8.000000e+00 : f32
        %parallel_loop3A_1163 = vector.broadcast %parallel_loop3A_1162 : f32 to vector<16xf32>
        %parallel_loop3A_1164 = arith.mulf %parallel_loop3A_1161, %parallel_loop3A_1163 : vector<16xf32>
        %parallel_loop3A_1165 = arith.constant 3 : i32
        %parallel_loop3A_1166 = arith.index_cast %parallel_loop3A_1165 : i32 to index
        %parallel_loop3A_1167 = arith.index_cast %parallel_loop3A_1073 : i32 to index
        %parallel_loop3A_1168 = arith.constant 80 : index
        %parallel_loop3A_1169 = tpu.vector_load %arg8[%parallel_loop3A_1166, %parallel_loop3A_1167, %parallel_loop3A_1168] {strides = array<i32>} : memref<4x64x128xf32, #tpu.memory_space<vmem>>, vector<16xf32>,
        tpu.vector_store %arg8[%parallel_loop3A_1166, %parallel_loop3A_1167, %parallel_loop3A_1168], %parallel_loop3A_1164 {strides = array<i32>} : memref<4x64x128xf32, #tpu.memory_space<vmem>>, vector<16xf32>,
        %parallel_loop3A_1170 = vector.broadcast %parallel_loop3A_1073 : i32 to vector<16xi32>
        %parallel_loop3A_1171 = arith.addi %mul3A_1030, %parallel_loop3A_1170 : vector<16xi32>
        %parallel_loop3A_1172 = arith.constant 3 : i32
        %parallel_loop3A_1173 = arith.constant 0 : i32
        %parallel_loop3A_1174 = arith.constant 0 : i32
        %parallel_loop3A_1175 = tpu.memref_slice %arg7[%parallel_loop3A_1172, %parallel_loop3A_1173, %parallel_loop3A_1174] : memref<4x128x128xf32, #tpu.memory_space<vmem>> -> memref<1x128x128xf32, #tpu.memory_space<vmem>>
        %parallel_loop3A_1176 = tpu.memref_squeeze %parallel_loop3A_1175 : memref<1x128x128xf32, #tpu.memory_space<vmem>> -> memref<128x128xf32, #tpu.memory_space<vmem>>
        %parallel_loop3A_1177 = tpu.vector_load_idx %parallel_loop3A_1176[%add3A_499, %parallel_loop3A_1171] : memref<128x128xf32, #tpu.memory_space<vmem>>[vector<16xi32>, vector<16xi32>], vector<16xf32>,
        %parallel_loop3A_1178 = arith.constant 8.000000e+00 : f32
        %parallel_loop3A_1179 = vector.broadcast %parallel_loop3A_1178 : f32 to vector<16xf32>
        %parallel_loop3A_1180 = arith.mulf %parallel_loop3A_1177, %parallel_loop3A_1179 : vector<16xf32>
        %parallel_loop3A_1181 = arith.constant 3 : i32
        %parallel_loop3A_1182 = arith.index_cast %parallel_loop3A_1181 : i32 to index
        %parallel_loop3A_1183 = arith.index_cast %parallel_loop3A_1073 : i32 to index
        %parallel_loop3A_1184 = arith.constant 96 : index
        %parallel_loop3A_1185 = tpu.vector_load %arg8[%parallel_loop3A_1182, %parallel_loop3A_1183, %parallel_loop3A_1184] {strides = array<i32>} : memref<4x64x128xf32, #tpu.memory_space<vmem>>, vector<16xf32>,
        tpu.vector_store %arg8[%parallel_loop3A_1182, %parallel_loop3A_1183, %parallel_loop3A_1184], %parallel_loop3A_1180 {strides = array<i32>} : memref<4x64x128xf32, #tpu.memory_space<vmem>>, vector<16xf32>,
        %parallel_loop3A_1186 = vector.broadcast %parallel_loop3A_1073 : i32 to vector<16xi32>
        %parallel_loop3A_1187 = arith.addi %mul3A_1039, %parallel_loop3A_1186 : vector<16xi32>
        %parallel_loop3A_1188 = arith.constant 3 : i32
        %parallel_loop3A_1189 = arith.constant 0 : i32
        %parallel_loop3A_1190 = arith.constant 0 : i32
        %parallel_loop3A_1191 = tpu.memref_slice %arg7[%parallel_loop3A_1188, %parallel_loop3A_1189, %parallel_loop3A_1190] : memref<4x128x128xf32, #tpu.memory_space<vmem>> -> memref<1x128x128xf32, #tpu.memory_space<vmem>>
        %parallel_loop3A_1192 = tpu.memref_squeeze %parallel_loop3A_1191 : memref<1x128x128xf32, #tpu.memory_space<vmem>> -> memref<128x128xf32, #tpu.memory_space<vmem>>
        %parallel_loop3A_1193 = tpu.vector_load_idx %parallel_loop3A_1192[%add3A_502, %parallel_loop3A_1187] : memref<128x128xf32, #tpu.memory_space<vmem>>[vector<16xi32>, vector<16xi32>], vector<16xf32>,
        %parallel_loop3A_1194 = arith.constant 8.000000e+00 : f32
        %parallel_loop3A_1195 = vector.broadcast %parallel_loop3A_1194 : f32 to vector<16xf32>
        %parallel_loop3A_1196 = arith.mulf %parallel_loop3A_1193, %parallel_loop3A_1195 : vector<16xf32>
        %parallel_loop3A_1197 = arith.constant 3 : i32
        %parallel_loop3A_1198 = arith.index_cast %parallel_loop3A_1197 : i32 to index
        %parallel_loop3A_1199 = arith.index_cast %parallel_loop3A_1073 : i32 to index
        %parallel_loop3A_1200 = arith.constant 112 : index
        %parallel_loop3A_1201 = tpu.vector_load %arg8[%parallel_loop3A_1198, %parallel_loop3A_1199, %parallel_loop3A_1200] {strides = array<i32>} : memref<4x64x128xf32, #tpu.memory_space<vmem>>, vector<16xf32>,
        tpu.vector_store %arg8[%parallel_loop3A_1198, %parallel_loop3A_1199, %parallel_loop3A_1200], %parallel_loop3A_1196 {strides = array<i32>} : memref<4x64x128xf32, #tpu.memory_space<vmem>>, vector<16xf32>,
      } {sc.loop_unroll_factor = 8 : i64, sc.parallel_access}
      %dma_start3A_1048 = arith.constant 3 : i32
      %dma_start3A_1049 = arith.constant 3 : i32
      %dma_start3A_1050 = arith.constant 0 : i32
      %dma_start3A_1051 = arith.constant 0 : i32
      %dma_start3A_1052 = tpu.memref_slice %arg8[%dma_start3A_1048, %dma_start3A_1050, %dma_start3A_1051] : memref<4x64x128xf32, #tpu.memory_space<vmem>> -> memref<1x64x128xf32, #tpu.memory_space<vmem>>
      %dma_start3A_1053 = tpu.memref_squeeze %dma_start3A_1052 : memref<1x64x128xf32, #tpu.memory_space<vmem>> -> memref<64x128xf32, #tpu.memory_space<vmem>>
      %dma_start3A_1054 = arith.constant 0 : i32
      %dma_start3A_1055 = tpu.memref_slice %arg4[%add3A_951, %dma_start3A_1054, %mul3A_2] : memref<200x64x4096xf32, #tpu.memory_space<hbm>> -> memref<1x64x128xf32, #tpu.memory_space<hbm>>
      %dma_start3A_1056 = tpu.memref_squeeze %dma_start3A_1055 : memref<1x64x128xf32, #tpu.memory_space<hbm>> -> memref<64x128xf32, #tpu.memory_space<hbm>>
      %dma_start3A_1057 = tpu.memref_slice %arg10[%dma_start3A_1049] : memref<4x!tpu.dma_semaphore, #tpu.memory_space<semaphore_mem>> -> memref<1x!tpu.dma_semaphore, #tpu.memory_space<semaphore_mem>>
      %dma_start3A_1058 = tpu.memref_squeeze %dma_start3A_1057 : memref<1x!tpu.dma_semaphore, #tpu.memory_space<semaphore_mem>> -> memref<!tpu.dma_semaphore, #tpu.memory_space<semaphore_mem>>
      %dma_start3A_1059 = arith.constant 0 : i32
      %dma_start3A_1060 = tpu.memref_slice %arg4[%add3A_951, %dma_start3A_1059, %mul3A_2] : memref<200x64x4096xf32, #tpu.memory_space<hbm>> -> memref<1x64x128xf32, #tpu.memory_space<hbm>>
      %dma_start3A_1061 = tpu.memref_squeeze %dma_start3A_1060 : memref<1x64x128xf32, #tpu.memory_space<hbm>> -> memref<64x128xf32, #tpu.memory_space<hbm>>
      %dma_start3A_1062 = arith.constant 0 : i32
      %dma_start3A_1063 = arith.constant 0 : i32
      %dma_start3A_1064 = tpu.memref_slice %arg8[%dma_start3A_1048, %dma_start3A_1062, %dma_start3A_1063] : memref<4x64x128xf32, #tpu.memory_space<vmem>> -> memref<1x64x128xf32, #tpu.memory_space<vmem>>
      %dma_start3A_1065 = tpu.memref_squeeze %dma_start3A_1064 : memref<1x64x128xf32, #tpu.memory_space<vmem>> -> memref<64x128xf32, #tpu.memory_space<vmem>>
      tpu.enqueue_dma source(%dma_start3A_1065 : memref<64x128xf32, #tpu.memory_space<vmem>>) target(%dma_start3A_1061 : memref<64x128xf32, #tpu.memory_space<hbm>>) target_semaphore(%dma_start3A_1058 : memref<!tpu.dma_semaphore, #tpu.memory_space<semaphore_mem>>)
      %add3A_1066 = arith.constant 4 : i32
      %add3A_1067 = arith.addi %add3A_951, %add3A_1066 : i32
      %lt3A_1068 = arith.constant 200 : i32
      %lt3A_1069 = arith.cmpi slt, %add3A_1067, %lt3A_1068 : i32
      %convert_element_type3A_1070 = arith.extui %lt3A_1069 : i1 to i32
      %cond3A_1071 = arith.constant 0 : i32
      %cond3A_1072 = arith.cmpi ne, %convert_element_type3A_1070, %cond3A_1071 : i32
      scf.if %cond3A_1072 {
        %get3A_1073 = arith.index_cast %add3A_1067 : i32 to index
        %get3A_1074 = arith.constant 0 : index
        %get3A_1075 = tpu.vector_load %arg5[%get3A_1073, %get3A_1074] {strides = array<i32>} : memref<200x128xi32, #tpu.memory_space<vmem>>, vector<16xi32>,
        %shift_right_arithmetic3A_1076 = arith.constant 1 : i32
        %shift_right_arithmetic3A_1077 = vector.broadcast %shift_right_arithmetic3A_1076 : i32 to vector<16xi32>
        %shift_right_arithmetic3A_1078 = arith.shrsi %get3A_1075, %shift_right_arithmetic3A_1077 : vector<16xi32>
        %swap3A_1079 = arith.constant 3 : i32
        %swap3A_1080 = arith.constant 0 : i32
        %swap3A_1081 = arith.index_cast %swap3A_1079 : i32 to index
        %swap3A_1082 = arith.index_cast %swap3A_1080 : i32 to index
        %swap3A_1083 = arith.constant 0 : index
        %swap3A_1084 = tpu.vector_load %arg6[%swap3A_1081, %swap3A_1082, %swap3A_1083] {strides = array<i32>} : memref<4x1x128xi32, #tpu.memory_space<vmem>>, vector<16xi32>,
        tpu.vector_store %arg6[%swap3A_1081, %swap3A_1082, %swap3A_1083], %shift_right_arithmetic3A_1078 {strides = array<i32>} : memref<4x1x128xi32, #tpu.memory_space<vmem>>, vector<16xi32>,
        %get3A_1085 = arith.index_cast %add3A_1067 : i32 to index
        %get3A_1086 = arith.constant 16 : index
        %get3A_1087 = tpu.vector_load %arg5[%get3A_1085, %get3A_1086] {strides = array<i32>} : memref<200x128xi32, #tpu.memory_space<vmem>>, vector<16xi32>,
        %shift_right_arithmetic3A_1088 = arith.constant 1 : i32
        %shift_right_arithmetic3A_1089 = vector.broadcast %shift_right_arithmetic3A_1088 : i32 to vector<16xi32>
        %shift_right_arithmetic3A_1090 = arith.shrsi %get3A_1087, %shift_right_arithmetic3A_1089 : vector<16xi32>
        %swap3A_1091 = arith.constant 3 : i32
        %swap3A_1092 = arith.constant 0 : i32
        %swap3A_1093 = arith.index_cast %swap3A_1091 : i32 to index
        %swap3A_1094 = arith.index_cast %swap3A_1092 : i32 to index
        %swap3A_1095 = arith.constant 16 : index
        %swap3A_1096 = tpu.vector_load %arg6[%swap3A_1093, %swap3A_1094, %swap3A_1095] {strides = array<i32>} : memref<4x1x128xi32, #tpu.memory_space<vmem>>, vector<16xi32>,
        tpu.vector_store %arg6[%swap3A_1093, %swap3A_1094, %swap3A_1095], %shift_right_arithmetic3A_1090 {strides = array<i32>} : memref<4x1x128xi32, #tpu.memory_space<vmem>>, vector<16xi32>,
        %get3A_1097 = arith.index_cast %add3A_1067 : i32 to index
        %get3A_1098 = arith.constant 32 : index
        %get3A_1099 = tpu.vector_load %arg5[%get3A_1097, %get3A_1098] {strides = array<i32>} : memref<200x128xi32, #tpu.memory_space<vmem>>, vector<16xi32>,
        %shift_right_arithmetic3A_1100 = arith.constant 1 : i32
        %shift_right_arithmetic3A_1101 = vector.broadcast %shift_right_arithmetic3A_1100 : i32 to vector<16xi32>
        %shift_right_arithmetic3A_1102 = arith.shrsi %get3A_1099, %shift_right_arithmetic3A_1101 : vector<16xi32>
        %swap3A_1103 = arith.constant 3 : i32
        %swap3A_1104 = arith.constant 0 : i32
        %swap3A_1105 = arith.index_cast %swap3A_1103 : i32 to index
        %swap3A_1106 = arith.index_cast %swap3A_1104 : i32 to index
        %swap3A_1107 = arith.constant 32 : index
        %swap3A_1108 = tpu.vector_load %arg6[%swap3A_1105, %swap3A_1106, %swap3A_1107] {strides = array<i32>} : memref<4x1x128xi32, #tpu.memory_space<vmem>>, vector<16xi32>,
        tpu.vector_store %arg6[%swap3A_1105, %swap3A_1106, %swap3A_1107], %shift_right_arithmetic3A_1102 {strides = array<i32>} : memref<4x1x128xi32, #tpu.memory_space<vmem>>, vector<16xi32>,
        %get3A_1109 = arith.index_cast %add3A_1067 : i32 to index
        %get3A_1110 = arith.constant 48 : index
        %get3A_1111 = tpu.vector_load %arg5[%get3A_1109, %get3A_1110] {strides = array<i32>} : memref<200x128xi32, #tpu.memory_space<vmem>>, vector<16xi32>,
        %shift_right_arithmetic3A_1112 = arith.constant 1 : i32
        %shift_right_arithmetic3A_1113 = vector.broadcast %shift_right_arithmetic3A_1112 : i32 to vector<16xi32>
        %shift_right_arithmetic3A_1114 = arith.shrsi %get3A_1111, %shift_right_arithmetic3A_1113 : vector<16xi32>
        %swap3A_1115 = arith.constant 3 : i32
        %swap3A_1116 = arith.constant 0 : i32
        %swap3A_1117 = arith.index_cast %swap3A_1115 : i32 to index
        %swap3A_1118 = arith.index_cast %swap3A_1116 : i32 to index
        %swap3A_1119 = arith.constant 48 : index
        %swap3A_1120 = tpu.vector_load %arg6[%swap3A_1117, %swap3A_1118, %swap3A_1119] {strides = array<i32>} : memref<4x1x128xi32, #tpu.memory_space<vmem>>, vector<16xi32>,
        tpu.vector_store %arg6[%swap3A_1117, %swap3A_1118, %swap3A_1119], %shift_right_arithmetic3A_1114 {strides = array<i32>} : memref<4x1x128xi32, #tpu.memory_space<vmem>>, vector<16xi32>,
        %get3A_1121 = arith.index_cast %add3A_1067 : i32 to index
        %get3A_1122 = arith.constant 64 : index
        %get3A_1123 = tpu.vector_load %arg5[%get3A_1121, %get3A_1122] {strides = array<i32>} : memref<200x128xi32, #tpu.memory_space<vmem>>, vector<16xi32>,
        %shift_right_arithmetic3A_1124 = arith.constant 1 : i32
        %shift_right_arithmetic3A_1125 = vector.broadcast %shift_right_arithmetic3A_1124 : i32 to vector<16xi32>
        %shift_right_arithmetic3A_1126 = arith.shrsi %get3A_1123, %shift_right_arithmetic3A_1125 : vector<16xi32>
        %swap3A_1127 = arith.constant 3 : i32
        %swap3A_1128 = arith.constant 0 : i32
        %swap3A_1129 = arith.index_cast %swap3A_1127 : i32 to index
        %swap3A_1130 = arith.index_cast %swap3A_1128 : i32 to index
        %swap3A_1131 = arith.constant 64 : index
        %swap3A_1132 = tpu.vector_load %arg6[%swap3A_1129, %swap3A_1130, %swap3A_1131] {strides = array<i32>} : memref<4x1x128xi32, #tpu.memory_space<vmem>>, vector<16xi32>,
        tpu.vector_store %arg6[%swap3A_1129, %swap3A_1130, %swap3A_1131], %shift_right_arithmetic3A_1126 {strides = array<i32>} : memref<4x1x128xi32, #tpu.memory_space<vmem>>, vector<16xi32>,
        %get3A_1133 = arith.index_cast %add3A_1067 : i32 to index
        %get3A_1134 = arith.constant 80 : index
        %get3A_1135 = tpu.vector_load %arg5[%get3A_1133, %get3A_1134] {strides = array<i32>} : memref<200x128xi32, #tpu.memory_space<vmem>>, vector<16xi32>,
        %shift_right_arithmetic3A_1136 = arith.constant 1 : i32
        %shift_right_arithmetic3A_1137 = vector.broadcast %shift_right_arithmetic3A_1136 : i32 to vector<16xi32>
        %shift_right_arithmetic3A_1138 = arith.shrsi %get3A_1135, %shift_right_arithmetic3A_1137 : vector<16xi32>
        %swap3A_1139 = arith.constant 3 : i32
        %swap3A_1140 = arith.constant 0 : i32
        %swap3A_1141 = arith.index_cast %swap3A_1139 : i32 to index
        %swap3A_1142 = arith.index_cast %swap3A_1140 : i32 to index
        %swap3A_1143 = arith.constant 80 : index
        %swap3A_1144 = tpu.vector_load %arg6[%swap3A_1141, %swap3A_1142, %swap3A_1143] {strides = array<i32>} : memref<4x1x128xi32, #tpu.memory_space<vmem>>, vector<16xi32>,
        tpu.vector_store %arg6[%swap3A_1141, %swap3A_1142, %swap3A_1143], %shift_right_arithmetic3A_1138 {strides = array<i32>} : memref<4x1x128xi32, #tpu.memory_space<vmem>>, vector<16xi32>,
        %get3A_1145 = arith.index_cast %add3A_1067 : i32 to index
        %get3A_1146 = arith.constant 96 : index
        %get3A_1147 = tpu.vector_load %arg5[%get3A_1145, %get3A_1146] {strides = array<i32>} : memref<200x128xi32, #tpu.memory_space<vmem>>, vector<16xi32>,
        %shift_right_arithmetic3A_1148 = arith.constant 1 : i32
        %shift_right_arithmetic3A_1149 = vector.broadcast %shift_right_arithmetic3A_1148 : i32 to vector<16xi32>
        %shift_right_arithmetic3A_1150 = arith.shrsi %get3A_1147, %shift_right_arithmetic3A_1149 : vector<16xi32>
        %swap3A_1151 = arith.constant 3 : i32
        %swap3A_1152 = arith.constant 0 : i32
        %swap3A_1153 = arith.index_cast %swap3A_1151 : i32 to index
        %swap3A_1154 = arith.index_cast %swap3A_1152 : i32 to index
        %swap3A_1155 = arith.constant 96 : index
        %swap3A_1156 = tpu.vector_load %arg6[%swap3A_1153, %swap3A_1154, %swap3A_1155] {strides = array<i32>} : memref<4x1x128xi32, #tpu.memory_space<vmem>>, vector<16xi32>,
        tpu.vector_store %arg6[%swap3A_1153, %swap3A_1154, %swap3A_1155], %shift_right_arithmetic3A_1150 {strides = array<i32>} : memref<4x1x128xi32, #tpu.memory_space<vmem>>, vector<16xi32>,
        %get3A_1157 = arith.index_cast %add3A_1067 : i32 to index
        %get3A_1158 = arith.constant 112 : index
        %get3A_1159 = tpu.vector_load %arg5[%get3A_1157, %get3A_1158] {strides = array<i32>} : memref<200x128xi32, #tpu.memory_space<vmem>>, vector<16xi32>,
        %shift_right_arithmetic3A_1160 = arith.constant 1 : i32
        %shift_right_arithmetic3A_1161 = vector.broadcast %shift_right_arithmetic3A_1160 : i32 to vector<16xi32>
        %shift_right_arithmetic3A_1162 = arith.shrsi %get3A_1159, %shift_right_arithmetic3A_1161 : vector<16xi32>
        %swap3A_1163 = arith.constant 3 : i32
        %swap3A_1164 = arith.constant 0 : i32
        %swap3A_1165 = arith.index_cast %swap3A_1163 : i32 to index
        %swap3A_1166 = arith.index_cast %swap3A_1164 : i32 to index
        %swap3A_1167 = arith.constant 112 : index
        %swap3A_1168 = tpu.vector_load %arg6[%swap3A_1165, %swap3A_1166, %swap3A_1167] {strides = array<i32>} : memref<4x1x128xi32, #tpu.memory_space<vmem>>, vector<16xi32>,
        tpu.vector_store %arg6[%swap3A_1165, %swap3A_1166, %swap3A_1167], %shift_right_arithmetic3A_1162 {strides = array<i32>} : memref<4x1x128xi32, #tpu.memory_space<vmem>>, vector<16xi32>,
        %dma_start3A_1169 = arith.constant 3 : i32
        %dma_start3A_1170 = arith.constant 0 : i32
        %dma_start3A_1171 = arith.constant 3 : i32
        %dma_start3A_1172 = arith.constant 3 : i32
        %dma_start3A_1173 = arith.constant 0 : i32
        %dma_start3A_1174 = arith.constant 0 : i32
        %dma_start3A_1175 = tpu.memref_slice %arg7[%dma_start3A_1171, %dma_start3A_1173, %dma_start3A_1174] : memref<4x128x128xf32, #tpu.memory_space<vmem>> -> memref<1x128x128xf32, #tpu.memory_space<vmem>>
        %dma_start3A_1176 = tpu.memref_squeeze %dma_start3A_1175 : memref<1x128x128xf32, #tpu.memory_space<vmem>> -> memref<128x128xf32, #tpu.memory_space<vmem>>
        %dma_start3A_1177 = arith.constant 0 : i32
        %dma_start3A_1178 = tpu.memref_slice %arg6[%dma_start3A_1169, %dma_start3A_1170, %dma_start3A_1177] : memref<4x1x128xi32, #tpu.memory_space<vmem>> -> memref<1x1x128xi32, #tpu.memory_space<vmem>>
        %dma_start3A_1179 = tpu.memref_squeeze %dma_start3A_1178 : memref<1x1x128xi32, #tpu.memory_space<vmem>> -> memref<128xi32, #tpu.memory_space<vmem>>
        %dma_start3A_1180 = arith.constant 0 : i32
        %dma_start3A_1181 = arith.constant 0 : i32
        %dma_start3A_1182 = tpu.memref_slice %arg3[%dma_start3A_1180, %dma_start3A_1181] : memref<500000x128xf32, #tpu.memory_space<hbm>> -> memref<500000x128xf32, #tpu.memory_space<hbm>>
        %dma_start3A_1183 = tpu.memref_slice %arg9[%dma_start3A_1172] : memref<4x!tpu.dma_semaphore, #tpu.memory_space<semaphore_mem>> -> memref<1x!tpu.dma_semaphore, #tpu.memory_space<semaphore_mem>>
        %dma_start3A_1184 = tpu.memref_squeeze %dma_start3A_1183 : memref<1x!tpu.dma_semaphore, #tpu.memory_space<semaphore_mem>> -> memref<!tpu.dma_semaphore, #tpu.memory_space<semaphore_mem>>
        tpu.enqueue_indirect_dma source(%dma_start3A_1182 : memref<500000x128xf32, #tpu.memory_space<hbm>>) target(%dma_start3A_1176 : memref<128x128xf32, #tpu.memory_space<vmem>>) offsets(%dma_start3A_1179 : memref<128xi32, #tpu.memory_space<vmem>>) semaphore(%dma_start3A_1184 : memref<!tpu.dma_semaphore, #tpu.memory_space<semaphore_mem>>)
      } else {
      }
    }
    %scan3A_506 = arith.constant 50 : i32
    %dma_wait3A = arith.constant 0 : i32
    %dma_wait3A_507 = arith.constant 196 : i32
    %dma_wait3A_508 = arith.constant 0 : i32
    %dma_wait3A_509 = arith.constant 0 : i32
    %dma_wait3A_510 = arith.constant 0 : i32
    %dma_wait3A_511 = tpu.memref_slice %arg8[%dma_wait3A, %dma_wait3A_509, %dma_wait3A_510] : memref<4x64x128xf32, #tpu.memory_space<vmem>> -> memref<1x64x128xf32, #tpu.memory_space<vmem>>
    %dma_wait3A_512 = tpu.memref_squeeze %dma_wait3A_511 : memref<1x64x128xf32, #tpu.memory_space<vmem>> -> memref<64x128xf32, #tpu.memory_space<vmem>>
    %dma_wait3A_513 = arith.constant 0 : i32
    %dma_wait3A_514 = tpu.memref_slice %arg4[%dma_wait3A_507, %dma_wait3A_513, %mul3A_2] : memref<200x64x4096xf32, #tpu.memory_space<hbm>> -> memref<1x64x128xf32, #tpu.memory_space<hbm>>
    %dma_wait3A_515 = tpu.memref_squeeze %dma_wait3A_514 : memref<1x64x128xf32, #tpu.memory_space<hbm>> -> memref<64x128xf32, #tpu.memory_space<hbm>>
    %dma_wait3A_516 = tpu.memref_slice %arg10[%dma_wait3A_508] : memref<4x!tpu.dma_semaphore, #tpu.memory_space<semaphore_mem>> -> memref<1x!tpu.dma_semaphore, #tpu.memory_space<semaphore_mem>>
    %dma_wait3A_517 = tpu.memref_squeeze %dma_wait3A_516 : memref<1x!tpu.dma_semaphore, #tpu.memory_space<semaphore_mem>> -> memref<!tpu.dma_semaphore, #tpu.memory_space<semaphore_mem>>
    %dma_wait3A_518 = arith.constant 0 : i32
    %dma_wait3A_519 = tpu.memref_slice %arg4[%dma_wait3A_507, %dma_wait3A_518, %mul3A_2] : memref<200x64x4096xf32, #tpu.memory_space<hbm>> -> memref<1x64x128xf32, #tpu.memory_space<hbm>>
    %dma_wait3A_520 = tpu.memref_squeeze %dma_wait3A_519 : memref<1x64x128xf32, #tpu.memory_space<hbm>> -> memref<64x128xf32, #tpu.memory_space<hbm>>
    %dma_wait3A_521 = arith.constant 0 : i32
    %dma_wait3A_522 = arith.constant 0 : i32
    %dma_wait3A_523 = tpu.memref_slice %arg8[%dma_wait3A, %dma_wait3A_521, %dma_wait3A_522] : memref<4x64x128xf32, #tpu.memory_space<vmem>> -> memref<1x64x128xf32, #tpu.memory_space<vmem>>
    %dma_wait3A_524 = tpu.memref_squeeze %dma_wait3A_523 : memref<1x64x128xf32, #tpu.memory_space<vmem>> -> memref<64x128xf32, #tpu.memory_space<vmem>>
    tpu.wait_dma2 semaphore(%dma_wait3A_517 : memref<!tpu.dma_semaphore, #tpu.memory_space<semaphore_mem>>) src(%dma_wait3A_524 : memref<64x128xf32, #tpu.memory_space<vmem>>) dst(%dma_wait3A_520 : memref<64x128xf32, #tpu.memory_space<hbm>>)
    %dma_wait3A_525 = arith.constant 1 : i32
    %dma_wait3A_526 = arith.constant 197 : i32
    %dma_wait3A_527 = arith.constant 1 : i32
    %dma_wait3A_528 = arith.constant 0 : i32
    %dma_wait3A_529 = arith.constant 0 : i32
    %dma_wait3A_530 = tpu.memref_slice %arg8[%dma_wait3A_525, %dma_wait3A_528, %dma_wait3A_529] : memref<4x64x128xf32, #tpu.memory_space<vmem>> -> memref<1x64x128xf32, #tpu.memory_space<vmem>>
    %dma_wait3A_531 = tpu.memref_squeeze %dma_wait3A_530 : memref<1x64x128xf32, #tpu.memory_space<vmem>> -> memref<64x128xf32, #tpu.memory_space<vmem>>
    %dma_wait3A_532 = arith.constant 0 : i32
    %dma_wait3A_533 = tpu.memref_slice %arg4[%dma_wait3A_526, %dma_wait3A_532, %mul3A_2] : memref<200x64x4096xf32, #tpu.memory_space<hbm>> -> memref<1x64x128xf32, #tpu.memory_space<hbm>>
    %dma_wait3A_534 = tpu.memref_squeeze %dma_wait3A_533 : memref<1x64x128xf32, #tpu.memory_space<hbm>> -> memref<64x128xf32, #tpu.memory_space<hbm>>
    %dma_wait3A_535 = tpu.memref_slice %arg10[%dma_wait3A_527] : memref<4x!tpu.dma_semaphore, #tpu.memory_space<semaphore_mem>> -> memref<1x!tpu.dma_semaphore, #tpu.memory_space<semaphore_mem>>
    %dma_wait3A_536 = tpu.memref_squeeze %dma_wait3A_535 : memref<1x!tpu.dma_semaphore, #tpu.memory_space<semaphore_mem>> -> memref<!tpu.dma_semaphore, #tpu.memory_space<semaphore_mem>>
    %dma_wait3A_537 = arith.constant 0 : i32
    %dma_wait3A_538 = tpu.memref_slice %arg4[%dma_wait3A_526, %dma_wait3A_537, %mul3A_2] : memref<200x64x4096xf32, #tpu.memory_space<hbm>> -> memref<1x64x128xf32, #tpu.memory_space<hbm>>
    %dma_wait3A_539 = tpu.memref_squeeze %dma_wait3A_538 : memref<1x64x128xf32, #tpu.memory_space<hbm>> -> memref<64x128xf32, #tpu.memory_space<hbm>>
    %dma_wait3A_540 = arith.constant 0 : i32
    %dma_wait3A_541 = arith.constant 0 : i32
    %dma_wait3A_542 = tpu.memref_slice %arg8[%dma_wait3A_525, %dma_wait3A_540, %dma_wait3A_541] : memref<4x64x128xf32, #tpu.memory_space<vmem>> -> memref<1x64x128xf32, #tpu.memory_space<vmem>>
    %dma_wait3A_543 = tpu.memref_squeeze %dma_wait3A_542 : memref<1x64x128xf32, #tpu.memory_space<vmem>> -> memref<64x128xf32, #tpu.memory_space<vmem>>
    tpu.wait_dma2 semaphore(%dma_wait3A_536 : memref<!tpu.dma_semaphore, #tpu.memory_space<semaphore_mem>>) src(%dma_wait3A_543 : memref<64x128xf32, #tpu.memory_space<vmem>>) dst(%dma_wait3A_539 : memref<64x128xf32, #tpu.memory_space<hbm>>)
    %dma_wait3A_544 = arith.constant 2 : i32
    %dma_wait3A_545 = arith.constant 198 : i32
    %dma_wait3A_546 = arith.constant 2 : i32
    %dma_wait3A_547 = arith.constant 0 : i32
    %dma_wait3A_548 = arith.constant 0 : i32
    %dma_wait3A_549 = tpu.memref_slice %arg8[%dma_wait3A_544, %dma_wait3A_547, %dma_wait3A_548] : memref<4x64x128xf32, #tpu.memory_space<vmem>> -> memref<1x64x128xf32, #tpu.memory_space<vmem>>
    %dma_wait3A_550 = tpu.memref_squeeze %dma_wait3A_549 : memref<1x64x128xf32, #tpu.memory_space<vmem>> -> memref<64x128xf32, #tpu.memory_space<vmem>>
    %dma_wait3A_551 = arith.constant 0 : i32
    %dma_wait3A_552 = tpu.memref_slice %arg4[%dma_wait3A_545, %dma_wait3A_551, %mul3A_2] : memref<200x64x4096xf32, #tpu.memory_space<hbm>> -> memref<1x64x128xf32, #tpu.memory_space<hbm>>
    %dma_wait3A_553 = tpu.memref_squeeze %dma_wait3A_552 : memref<1x64x128xf32, #tpu.memory_space<hbm>> -> memref<64x128xf32, #tpu.memory_space<hbm>>
    %dma_wait3A_554 = tpu.memref_slice %arg10[%dma_wait3A_546] : memref<4x!tpu.dma_semaphore, #tpu.memory_space<semaphore_mem>> -> memref<1x!tpu.dma_semaphore, #tpu.memory_space<semaphore_mem>>
    %dma_wait3A_555 = tpu.memref_squeeze %dma_wait3A_554 : memref<1x!tpu.dma_semaphore, #tpu.memory_space<semaphore_mem>> -> memref<!tpu.dma_semaphore, #tpu.memory_space<semaphore_mem>>
    %dma_wait3A_556 = arith.constant 0 : i32
    %dma_wait3A_557 = tpu.memref_slice %arg4[%dma_wait3A_545, %dma_wait3A_556, %mul3A_2] : memref<200x64x4096xf32, #tpu.memory_space<hbm>> -> memref<1x64x128xf32, #tpu.memory_space<hbm>>
    %dma_wait3A_558 = tpu.memref_squeeze %dma_wait3A_557 : memref<1x64x128xf32, #tpu.memory_space<hbm>> -> memref<64x128xf32, #tpu.memory_space<hbm>>
    %dma_wait3A_559 = arith.constant 0 : i32
    %dma_wait3A_560 = arith.constant 0 : i32
    %dma_wait3A_561 = tpu.memref_slice %arg8[%dma_wait3A_544, %dma_wait3A_559, %dma_wait3A_560] : memref<4x64x128xf32, #tpu.memory_space<vmem>> -> memref<1x64x128xf32, #tpu.memory_space<vmem>>
    %dma_wait3A_562 = tpu.memref_squeeze %dma_wait3A_561 : memref<1x64x128xf32, #tpu.memory_space<vmem>> -> memref<64x128xf32, #tpu.memory_space<vmem>>
    tpu.wait_dma2 semaphore(%dma_wait3A_555 : memref<!tpu.dma_semaphore, #tpu.memory_space<semaphore_mem>>) src(%dma_wait3A_562 : memref<64x128xf32, #tpu.memory_space<vmem>>) dst(%dma_wait3A_558 : memref<64x128xf32, #tpu.memory_space<hbm>>)
    %dma_wait3A_563 = arith.constant 3 : i32
    %dma_wait3A_564 = arith.constant 199 : i32
    %dma_wait3A_565 = arith.constant 3 : i32
    %dma_wait3A_566 = arith.constant 0 : i32
    %dma_wait3A_567 = arith.constant 0 : i32
    %dma_wait3A_568 = tpu.memref_slice %arg8[%dma_wait3A_563, %dma_wait3A_566, %dma_wait3A_567] : memref<4x64x128xf32, #tpu.memory_space<vmem>> -> memref<1x64x128xf32, #tpu.memory_space<vmem>>
    %dma_wait3A_569 = tpu.memref_squeeze %dma_wait3A_568 : memref<1x64x128xf32, #tpu.memory_space<vmem>> -> memref<64x128xf32, #tpu.memory_space<vmem>>
    %dma_wait3A_570 = arith.constant 0 : i32
    %dma_wait3A_571 = tpu.memref_slice %arg4[%dma_wait3A_564, %dma_wait3A_570, %mul3A_2] : memref<200x64x4096xf32, #tpu.memory_space<hbm>> -> memref<1x64x128xf32, #tpu.memory_space<hbm>>
    %dma_wait3A_572 = tpu.memref_squeeze %dma_wait3A_571 : memref<1x64x128xf32, #tpu.memory_space<hbm>> -> memref<64x128xf32, #tpu.memory_space<hbm>>
    %dma_wait3A_573 = tpu.memref_slice %arg10[%dma_wait3A_565] : memref<4x!tpu.dma_semaphore, #tpu.memory_space<semaphore_mem>> -> memref<1x!tpu.dma_semaphore, #tpu.memory_space<semaphore_mem>>
    %dma_wait3A_574 = tpu.memref_squeeze %dma_wait3A_573 : memref<1x!tpu.dma_semaphore, #tpu.memory_space<semaphore_mem>> -> memref<!tpu.dma_semaphore, #tpu.memory_space<semaphore_mem>>
    %dma_wait3A_575 = arith.constant 0 : i32
    %dma_wait3A_576 = tpu.memref_slice %arg4[%dma_wait3A_564, %dma_wait3A_575, %mul3A_2] : memref<200x64x4096xf32, #tpu.memory_space<hbm>> -> memref<1x64x128xf32, #tpu.memory_space<hbm>>
    %dma_wait3A_577 = tpu.memref_squeeze %dma_wait3A_576 : memref<1x64x128xf32, #tpu.memory_space<hbm>> -> memref<64x128xf32, #tpu.memory_space<hbm>>
    %dma_wait3A_578 = arith.constant 0 : i32
    %dma_wait3A_579 = arith.constant 0 : i32
    %dma_wait3A_580 = tpu.memref_slice %arg8[%dma_wait3A_563, %dma_wait3A_578, %dma_wait3A_579] : memref<4x64x128xf32, #tpu.memory_space<vmem>> -> memref<1x64x128xf32, #tpu.memory_space<vmem>>
    %dma_wait3A_581 = tpu.memref_squeeze %dma_wait3A_580 : memref<1x64x128xf32, #tpu.memory_space<vmem>> -> memref<64x128xf32, #tpu.memory_space<vmem>>
    tpu.wait_dma2 semaphore(%dma_wait3A_574 : memref<!tpu.dma_semaphore, #tpu.memory_space<semaphore_mem>>) src(%dma_wait3A_581 : memref<64x128xf32, #tpu.memory_space<vmem>>) dst(%dma_wait3A_577 : memref<64x128xf32, #tpu.memory_space<hbm>>)
    return
  }
}

</mosaic_0001>

<sc_bundles>
// kernel: _embed.3.cloned.1.call-start
scs
__scs_entry_jumppad:
0x0: {  	(pc) =	sbr.rel $0x88, $3  }
0x1: {  	(tag) =	ssettag $0x0;
	lr =	simm.s32 $0x1  }
0x2: {  	[smem:$0x3F9F] =	sst lr;
	_ =	strace $0xD0000000  }
0x3: {  	_ = 	snop  }
0x4: {  	_ = 	snop  }
0x5: {  	_ = 	snop  }
0x6: {  	_ = 	snop  }
0x7: {  	_ = 	snop  }
__scs_overlays_trampoline_lowered:
0x8: {  	[smem:$0x3FAE] =	sst s0  }
0x9: {  	[smem:$0x3FAF] =	sst s1  }
0xa: {  	[smem:$0x3FB0] =	sst s2  }
0xb: {  	[smem:$0x3FB1] =	sst s3  }
0xc: {  	[smem:$0x3FB2] =	sst s4  }
0xd: {  	[smem:$0x3FB3] =	sst s5  }
0xe: {  	[smem:$0x3FB4] =	sst s6  }
0xf: {  	[smem:$0x3FB5] =	sst s7  }
0x10: {  	[smem:$0x3FB6] =	sst s8  }
0x11: {  	[smem:$0x3FB7] =	sst s9;
	s0 =	simm.s32 @!p0 $0x0  }
0x12: {  	s1 =	sld [smem:$0x3F9D];
	s0 =	simm.s32 @p0 $0x1  }
0x13: {  	[smem:$0x3FB8] =	sst s0;
	s0 =	simm.s32 @!p1 $0x0  }
0x14: {  	s2 =	sld [smem:$0x3F9C];
	s0 =	simm.s32 @p1 $0x1  }
0x15: {  	[smem:$0x3FB9] =	sst s0;
	s0 =	simm.s32 @!p2 $0x0  }
0x16: {  	s3 =	sld [smem:$0x3FDB];
	s0 =	simm.s32 @p2 $0x1  }
0x17: {  	s4 =	simm.s32 $0x1BF5;
	[smem:$0x3FBB] =	sst s0  }
0x18: {  	s0 =	sld [smem:$0x3F9E];
	_ =	swait.ge [sflag:s4], $0x0  }
0x19: {  	s7 =	sld [smem:$0x3F9F]  }
0x1a: {  	s8 =	sadd.s32 $0xFFFFE003, lr  }
0x1b: {  	s9 =	sadd.s32 $0xFFFFFEF7, lr;
	s5 =	simm.s32 $0xFFFFFFFF;
	p2 =	slt.u32 s8, $0xFFFFF086  }
0x1c: {  	p1 =	slt.u32 s9, $0xF7A;
	s5 =	simm.s32 @!p2 $0x0  }
0x1d: {  	s5 =	simm.s32 @p1 $0x1;
	p0 =	seq.s32 s7, s2  }
0x1e: {  	s7 =	smul.u32 @!p0 $0xF7A, s2;
	p2 =	seq.s32 @!p0 s5, $0x0  }
0x1f: {  	s9 =	smul.u32 $0xF7A, s1;
	s8 =	simm.s32 @!p0 $0x1BF5;
	p2 =	por !p2, p0  }
0x20: {  	[sflag:s8] =	ssyncset.s32 @!p0 $0xFFFFF086;
	s6 =	sadd.s32 @!p0 s3, s7;
	s7 =	simm.s32 @!p0 $0x108  }
0x21: {  	s3 =	sadd.s32 s3, s9;
	s6 =	sadd.s32 @!p0 $0x88, s6;
	s7 =	simm.s32 @p2 $0x1082  }
0x22: {  	[simem:s7], [sflag:s8] =	dma.local @!p0 [hbm:s6], $0xF7A  }
0x23: {  	s9 =	sor.u32 $0xD0000000, s2;
	s6 =	simm.s32 $0x108;
	_ =	swait.ge @!p0 [sflag:s8], $0x0  }
0x24: {  	s3 =	sadd.s32 $0x88, s3;
	s6 =	simm.s32 @!p1 $0x1082;
	[sflag:s4] =	ssyncset.s32 $0xFFFFF086  }
0x25: {  	[simem:s6], [sflag:s4] =	dma.local [hbm:s3], $0xF7A  }
0x26: {  	[smem:$0x3F9F] =	sst s1;
	(tag) =	ssettag s2;
	_ =	strace s9  }
0x27: {  	s1 =	sld [smem:$0x3FAF]  }
0x28: {  	s2 =	sld [smem:$0x3FB0]  }
0x29: {  	s4 =	sld [smem:$0x3FB2]  }
0x2a: {  	p0 =	seq.s32 s5, $0x0;
	s5 =	sld [smem:$0x3FB3]  }
0x2b: {  	s6 =	sld [smem:$0x3FB4]  }
0x2c: {  	s7 =	sld [smem:$0x3FB5]  }
0x2d: {  	s3 =	simm.s32 $0x108;
	s8 =	sld [smem:$0x3FB6]  }
0x2e: {  	s3 =	simm.s32 @!p0 $0x1082;
	s9 =	sld [smem:$0x3FB7]  }
0x2f: {  	lr =	sadd.s32 s0, s3;
	s0 =	sld [smem:$0x3FAE]  }
0x30: {  	s3 =	sld [smem:$0x3FB1]  }
0x31: {  	[smem:$0x3FBA] =	sst s10  }
0x32: {  	s10 =	sld [smem:$0x3FB8];
	_ =	sdelay $0x3  }
0x33: {  	p0 =	seq.s32 s10, $0x1;
	s10 =	sld [smem:$0x3FBA];
	_ =	sdelay $0x3  }
0x34: {  	[smem:$0x3FBA] =	sst s10  }
0x35: {  	s10 =	sld [smem:$0x3FB9];
	_ =	sdelay $0x3  }
0x36: {  	p1 =	seq.s32 s10, $0x1;
	s10 =	sld [smem:$0x3FBA];
	_ =	sdelay $0x3  }
0x37: {  	[smem:$0x3FBA] =	sst s10  }
0x38: {  	s10 =	sld [smem:$0x3FBB]  }
0x39: {  	_ = 	snop;
	(pc) =	sbr.ind lr, $3  }
0x3a: {  	_ = 	snop  }
0x3b: {  	_ = 	snop  }
0x3c: {  	p2 =	seq.s32 s10, $0x1;
	s10 =	sld [smem:$0x3FBA]  }
0x3d: {  	_ =	shalt  }
0x3e: {  	_ =	shalt  }
0x3f: {  	_ =	shalt  }
0x40: {  	_ =	shalt  }
0x41: {  	_ =	shalt  }
0x42: {  	_ =	shalt  }
0x43: {  	_ =	shalt  }
0x44: {  	_ =	shalt  }
0x45: {  	_ =	shalt  }
0x46: {  	_ =	shalt  }
0x47: {  	_ =	shalt  }
0x48: {  	_ =	shalt  }
0x49: {  	_ =	shalt  }
0x4a: {  	_ =	shalt  }
0x4b: {  	_ =	shalt  }
0x4c: {  	_ =	shalt  }
0x4d: {  	_ =	shalt  }
0x4e: {  	_ =	shalt  }
0x4f: {  	_ =	shalt  }
0x50: {  	_ =	shalt  }
0x51: {  	_ =	shalt  }
0x52: {  	_ =	shalt  }
0x53: {  	_ =	shalt  }
0x54: {  	_ =	shalt  }
0x55: {  	_ =	shalt  }
0x56: {  	_ =	shalt  }
0x57: {  	_ =	shalt  }
0x58: {  	_ =	shalt  }
0x59: {  	_ =	shalt  }
0x5a: {  	_ =	shalt  }
0x5b: {  	_ =	shalt  }
0x5c: {  	_ =	shalt  }
0x5d: {  	_ =	shalt  }
0x5e: {  	_ =	shalt  }
0x5f: {  	_ =	shalt  }
0x60: {  	_ =	shalt  }
0x61: {  	_ =	shalt  }
0x62: {  	_ =	shalt  }
0x63: {  	_ =	shalt  }
0x64: {  	_ =	shalt  }
0x65: {  	_ =	shalt  }
0x66: {  	_ =	shalt  }
0x67: {  	_ =	shalt  }
0x68: {  	_ =	shalt  }
0x69: {  	_ =	shalt  }
0x6a: {  	_ =	shalt  }
0x6b: {  	_ =	shalt  }
0x6c: {  	_ =	shalt  }
0x6d: {  	_ =	shalt  }
0x6e: {  	_ =	shalt  }
0x6f: {  	_ =	shalt  }
0x70: {  	_ =	shalt  }
0x71: {  	_ =	shalt  }
0x72: {  	_ =	shalt  }
0x73: {  	_ =	shalt  }
0x74: {  	_ =	shalt  }
0x75: {  	_ =	shalt  }
0x76: {  	_ =	shalt  }
0x77: {  	_ =	shalt  }
0x78: {  	_ =	shalt  }
0x79: {  	_ =	shalt  }
0x7a: {  	_ =	shalt  }
0x7b: {  	_ =	shalt  }
0x7c: {  	_ =	shalt  }
0x7d: {  	_ =	shalt  }
0x7e: {  	_ =	shalt  }
0x7f: {  	_ =	shalt  }
0x80: {  	_ =	shalt  }
0x81: {  	_ =	shalt  }
0x82: {  	_ =	shalt  }
0x83: {  	_ =	shalt  }
0x84: {  	_ =	shalt  }
0x85: {  	_ =	shalt  }
0x86: {  	_ =	shalt  }
0x87: {  	_ =	shalt  }
.Lfunc_end0:
.L_simem_size_0:
called_computation_lowered:
.L_overlay_start_0:
0x88: {  	s2 =	sld [smem:$0x3FD9]  }
0x89: {  	s3 =	sld [smem:$0x3FFE];
	_ =	sdelay $0x1  }
0x8a: {  	s1 =	srdreg.scid  }
0x8b: {  	s0 =	sand.u32 $0x1, s1  }
0x8c: {  	s18 =	sshll.u32 s0, $0xA;
	s2 =	sadd.s32 s3, s2  }
0x8d: {  	s2 =	sadd.s32 s2, s18  }
0x8e: {  	[smem:$0x3FC6] =	sst s2  }
0x8f: {  	_ = 	snop  }
0x90: {  	s2 =	sld [smem:$0x3FC9]  }
0x91: {  	s19 =	sld [smem:$0x3FC8]  }
0x92: {  	s4 =	sld [smem:$0x3FD0];
	(tm) =	ssettm $0x1  }
0x93: {  	s5 =	sld [smem:$0x3FFB];
	_ =	sdelay $0x3  }
0x94: {  	_ =	strace s5  }
0x95: {  	s5 =	sld [smem:$0x3FFC];
	_ =	sdelay $0x3  }
0x96: {  	_ =	strace s5  }
0x97: {  	s5 =	sld [smem:$0x3FFD];
	_ =	sdelay $0x3  }
0x98: {  	_ =	strace s5  }
0x99: {  	_ =	strace $0x8FFFFFFF  }
0x9a: {  	s20 =	sld [smem:$0x3FDB];
	_ =	sdelay $0x1  }
0x9b: {  	s6 =	simm.s32 $_scs_section_size  }
0x9c: {  	s7 =	simm.s32 $_size__tile_overlayer_lowered;
	s8 =	simm.s32 $_tile_overlayer_lowered  }
0x9d: {  	s23 =	simm.s32 $0x1BFF;
	s22 =	sshll.u32 s8, $0x1;
	s5 =	sadd.s32 s6, s20  }
0x9e: {  	s9 =	simm.s32 $0x0;
	s21 =	sshll.u32 s7, $0x1;
	s7 =	sadd.s32 s22, s5  }
0x9f: {  	[timem:s9], [sflag:s23] =	dma.local [hbm:s7], s21  }
0xa0: {  	_ =	swait.ge [sflag:s23], s21  }
0xa1: {  	s6 =	ssub.s32 $0x0, s21;
	[sflag:s23] =	ssyncset.done $0x0  }
0xa2: {  	[sflag:s23] =	ssyncadd.s32 s6;
	_ =	sdelay $0x1  }
0xa3: {  	s24 =	simm.s32 $0x1B8B  }
0xa4: {  	_ =	swait.ge [sflag:s24], $0x1  }
0xa5: {  	[sflag:s24] =	ssyncset.done $0x0  }
0xa6: {  	s25 =	simm.s32 $0x1B8E;
	[sflag:s24] =	ssyncadd.s32 $0xFFFFFFFF  }
0xa7: {  	s26 =	simm.s32 $execute0_lowered;
	[smem:$0x3FD2] =	sst s25  }
0xa8: {  	s6 =	sshll.u32 s26, $0x1;
	_ =	strace $0x80000046;
	[dreg:$0x1] =	wrdreg $0xFFFFFFFF  }
0xa9: {  	s28 =	simm.s32 $_size_execute0_lowered;
	s5 =	sadd.s32 s5, s6;
	[dreg:$0x0] =	wrdreg $0x0  }
0xaa: {  	s6 =	sshll.u32 s28, $0x1;
	[dreg:$0x2] =	wrdreg s5  }
0xab: {  	[dreg:$0x3] =	wrdreg s6  }
0xac: {  	[dreg:$0x4] =	wrdreg $0xC0  }
0xad: {  	_ =	task [dreg:s9], $0x5FFFF  }
0xae: {  	[dreg:$0x1] =	wrdreg $0xFFFFFFFF  }
0xaf: {  	[dreg:$0x0] =	wrdreg $0x60  }
0xb0: {  	[dreg:$0x2] =	wrdreg s2  }
0xb1: {  	[dreg:$0x3] =	wrdreg s19  }
0xb2: {  	[dreg:$0x4] =	wrdreg s4  }
0xb3: {  	[dreg:$0x5] =	wrdreg $0x9  }
0xb4: {  	_ =	task.clear_ibuf [dreg:s9], $0x6FFFF;
	_ =	strace $0x90000046  }
0xb5: {  	s29 =	simm.s32 $0x9;
	_ =	strace $0x80000048  }
0xb6: {  	_ =	swait.ge [sflag:s29], $0x1  }
0xb7: {  	[sflag:s29] =	ssyncadd.s32 $0xFFFFFFFF  }
0xb8: {  	_ =	strace $0x90000048  }
0xb9: {  	_ =	sfence  }
0xba: {  	s30 =	sld [smem:$0x0];
	_ =	sdelay $0x2  }
0xbb: {  	s31 =	sshll.u32 s1, $0xD;
	s1 =	sshrl.u32 s1, $0x2  }
0xbc: {  	s3 =	sand.u32 $0x4000, s31;
	s1 =	sadd.s32 s1, s30  }
0xbd: {  	s0 =	sor.u32 s3, s0;
	s1 =	sshll.u32 s1, $0x11  }
0xbe: {  	s0 =	sor.u32 s1, s0  }
0xbf: {  	s0 =	sadd.s32 $0x8F2B, s0  }
0xc0: {  	[sflag:s0] =	ssyncadd.remote.s32 $0x1  }
0xc1: {  	_ =	sfence.sel $0xFFFF  }
0xc2: {  	[dreg:$0x0] =	wrdreg $0xFFFFFFFF;
	(pc) =	sbr.abs _section_cstart, $3  }
0xc3: {  	[dreg:$0x1] =	wrdreg $0xFFFFFFFF  }
0xc4: {  	_ =	task.clear_ibuf [dreg:s9], $0x2FFFF;
	_ =	strace $0x9FFFFFFF  }
0xc5: {  	(tm) =	ssettm $0x7FFFFFFF  }
tec
execute0_lowered:
.L_overlay_start_1:
0x0: {  	(tag) =	ssettag $0x1  }
0x1: {  	s0 =	rddreg [dreg:$0x0]  }
0x2: {  	s1 =	rddreg [dreg:$0x1]  }
0x3: {  	s3 =	rddreg [dreg:$0x2];
	s2 =	srdreg.scid  }
0x4: {  	s6 =	simm.s32 $0x0;
	s5 =	stileid.u32;
	s8 =	simm.s32 $0x400  }
0x5: {  	s9 =	simm.s32 $0x8000;
	s13 =	simm.s32 $0x6600;
	s2 =	sand.u32 $0x1, s2  }
0x6: {  	v0 =	vlaneseq.u32;
	s5 =	sshll.u32 s5, $0xB;
	s4 =	ssub.s32 $0x2, s2;
	s2 =	sshll.u32 s2, $0xA  }
.Ltmp0:
0x7: {  	s15 =	simm.s32 $0xA600;
	v0 =	vmul.u32 $0x80, v0;
	s5 =	sor.u32 s2, s5;
	(pc) =	sbr.rel .LBB2_1-.Ltmp0, $4  }
0x8: {  	s17 =	simm.s32 $0xE600;
	s28 =	sshrl.u32 s4, $0x1;
	s30 =	sshrl.u32 s5, $0x3  }
0x9: {  	[smem:$0x7FF] =	sst s6;
	v1 =	vor.u32 $0x800, v0;
	s29 =	ssub.s32 s4, s28;
	s0 =	sadd.s32 s0, s30  }
0xa: {  	_ =	strace $0x80000047;
	v2 =	vor.u32 $0x1000, v0;
	v3 =	vor.u32 $0x1800, v0;
	v4 =	vor.u32 $0x2000, v0;
	s31 =	smax.u32 s29, $0x1;
	[dreg:$0x4] =	wrdreg s0  }
0xb: {  	s19 =	simm.s32 $0x12600;
	v5 =	vor.u32 $0x2800, v0;
	v6 =	vor.u32 $0x3000, v0;
	v7 =	vor.u32 $0x3800, v0;
	s4 =	simm.s32 $0x0;
	[dreg:$0x5] =	wrdreg s31  }
.LBB2_12:
0xc: {  	s0 =	simm.s32 $0x5  }
0xd: {  	_ =	swait.ge [sflag:s0], $0x2000  }
0xe: {  	[sflag:s0] =	ssyncset.done $0x0  }
0xf: {  	s29 =	simm.s32 $0x6;
	[sflag:s0] =	ssyncadd.s32 $0xFFFFE000  }
0x10: {  	_ =	swait.ge [sflag:s29], $0x2000  }
0x11: {  	[sflag:s29] =	ssyncset.done $0x0  }
0x12: {  	s30 =	simm.s32 $0x7;
	[sflag:s29] =	ssyncadd.s32 $0xFFFFE000  }
0x13: {  	_ =	swait.ge [sflag:s30], $0x2000  }
0x14: {  	[sflag:s30] =	ssyncset.done $0x0  }
0x15: {  	s2 =	simm.s32 $0x8;
	[sflag:s30] =	ssyncadd.s32 $0xFFFFE000  }
0x16: {  	_ =	swait.ge [sflag:s2], $0x2000  }
0x17: {  	s4 =	rddreg [dreg:$0x6]  }
0x18: {  	s31 =	rddreg [dreg:$0x5];
	s4 =	sadd.s32 $0x1, s4  }
0x19: {  	p0 =	sne.s32 s4, s31  }
.Ltmp1:
0x1a: {  	_ = 	snop;
	(pc) =	sbr.rel @!p0 .LBB2_13-.Ltmp1, $3  }
0x1b: {  	_ =	sdelay $0x1  }
0x1c: {  	[sflag:s2] =	ssyncset.done $0x0  }
0x1d: {  	[sflag:s2] =	ssyncadd.s32 $0xFFFFE000  }
.LBB2_1:
0x1e: {  	[dreg:$0x6] =	wrdreg s4  }
0x1f: {  	s0 =	simm.s32 $0x0;
	s2 =	rddreg [dreg:$0x4];
	s25 =	simm.s32 $0x9  }
0x20: {  	[tilespmem:s0], [sflag:$0x9] =	stream.strided.gather [hbm4b:s2+s8], $0x6400, s9, s8, $0x38;
	[tilespmem:$0x1E600] =	vst v63  }
0x21: {  	_ =	swait.ge [sflag:s25], $0x6400  }
0x22: {  	[sflag:s25] =	ssyncset.done $0x0  }
0x23: {  	[sflag:s25] =	ssyncadd.s32 $0xFFFF9C00  }
0x24: {  	v8 =	vld [tilespmem:$0x0]  }
0x25: {  	v9 =	vld [tilespmem:$0x10]  }
0x26: {  	v10 =	vld [tilespmem:$0x20]  }
0x27: {  	v11 =	vld [tilespmem:$0x30]  }
0x28: {  	v12 =	vld [tilespmem:$0x40]  }
0x29: {  	v13 =	vld [tilespmem:$0x50];
	v8 =	vshra.s32 v8, $0x1  }
0x2a: {  	v41 =	vld [tilespmem:$0x60];
	[tilespmem:$0x6400] =	vst v8;
	v8 =	vshra.s32 v9, $0x1  }
0x2b: {  	v42 =	vld [tilespmem:$0x70];
	[tilespmem:$0x6410] =	vst v8;
	v8 =	vshra.s32 v10, $0x1  }
0x2c: {  	[tilespmem:$0x6420] =	vst v8;
	v8 =	vshra.s32 v11, $0x1  }
0x2d: {  	[tilespmem:$0x6430] =	vst v8;
	v8 =	vshra.s32 v12, $0x1  }
0x2e: {  	[tilespmem:$0x6440] =	vst v8;
	v8 =	vshra.s32 v13, $0x1  }
0x2f: {  	[tilespmem:$0x6450] =	vst v8;
	v8 =	vshra.s32 v41, $0x1  }
0x30: {  	[tilespmem:$0x6460] =	vst v8;
	v8 =	vshra.s32 v42, $0x1  }
0x31: {  	s26 =	simm.s32 $0x80;
	s28 =	simm.s32 $0x6400;
	[tilespmem:$0x6470] =	vst v8  }
0x32: {  	[tilespmem:s13], [sflag:$0x1] =	stream.indirect.gather [hbm4b:s1+s26], $0x80, s28, s26, $0xb8;
	[tilespmem:$0x1E600] =	vst v63  }
0x33: {  	v8 =	vld [tilespmem:$0x80]  }
0x34: {  	v43 =	vld [tilespmem:$0x90]  }
0x35: {  	v44 =	vld [tilespmem:$0xA0]  }
0x36: {  	v45 =	vld [tilespmem:$0xB0]  }
0x37: {  	v46 =	vld [tilespmem:$0xC0]  }
0x38: {  	v47 =	vld [tilespmem:$0xD0];
	v8 =	vshra.s32 v8, $0x1  }
0x39: {  	v48 =	vld [tilespmem:$0xE0];
	[tilespmem:$0x6480] =	vst v8;
	v8 =	vshra.s32 v43, $0x1  }
0x3a: {  	v49 =	vld [tilespmem:$0xF0];
	[tilespmem:$0x6490] =	vst v8;
	v8 =	vshra.s32 v44, $0x1  }
0x3b: {  	[tilespmem:$0x64A0] =	vst v8;
	v8 =	vshra.s32 v45, $0x1  }
0x3c: {  	[tilespmem:$0x64B0] =	vst v8;
	v8 =	vshra.s32 v46, $0x1  }
0x3d: {  	[tilespmem:$0x64C0] =	vst v8;
	v8 =	vshra.s32 v47, $0x1  }
0x3e: {  	[tilespmem:$0x64D0] =	vst v8;
	v8 =	vshra.s32 v48, $0x1  }
0x3f: {  	[tilespmem:$0x64E0] =	vst v8;
	v8 =	vshra.s32 v49, $0x1  }
0x40: {  	s29 =	simm.s32 $0x6480;
	[tilespmem:$0x64F0] =	vst v8  }
0x41: {  	[tilespmem:s15], [sflag:$0x2] =	stream.indirect.gather [hbm4b:s1+s26], $0x80, s29, s26, $0xb8;
	[tilespmem:$0x1E600] =	vst v63  }
0x42: {  	v8 =	vld [tilespmem:$0x100]  }
0x43: {  	v50 =	vld [tilespmem:$0x110]  }
0x44: {  	v51 =	vld [tilespmem:$0x120]  }
0x45: {  	v52 =	vld [tilespmem:$0x130]  }
0x46: {  	v53 =	vld [tilespmem:$0x140]  }
0x47: {  	v54 =	vld [tilespmem:$0x150];
	v8 =	vshra.s32 v8, $0x1  }
0x48: {  	v55 =	vld [tilespmem:$0x160];
	[tilespmem:$0x6500] =	vst v8;
	v8 =	vshra.s32 v50, $0x1  }
0x49: {  	v56 =	vld [tilespmem:$0x170];
	[tilespmem:$0x6510] =	vst v8;
	v8 =	vshra.s32 v51, $0x1  }
0x4a: {  	[tilespmem:$0x6520] =	vst v8;
	v8 =	vshra.s32 v52, $0x1  }
0x4b: {  	[tilespmem:$0x6530] =	vst v8;
	v8 =	vshra.s32 v53, $0x1  }
0x4c: {  	[tilespmem:$0x6540] =	vst v8;
	v8 =	vshra.s32 v54, $0x1  }
0x4d: {  	[tilespmem:$0x6550] =	vst v8;
	v8 =	vshra.s32 v55, $0x1  }
0x4e: {  	[tilespmem:$0x6560] =	vst v8;
	v8 =	vshra.s32 v56, $0x1  }
0x4f: {  	s30 =	simm.s32 $0x6500;
	[tilespmem:$0x6570] =	vst v8  }
0x50: {  	[tilespmem:s17], [sflag:$0x3] =	stream.indirect.gather [hbm4b:s1+s26], $0x80, s30, s26, $0xb8;
	[tilespmem:$0x1E600] =	vst v63  }
0x51: {  	v8 =	vld [tilespmem:$0x180]  }
0x52: {  	v57 =	vld [tilespmem:$0x190]  }
0x53: {  	v58 =	vld [tilespmem:$0x1A0]  }
0x54: {  	v59 =	vld [tilespmem:$0x1B0]  }
0x55: {  	v60 =	vld [tilespmem:$0x1C0]  }
0x56: {  	v61 =	vld [tilespmem:$0x1D0];
	v8 =	vshra.s32 v8, $0x1  }
0x57: {  	v62 =	vld [tilespmem:$0x1E0];
	[tilespmem:$0x6580] =	vst v8;
	v8 =	vshra.s32 v57, $0x1  }
0x58: {  	v63 =	vld [tilespmem:$0x1F0];
	[tilespmem:$0x6590] =	vst v8;
	v8 =	vshra.s32 v58, $0x1  }
0x59: {  	[tilespmem:$0x65A0] =	vst v8;
	v8 =	vshra.s32 v59, $0x1  }
0x5a: {  	[tilespmem:$0x65B0] =	vst v8;
	v8 =	vshra.s32 v60, $0x1  }
0x5b: {  	[tilespmem:$0x65C0] =	vst v8;
	v8 =	vshra.s32 v61, $0x1  }
0x5c: {  	[tilespmem:$0x65D0] =	vst v8;
	v8 =	vshra.s32 v62, $0x1  }
0x5d: {  	[tilespmem:$0x65E0] =	vst v8;
	v8 =	vshra.s32 v63, $0x1  }
0x5e: {  	s31 =	simm.s32 $0x6580;
	s12 =	simm.s32 $0x0;
	[tilespmem:$0x65F0] =	vst v8  }
0x5f: {  	[tilespmem:s19], [sflag:$0x4] =	stream.indirect.gather [hbm4b:s1+s26], $0x80, s31, s26, $0xb8;
	[tilespmem:$0x1E600] =	vst v63  }
.LBB2_2:
0x60: {  	s2 =	simm.s32 $0x1  }
0x61: {  	_ =	swait.ge [sflag:s2], $0x4000  }
0x62: {  	s0 =	sshll.u32 s12, $0xB;
	[sflag:s2] =	ssyncset.done $0x0  }
0x63: {  	s14 =	sshra.s32 s0, $0x2;
	[sflag:s2] =	ssyncadd.s32 $0xFFFFC000  }
0x64: {  	v8 =	vld [tilespmem:s14+$0x0];
	_ =	sdelay $0x3  }
0x65: {  	v9 =	vld [tilespmem:s14+$0x10]  }
0x66: {  	v16 =	vld [tilespmem:s14+$0x20];
	v8 =	vshll.u32 v8, $0x6  }
0x67: {  	v18 =	vld [tilespmem:s14+$0x30];
	v8 =	vand.u32 $0x40, v8  }
0x68: {  	s10 =	simm.s32 $0x0;
	v11 =	vld [tilespmem:s14+$0x40];
	v15 =	vor.u32 v0, v8  }
0x69: {  	p0 =	seq.s32 s12, $0x0;
	s23 =	simm.s32 $0x7;
	v12 =	vld [tilespmem:s14+$0x50];
	v8 =	vor.u32 s10, v15  }
0x6a: {  	s16 =	simm.s32 $0x1;
	s0 =	simm.s32 @!p0 $0x5;
	v13 =	vld [tilespmem:s14+$0x60];
	v10 =	vor.u32 s23, v15  }
0x6b: {  	s21 =	simm.s32 $0x3;
	v14 =	vld [tilespmem:s14+$0x70];
	_ =	swait.ge @!p0 [sflag:s0], $0x2000;
	v17 =	vor.u32 s16, v15  }
0x6c: {  	s20 =	simm.s32 $0x2;
	[sflag:s0] =	ssyncset.done @!p0 $0x0;
	v20 =	vor.u32 s21, v15  }
0x6d: {  	s11 =	simm.s32 $0x5;
	[sflag:s0] =	ssyncadd.s32 @!p0 $0xFFFFE000;
	v19 =	vor.u32 s20, v15  }
0x6e: {  	s22 =	simm.s32 $0x4;
	v22 =	vor.u32 s11, v15;
	v21 =	vld.idx.msk [tilespmem:v8+s13+$0x0], $0xffff  }
0x6f: {  	v8 =	vor.u32 s22, v15;
	v23 =	vld.idx.msk [tilespmem:v10+s13+$0x0], $0xffff  }
0x70: {  	s7 =	simm.s32 $0x6;
	v9 =	vshll.u32 v9, $0x6;
	v17 =	vld.idx.msk [tilespmem:v17+s13+$0x0], $0xffff  }
0x71: {  	s4 =	simm.s32 $0x8;
	v9 =	vand.u32 $0x40, v9;
	v24 =	vor.u32 s7, v15;
	v20 =	vld.idx.msk [tilespmem:v20+s13+$0x0], $0xffff  }
0x72: {  	v10 =	vor.u32 v1, v9;
	v9 =	vld.idx.msk [tilespmem:v19+s13+$0x0], $0xffff;
	v19 =	vor.u32 s4, v15  }
0x73: {  	v22 =	vld.idx.msk [tilespmem:v22+s13+$0x0], $0xffff;
	v25 =	vor.u32 s23, v10  }
0x74: {  	v26 =	vor.u32 s16, v10;
	v8 =	vld.idx.msk [tilespmem:v8+s13+$0x0], $0xffff;
	v23 =	vmul.f32 $8.000000000e+00, v23  }
0x75: {  	s6 =	simm.s32 $0x16800;
	v27 =	vor.u32 s20, v10;
	v28 =	vmul.f32 $8.000000000e+00, v17  }
0x76: {  	v24 =	vld.idx.msk [tilespmem:v24+s13+$0x0], $0xffff;
	v29 =	vor.u32 s21, v10;
	v20 =	vmul.f32 $8.000000000e+00, v20;
	[tilespmem:s6+$0x180] =	vst v23  }
0x77: {  	v17 =	vld.idx.msk [tilespmem:v19+s13+$0x0], $0xffff;
	v9 =	vmul.f32 $8.000000000e+00, v9;
	[tilespmem:s6+$0xFFFFFE80] =	vst v28;
	v23 =	vor.u32 s11, v10  }
0x78: {  	v19 =	vor.u32 s22, v10;
	[tilespmem:s6+$0xFFFFFF80] =	vst v20;
	v20 =	vmul.f32 $8.000000000e+00, v22;
	v25 =	vld.idx.msk [tilespmem:v25+s13+$0x0], $0xffff  }
0x79: {  	v16 =	vshll.u32 v16, $0x6;
	[tilespmem:s6+$0xFFFFFF00] =	vst v9;
	v28 =	vor.u32 s7, v10;
	v26 =	vld.idx.msk [tilespmem:v26+s13+$0x0], $0xffff;
	v9 =	vmul.f32 $8.000000000e+00, v8  }
0x7a: {  	s29 =	simm.s32 $0x9;
	v27 =	vld.idx.msk [tilespmem:v27+s13+$0x0], $0xffff;
	[tilespmem:s6+$0x80] =	vst v20;
	v8 =	vand.u32 $0x40, v16;
	v16 =	vor.u32 s10, v10  }
0x7b: {  	v22 =	vor.u32 s29, v15;
	v29 =	vld.idx.msk [tilespmem:v29+s13+$0x0], $0xffff;
	[tilespmem:s6+$0x0] =	vst v9;
	v9 =	vmul.f32 $8.000000000e+00, v24  }
0x7c: {  	v21 =	vmul.f32 $8.000000000e+00, v21;
	v8 =	vor.u32 v2, v8;
	v23 =	vld.idx.msk [tilespmem:v23+s13+$0x0], $0xffff  }
0x7d: {  	v20 =	vor.u32 s23, v8;
	v19 =	vld.idx.msk [tilespmem:v19+s13+$0x0], $0xffff;
	[tilespmem:s6+$0x100] =	vst v9  }
0x7e: {  	[tilespmem:s6+$0xFFFFFE00] =	vst v21;
	v24 =	vor.u32 s16, v8;
	v25 =	vmul.f32 $8.000000000e+00, v25;
	v21 =	vld.idx.msk [tilespmem:v28+s13+$0x0], $0xffff  }
0x7f: {  	v30 =	vor.u32 s21, v8;
	v26 =	vmul.f32 $8.000000000e+00, v26;
	v28 =	vld.idx.msk [tilespmem:v16+s13+$0x0], $0xffff  }
0x80: {  	v9 =	vor.u32 s20, v8;
	v16 =	vld.idx.msk [tilespmem:v22+s13+$0x0], $0xffff;
	v22 =	vmul.f32 $8.000000000e+00, v27;
	[tilespmem:s6+$0x190] =	vst v25  }
0x81: {  	[tilespmem:s6+$0xFFFFFE90] =	vst v26;
	v25 =	vmul.f32 $8.000000000e+00, v29;
	v26 =	vor.u32 s11, v8  }
0x82: {  	v27 =	vor.u32 s22, v8;
	v20 =	vld.idx.msk [tilespmem:v20+s13+$0x0], $0xffff;
	[tilespmem:s6+$0xFFFFFF10] =	vst v22;
	v23 =	vmul.f32 $8.000000000e+00, v23  }
0x83: {  	v18 =	vshll.u32 v18, $0x6;
	v24 =	vld.idx.msk [tilespmem:v24+s13+$0x0], $0xffff;
	v22 =	vor.u32 s7, v8;
	[tilespmem:s6+$0xFFFFFF90] =	vst v25;
	v19 =	vmul.f32 $8.000000000e+00, v19  }
0x84: {  	s30 =	simm.s32 $0xA;
	v18 =	vand.u32 $0x40, v18;
	v29 =	vor.u32 s10, v8;
	v25 =	vld.idx.msk [tilespmem:v30+s13+$0x0], $0xffff;
	[tilespmem:s6+$0x90] =	vst v23  }
0x85: {  	v31 =	vld.idx.msk [tilespmem:v9+s13+$0x0], $0xffff;
	v9 =	vor.u32 v3, v18;
	v18 =	vor.u32 s30, v15;
	[tilespmem:s6+$0x10] =	vst v19;
	v19 =	vmul.f32 $8.000000000e+00, v21  }
0x86: {  	v21 =	vmul.f32 $8.000000000e+00, v28;
	v23 =	vor.u32 s23, v9;
	v26 =	vld.idx.msk [tilespmem:v26+s13+$0x0], $0xffff  }
0x87: {  	v28 =	vor.u32 s16, v9;
	v27 =	vld.idx.msk [tilespmem:v27+s13+$0x0], $0xffff;
	[tilespmem:s6+$0x110] =	vst v19  }
0x88: {  	[tilespmem:s6+$0xFFFFFE10] =	vst v21;
	v19 =	vor.u32 s20, v9;
	v20 =	vmul.f32 $8.000000000e+00, v20;
	v21 =	vld.idx.msk [tilespmem:v22+s13+$0x0], $0xffff  }
0x89: {  	v24 =	vmul.f32 $8.000000000e+00, v24;
	v22 =	vld.idx.msk [tilespmem:v29+s13+$0x0], $0xffff;
	v29 =	vor.u32 s21, v9  }
0x8a: {  	v18 =	vld.idx.msk [tilespmem:v18+s13+$0x0], $0xffff;
	v30 =	vmul.f32 $8.000000000e+00, v31;
	v31 =	vor.u32 s22, v9;
	[tilespmem:s6+$0x1A0] =	vst v20  }
0x8b: {  	[tilespmem:s6+$0xFFFFFEA0] =	vst v24;
	v20 =	vmul.f32 $8.000000000e+00, v25;
	v24 =	vor.u32 s11, v9;
	v23 =	vld.idx.msk [tilespmem:v23+s13+$0x0], $0xffff  }
0x8c: {  	v11 =	vshll.u32 v11, $0x6;
	v25 =	vld.idx.msk [tilespmem:v28+s13+$0x0], $0xffff;
	v28 =	vor.u32 s7, v9;
	[tilespmem:s6+$0xFFFFFF20] =	vst v30;
	v27 =	vmul.f32 $8.000000000e+00, v27  }
0x8d: {  	s31 =	simm.s32 $0xB;
	v11 =	vand.u32 $0x40, v11;
	v30 =	vor.u32 s10, v9;
	[tilespmem:s6+$0xFFFFFFA0] =	vst v20;
	v32 =	vld.idx.msk [tilespmem:v19+s13+$0x0], $0xffff;
	v19 =	vmul.f32 $8.000000000e+00, v26  }
0x8e: {  	v11 =	vor.u32 v4, v11;
	v20 =	vor.u32 s31, v15;
	v26 =	vld.idx.msk [tilespmem:v29+s13+$0x0], $0xffff;
	[tilespmem:s6+$0x20] =	vst v27;
	v21 =	vmul.f32 $8.000000000e+00, v21  }
0x8f: {  	v22 =	vmul.f32 $8.000000000e+00, v22;
	v29 =	vor.u32 s23, v11;
	v27 =	vld.idx.msk [tilespmem:v31+s13+$0x0], $0xffff;
	[tilespmem:s6+$0xA0] =	vst v19  }
0x90: {  	v31 =	vor.u32 s16, v11;
	v24 =	vld.idx.msk [tilespmem:v24+s13+$0x0], $0xffff;
	[tilespmem:s6+$0x120] =	vst v21  }
0x91: {  	[tilespmem:s6+$0xFFFFFE20] =	vst v22;
	v21 =	vor.u32 s20, v11;
	v23 =	vmul.f32 $8.000000000e+00, v23;
	v22 =	vld.idx.msk [tilespmem:v28+s13+$0x0], $0xffff  }
0x92: {  	v25 =	vmul.f32 $8.000000000e+00, v25;
	v28 =	vld.idx.msk [tilespmem:v30+s13+$0x0], $0xffff;
	v30 =	vor.u32 s21, v11  }
0x93: {  	v49 =	vor.u32 s22, v11;
	v19 =	vld.idx.msk [tilespmem:v20+s13+$0x0], $0xffff;
	v20 =	vmul.f32 $8.000000000e+00, v32;
	[tilespmem:s6+$0x1B0] =	vst v23  }
0x94: {  	[tilespmem:s6+$0xFFFFFEB0] =	vst v25;
	v25 =	vor.u32 s11, v11;
	v23 =	vmul.f32 $8.000000000e+00, v26;
	v26 =	vld.idx.msk [tilespmem:v29+s13+$0x0], $0xffff  }
0x95: {  	v12 =	vshll.u32 v12, $0x6;
	v29 =	vld.idx.msk [tilespmem:v31+s13+$0x0], $0xffff;
	[tilespmem:s6+$0xFFFFFF30] =	vst v20;
	v20 =	vmul.f32 $8.000000000e+00, v27;
	v27 =	vor.u32 s7, v11  }
0x96: {  	s0 =	simm.s32 $0xC;
	v12 =	vand.u32 $0x40, v12;
	v31 =	vor.u32 s10, v11;
	v21 =	vld.idx.msk [tilespmem:v21+s13+$0x0], $0xffff;
	[tilespmem:s6+$0xFFFFFFB0] =	vst v23;
	v23 =	vmul.f32 $8.000000000e+00, v24  }
0x97: {  	v12 =	vor.u32 v5, v12;
	v24 =	vor.u32 s0, v15;
	v30 =	vld.idx.msk [tilespmem:v30+s13+$0x0], $0xffff;
	[tilespmem:s6+$0x30] =	vst v20;
	v20 =	vmul.f32 $8.000000000e+00, v22  }
0x98: {  	v22 =	vmul.f32 $8.000000000e+00, v28;
	v28 =	vld.idx.msk [tilespmem:v49+s13+$0x0], $0xffff;
	[tilespmem:s6+$0xB0] =	vst v23;
	v23 =	vor.u32 s23, v12  }
0x99: {  	v50 =	vor.u32 s16, v12;
	v25 =	vld.idx.msk [tilespmem:v25+s13+$0x0], $0xffff;
	[tilespmem:s6+$0x130] =	vst v20  }
0x9a: {  	[tilespmem:s6+$0xFFFFFE30] =	vst v22;
	v20 =	vor.u32 s20, v12;
	v26 =	vmul.f32 $8.000000000e+00, v26;
	v22 =	vld.idx.msk [tilespmem:v27+s13+$0x0], $0xffff  }
0x9b: {  	v27 =	vld.idx.msk [tilespmem:v31+s13+$0x0], $0xffff;
	v29 =	vmul.f32 $8.000000000e+00, v29;
	v31 =	vor.u32 s21, v12  }
0x9c: {  	v33 =	vor.u32 s22, v12;
	v24 =	vld.idx.msk [tilespmem:v24+s13+$0x0], $0xffff;
	v21 =	vmul.f32 $8.000000000e+00, v21;
	[tilespmem:s6+$0x1C0] =	vst v26  }
0x9d: {  	[tilespmem:s6+$0xFFFFFEC0] =	vst v29;
	v26 =	vmul.f32 $8.000000000e+00, v30;
	v29 =	vor.u32 s11, v12;
	v23 =	vld.idx.msk [tilespmem:v23+s13+$0x0], $0xffff  }
0x9e: {  	v13 =	vshll.u32 v13, $0x6;
	v30 =	vld.idx.msk [tilespmem:v50+s13+$0x0], $0xffff;
	[tilespmem:s6+$0xFFFFFF40] =	vst v21;
	v21 =	vmul.f32 $8.000000000e+00, v28;
	v28 =	vor.u32 s7, v12  }
0x9f: {  	s2 =	simm.s32 $0xD;
	v13 =	vand.u32 $0x40, v13;
	v51 =	vor.u32 s10, v12;
	v20 =	vld.idx.msk [tilespmem:v20+s13+$0x0], $0xffff;
	[tilespmem:s6+$0xFFFFFFC0] =	vst v26;
	v25 =	vmul.f32 $8.000000000e+00, v25  }
0xa0: {  	v13 =	vor.u32 v6, v13;
	v26 =	vor.u32 s2, v15;
	v31 =	vld.idx.msk [tilespmem:v31+s13+$0x0], $0xffff;
	[tilespmem:s6+$0x40] =	vst v21;
	v21 =	vmul.f32 $8.000000000e+00, v22  }
0xa1: {  	v22 =	vmul.f32 $8.000000000e+00, v27;
	v27 =	vld.idx.msk [tilespmem:v33+s13+$0x0], $0xffff;
	[tilespmem:s6+$0xC0] =	vst v25;
	v25 =	vor.u32 s23, v13  }
0xa2: {  	v52 =	vor.u32 s16, v13;
	v29 =	vld.idx.msk [tilespmem:v29+s13+$0x0], $0xffff;
	[tilespmem:s6+$0x140] =	vst v21  }
0xa3: {  	[tilespmem:s6+$0xFFFFFE40] =	vst v22;
	v21 =	vor.u32 s20, v13;
	v22 =	vld.idx.msk [tilespmem:v28+s13+$0x0], $0xffff;
	v23 =	vmul.f32 $8.000000000e+00, v23  }
0xa4: {  	v53 =	vor.u32 s21, v13;
	v28 =	vld.idx.msk [tilespmem:v51+s13+$0x0], $0xffff;
	v30 =	vmul.f32 $8.000000000e+00, v30  }
0xa5: {  	v34 =	vor.u32 s22, v13;
	v26 =	vld.idx.msk [tilespmem:v26+s13+$0x0], $0xffff;
	v20 =	vmul.f32 $8.000000000e+00, v20;
	[tilespmem:s6+$0x1D0] =	vst v23  }
0xa6: {  	[tilespmem:s6+$0xFFFFFED0] =	vst v30;
	v23 =	vmul.f32 $8.000000000e+00, v31;
	v30 =	vor.u32 s11, v13;
	v25 =	vld.idx.msk [tilespmem:v25+s13+$0x0], $0xffff  }
0xa7: {  	v14 =	vshll.u32 v14, $0x6;
	v31 =	vld.idx.msk [tilespmem:v52+s13+$0x0], $0xffff;
	[tilespmem:s6+$0xFFFFFF50] =	vst v20;
	v20 =	vmul.f32 $8.000000000e+00, v27;
	v27 =	vor.u32 s7, v13  }
0xa8: {  	s18 =	simm.s32 $0xE;
	v14 =	vand.u32 $0x40, v14;
	v54 =	vor.u32 s10, v13;
	v21 =	vld.idx.msk [tilespmem:v21+s13+$0x0], $0xffff;
	[tilespmem:s6+$0xFFFFFFD0] =	vst v23;
	v23 =	vmul.f32 $8.000000000e+00, v29  }
0xa9: {  	v14 =	vor.u32 v7, v14;
	v29 =	vor.u32 s18, v15;
	v32 =	vld.idx.msk [tilespmem:v53+s13+$0x0], $0xffff;
	[tilespmem:s6+$0x50] =	vst v20;
	v20 =	vmul.f32 $8.000000000e+00, v22  }
0xaa: {  	s26 =	simm.s32 $0xF;
	v22 =	vmul.f32 $8.000000000e+00, v28;
	v28 =	vld.idx.msk [tilespmem:v34+s13+$0x0], $0xffff;
	[tilespmem:s6+$0xD0] =	vst v23;
	v23 =	vor.u32 s23, v14  }
0xab: {  	v55 =	vor.u32 s26, v15;
	v30 =	vld.idx.msk [tilespmem:v30+s13+$0x0], $0xffff;
	[tilespmem:s6+$0x150] =	vst v20  }
0xac: {  	[tilespmem:s6+$0xFFFFFE50] =	vst v22;
	v20 =	vor.u32 s16, v14;
	v22 =	vld.idx.msk [tilespmem:v27+s13+$0x0], $0xffff;
	v25 =	vmul.f32 $8.000000000e+00, v25  }
0xad: {  	v56 =	vor.u32 s20, v14;
	v27 =	vld.idx.msk [tilespmem:v54+s13+$0x0], $0xffff;
	v31 =	vmul.f32 $8.000000000e+00, v31  }
0xae: {  	v35 =	vor.u32 s21, v14;
	v29 =	vld.idx.msk [tilespmem:v29+s13+$0x0], $0xffff;
	v21 =	vmul.f32 $8.000000000e+00, v21;
	[tilespmem:s6+$0x1E0] =	vst v25  }
0xaf: {  	v25 =	vor.u32 s22, v14;
	[tilespmem:s6+$0xFFFFFEE0] =	vst v31;
	v36 =	vld.idx.msk [tilespmem:v23+s13+$0x0], $0xffff;
	v23 =	vmul.f32 $8.000000000e+00, v32  }
0xb0: {  	v38 =	vor.u32 s31, v10;
	v31 =	vld.idx.msk [tilespmem:v55+s13+$0x0], $0xffff;
	[tilespmem:s6+$0xFFFFFF60] =	vst v21;
	v21 =	vmul.f32 $8.000000000e+00, v28  }
0xb1: {  	v57 =	vor.u32 s11, v14;
	v62 =	vor.u32 s4, v10;
	v19 =	vmul.f32 $8.000000000e+00, v19;
	v28 =	vld.idx.msk [tilespmem:v20+s13+$0x0], $0xffff;
	[tilespmem:s6+$0xFFFFFFE0] =	vst v23  }
0xb2: {  	v17 =	vmul.f32 $8.000000000e+00, v17;
	v33 =	vld.idx.msk [tilespmem:v56+s13+$0x0], $0xffff;
	v23 =	vmul.f32 $8.000000000e+00, v30;
	v30 =	vor.u32 s10, v14;
	[tilespmem:s6+$0x60] =	vst v21;
	s10 =	simm.s32 $0x16C00  }
0xb3: {  	v20 =	vor.u32 s7, v14;
	v35 =	vld.idx.msk [tilespmem:v35+s13+$0x0], $0xffff;
	[tilespmem:s10+$0xFFFFFF80] =	vst v19  }
0xb4: {  	v21 =	vmul.f32 $8.000000000e+00, v22;
	[tilespmem:s10+$0xFFFFFE00] =	vst v17;
	v22 =	vld.idx.msk [tilespmem:v25+s13+$0x0], $0xffff  }
0xb5: {  	v37 =	vor.u32 s26, v10;
	v27 =	vmul.f32 $8.000000000e+00, v27;
	[tilespmem:s6+$0xE0] =	vst v23;
	v63 =	vld.idx.msk [tilespmem:v38+s13+$0x0], $0xffff  }
0xb6: {  	v60 =	vmul.f32 $8.000000000e+00, v16;
	[tilespmem:s6+$0x160] =	vst v21;
	v25 =	vor.u32 s29, v10;
	v34 =	vld.idx.msk [tilespmem:v62+s13+$0x0], $0xffff  }
0xb7: {  	s7 =	simm.s32 $0x10;
	[tilespmem:s6+$0xFFFFFE60] =	vst v27;
	v27 =	vor.u32 s30, v10;
	v31 =	vmul.f32 $8.000000000e+00, v31;
	v23 =	vld.idx.msk [tilespmem:v57+s13+$0x0], $0xffff  }
0xb8: {  	v18 =	vmul.f32 $8.000000000e+00, v18;
	v58 =	vor.u32 s7, v15;
	[tilespmem:s10+$0xFFFFFE80] =	vst v60;
	v21 =	vld.idx.msk [tilespmem:v20+s13+$0x0], $0xffff  }
0xb9: {  	[tilespmem:s10+$0x180] =	vst v31;
	v20 =	vld.idx.msk [tilespmem:v30+s13+$0x0], $0xffff;
	v30 =	vor.u32 s0, v10  }
0xba: {  	[tilespmem:s10+$0xFFFFFF00] =	vst v18;
	v18 =	vmul.f32 $8.000000000e+00, v24;
	v31 =	vor.u32 s2, v10;
	v61 =	vld.idx.msk [tilespmem:v37+s13+$0x0], $0xffff  }
0xbb: {  	s21 =	simm.s32 $0x11;
	v24 =	vor.u32 s18, v10;
	v19 =	vmul.f32 $8.000000000e+00, v26;
	v25 =	vld.idx.msk [tilespmem:v25+s13+$0x0], $0xffff  }
0xbc: {  	v26 =	vor.u32 s21, v15;
	[tilespmem:s10+$0x0] =	vst v18;
	v18 =	vmul.f32 $8.000000000e+00, v29;
	v27 =	vld.idx.msk [tilespmem:v27+s13+$0x0], $0xffff  }
0xbd: {  	[tilespmem:s10+$0x80] =	vst v19;
	v19 =	vor.u32 s26, v8;
	v28 =	vmul.f32 $8.000000000e+00, v28;
	v16 =	vld.idx.msk [tilespmem:v58+s13+$0x0], $0xffff  }
0xbe: {  	[tilespmem:s10+$0x100] =	vst v18;
	v22 =	vmul.f32 $8.000000000e+00, v22;
	v29 =	vld.idx.msk [tilespmem:v30+s13+$0x0], $0xffff;
	v30 =	vor.u32 s29, v8  }
0xbf: {  	v18 =	vor.u32 s30, v8;
	[tilespmem:s6+$0xFFFFFEF0] =	vst v28;
	v31 =	vld.idx.msk [tilespmem:v31+s13+$0x0], $0xffff;
	v32 =	vmul.f32 $8.000000000e+00, v61  }
0xc0: {  	v40 =	vor.u32 s31, v8;
	v24 =	vld.idx.msk [tilespmem:v24+s13+$0x0], $0xffff;
	[tilespmem:s6+$0x70] =	vst v22;
	v25 =	vmul.f32 $8.000000000e+00, v25  }
0xc1: {  	v17 =	vld.idx.msk [tilespmem:v26+s13+$0x0], $0xffff;
	v26 =	vmul.f32 $8.000000000e+00, v27;
	v27 =	vor.u32 s0, v8;
	[tilespmem:s10+$0x190] =	vst v32  }
0xc2: {  	v28 =	vor.u32 s2, v8;
	v19 =	vld.idx.msk [tilespmem:v19+s13+$0x0], $0xffff;
	[tilespmem:s10+$0xFFFFFE90] =	vst v25;
	v25 =	vmul.f32 $8.000000000e+00, v63  }
0xc3: {  	[tilespmem:s10+$0xFFFFFF10] =	vst v26;
	v30 =	vld.idx.msk [tilespmem:v30+s13+$0x0], $0xffff;
	v26 =	vmul.f32 $8.000000000e+00, v29;
	v29 =	vor.u32 s18, v8  }
0xc4: {  	v41 =	vor.u32 s4, v8;
	s23 =	simm.s32 $0x12;
	v42 =	vld.idx.msk [tilespmem:v18+s13+$0x0], $0xffff;
	v18 =	vmul.f32 $8.000000000e+00, v31;
	[tilespmem:s10+$0xFFFFFF90] =	vst v25  }
0xc5: {  	v24 =	vmul.f32 $8.000000000e+00, v24;
	v25 =	vor.u32 s23, v15;
	v31 =	vld.idx.msk [tilespmem:v40+s13+$0x0], $0xffff;
	[tilespmem:s10+$0x10] =	vst v26  }
0xc6: {  	v43 =	vor.u32 s26, v9;
	v26 =	vmul.f32 $8.000000000e+00, v34;
	[tilespmem:s10+$0x90] =	vst v18;
	v27 =	vld.idx.msk [tilespmem:v27+s13+$0x0], $0xffff  }
0xc7: {  	v44 =	vor.u32 s29, v9;
	[tilespmem:s10+$0x110] =	vst v24;
	v18 =	vmul.f32 $8.000000000e+00, v33;
	v28 =	vld.idx.msk [tilespmem:v28+s13+$0x0], $0xffff  }
0xc8: {  	v24 =	vor.u32 s30, v9;
	v19 =	vmul.f32 $8.000000000e+00, v19;
	[tilespmem:s10+$0xFFFFFE10] =	vst v26;
	v26 =	vld.idx.msk [tilespmem:v29+s13+$0x0], $0xffff  }
0xc9: {  	v45 =	vor.u32 s31, v9;
	[tilespmem:s6+$0xFFFFFF70] =	vst v18;
	v29 =	vld.idx.msk [tilespmem:v41+s13+$0x0], $0xffff;
	v30 =	vmul.f32 $8.000000000e+00, v30  }
0xca: {  	v46 =	vor.u32 s0, v9;
	[tilespmem:s10+$0x1A0] =	vst v19;
	v18 =	vld.idx.msk [tilespmem:v25+s13+$0x0], $0xffff;
	v25 =	vmul.f32 $8.000000000e+00, v42  }
0xcb: {  	[tilespmem:s10+$0xFFFFFEA0] =	vst v30;
	v19 =	vmul.f32 $8.000000000e+00, v31;
	v30 =	vor.u32 s2, v9;
	v31 =	vld.idx.msk [tilespmem:v43+s13+$0x0], $0xffff  }
0xcc: {  	v33 =	vld.idx.msk [tilespmem:v44+s13+$0x0], $0xffff;
	[tilespmem:s10+$0xFFFFFF20] =	vst v25;
	v25 =	vmul.f32 $8.000000000e+00, v27;
	v27 =	vor.u32 s18, v9  }
0xcd: {  	s28 =	simm.s32 $0x13;
	v47 =	vor.u32 s4, v9;
	v24 =	vld.idx.msk [tilespmem:v24+s13+$0x0], $0xffff;
	[tilespmem:s10+$0xFFFFFFA0] =	vst v19;
	v19 =	vmul.f32 $8.000000000e+00, v28  }
0xce: {  	v28 =	vor.u32 s28, v15;
	v32 =	vld.idx.msk [tilespmem:v45+s13+$0x0], $0xffff;
	[tilespmem:s10+$0x20] =	vst v25;
	v25 =	vmul.f32 $8.000000000e+00, v26  }
0xcf: {  	v48 =	vor.u32 s26, v11;
	v26 =	vmul.f32 $8.000000000e+00, v29;
	v29 =	vld.idx.msk [tilespmem:v46+s13+$0x0], $0xffff;
	[tilespmem:s10+$0xA0] =	vst v19  }
0xd0: {  	v49 =	vor.u32 s29, v11;
	v19 =	vmul.f32 $8.000000000e+00, v35;
	v30 =	vld.idx.msk [tilespmem:v30+s13+$0x0], $0xffff;
	[tilespmem:s10+$0x120] =	vst v25  }
0xd1: {  	[tilespmem:s10+$0xFFFFFE20] =	vst v26;
	v25 =	vor.u32 s30, v11;
	v26 =	vld.idx.msk [tilespmem:v27+s13+$0x0], $0xffff;
	v27 =	vmul.f32 $8.000000000e+00, v31  }
0xd2: {  	v50 =	vor.u32 s31, v11;
	v31 =	vld.idx.msk [tilespmem:v47+s13+$0x0], $0xffff;
	v33 =	vmul.f32 $8.000000000e+00, v33;
	[tilespmem:s6+$0xFFFFFFF0] =	vst v19  }
0xd3: {  	v19 =	vld.idx.msk [tilespmem:v28+s13+$0x0], $0xffff;
	v24 =	vmul.f32 $8.000000000e+00, v24;
	v28 =	vor.u32 s0, v11;
	[tilespmem:s10+$0x1B0] =	vst v27  }
0xd4: {  	v51 =	vor.u32 s2, v11;
	[tilespmem:s10+$0xFFFFFEB0] =	vst v33;
	v27 =	vmul.f32 $8.000000000e+00, v32;
	v52 =	vld.idx.msk [tilespmem:v48+s13+$0x0], $0xffff  }
0xd5: {  	s20 =	simm.s32 $0x15;
	v35 =	vld.idx.msk [tilespmem:v49+s13+$0x0], $0xffff;
	[tilespmem:s10+$0xFFFFFF30] =	vst v24;
	v24 =	vmul.f32 $8.000000000e+00, v29;
	v29 =	vor.u32 s18, v11  }
0xd6: {  	v58 =	vor.u32 s20, v15;
	v25 =	vld.idx.msk [tilespmem:v25+s13+$0x0], $0xffff;
	[tilespmem:s10+$0xFFFFFFB0] =	vst v27;
	v27 =	vmul.f32 $8.000000000e+00, v30  }
0xd7: {  	s11 =	simm.s32 $0x14;
	v53 =	vor.u32 s4, v11;
	v34 =	vld.idx.msk [tilespmem:v50+s13+$0x0], $0xffff;
	[tilespmem:s10+$0x30] =	vst v24;
	v24 =	vmul.f32 $8.000000000e+00, v26  }
0xd8: {  	v30 =	vor.u32 s11, v15;
	v26 =	vmul.f32 $8.000000000e+00, v31;
	v28 =	vld.idx.msk [tilespmem:v28+s13+$0x0], $0xffff;
	[tilespmem:s10+$0xB0] =	vst v27  }
0xd9: {  	v23 =	vmul.f32 $8.000000000e+00, v23;
	v27 =	vor.u32 s26, v12;
	v32 =	vld.idx.msk [tilespmem:v51+s13+$0x0], $0xffff;
	[tilespmem:s10+$0x130] =	vst v24  }
0xda: {  	v31 =	vor.u32 s29, v12;
	[tilespmem:s10+$0xFFFFFE30] =	vst v26;
	v26 =	vld.idx.msk [tilespmem:v29+s13+$0x0], $0xffff;
	v29 =	vmul.f32 $8.000000000e+00, v52  }
0xdb: {  	[tilespmem:s6+$0xF0] =	vst v23;
	v23 =	vld.idx.msk [tilespmem:v58+s13+$0x0], $0xffff;
	v24 =	vor.u32 s30, v12;
	v35 =	vmul.f32 $8.000000000e+00, v35  }
0xdc: {  	v55 =	vor.u32 s31, v12;
	v54 =	vld.idx.msk [tilespmem:v53+s13+$0x0], $0xffff;
	v25 =	vmul.f32 $8.000000000e+00, v25;
	[tilespmem:s10+$0x1C0] =	vst v29  }
0xdd: {  	v22 =	vld.idx.msk [tilespmem:v30+s13+$0x0], $0xffff;
	v30 =	vor.u32 s0, v12;
	[tilespmem:s10+$0xFFFFFEC0] =	vst v35;
	v29 =	vmul.f32 $8.000000000e+00, v34  }
0xde: {  	v56 =	vor.u32 s2, v12;
	v27 =	vld.idx.msk [tilespmem:v27+s13+$0x0], $0xffff;
	[tilespmem:s10+$0xFFFFFF40] =	vst v25;
	v25 =	vmul.f32 $8.000000000e+00, v28  }
0xdf: {  	v31 =	vld.idx.msk [tilespmem:v31+s13+$0x0], $0xffff;
	v28 =	vor.u32 s18, v12;
	[tilespmem:s10+$0xFFFFFFC0] =	vst v29;
	v29 =	vmul.f32 $8.000000000e+00, v32  }
0xe0: {  	v59 =	vmul.f32 $8.000000000e+00, v36;
	v57 =	vor.u32 s4, v12;
	v24 =	vld.idx.msk [tilespmem:v24+s13+$0x0], $0xffff;
	[tilespmem:s10+$0x40] =	vst v25  }
0xe1: {  	v36 =	vld.idx.msk [tilespmem:v55+s13+$0x0], $0xffff;
	v25 =	vmul.f32 $8.000000000e+00, v26;
	[tilespmem:s10+$0xC0] =	vst v29;
	v29 =	vor.u32 s26, v13  }
0xe2: {  	[tilespmem:s6+$0x1F0] =	vst v59;
	v59 =	vor.u32 s29, v13;
	v26 =	vmul.f32 $8.000000000e+00, v54;
	v30 =	vld.idx.msk [tilespmem:v30+s13+$0x0], $0xffff  }
0xe3: {  	v60 =	vor.u32 s30, v13;
	v34 =	vld.idx.msk [tilespmem:v56+s13+$0x0], $0xffff;
	[tilespmem:s10+$0x140] =	vst v25;
	v25 =	vmul.f32 $8.000000000e+00, v27  }
0xe4: {  	[tilespmem:s10+$0xFFFFFE40] =	vst v26;
	v61 =	vld.idx.msk [tilespmem:v28+s13+$0x0], $0xffff;
	v26 =	vmul.f32 $8.000000000e+00, v31;
	v28 =	vor.u32 s31, v13  }
0xe5: {  	v39 =	vor.u32 s0, v13;
	v35 =	vld.idx.msk [tilespmem:v57+s13+$0x0], $0xffff;
	v24 =	vmul.f32 $8.000000000e+00, v24;
	[tilespmem:s10+$0x1D0] =	vst v25  }
0xe6: {  	v31 =	vor.u32 s2, v13;
	[tilespmem:s10+$0xFFFFFED0] =	vst v26;
	v62 =	vmul.f32 $8.000000000e+00, v36;
	v26 =	vld.idx.msk [tilespmem:v29+s13+$0x0], $0xffff  }
0xe7: {  	v25 =	vld.idx.msk [tilespmem:v59+s13+$0x0], $0xffff;
	[tilespmem:s10+$0xFFFFFF50] =	vst v24;
	v29 =	vmul.f32 $8.000000000e+00, v30;
	v30 =	vor.u32 s18, v13  }
0xe8: {  	s24 =	simm.s32 $0x16;
	v32 =	vor.u32 s4, v13;
	v27 =	vld.idx.msk [tilespmem:v60+s13+$0x0], $0xffff;
	[tilespmem:s10+$0xFFFFFFD0] =	vst v62;
	v63 =	vmul.f32 $8.000000000e+00, v34  }
0xe9: {  	v21 =	vmul.f32 $8.000000000e+00, v21;
	v24 =	vor.u32 s24, v15;
	v28 =	vld.idx.msk [tilespmem:v28+s13+$0x0], $0xffff;
	[tilespmem:s10+$0x50] =	vst v29;
	v34 =	vmul.f32 $8.000000000e+00, v61  }
0xea: {  	s25 =	simm.s32 $0x17;
	s16 =	sshll.u32 s12, $0x2;
	s22 =	simm.s32 $0x18;
	v20 =	vmul.f32 $8.000000000e+00, v20;
	v33 =	vor.u32 s26, v14;
	v35 =	vmul.f32 $8.000000000e+00, v35;
	v29 =	vld.idx.msk [tilespmem:v39+s13+$0x0], $0xffff;
	[tilespmem:s10+$0xD0] =	vst v63  }
.LBB2_3:
0xeb: {  	p1 =	slt.u32 s22, $0x38;
	v36 =	vor.u32 s25, v15;
	v31 =	vld.idx.msk [tilespmem:v31+s13+$0x0], $0xffff;
	[tilespmem:s10+$0x150] =	vst v34  }
0xec: {  	v34 =	vor.u32 s29, v14;
	v26 =	vmul.f32 $8.000000000e+00, v26;
	s29 =	smov.u32 s21;
	[tilespmem:s10+$0xFFFFFE50] =	vst v35;
	v30 =	vld.idx.msk [tilespmem:v30+s13+$0x0], $0xffff  }
0xed: {  	v25 =	vmul.f32 $8.000000000e+00, v25;
	v35 =	vor.u32 s30, v14;
	s30 =	smov.u32 s23;
	v32 =	vld.idx.msk [tilespmem:v32+s13+$0x0], $0xffff;
	[tilespmem:s6+$0x170] =	vst v21  }
0xee: {  	v21 =	vld.idx.msk [tilespmem:v24+s13+$0x0], $0xffff;
	v24 =	vmul.f32 $8.000000000e+00, v27;
	v27 =	vor.u32 s31, v14;
	[tilespmem:s10+$0x1E0] =	vst v26;
	s31 =	smov.u32 s28  }
0xef: {  	v26 =	vor.u32 s0, v14;
	s0 =	smov.u32 s11;
	[tilespmem:s10+$0xFFFFFEE0] =	vst v25;
	v25 =	vmul.f32 $8.000000000e+00, v28;
	v28 =	vld.idx.msk [tilespmem:v33+s13+$0x0], $0xffff  }
0xf0: {  	v33 =	vld.idx.msk [tilespmem:v36+s13+$0x0], $0xffff;
	[tilespmem:s10+$0xFFFFFF60] =	vst v24;
	v24 =	vmul.f32 $8.000000000e+00, v29;
	v29 =	vor.u32 s2, v14;
	s2 =	smov.u32 s20  }
0xf1: {  	v34 =	vld.idx.msk [tilespmem:v34+s13+$0x0], $0xffff;
	[tilespmem:s10+$0xFFFFFFE0] =	vst v25;
	v25 =	vmul.f32 $8.000000000e+00, v31;
	v31 =	vor.u32 s18, v14;
	s18 =	smov.u32 s24  }
0xf2: {  	v36 =	vor.u32 s4, v14;
	s4 =	smov.u32 s7;
	s7 =	smov.u32 s22;
	v35 =	vld.idx.msk [tilespmem:v35+s13+$0x0], $0xffff;
	[tilespmem:s10+$0x60] =	vst v24;
	v24 =	vmul.f32 $8.000000000e+00, v30  }
0xf3: {  	v30 =	vor.u32 s22, v15;
	v32 =	vmul.f32 $8.000000000e+00, v32;
	v27 =	vld.idx.msk [tilespmem:v27+s13+$0x0], $0xffff;
	[tilespmem:s10+$0xE0] =	vst v25  }
0xf4: {  	v25 =	vor.u32 s25, v10;
	v26 =	vld.idx.msk [tilespmem:v26+s13+$0x0], $0xffff;
	[tilespmem:s10+$0x160] =	vst v24  }
0xf5: {  	v24 =	vor.u32 s29, v10;
	v28 =	vmul.f32 $8.000000000e+00, v28;
	[tilespmem:s10+$0xFFFFFE60] =	vst v32;
	v29 =	vld.idx.msk [tilespmem:v29+s13+$0x0], $0xffff  }
0xf6: {  	v32 =	vor.u32 s30, v10;
	v33 =	vmul.f32 $8.000000000e+00, v33;
	v31 =	vld.idx.msk [tilespmem:v31+s13+$0x0], $0xffff;
	[tilespmem:s6+$0xFFFFFE70] =	vst v20;
	s6 =	smov.u32 s10  }
0xf7: {  	v17 =	vmul.f32 $8.000000000e+00, v17;
	v20 =	vor.u32 s31, v10;
	v34 =	vmul.f32 $8.000000000e+00, v34;
	s10 =	sadd.s32 $0x400, s10;
	v36 =	vld.idx.msk [tilespmem:v36+s13+$0x0], $0xffff;
	[tilespmem:s6+$0x1F0] =	vst v28  }
0xf8: {  	v18 =	vmul.f32 $8.000000000e+00, v18;
	v28 =	vld.idx.msk [tilespmem:v30+s13+$0x0], $0xffff;
	v30 =	vor.u32 s0, v10;
	[tilespmem:s10+$0x180] =	vst v33;
	v33 =	vmul.f32 $8.000000000e+00, v35  }
0xf9: {  	v35 =	vor.u32 s2, v10;
	[tilespmem:s10+$0xFFFFFE80] =	vst v17;
	v17 =	vmul.f32 $8.000000000e+00, v19;
	v25 =	vld.idx.msk [tilespmem:v25+s13+$0x0], $0xffff;
	v19 =	vmul.f32 $8.000000000e+00, v27  }
0xfa: {  	v27 =	vor.u32 s18, v10;
	v24 =	vld.idx.msk [tilespmem:v24+s13+$0x0], $0xffff;
	[tilespmem:s10+$0xFFFFFF00] =	vst v18;
	v18 =	vmul.f32 $8.000000000e+00, v22;
	v22 =	vmul.f32 $8.000000000e+00, v26  }
0xfb: {  	s21 =	sadd.s32 $0x1, s22;
	v26 =	vor.u32 s4, v10;
	v32 =	vld.idx.msk [tilespmem:v32+s13+$0x0], $0xffff;
	[tilespmem:s10+$0xFFFFFF80] =	vst v17;
	v17 =	vmul.f32 $8.000000000e+00, v23;
	v23 =	vmul.f32 $8.000000000e+00, v29  }
0xfc: {  	v29 =	vor.u32 s21, v15;
	v37 =	vld.idx.msk [tilespmem:v20+s13+$0x0], $0xffff;
	[tilespmem:s10+$0x0] =	vst v18;
	v18 =	vmul.f32 $8.000000000e+00, v21;
	v21 =	vmul.f32 $8.000000000e+00, v31  }
0xfd: {  	v38 =	vor.u32 s25, v8;
	v31 =	vmul.f32 $8.000000000e+00, v16;
	v20 =	vmul.f32 $8.000000000e+00, v36;
	v30 =	vld.idx.msk [tilespmem:v30+s13+$0x0], $0xffff;
	[tilespmem:s10+$0x80] =	vst v17  }
0xfe: {  	v36 =	vor.u32 s29, v8;
	v16 =	vmov v28;
	v35 =	vld.idx.msk [tilespmem:v35+s13+$0x0], $0xffff;
	[tilespmem:s10+$0x100] =	vst v18  }
0xff: {  	v18 =	vor.u32 s30, v8;
	v25 =	vmul.f32 $8.000000000e+00, v25;
	[tilespmem:s10+$0xFFFFFE00] =	vst v31;
	v27 =	vld.idx.msk [tilespmem:v27+s13+$0x0], $0xffff  }
0x100: {  	v28 =	vor.u32 s31, v8;
	v24 =	vmul.f32 $8.000000000e+00, v24;
	v26 =	vld.idx.msk [tilespmem:v26+s13+$0x0], $0xffff;
	[tilespmem:s6+$0xFFFFFEF0] =	vst v34  }
0x101: {  	v31 =	vor.u32 s0, v8;
	v17 =	vld.idx.msk [tilespmem:v29+s13+$0x0], $0xffff;
	v29 =	vmul.f32 $8.000000000e+00, v32;
	[tilespmem:s10+$0x190] =	vst v25  }
0x102: {  	v25 =	vor.u32 s2, v8;
	[tilespmem:s10+$0xFFFFFE90] =	vst v24;
	v24 =	vmul.f32 $8.000000000e+00, v37;
	v32 =	vld.idx.msk [tilespmem:v38+s13+$0x0], $0xffff  }
0x103: {  	v34 =	vld.idx.msk [tilespmem:v36+s13+$0x0], $0xffff;
	[tilespmem:s10+$0xFFFFFF10] =	vst v29;
	v29 =	vmul.f32 $8.000000000e+00, v30;
	v30 =	vor.u32 s18, v8  }
0x104: {  	s23 =	sadd.s32 $0x2, s22;
	v36 =	vor.u32 s4, v8;
	v37 =	vld.idx.msk [tilespmem:v18+s13+$0x0], $0xffff;
	[tilespmem:s10+$0xFFFFFF90] =	vst v24;
	v18 =	vmul.f32 $8.000000000e+00, v35  }
0x105: {  	v24 =	vor.u32 s23, v15;
	v27 =	vmul.f32 $8.000000000e+00, v27;
	v28 =	vld.idx.msk [tilespmem:v28+s13+$0x0], $0xffff;
	[tilespmem:s10+$0x10] =	vst v29  }
0x106: {  	v26 =	vmul.f32 $8.000000000e+00, v26;
	v29 =	vld.idx.msk [tilespmem:v31+s13+$0x0], $0xffff;
	[tilespmem:s10+$0x90] =	vst v18;
	v31 =	vor.u32 s25, v9  }
0x107: {  	v35 =	vor.u32 s29, v9;
	v25 =	vld.idx.msk [tilespmem:v25+s13+$0x0], $0xffff;
	[tilespmem:s10+$0x110] =	vst v27  }
0x108: {  	[tilespmem:s10+$0xFFFFFE10] =	vst v26;
	v26 =	vor.u32 s30, v9;
	v27 =	vld.idx.msk [tilespmem:v30+s13+$0x0], $0xffff;
	v30 =	vmul.f32 $8.000000000e+00, v32  }
0x109: {  	v34 =	vmul.f32 $8.000000000e+00, v34;
	v32 =	vld.idx.msk [tilespmem:v36+s13+$0x0], $0xffff;
	v36 =	vor.u32 s31, v9;
	[tilespmem:s6+$0xFFFFFF70] =	vst v33  }
0x10a: {  	v33 =	vor.u32 s0, v9;
	v18 =	vld.idx.msk [tilespmem:v24+s13+$0x0], $0xffff;
	v24 =	vmul.f32 $8.000000000e+00, v37;
	[tilespmem:s10+$0x1A0] =	vst v30  }
0x10b: {  	v28 =	vmul.f32 $8.000000000e+00, v28;
	v30 =	vor.u32 s2, v9;
	[tilespmem:s10+$0xFFFFFEA0] =	vst v34;
	v31 =	vld.idx.msk [tilespmem:v31+s13+$0x0], $0xffff  }
0x10c: {  	v34 =	vld.idx.msk [tilespmem:v35+s13+$0x0], $0xffff;
	[tilespmem:s10+$0xFFFFFF20] =	vst v24;
	v24 =	vmul.f32 $8.000000000e+00, v29;
	v29 =	vor.u32 s18, v9  }
0x10d: {  	s28 =	sadd.s32 $0x3, s22;
	v35 =	vor.u32 s4, v9;
	v25 =	vmul.f32 $8.000000000e+00, v25;
	v26 =	vld.idx.msk [tilespmem:v26+s13+$0x0], $0xffff;
	[tilespmem:s10+$0xFFFFFFA0] =	vst v28  }
0x10e: {  	v28 =	vor.u32 s28, v15;
	v36 =	vld.idx.msk [tilespmem:v36+s13+$0x0], $0xffff;
	[tilespmem:s10+$0x20] =	vst v24;
	v24 =	vmul.f32 $8.000000000e+00, v27  }
0x10f: {  	v27 =	vmul.f32 $8.000000000e+00, v32;
	v32 =	vld.idx.msk [tilespmem:v33+s13+$0x0], $0xffff;
	[tilespmem:s10+$0xA0] =	vst v25;
	v25 =	vor.u32 s25, v11  }
0x110: {  	v33 =	vor.u32 s29, v11;
	v30 =	vld.idx.msk [tilespmem:v30+s13+$0x0], $0xffff;
	[tilespmem:s10+$0x120] =	vst v24  }
0x111: {  	v24 =	vor.u32 s30, v11;
	[tilespmem:s10+$0xFFFFFE20] =	vst v27;
	v27 =	vld.idx.msk [tilespmem:v29+s13+$0x0], $0xffff;
	v29 =	vmul.f32 $8.000000000e+00, v31  }
0x112: {  	v34 =	vmul.f32 $8.000000000e+00, v34;
	v31 =	vld.idx.msk [tilespmem:v35+s13+$0x0], $0xffff;
	v35 =	vor.u32 s31, v11;
	[tilespmem:s6+$0xFFFFFFF0] =	vst v19  }
0x113: {  	v26 =	vmul.f32 $8.000000000e+00, v26;
	v19 =	vld.idx.msk [tilespmem:v28+s13+$0x0], $0xffff;
	v28 =	vor.u32 s0, v11;
	[tilespmem:s10+$0x1B0] =	vst v29  }
0x114: {  	v29 =	vmul.f32 $8.000000000e+00, v36;
	[tilespmem:s10+$0xFFFFFEB0] =	vst v34;
	v34 =	vor.u32 s2, v11;
	v25 =	vld.idx.msk [tilespmem:v25+s13+$0x0], $0xffff  }
0x115: {  	v33 =	vld.idx.msk [tilespmem:v33+s13+$0x0], $0xffff;
	[tilespmem:s10+$0xFFFFFF30] =	vst v26;
	v26 =	vmul.f32 $8.000000000e+00, v32;
	v32 =	vor.u32 s18, v11  }
0x116: {  	s11 =	sadd.s32 $0x4, s22;
	v36 =	vor.u32 s4, v11;
	v24 =	vld.idx.msk [tilespmem:v24+s13+$0x0], $0xffff;
	[tilespmem:s10+$0xFFFFFFB0] =	vst v29;
	v29 =	vmul.f32 $8.000000000e+00, v30  }
0x117: {  	v30 =	vor.u32 s11, v15;
	v35 =	vld.idx.msk [tilespmem:v35+s13+$0x0], $0xffff;
	[tilespmem:s10+$0x30] =	vst v26;
	v26 =	vmul.f32 $8.000000000e+00, v27  }
0x118: {  	v27 =	vmul.f32 $8.000000000e+00, v31;
	v28 =	vld.idx.msk [tilespmem:v28+s13+$0x0], $0xffff;
	[tilespmem:s10+$0xB0] =	vst v29;
	v29 =	vor.u32 s25, v12  }
0x119: {  	v31 =	vor.u32 s29, v12;
	v34 =	vld.idx.msk [tilespmem:v34+s13+$0x0], $0xffff;
	[tilespmem:s10+$0x130] =	vst v26  }
0x11a: {  	v26 =	vor.u32 s30, v12;
	v25 =	vmul.f32 $8.000000000e+00, v25;
	[tilespmem:s10+$0xFFFFFE30] =	vst v27;
	v27 =	vld.idx.msk [tilespmem:v32+s13+$0x0], $0xffff  }
0x11b: {  	v33 =	vmul.f32 $8.000000000e+00, v33;
	v32 =	vld.idx.msk [tilespmem:v36+s13+$0x0], $0xffff;
	v36 =	vor.u32 s31, v12;
	[tilespmem:s6+$0x70] =	vst v22  }
0x11c: {  	v24 =	vmul.f32 $8.000000000e+00, v24;
	v22 =	vld.idx.msk [tilespmem:v30+s13+$0x0], $0xffff;
	v30 =	vor.u32 s0, v12;
	[tilespmem:s10+$0x1C0] =	vst v25  }
0x11d: {  	v25 =	vmul.f32 $8.000000000e+00, v35;
	[tilespmem:s10+$0xFFFFFEC0] =	vst v33;
	v33 =	vor.u32 s2, v12;
	v29 =	vld.idx.msk [tilespmem:v29+s13+$0x0], $0xffff  }
0x11e: {  	v31 =	vld.idx.msk [tilespmem:v31+s13+$0x0], $0xffff;
	[tilespmem:s10+$0xFFFFFF40] =	vst v24;
	v24 =	vmul.f32 $8.000000000e+00, v28;
	v28 =	vor.u32 s18, v12  }
0x11f: {  	s20 =	sadd.s32 $0x5, s22;
	v35 =	vor.u32 s4, v12;
	v26 =	vld.idx.msk [tilespmem:v26+s13+$0x0], $0xffff;
	[tilespmem:s10+$0xFFFFFFC0] =	vst v25;
	v25 =	vmul.f32 $8.000000000e+00, v34  }
0x120: {  	v34 =	vor.u32 s20, v15;
	v36 =	vld.idx.msk [tilespmem:v36+s13+$0x0], $0xffff;
	[tilespmem:s10+$0x40] =	vst v24;
	v24 =	vmul.f32 $8.000000000e+00, v27  }
0x121: {  	v27 =	vmul.f32 $8.000000000e+00, v32;
	v30 =	vld.idx.msk [tilespmem:v30+s13+$0x0], $0xffff;
	[tilespmem:s10+$0xC0] =	vst v25;
	v25 =	vor.u32 s25, v13  }
0x122: {  	v32 =	vor.u32 s29, v13;
	v33 =	vld.idx.msk [tilespmem:v33+s13+$0x0], $0xffff;
	[tilespmem:s10+$0x140] =	vst v24  }
0x123: {  	v24 =	vor.u32 s30, v13;
	[tilespmem:s10+$0xFFFFFE40] =	vst v27;
	v37 =	vld.idx.msk [tilespmem:v28+s13+$0x0], $0xffff;
	v27 =	vmul.f32 $8.000000000e+00, v29  }
0x124: {  	v28 =	vmul.f32 $8.000000000e+00, v31;
	v29 =	vld.idx.msk [tilespmem:v35+s13+$0x0], $0xffff;
	v35 =	vor.u32 s31, v13;
	[tilespmem:s6+$0xF0] =	vst v23  }
0x125: {  	v38 =	vor.u32 s0, v13;
	v23 =	vld.idx.msk [tilespmem:v34+s13+$0x0], $0xffff;
	v34 =	vmul.f32 $8.000000000e+00, v26;
	[tilespmem:s10+$0x1D0] =	vst v27  }
.Ltmp2:
0x126: {  	v31 =	vor.u32 s2, v13;
	[tilespmem:s10+$0xFFFFFED0] =	vst v28;
	v28 =	vmul.f32 $8.000000000e+00, v36;
	v26 =	vld.idx.msk [tilespmem:v25+s13+$0x0], $0xffff;
	(pc) =	sbr.rel @p1 .LBB2_3-.Ltmp2, $4  }
0x127: {  	v25 =	vld.idx.msk [tilespmem:v32+s13+$0x0], $0xffff;
	[tilespmem:s10+$0xFFFFFF50] =	vst v34;
	v34 =	vmul.f32 $8.000000000e+00, v30;
	v30 =	vor.u32 s18, v13  }
0x128: {  	s24 =	sadd.s32 $0x6, s22;
	v32 =	vor.u32 s4, v13;
	v33 =	vmul.f32 $8.000000000e+00, v33;
	v27 =	vld.idx.msk [tilespmem:v24+s13+$0x0], $0xffff;
	[tilespmem:s10+$0xFFFFFFD0] =	vst v28  }
0x129: {  	v24 =	vor.u32 s24, v15;
	v28 =	vld.idx.msk [tilespmem:v35+s13+$0x0], $0xffff;
	[tilespmem:s10+$0x50] =	vst v34;
	v34 =	vmul.f32 $8.000000000e+00, v37  }
0x12a: {  	s22 =	sadd.s32 $0x8, s22;
	v35 =	vmul.f32 $8.000000000e+00, v29;
	v29 =	vld.idx.msk [tilespmem:v38+s13+$0x0], $0xffff;
	[tilespmem:s10+$0xD0] =	vst v33;
	v33 =	vor.u32 s25, v14;
	s25 =	sadd.s32 $0x7, s7  }
0x12b: {  	[tilespmem:s10+$0x150] =	vst v34  }
0x12c: {  	[tilespmem:s6+$0x170] =	vst v21  }
0x12d: {  	v26 =	vmul.f32 $8.000000000e+00, v26;
	[tilespmem:s6+$0xFFFFFE70] =	vst v20  }
0x12e: {  	v17 =	vmul.f32 $8.000000000e+00, v17;
	[tilespmem:s10+$0xFFFFFE50] =	vst v35  }
0x12f: {  	v15 =	vor.u32 s25, v15;
	v31 =	vld.idx.msk [tilespmem:v31+s13+$0x0], $0xffff;
	s22 =	sadd.s32 $0x400, s10;
	v18 =	vmul.f32 $8.000000000e+00, v18;
	[tilespmem:s10+$0x1E0] =	vst v26  }
0x130: {  	v30 =	vld.idx.msk [tilespmem:v30+s13+$0x0], $0xffff;
	v25 =	vmul.f32 $8.000000000e+00, v25;
	[tilespmem:s22+$0xFFFFFE80] =	vst v17  }
0x131: {  	v21 =	vld.idx.msk [tilespmem:v32+s13+$0x0], $0xffff;
	v27 =	vmul.f32 $8.000000000e+00, v27;
	[tilespmem:s22+$0xFFFFFF00] =	vst v18  }
0x132: {  	[tilespmem:s10+$0xFFFFFEE0] =	vst v25;
	v25 =	vmul.f32 $8.000000000e+00, v28  }
0x133: {  	v26 =	vld.idx.msk [tilespmem:v33+s13+$0x0], $0xffff;
	[tilespmem:s10+$0xFFFFFF60] =	vst v27;
	v27 =	vmul.f32 $8.000000000e+00, v29  }
0x134: {  	v15 =	vld.idx.msk [tilespmem:v15+s13+$0x0], $0xffff;
	[tilespmem:s10+$0xFFFFFFE0] =	vst v25;
	v25 =	vmul.f32 $8.000000000e+00, v31  }
0x135: {  	v20 =	vld.idx.msk [tilespmem:v24+s13+$0x0], $0xffff;
	v24 =	vor.u32 s23, v10;
	[tilespmem:s10+$0x60] =	vst v27;
	v27 =	vmul.f32 $8.000000000e+00, v30  }
0x136: {  	v21 =	vmul.f32 $8.000000000e+00, v21;
	[tilespmem:s10+$0xE0] =	vst v25;
	v25 =	vor.u32 s29, v14  }
0x137: {  	v17 =	vmul.f32 $8.000000000e+00, v19;
	[tilespmem:s10+$0x160] =	vst v27;
	v27 =	vor.u32 s25, v10  }
0x138: {  	[tilespmem:s10+$0xFFFFFE60] =	vst v21;
	v21 =	vmul.f32 $8.000000000e+00, v26;
	v26 =	vor.u32 s21, v10  }
0x139: {  	[tilespmem:s22+$0xFFFFFF80] =	vst v17;
	v15 =	vmul.f32 $8.000000000e+00, v15  }
0x13a: {  	v17 =	vmul.f32 $8.000000000e+00, v23;
	v23 =	vld.idx.msk [tilespmem:v24+s13+$0x0], $0xffff;
	[tilespmem:s10+$0x1F0] =	vst v21;
	v21 =	vor.u32 s28, v10  }
0x13b: {  	[tilespmem:s22+$0x180] =	vst v15;
	v15 =	vld.idx.msk [tilespmem:v25+s13+$0x0], $0xffff;
	v25 =	vor.u32 s11, v10  }
0x13c: {  	v16 =	vmul.f32 $8.000000000e+00, v16;
	v19 =	vor.u32 s20, v10;
	v27 =	vld.idx.msk [tilespmem:v27+s13+$0x0], $0xffff  }
0x13d: {  	v18 =	vmul.f32 $8.000000000e+00, v22;
	v22 =	vld.idx.msk [tilespmem:v26+s13+$0x0], $0xffff;
	v26 =	vor.u32 s24, v10  }
0x13e: {  	[tilespmem:s22+$0xFFFFFE00] =	vst v16;
	v10 =	vor.u32 s7, v10  }
0x13f: {  	[tilespmem:s22+$0x0] =	vst v18;
	v18 =	vmul.f32 $8.000000000e+00, v20;
	v20 =	vor.u32 s30, v14;
	v21 =	vld.idx.msk [tilespmem:v21+s13+$0x0], $0xffff  }
0x140: {  	v24 =	vor.u32 s25, v8;
	[tilespmem:s22+$0x80] =	vst v17;
	v23 =	vmul.f32 $8.000000000e+00, v23;
	v17 =	vld.idx.msk [tilespmem:v25+s13+$0x0], $0xffff  }
0x141: {  	[tilespmem:s22+$0x100] =	vst v18;
	v18 =	vor.u32 s21, v8;
	v19 =	vld.idx.msk [tilespmem:v19+s13+$0x0], $0xffff;
	v15 =	vmul.f32 $8.000000000e+00, v15  }
0x142: {  	[tilespmem:s22+$0xFFFFFF10] =	vst v23;
	v25 =	vor.u32 s23, v8;
	v16 =	vmul.f32 $8.000000000e+00, v27;
	v26 =	vld.idx.msk [tilespmem:v26+s13+$0x0], $0xffff  }
0x143: {  	v22 =	vmul.f32 $8.000000000e+00, v22;
	[tilespmem:s10+$0xFFFFFEF0] =	vst v15;
	v10 =	vld.idx.msk [tilespmem:v10+s13+$0x0], $0xffff;
	v15 =	vor.u32 s28, v8  }
0x144: {  	[tilespmem:s22+$0x190] =	vst v16;
	v16 =	vld.idx.msk [tilespmem:v20+s13+$0x0], $0xffff;
	v20 =	vor.u32 s11, v8;
	v21 =	vmul.f32 $8.000000000e+00, v21  }
0x145: {  	[tilespmem:s22+$0xFFFFFE90] =	vst v22;
	v22 =	vor.u32 s20, v8;
	v24 =	vld.idx.msk [tilespmem:v24+s13+$0x0], $0xffff;
	v17 =	vmul.f32 $8.000000000e+00, v17  }
0x146: {  	v23 =	vor.u32 s24, v8;
	v19 =	vmul.f32 $8.000000000e+00, v19;
	v18 =	vld.idx.msk [tilespmem:v18+s13+$0x0], $0xffff;
	[tilespmem:s22+$0xFFFFFF90] =	vst v21  }
0x147: {  	v8 =	vor.u32 s7, v8;
	v21 =	vld.idx.msk [tilespmem:v25+s13+$0x0], $0xffff;
	[tilespmem:s22+$0x10] =	vst v17;
	v17 =	vmul.f32 $8.000000000e+00, v26  }
0x148: {  	[tilespmem:s22+$0x90] =	vst v19;
	v25 =	vor.u32 s31, v14;
	v15 =	vld.idx.msk [tilespmem:v15+s13+$0x0], $0xffff;
	v10 =	vmul.f32 $8.000000000e+00, v10  }
0x149: {  	v16 =	vmul.f32 $8.000000000e+00, v16;
	v19 =	vld.idx.msk [tilespmem:v20+s13+$0x0], $0xffff;
	v20 =	vor.u32 s25, v9;
	[tilespmem:s22+$0x110] =	vst v17  }
0x14a: {  	v17 =	vor.u32 s21, v9;
	v22 =	vld.idx.msk [tilespmem:v22+s13+$0x0], $0xffff;
	[tilespmem:s22+$0xFFFFFE10] =	vst v10;
	v10 =	vmul.f32 $8.000000000e+00, v24  }
0x14b: {  	v24 =	vor.u32 s23, v9;
	v23 =	vld.idx.msk [tilespmem:v23+s13+$0x0], $0xffff;
	v18 =	vmul.f32 $8.000000000e+00, v18;
	[tilespmem:s10+$0xFFFFFF70] =	vst v16  }
0x14c: {  	v8 =	vld.idx.msk [tilespmem:v8+s13+$0x0], $0xffff;
	v16 =	vor.u32 s28, v9;
	v21 =	vmul.f32 $8.000000000e+00, v21;
	[tilespmem:s22+$0x1A0] =	vst v10  }
0x14d: {  	v10 =	vld.idx.msk [tilespmem:v25+s13+$0x0], $0xffff;
	v25 =	vor.u32 s11, v9;
	[tilespmem:s22+$0xFFFFFEA0] =	vst v18;
	v15 =	vmul.f32 $8.000000000e+00, v15  }
0x14e: {  	v18 =	vor.u32 s20, v9;
	v20 =	vld.idx.msk [tilespmem:v20+s13+$0x0], $0xffff;
	[tilespmem:s22+$0xFFFFFF20] =	vst v21;
	v19 =	vmul.f32 $8.000000000e+00, v19  }
0x14f: {  	v21 =	vor.u32 s24, v9;
	v17 =	vld.idx.msk [tilespmem:v17+s13+$0x0], $0xffff;
	[tilespmem:s22+$0xFFFFFFA0] =	vst v15;
	v15 =	vmul.f32 $8.000000000e+00, v22  }
0x150: {  	v9 =	vor.u32 s7, v9;
	v22 =	vld.idx.msk [tilespmem:v24+s13+$0x0], $0xffff;
	[tilespmem:s22+$0x20] =	vst v19;
	v19 =	vmul.f32 $8.000000000e+00, v23  }
0x151: {  	v23 =	vor.u32 s0, v14;
	v16 =	vld.idx.msk [tilespmem:v16+s13+$0x0], $0xffff;
	v8 =	vmul.f32 $8.000000000e+00, v8;
	[tilespmem:s22+$0xA0] =	vst v15  }
0x152: {  	v24 =	vor.u32 s25, v11;
	v10 =	vmul.f32 $8.000000000e+00, v10;
	v15 =	vld.idx.msk [tilespmem:v25+s13+$0x0], $0xffff;
	[tilespmem:s22+$0x120] =	vst v19  }
0x153: {  	v19 =	vor.u32 s21, v11;
	v18 =	vld.idx.msk [tilespmem:v18+s13+$0x0], $0xffff;
	[tilespmem:s22+$0xFFFFFE20] =	vst v8;
	v8 =	vmul.f32 $8.000000000e+00, v20  }
0x154: {  	v20 =	vor.u32 s23, v11;
	v21 =	vld.idx.msk [tilespmem:v21+s13+$0x0], $0xffff;
	[tilespmem:s10+$0xFFFFFFF0] =	vst v10;
	v17 =	vmul.f32 $8.000000000e+00, v17  }
0x155: {  	v9 =	vld.idx.msk [tilespmem:v9+s13+$0x0], $0xffff;
	v10 =	vor.u32 s28, v11;
	v22 =	vmul.f32 $8.000000000e+00, v22;
	[tilespmem:s22+$0x1B0] =	vst v8  }
0x156: {  	v8 =	vld.idx.msk [tilespmem:v23+s13+$0x0], $0xffff;
	v23 =	vor.u32 s11, v11;
	v16 =	vmul.f32 $8.000000000e+00, v16;
	[tilespmem:s22+$0xFFFFFEB0] =	vst v17  }
0x157: {  	v17 =	vor.u32 s20, v11;
	v24 =	vld.idx.msk [tilespmem:v24+s13+$0x0], $0xffff;
	[tilespmem:s22+$0xFFFFFF30] =	vst v22;
	v15 =	vmul.f32 $8.000000000e+00, v15  }
0x158: {  	v22 =	vor.u32 s24, v11;
	v19 =	vld.idx.msk [tilespmem:v19+s13+$0x0], $0xffff;
	[tilespmem:s22+$0xFFFFFFB0] =	vst v16;
	v16 =	vmul.f32 $8.000000000e+00, v18  }
0x159: {  	v11 =	vor.u32 s7, v11;
	v18 =	vld.idx.msk [tilespmem:v20+s13+$0x0], $0xffff;
	[tilespmem:s22+$0x30] =	vst v15;
	v15 =	vmul.f32 $8.000000000e+00, v21  }
0x15a: {  	v20 =	vor.u32 s2, v14;
	v10 =	vld.idx.msk [tilespmem:v10+s13+$0x0], $0xffff;
	v9 =	vmul.f32 $8.000000000e+00, v9;
	[tilespmem:s22+$0xB0] =	vst v16  }
0x15b: {  	v21 =	vor.u32 s25, v12;
	v8 =	vmul.f32 $8.000000000e+00, v8;
	v16 =	vld.idx.msk [tilespmem:v23+s13+$0x0], $0xffff;
	[tilespmem:s22+$0x130] =	vst v15  }
0x15c: {  	v15 =	vor.u32 s21, v12;
	[tilespmem:s22+$0xFFFFFE30] =	vst v9;
	v17 =	vld.idx.msk [tilespmem:v17+s13+$0x0], $0xffff;
	v9 =	vmul.f32 $8.000000000e+00, v24  }
0x15d: {  	v23 =	vor.u32 s23, v12;
	v22 =	vld.idx.msk [tilespmem:v22+s13+$0x0], $0xffff;
	v19 =	vmul.f32 $8.000000000e+00, v19;
	[tilespmem:s10+$0x70] =	vst v8  }
0x15e: {  	v8 =	vld.idx.msk [tilespmem:v11+s13+$0x0], $0xffff;
	v11 =	vor.u32 s28, v12;
	v18 =	vmul.f32 $8.000000000e+00, v18;
	[tilespmem:s22+$0x1C0] =	vst v9  }
0x15f: {  	v9 =	vld.idx.msk [tilespmem:v20+s13+$0x0], $0xffff;
	v20 =	vor.u32 s11, v12;
	v10 =	vmul.f32 $8.000000000e+00, v10;
	[tilespmem:s22+$0xFFFFFEC0] =	vst v19  }
0x160: {  	v19 =	vor.u32 s20, v12;
	v21 =	vld.idx.msk [tilespmem:v21+s13+$0x0], $0xffff;
	[tilespmem:s22+$0xFFFFFF40] =	vst v18;
	v16 =	vmul.f32 $8.000000000e+00, v16  }
0x161: {  	v15 =	vld.idx.msk [tilespmem:v15+s13+$0x0], $0xffff;
	v18 =	vor.u32 s24, v12;
	[tilespmem:s22+$0xFFFFFFC0] =	vst v10;
	v10 =	vmul.f32 $8.000000000e+00, v17  }
0x162: {  	v12 =	vor.u32 s7, v12;
	v17 =	vld.idx.msk [tilespmem:v23+s13+$0x0], $0xffff;
	[tilespmem:s22+$0x40] =	vst v16;
	v16 =	vmul.f32 $8.000000000e+00, v22  }
0x163: {  	v22 =	vor.u32 s18, v14;
	v11 =	vld.idx.msk [tilespmem:v11+s13+$0x0], $0xffff;
	v8 =	vmul.f32 $8.000000000e+00, v8;
	[tilespmem:s22+$0xC0] =	vst v10  }
0x164: {  	v9 =	vmul.f32 $8.000000000e+00, v9;
	v10 =	vld.idx.msk [tilespmem:v20+s13+$0x0], $0xffff;
	v20 =	vor.u32 s25, v13;
	[tilespmem:s22+$0x140] =	vst v16  }
0x165: {  	v16 =	vor.u32 s21, v13;
	v19 =	vld.idx.msk [tilespmem:v19+s13+$0x0], $0xffff;
	[tilespmem:s22+$0xFFFFFE40] =	vst v8;
	v8 =	vmul.f32 $8.000000000e+00, v21  }
0x166: {  	v21 =	vor.u32 s23, v13;
	v18 =	vld.idx.msk [tilespmem:v18+s13+$0x0], $0xffff;
	v15 =	vmul.f32 $8.000000000e+00, v15;
	[tilespmem:s10+$0xF0] =	vst v9  }
0x167: {  	v9 =	vld.idx.msk [tilespmem:v12+s13+$0x0], $0xffff;
	v12 =	vor.u32 s28, v13;
	v17 =	vmul.f32 $8.000000000e+00, v17;
	[tilespmem:s22+$0x1D0] =	vst v8  }
0x168: {  	v8 =	vld.idx.msk [tilespmem:v22+s13+$0x0], $0xffff;
	v22 =	vor.u32 s11, v13;
	[tilespmem:s22+$0xFFFFFED0] =	vst v15;
	v11 =	vmul.f32 $8.000000000e+00, v11  }
0x169: {  	v15 =	vor.u32 s20, v13;
	v20 =	vld.idx.msk [tilespmem:v20+s13+$0x0], $0xffff;
	[tilespmem:s22+$0xFFFFFF50] =	vst v17;
	v10 =	vmul.f32 $8.000000000e+00, v10  }
0x16a: {  	v17 =	vor.u32 s24, v13;
	v16 =	vld.idx.msk [tilespmem:v16+s13+$0x0], $0xffff;
	[tilespmem:s22+$0xFFFFFFD0] =	vst v11;
	v11 =	vmul.f32 $8.000000000e+00, v19  }
0x16b: {  	v13 =	vor.u32 s7, v13;
	v19 =	vld.idx.msk [tilespmem:v21+s13+$0x0], $0xffff;
	[tilespmem:s22+$0x50] =	vst v10;
	v10 =	vmul.f32 $8.000000000e+00, v18  }
0x16c: {  	v18 =	vor.u32 s4, v14;
	v12 =	vld.idx.msk [tilespmem:v12+s13+$0x0], $0xffff;
	v9 =	vmul.f32 $8.000000000e+00, v9;
	[tilespmem:s22+$0xD0] =	vst v11  }
0x16d: {  	v21 =	vor.u32 s25, v14;
	v8 =	vmul.f32 $8.000000000e+00, v8;
	v11 =	vld.idx.msk [tilespmem:v22+s13+$0x0], $0xffff;
	[tilespmem:s22+$0x150] =	vst v10  }
0x16e: {  	v10 =	vld.idx.msk [tilespmem:v15+s13+$0x0], $0xffff;
	[tilespmem:s22+$0xFFFFFE50] =	vst v9;
	v9 =	vor.u32 s21, v14;
	v15 =	vmul.f32 $8.000000000e+00, v20  }
0x16f: {  	v17 =	vld.idx.msk [tilespmem:v17+s13+$0x0], $0xffff;
	v20 =	vor.u32 s23, v14;
	v16 =	vmul.f32 $8.000000000e+00, v16;
	[tilespmem:s10+$0x170] =	vst v8  }
0x170: {  	v8 =	vld.idx.msk [tilespmem:v13+s13+$0x0], $0xffff;
	v13 =	vmul.f32 $8.000000000e+00, v19;
	v19 =	vor.u32 s28, v14;
	[tilespmem:s22+$0x1E0] =	vst v15  }
0x171: {  	v15 =	vld.idx.msk [tilespmem:v18+s13+$0x0], $0xffff;
	v12 =	vmul.f32 $8.000000000e+00, v12;
	[tilespmem:s22+$0xFFFFFEE0] =	vst v16;
	v16 =	vor.u32 s11, v14  }
0x172: {  	v18 =	vld.idx.msk [tilespmem:v21+s13+$0x0], $0xffff;
	[tilespmem:s22+$0xFFFFFF60] =	vst v13;
	v13 =	vor.u32 s20, v14;
	v11 =	vmul.f32 $8.000000000e+00, v11  }
0x173: {  	v9 =	vld.idx.msk [tilespmem:v9+s13+$0x0], $0xffff;
	[tilespmem:s22+$0xFFFFFFE0] =	vst v12;
	v10 =	vmul.f32 $8.000000000e+00, v10;
	v12 =	vor.u32 s24, v14  }
0x174: {  	v14 =	vor.u32 s7, v14;
	v20 =	vld.idx.msk [tilespmem:v20+s13+$0x0], $0xffff;
	[tilespmem:s22+$0x60] =	vst v11;
	v11 =	vmul.f32 $8.000000000e+00, v17  }
0x175: {  	v8 =	vmul.f32 $8.000000000e+00, v8;
	v17 =	vld.idx.msk [tilespmem:v19+s13+$0x0], $0xffff;
	[tilespmem:s22+$0xE0] =	vst v10  }
0x176: {  	v10 =	vmul.f32 $8.000000000e+00, v15;
	v15 =	vld.idx.msk [tilespmem:v16+s13+$0x0], $0xffff;
	[tilespmem:s22+$0x160] =	vst v11  }
0x177: {  	[tilespmem:s22+$0xFFFFFE60] =	vst v8;
	v8 =	vld.idx.msk [tilespmem:v13+s13+$0x0], $0xffff;
	v11 =	vmul.f32 $8.000000000e+00, v18  }
0x178: {  	v12 =	vld.idx.msk [tilespmem:v12+s13+$0x0], $0xffff;
	[tilespmem:s10+$0xFFFFFE70] =	vst v10;
	v9 =	vmul.f32 $8.000000000e+00, v9  }
0x179: {  	v10 =	vld.idx.msk [tilespmem:v14+s13+$0x0], $0xffff;
	[tilespmem:s22+$0x1F0] =	vst v11;
	v11 =	vmul.f32 $8.000000000e+00, v20  }
0x17a: {  	v13 =	vmul.f32 $8.000000000e+00, v17;
	[tilespmem:s22+$0xFFFFFEF0] =	vst v9  }
0x17b: {  	[tilespmem:s22+$0xFFFFFF70] =	vst v11;
	v9 =	vmul.f32 $8.000000000e+00, v15  }
0x17c: {  	v8 =	vmul.f32 $8.000000000e+00, v8;
	[tilespmem:s22+$0xFFFFFFF0] =	vst v13  }
0x17d: {  	s23 =	sshll.u32 s12, $0x14;
	v11 =	vmul.f32 $8.000000000e+00, v12;
	[tilespmem:s22+$0x70] =	vst v9  }
0x17e: {  	s0 =	sor.u32 s5, s23;
	v9 =	vmul.f32 $8.000000000e+00, v10;
	[tilespmem:s22+$0xF0] =	vst v8  }
0x17f: {  	s0 =	sshrl.u32 s0, $0x3;
	[tilespmem:s22+$0x170] =	vst v11  }
0x180: {  	p1 =	seq.s32 s12, $0x31;
	s0 =	sadd.s32 s3, s0;
	s24 =	simm.s32 $0x16600;
	[tilespmem:s22+$0xFFFFFE70] =	vst v9  }
0x181: {  	[hbm4b:s0+s8] =	stream.strided.scatter [tilespmem:s24], [sflag:$0x5], $0x2000, s9, s8, $0x38;
	[tilespmem:$0x1E600] =	vst v63  }
0x182: {  	v8 =	vld @!p1 [tilespmem:s14+$0x200];
	_ =	sdelay $0x4  }
0x183: {  	v8 =	vshra.s32 @!p1 v8, $0x1  }
0x184: {  	[tilespmem:$0x6400] =	vst @!p1 v8  }
0x185: {  	v8 =	vld @!p1 [tilespmem:s14+$0x210];
	_ =	sdelay $0x4  }
0x186: {  	v8 =	vshra.s32 @!p1 v8, $0x1  }
0x187: {  	[tilespmem:$0x6410] =	vst @!p1 v8  }
0x188: {  	v8 =	vld @!p1 [tilespmem:s14+$0x220];
	_ =	sdelay $0x4  }
0x189: {  	v8 =	vshra.s32 @!p1 v8, $0x1  }
0x18a: {  	[tilespmem:$0x6420] =	vst @!p1 v8  }
0x18b: {  	v8 =	vld @!p1 [tilespmem:s14+$0x230];
	_ =	sdelay $0x4  }
0x18c: {  	v8 =	vshra.s32 @!p1 v8, $0x1  }
0x18d: {  	[tilespmem:$0x6430] =	vst @!p1 v8  }
0x18e: {  	v8 =	vld @!p1 [tilespmem:s14+$0x240];
	_ =	sdelay $0x4  }
0x18f: {  	v8 =	vshra.s32 @!p1 v8, $0x1  }
0x190: {  	[tilespmem:$0x6440] =	vst @!p1 v8  }
0x191: {  	v8 =	vld @!p1 [tilespmem:s14+$0x250];
	_ =	sdelay $0x4  }
0x192: {  	v8 =	vshra.s32 @!p1 v8, $0x1  }
0x193: {  	[tilespmem:$0x6450] =	vst @!p1 v8  }
0x194: {  	v8 =	vld @!p1 [tilespmem:s14+$0x260];
	_ =	sdelay $0x4  }
0x195: {  	v8 =	vshra.s32 @!p1 v8, $0x1  }
0x196: {  	[tilespmem:$0x6460] =	vst @!p1 v8  }
0x197: {  	v8 =	vld @!p1 [tilespmem:s14+$0x270];
	_ =	sdelay $0x4  }
0x198: {  	s2 =	simm.s32 @!p1 $0x6400;
	v8 =	vshra.s32 @!p1 v8, $0x1  }
0x199: {  	s25 =	simm.s32 $0x2;
	s4 =	simm.s32 @!p1 $0x6600;
	s0 =	simm.s32 @!p1 $0x80;
	[tilespmem:$0x6470] =	vst @!p1 v8  }
0x19a: {  	[tilespmem:s4], [sflag:$0x1] =	stream.indirect.gather @!p1 [hbm4b:s1+s0], $0x80, s2, s0, $0xb8;
	[tilespmem:$0x1E600] =	vst v63  }
0x19b: {  	s4 =	sor.u32 $0x1, s16;
	_ =	swait.ge [sflag:s25], $0x4000  }
0x19c: {  	s26 =	sshll.u32 s4, $0x7;
	[sflag:s25] =	ssyncset.done $0x0  }
0x19d: {  	s0 =	sand.u32 $0x3FFFFF80, s26;
	[sflag:s25] =	ssyncadd.s32 $0xFFFFC000  }
0x19e: {  	v8 =	vld [tilespmem:s0+$0x0];
	_ =	sdelay $0x2  }
0x19f: {  	v9 =	vld [tilespmem:s0+$0x10]  }
0x1a0: {  	v16 =	vld [tilespmem:s0+$0x20]  }
0x1a1: {  	v18 =	vld [tilespmem:s0+$0x30];
	v8 =	vshll.u32 v8, $0x6  }
0x1a2: {  	v11 =	vld [tilespmem:s0+$0x40];
	v8 =	vand.u32 $0x40, v8  }
0x1a3: {  	s11 =	simm.s32 $0x0;
	v12 =	vld [tilespmem:s0+$0x50];
	v15 =	vor.u32 v0, v8  }
0x1a4: {  	s28 =	simm.s32 $0x7;
	v13 =	vld [tilespmem:s0+$0x60];
	v8 =	vor.u32 s11, v15  }
0x1a5: {  	s22 =	simm.s32 $0x1;
	v14 =	vld [tilespmem:s0+$0x70];
	s0 =	simm.s32 @!p0 $0x6;
	v10 =	vor.u32 s28, v15  }
0x1a6: {  	s25 =	simm.s32 $0x3;
	_ =	swait.ge @!p0 [sflag:s0], $0x2000;
	v17 =	vor.u32 s22, v15  }
0x1a7: {  	s23 =	simm.s32 $0x2;
	[sflag:s0] =	ssyncset.done @!p0 $0x0;
	v20 =	vor.u32 s25, v15  }
0x1a8: {  	s20 =	simm.s32 $0x5;
	[sflag:s0] =	ssyncadd.s32 @!p0 $0xFFFFE000;
	v19 =	vor.u32 s23, v15  }
0x1a9: {  	s26 =	simm.s32 $0x4;
	v22 =	vor.u32 s20, v15;
	v21 =	vld.idx.msk [tilespmem:v8+s15+$0x0], $0xffff  }
0x1aa: {  	v8 =	vor.u32 s26, v15;
	v23 =	vld.idx.msk [tilespmem:v10+s15+$0x0], $0xffff  }
0x1ab: {  	s10 =	simm.s32 $0x6;
	v9 =	vshll.u32 v9, $0x6;
	v17 =	vld.idx.msk [tilespmem:v17+s15+$0x0], $0xffff  }
0x1ac: {  	s6 =	simm.s32 $0x8;
	v9 =	vand.u32 $0x40, v9;
	v24 =	vor.u32 s10, v15;
	v20 =	vld.idx.msk [tilespmem:v20+s15+$0x0], $0xffff  }
0x1ad: {  	v10 =	vor.u32 v1, v9;
	v9 =	vld.idx.msk [tilespmem:v19+s15+$0x0], $0xffff;
	v19 =	vor.u32 s6, v15  }
0x1ae: {  	v22 =	vld.idx.msk [tilespmem:v22+s15+$0x0], $0xffff;
	v25 =	vor.u32 s28, v10  }
0x1af: {  	v26 =	vor.u32 s22, v10;
	v8 =	vld.idx.msk [tilespmem:v8+s15+$0x0], $0xffff;
	v23 =	vmul.f32 $8.000000000e+00, v23  }
0x1b0: {  	s7 =	simm.s32 $0x189F0;
	v27 =	vor.u32 s23, v10;
	v28 =	vmul.f32 $8.000000000e+00, v17  }
0x1b1: {  	v24 =	vld.idx.msk [tilespmem:v24+s15+$0x0], $0xffff;
	v29 =	vor.u32 s25, v10;
	v20 =	vmul.f32 $8.000000000e+00, v20;
	[tilespmem:s7+$0xFFFFFF90] =	vst v23  }
0x1b2: {  	v17 =	vld.idx.msk [tilespmem:v19+s15+$0x0], $0xffff;
	v9 =	vmul.f32 $8.000000000e+00, v9;
	[tilespmem:s7+$0xFFFFFC90] =	vst v28;
	v23 =	vor.u32 s20, v10  }
0x1b3: {  	v19 =	vor.u32 s26, v10;
	[tilespmem:s7+$0xFFFFFD90] =	vst v20;
	v20 =	vmul.f32 $8.000000000e+00, v22;
	v25 =	vld.idx.msk [tilespmem:v25+s15+$0x0], $0xffff  }
0x1b4: {  	v16 =	vshll.u32 v16, $0x6;
	[tilespmem:s7+$0xFFFFFD10] =	vst v9;
	v28 =	vor.u32 s10, v10;
	v26 =	vld.idx.msk [tilespmem:v26+s15+$0x0], $0xffff;
	v9 =	vmul.f32 $8.000000000e+00, v8  }
0x1b5: {  	s30 =	simm.s32 $0x9;
	v27 =	vld.idx.msk [tilespmem:v27+s15+$0x0], $0xffff;
	[tilespmem:s7+$0xFFFFFE90] =	vst v20;
	v8 =	vand.u32 $0x40, v16;
	v16 =	vor.u32 s11, v10  }
0x1b6: {  	v22 =	vor.u32 s30, v15;
	v29 =	vld.idx.msk [tilespmem:v29+s15+$0x0], $0xffff;
	[tilespmem:s7+$0xFFFFFE10] =	vst v9;
	v9 =	vmul.f32 $8.000000000e+00, v24  }
0x1b7: {  	v62 =	vor.u32 s6, v10;
	v21 =	vmul.f32 $8.000000000e+00, v21;
	v8 =	vor.u32 v2, v8;
	v23 =	vld.idx.msk [tilespmem:v23+s15+$0x0], $0xffff  }
0x1b8: {  	v17 =	vmul.f32 $8.000000000e+00, v17;
	v20 =	vor.u32 s28, v8;
	v19 =	vld.idx.msk [tilespmem:v19+s15+$0x0], $0xffff;
	[tilespmem:s7+$0xFFFFFF10] =	vst v9  }
0x1b9: {  	s29 =	simm.s32 $0x18DF0;
	[tilespmem:s7+$0xFFFFFC10] =	vst v21;
	v24 =	vor.u32 s22, v8;
	v25 =	vmul.f32 $8.000000000e+00, v25;
	v21 =	vld.idx.msk [tilespmem:v28+s15+$0x0], $0xffff  }
0x1ba: {  	v30 =	vor.u32 s25, v8;
	[tilespmem:s29+$0xFFFFFC10] =	vst v17;
	v26 =	vmul.f32 $8.000000000e+00, v26;
	v28 =	vld.idx.msk [tilespmem:v16+s15+$0x0], $0xffff  }
0x1bb: {  	v9 =	vor.u32 s23, v8;
	v16 =	vld.idx.msk [tilespmem:v22+s15+$0x0], $0xffff;
	v22 =	vmul.f32 $8.000000000e+00, v27;
	[tilespmem:s7+$0xFFFFFFA0] =	vst v25  }
0x1bc: {  	v34 =	vld.idx.msk [tilespmem:v62+s15+$0x0], $0xffff;
	[tilespmem:s7+$0xFFFFFCA0] =	vst v26;
	v25 =	vmul.f32 $8.000000000e+00, v29;
	v26 =	vor.u32 s20, v8  }
0x1bd: {  	v27 =	vor.u32 s26, v8;
	v20 =	vld.idx.msk [tilespmem:v20+s15+$0x0], $0xffff;
	[tilespmem:s7+$0xFFFFFD20] =	vst v22;
	v23 =	vmul.f32 $8.000000000e+00, v23  }
0x1be: {  	v18 =	vshll.u32 v18, $0x6;
	v24 =	vld.idx.msk [tilespmem:v24+s15+$0x0], $0xffff;
	v22 =	vor.u32 s10, v8;
	[tilespmem:s7+$0xFFFFFDA0] =	vst v25;
	v19 =	vmul.f32 $8.000000000e+00, v19  }
0x1bf: {  	s31 =	simm.s32 $0xA;
	v18 =	vand.u32 $0x40, v18;
	v29 =	vor.u32 s11, v8;
	v25 =	vld.idx.msk [tilespmem:v30+s15+$0x0], $0xffff;
	[tilespmem:s7+$0xFFFFFEA0] =	vst v23  }
0x1c0: {  	v31 =	vld.idx.msk [tilespmem:v9+s15+$0x0], $0xffff;
	v9 =	vor.u32 v3, v18;
	v18 =	vor.u32 s31, v15;
	[tilespmem:s7+$0xFFFFFE20] =	vst v19;
	v19 =	vmul.f32 $8.000000000e+00, v21  }
0x1c1: {  	v21 =	vmul.f32 $8.000000000e+00, v28;
	v23 =	vor.u32 s28, v9;
	v26 =	vld.idx.msk [tilespmem:v26+s15+$0x0], $0xffff  }
0x1c2: {  	v28 =	vor.u32 s22, v9;
	v27 =	vld.idx.msk [tilespmem:v27+s15+$0x0], $0xffff;
	[tilespmem:s7+$0xFFFFFF20] =	vst v19  }
0x1c3: {  	[tilespmem:s7+$0xFFFFFC20] =	vst v21;
	v19 =	vor.u32 s23, v9;
	v20 =	vmul.f32 $8.000000000e+00, v20;
	v21 =	vld.idx.msk [tilespmem:v22+s15+$0x0], $0xffff  }
0x1c4: {  	v24 =	vmul.f32 $8.000000000e+00, v24;
	v22 =	vld.idx.msk [tilespmem:v29+s15+$0x0], $0xffff;
	v29 =	vor.u32 s25, v9  }
0x1c5: {  	v18 =	vld.idx.msk [tilespmem:v18+s15+$0x0], $0xffff;
	v30 =	vmul.f32 $8.000000000e+00, v31;
	v31 =	vor.u32 s26, v9;
	[tilespmem:s7+$0xFFFFFFB0] =	vst v20  }
0x1c6: {  	[tilespmem:s7+$0xFFFFFCB0] =	vst v24;
	v20 =	vmul.f32 $8.000000000e+00, v25;
	v24 =	vor.u32 s20, v9;
	v23 =	vld.idx.msk [tilespmem:v23+s15+$0x0], $0xffff  }
0x1c7: {  	v11 =	vshll.u32 v11, $0x6;
	v25 =	vld.idx.msk [tilespmem:v28+s15+$0x0], $0xffff;
	v28 =	vor.u32 s10, v9;
	[tilespmem:s7+$0xFFFFFD30] =	vst v30;
	v27 =	vmul.f32 $8.000000000e+00, v27  }
0x1c8: {  	s0 =	simm.s32 $0xB;
	v11 =	vand.u32 $0x40, v11;
	v30 =	vor.u32 s11, v9;
	[tilespmem:s7+$0xFFFFFDB0] =	vst v20;
	v45 =	vld.idx.msk [tilespmem:v19+s15+$0x0], $0xffff;
	v19 =	vmul.f32 $8.000000000e+00, v26  }
0x1c9: {  	v11 =	vor.u32 v4, v11;
	v20 =	vor.u32 s0, v15;
	v26 =	vld.idx.msk [tilespmem:v29+s15+$0x0], $0xffff;
	[tilespmem:s7+$0xFFFFFE30] =	vst v27;
	v21 =	vmul.f32 $8.000000000e+00, v21  }
0x1ca: {  	v22 =	vmul.f32 $8.000000000e+00, v22;
	v29 =	vor.u32 s28, v11;
	v27 =	vld.idx.msk [tilespmem:v31+s15+$0x0], $0xffff;
	[tilespmem:s7+$0xFFFFFEB0] =	vst v19  }
0x1cb: {  	v31 =	vor.u32 s22, v11;
	v24 =	vld.idx.msk [tilespmem:v24+s15+$0x0], $0xffff;
	[tilespmem:s7+$0xFFFFFF30] =	vst v21  }
0x1cc: {  	[tilespmem:s7+$0xFFFFFC30] =	vst v22;
	v21 =	vor.u32 s23, v11;
	v23 =	vmul.f32 $8.000000000e+00, v23;
	v22 =	vld.idx.msk [tilespmem:v28+s15+$0x0], $0xffff  }
0x1cd: {  	v25 =	vmul.f32 $8.000000000e+00, v25;
	v28 =	vld.idx.msk [tilespmem:v30+s15+$0x0], $0xffff;
	v30 =	vor.u32 s25, v11  }
0x1ce: {  	v46 =	vor.u32 s26, v11;
	v19 =	vld.idx.msk [tilespmem:v20+s15+$0x0], $0xffff;
	v20 =	vmul.f32 $8.000000000e+00, v45;
	[tilespmem:s7+$0xFFFFFFC0] =	vst v23  }
0x1cf: {  	[tilespmem:s7+$0xFFFFFCC0] =	vst v25;
	v25 =	vor.u32 s20, v11;
	v23 =	vmul.f32 $8.000000000e+00, v26;
	v26 =	vld.idx.msk [tilespmem:v29+s15+$0x0], $0xffff  }
0x1d0: {  	v29 =	vld.idx.msk [tilespmem:v31+s15+$0x0], $0xffff;
	[tilespmem:s7+$0xFFFFFD40] =	vst v20;
	v20 =	vmul.f32 $8.000000000e+00, v27;
	v27 =	vor.u32 s10, v11  }
0x1d1: {  	v12 =	vshll.u32 v12, $0x6;
	v31 =	vor.u32 s11, v11;
	v21 =	vld.idx.msk [tilespmem:v21+s15+$0x0], $0xffff;
	[tilespmem:s7+$0xFFFFFDC0] =	vst v23;
	v23 =	vmul.f32 $8.000000000e+00, v24  }
0x1d2: {  	s2 =	simm.s32 $0xC;
	v12 =	vand.u32 $0x40, v12;
	v38 =	vor.u32 s0, v10;
	v30 =	vld.idx.msk [tilespmem:v30+s15+$0x0], $0xffff;
	[tilespmem:s7+$0xFFFFFE40] =	vst v20;
	v20 =	vmul.f32 $8.000000000e+00, v22  }
0x1d3: {  	v12 =	vor.u32 v5, v12;
	v24 =	vor.u32 s2, v15;
	v22 =	vmul.f32 $8.000000000e+00, v28;
	v28 =	vld.idx.msk [tilespmem:v46+s15+$0x0], $0xffff;
	[tilespmem:s7+$0xFFFFFEC0] =	vst v23  }
0x1d4: {  	v19 =	vmul.f32 $8.000000000e+00, v19;
	v23 =	vor.u32 s28, v12;
	v25 =	vld.idx.msk [tilespmem:v25+s15+$0x0], $0xffff;
	[tilespmem:s7+$0xFFFFFF40] =	vst v20  }
0x1d5: {  	v47 =	vor.u32 s22, v12;
	[tilespmem:s7+$0xFFFFFC40] =	vst v22;
	v22 =	vld.idx.msk [tilespmem:v27+s15+$0x0], $0xffff  }
0x1d6: {  	v20 =	vor.u32 s23, v12;
	v26 =	vmul.f32 $8.000000000e+00, v26;
	[tilespmem:s29+$0xFFFFFD90] =	vst v19;
	v27 =	vld.idx.msk [tilespmem:v31+s15+$0x0], $0xffff  }
0x1d7: {  	v29 =	vmul.f32 $8.000000000e+00, v29;
	v31 =	vor.u32 s25, v12;
	v63 =	vld.idx.msk [tilespmem:v38+s15+$0x0], $0xffff  }
0x1d8: {  	v48 =	vor.u32 s26, v12;
	v24 =	vld.idx.msk [tilespmem:v24+s15+$0x0], $0xffff;
	v21 =	vmul.f32 $8.000000000e+00, v21;
	[tilespmem:s7+$0xFFFFFFD0] =	vst v26  }
0x1d9: {  	[tilespmem:s7+$0xFFFFFCD0] =	vst v29;
	v26 =	vmul.f32 $8.000000000e+00, v30;
	v29 =	vor.u32 s20, v12;
	v23 =	vld.idx.msk [tilespmem:v23+s15+$0x0], $0xffff  }
0x1da: {  	v13 =	vshll.u32 v13, $0x6;
	v30 =	vld.idx.msk [tilespmem:v47+s15+$0x0], $0xffff;
	[tilespmem:s7+$0xFFFFFD50] =	vst v21;
	v21 =	vmul.f32 $8.000000000e+00, v28;
	v28 =	vor.u32 s10, v12  }
0x1db: {  	s18 =	simm.s32 $0xD;
	v13 =	vand.u32 $0x40, v13;
	v49 =	vor.u32 s11, v12;
	v20 =	vld.idx.msk [tilespmem:v20+s15+$0x0], $0xffff;
	[tilespmem:s7+$0xFFFFFDD0] =	vst v26;
	v25 =	vmul.f32 $8.000000000e+00, v25  }
0x1dc: {  	v13 =	vor.u32 v6, v13;
	v26 =	vor.u32 s18, v15;
	v31 =	vld.idx.msk [tilespmem:v31+s15+$0x0], $0xffff;
	[tilespmem:s7+$0xFFFFFE50] =	vst v21;
	v21 =	vmul.f32 $8.000000000e+00, v22  }
0x1dd: {  	v22 =	vmul.f32 $8.000000000e+00, v27;
	v27 =	vld.idx.msk [tilespmem:v48+s15+$0x0], $0xffff;
	[tilespmem:s7+$0xFFFFFED0] =	vst v25;
	v25 =	vor.u32 s28, v13  }
0x1de: {  	v50 =	vor.u32 s22, v13;
	v29 =	vld.idx.msk [tilespmem:v29+s15+$0x0], $0xffff;
	[tilespmem:s7+$0xFFFFFF50] =	vst v21  }
0x1df: {  	[tilespmem:s7+$0xFFFFFC50] =	vst v22;
	v21 =	vor.u32 s23, v13;
	v22 =	vld.idx.msk [tilespmem:v28+s15+$0x0], $0xffff;
	v23 =	vmul.f32 $8.000000000e+00, v23  }
0x1e0: {  	v51 =	vor.u32 s25, v13;
	v28 =	vld.idx.msk [tilespmem:v49+s15+$0x0], $0xffff;
	v30 =	vmul.f32 $8.000000000e+00, v30  }
0x1e1: {  	v52 =	vor.u32 s26, v13;
	v26 =	vld.idx.msk [tilespmem:v26+s15+$0x0], $0xffff;
	v20 =	vmul.f32 $8.000000000e+00, v20;
	[tilespmem:s7+$0xFFFFFFE0] =	vst v23  }
0x1e2: {  	[tilespmem:s7+$0xFFFFFCE0] =	vst v30;
	v23 =	vmul.f32 $8.000000000e+00, v31;
	v30 =	vor.u32 s20, v13;
	v25 =	vld.idx.msk [tilespmem:v25+s15+$0x0], $0xffff  }
0x1e3: {  	v14 =	vshll.u32 v14, $0x6;
	v31 =	vld.idx.msk [tilespmem:v50+s15+$0x0], $0xffff;
	[tilespmem:s7+$0xFFFFFD60] =	vst v20;
	v20 =	vmul.f32 $8.000000000e+00, v27;
	v27 =	vor.u32 s10, v13  }
0x1e4: {  	s21 =	simm.s32 $0xE;
	v14 =	vand.u32 $0x40, v14;
	v53 =	vor.u32 s11, v13;
	v21 =	vld.idx.msk [tilespmem:v21+s15+$0x0], $0xffff;
	[tilespmem:s7+$0xFFFFFDE0] =	vst v23;
	v23 =	vmul.f32 $8.000000000e+00, v29  }
0x1e5: {  	v14 =	vor.u32 v7, v14;
	v29 =	vor.u32 s21, v15;
	v32 =	vld.idx.msk [tilespmem:v51+s15+$0x0], $0xffff;
	[tilespmem:s7+$0xFFFFFE60] =	vst v20;
	v20 =	vmul.f32 $8.000000000e+00, v22  }
0x1e6: {  	s24 =	simm.s32 $0xF;
	v22 =	vmul.f32 $8.000000000e+00, v28;
	v28 =	vld.idx.msk [tilespmem:v52+s15+$0x0], $0xffff;
	[tilespmem:s7+$0xFFFFFEE0] =	vst v23;
	v23 =	vor.u32 s28, v14  }
0x1e7: {  	v54 =	vor.u32 s24, v15;
	v30 =	vld.idx.msk [tilespmem:v30+s15+$0x0], $0xffff;
	[tilespmem:s7+$0xFFFFFF60] =	vst v20  }
0x1e8: {  	v55 =	vor.u32 s23, v14;
	s23 =	simm.s32 $0x11;
	[tilespmem:s7+$0xFFFFFC60] =	vst v22;
	v20 =	vor.u32 s22, v14;
	v22 =	vld.idx.msk [tilespmem:v27+s15+$0x0], $0xffff;
	v25 =	vmul.f32 $8.000000000e+00, v25  }
0x1e9: {  	v19 =	vmul.f32 $8.000000000e+00, v26;
	v26 =	vor.u32 s23, v15;
	v27 =	vld.idx.msk [tilespmem:v53+s15+$0x0], $0xffff;
	v31 =	vmul.f32 $8.000000000e+00, v31  }
0x1ea: {  	v29 =	vld.idx.msk [tilespmem:v29+s15+$0x0], $0xffff;
	v21 =	vmul.f32 $8.000000000e+00, v21;
	[tilespmem:s7+$0xFFFFFFF0] =	vst v25  }
0x1eb: {  	v25 =	vor.u32 s26, v14;
	[tilespmem:s7+$0xFFFFFCF0] =	vst v31;
	v36 =	vld.idx.msk [tilespmem:v23+s15+$0x0], $0xffff;
	v23 =	vmul.f32 $8.000000000e+00, v32  }
0x1ec: {  	v56 =	vor.u32 s25, v14;
	v31 =	vld.idx.msk [tilespmem:v54+s15+$0x0], $0xffff;
	[tilespmem:s7+$0xFFFFFD70] =	vst v21;
	v21 =	vmul.f32 $8.000000000e+00, v28  }
0x1ed: {  	v28 =	vld.idx.msk [tilespmem:v20+s15+$0x0], $0xffff;
	v20 =	vor.u32 s10, v14;
	[tilespmem:s7+$0xFFFFFDF0] =	vst v23  }
0x1ee: {  	v17 =	vld.idx.msk [tilespmem:v26+s15+$0x0], $0xffff;
	v23 =	vmul.f32 $8.000000000e+00, v30;
	v30 =	vor.u32 s11, v14;
	[tilespmem:s7+$0xFFFFFE70] =	vst v21;
	v21 =	vmul.f32 $8.000000000e+00, v22  }
0x1ef: {  	v37 =	vor.u32 s24, v10;
	v33 =	vld.idx.msk [tilespmem:v55+s15+$0x0], $0xffff;
	v27 =	vmul.f32 $8.000000000e+00, v27  }
0x1f0: {  	v18 =	vmul.f32 $8.000000000e+00, v18;
	v22 =	vld.idx.msk [tilespmem:v25+s15+$0x0], $0xffff;
	[tilespmem:s7+$0xFFFFFF70] =	vst v21;
	v25 =	vor.u32 s30, v10  }
0x1f1: {  	v35 =	vld.idx.msk [tilespmem:v56+s15+$0x0], $0xffff;
	[tilespmem:s7+$0xFFFFFC70] =	vst v27;
	v27 =	vor.u32 s31, v10;
	v31 =	vmul.f32 $8.000000000e+00, v31  }
0x1f2: {  	v57 =	vor.u32 s20, v14;
	v60 =	vmul.f32 $8.000000000e+00, v16;
	[tilespmem:s29+$0xFFFFFD10] =	vst v18;
	v21 =	vld.idx.msk [tilespmem:v20+s15+$0x0], $0xffff  }
0x1f3: {  	v18 =	vmul.f32 $8.000000000e+00, v24;
	[tilespmem:s29+$0xFFFFFF90] =	vst v31;
	v20 =	vld.idx.msk [tilespmem:v30+s15+$0x0], $0xffff;
	v30 =	vor.u32 s2, v10  }
0x1f4: {  	[tilespmem:s29+$0xFFFFFC90] =	vst v60;
	v31 =	vor.u32 s18, v10;
	v61 =	vld.idx.msk [tilespmem:v37+s15+$0x0], $0xffff  }
0x1f5: {  	v24 =	vor.u32 s21, v10;
	[tilespmem:s29+$0xFFFFFE10] =	vst v18;
	s10 =	simm.s32 $0x10;
	v25 =	vld.idx.msk [tilespmem:v25+s15+$0x0], $0xffff  }
0x1f6: {  	v58 =	vor.u32 s10, v15;
	v18 =	vmul.f32 $8.000000000e+00, v29;
	[tilespmem:s7+$0xFFFFFEF0] =	vst v23;
	v27 =	vld.idx.msk [tilespmem:v27+s15+$0x0], $0xffff  }
0x1f7: {  	[tilespmem:s29+$0xFFFFFE90] =	vst v19;
	v19 =	vor.u32 s24, v8;
	v23 =	vld.idx.msk [tilespmem:v57+s15+$0x0], $0xffff;
	v28 =	vmul.f32 $8.000000000e+00, v28  }
0x1f8: {  	[tilespmem:s29+$0xFFFFFF10] =	vst v18;
	v22 =	vmul.f32 $8.000000000e+00, v22;
	v29 =	vld.idx.msk [tilespmem:v30+s15+$0x0], $0xffff;
	v30 =	vor.u32 s30, v8  }
0x1f9: {  	v18 =	vor.u32 s31, v8;
	[tilespmem:s7+$0xFFFFFD00] =	vst v28;
	v31 =	vld.idx.msk [tilespmem:v31+s15+$0x0], $0xffff;
	v32 =	vmul.f32 $8.000000000e+00, v61  }
0x1fa: {  	v40 =	vor.u32 s0, v8;
	v24 =	vld.idx.msk [tilespmem:v24+s15+$0x0], $0xffff;
	[tilespmem:s7+$0xFFFFFE80] =	vst v22;
	v25 =	vmul.f32 $8.000000000e+00, v25  }
0x1fb: {  	v16 =	vld.idx.msk [tilespmem:v58+s15+$0x0], $0xffff;
	v26 =	vmul.f32 $8.000000000e+00, v27;
	v27 =	vor.u32 s2, v8;
	[tilespmem:s29+$0xFFFFFFA0] =	vst v32  }
0x1fc: {  	v28 =	vor.u32 s18, v8;
	v19 =	vld.idx.msk [tilespmem:v19+s15+$0x0], $0xffff;
	[tilespmem:s29+$0xFFFFFCA0] =	vst v25;
	v25 =	vmul.f32 $8.000000000e+00, v63  }
0x1fd: {  	[tilespmem:s29+$0xFFFFFD20] =	vst v26;
	v30 =	vld.idx.msk [tilespmem:v30+s15+$0x0], $0xffff;
	v26 =	vmul.f32 $8.000000000e+00, v29;
	v29 =	vor.u32 s21, v8  }
0x1fe: {  	v41 =	vor.u32 s6, v8;
	s25 =	simm.s32 $0x12;
	v42 =	vld.idx.msk [tilespmem:v18+s15+$0x0], $0xffff;
	v18 =	vmul.f32 $8.000000000e+00, v31;
	[tilespmem:s29+$0xFFFFFDA0] =	vst v25  }
0x1ff: {  	v24 =	vmul.f32 $8.000000000e+00, v24;
	v25 =	vor.u32 s25, v15;
	v31 =	vld.idx.msk [tilespmem:v40+s15+$0x0], $0xffff;
	[tilespmem:s29+$0xFFFFFE20] =	vst v26  }
0x200: {  	v43 =	vor.u32 s24, v9;
	v26 =	vmul.f32 $8.000000000e+00, v34;
	[tilespmem:s29+$0xFFFFFEA0] =	vst v18;
	v27 =	vld.idx.msk [tilespmem:v27+s15+$0x0], $0xffff  }
0x201: {  	v44 =	vor.u32 s30, v9;
	[tilespmem:s29+$0xFFFFFF20] =	vst v24;
	v18 =	vmul.f32 $8.000000000e+00, v33;
	v28 =	vld.idx.msk [tilespmem:v28+s15+$0x0], $0xffff  }
0x202: {  	v24 =	vor.u32 s31, v9;
	v19 =	vmul.f32 $8.000000000e+00, v19;
	[tilespmem:s29+$0xFFFFFC20] =	vst v26;
	v26 =	vld.idx.msk [tilespmem:v29+s15+$0x0], $0xffff  }
0x203: {  	v45 =	vor.u32 s0, v9;
	[tilespmem:s7+$0xFFFFFD80] =	vst v18;
	v29 =	vld.idx.msk [tilespmem:v41+s15+$0x0], $0xffff;
	v30 =	vmul.f32 $8.000000000e+00, v30  }
0x204: {  	v46 =	vor.u32 s2, v9;
	[tilespmem:s29+$0xFFFFFFB0] =	vst v19;
	v18 =	vld.idx.msk [tilespmem:v25+s15+$0x0], $0xffff;
	v25 =	vmul.f32 $8.000000000e+00, v42  }
0x205: {  	[tilespmem:s29+$0xFFFFFCB0] =	vst v30;
	v19 =	vmul.f32 $8.000000000e+00, v31;
	v30 =	vor.u32 s18, v9;
	v31 =	vld.idx.msk [tilespmem:v43+s15+$0x0], $0xffff  }
0x206: {  	v33 =	vld.idx.msk [tilespmem:v44+s15+$0x0], $0xffff;
	[tilespmem:s29+$0xFFFFFD30] =	vst v25;
	v25 =	vmul.f32 $8.000000000e+00, v27;
	v27 =	vor.u32 s21, v9  }
0x207: {  	v47 =	vor.u32 s6, v9;
	s11 =	simm.s32 $0x13;
	v24 =	vld.idx.msk [tilespmem:v24+s15+$0x0], $0xffff;
	[tilespmem:s29+$0xFFFFFDB0] =	vst v19;
	v19 =	vmul.f32 $8.000000000e+00, v28  }
0x208: {  	v28 =	vor.u32 s11, v15;
	v32 =	vld.idx.msk [tilespmem:v45+s15+$0x0], $0xffff;
	[tilespmem:s29+$0xFFFFFE30] =	vst v25;
	v25 =	vmul.f32 $8.000000000e+00, v26  }
0x209: {  	v48 =	vor.u32 s24, v11;
	v26 =	vmul.f32 $8.000000000e+00, v29;
	v29 =	vld.idx.msk [tilespmem:v46+s15+$0x0], $0xffff;
	[tilespmem:s29+$0xFFFFFEB0] =	vst v19  }
0x20a: {  	v49 =	vor.u32 s30, v11;
	v19 =	vmul.f32 $8.000000000e+00, v35;
	v30 =	vld.idx.msk [tilespmem:v30+s15+$0x0], $0xffff;
	[tilespmem:s29+$0xFFFFFF30] =	vst v25  }
0x20b: {  	[tilespmem:s29+$0xFFFFFC30] =	vst v26;
	v25 =	vor.u32 s31, v11;
	v26 =	vld.idx.msk [tilespmem:v27+s15+$0x0], $0xffff;
	v27 =	vmul.f32 $8.000000000e+00, v31  }
0x20c: {  	v50 =	vor.u32 s0, v11;
	v31 =	vld.idx.msk [tilespmem:v47+s15+$0x0], $0xffff;
	v33 =	vmul.f32 $8.000000000e+00, v33;
	[tilespmem:s7+$0xFFFFFE00] =	vst v19  }
0x20d: {  	v19 =	vld.idx.msk [tilespmem:v28+s15+$0x0], $0xffff;
	v24 =	vmul.f32 $8.000000000e+00, v24;
	v28 =	vor.u32 s2, v11;
	[tilespmem:s29+$0xFFFFFFC0] =	vst v27  }
0x20e: {  	v51 =	vor.u32 s18, v11;
	[tilespmem:s29+$0xFFFFFCC0] =	vst v33;
	v27 =	vmul.f32 $8.000000000e+00, v32;
	v52 =	vld.idx.msk [tilespmem:v48+s15+$0x0], $0xffff  }
0x20f: {  	s22 =	simm.s32 $0x15;
	v35 =	vld.idx.msk [tilespmem:v49+s15+$0x0], $0xffff;
	[tilespmem:s29+$0xFFFFFD40] =	vst v24;
	v24 =	vmul.f32 $8.000000000e+00, v29;
	v29 =	vor.u32 s21, v11  }
0x210: {  	v58 =	vor.u32 s22, v15;
	v25 =	vld.idx.msk [tilespmem:v25+s15+$0x0], $0xffff;
	[tilespmem:s29+$0xFFFFFDC0] =	vst v27;
	v27 =	vmul.f32 $8.000000000e+00, v30  }
0x211: {  	s20 =	simm.s32 $0x14;
	v53 =	vor.u32 s6, v11;
	v34 =	vld.idx.msk [tilespmem:v50+s15+$0x0], $0xffff;
	[tilespmem:s29+$0xFFFFFE40] =	vst v24;
	v24 =	vmul.f32 $8.000000000e+00, v26  }
0x212: {  	v30 =	vor.u32 s20, v15;
	v26 =	vmul.f32 $8.000000000e+00, v31;
	v28 =	vld.idx.msk [tilespmem:v28+s15+$0x0], $0xffff;
	[tilespmem:s29+$0xFFFFFEC0] =	vst v27  }
0x213: {  	v23 =	vmul.f32 $8.000000000e+00, v23;
	v27 =	vor.u32 s24, v12;
	v32 =	vld.idx.msk [tilespmem:v51+s15+$0x0], $0xffff;
	[tilespmem:s29+$0xFFFFFF40] =	vst v24  }
0x214: {  	v31 =	vor.u32 s30, v12;
	[tilespmem:s29+$0xFFFFFC40] =	vst v26;
	v26 =	vld.idx.msk [tilespmem:v29+s15+$0x0], $0xffff;
	v29 =	vmul.f32 $8.000000000e+00, v52  }
0x215: {  	[tilespmem:s7+$0xFFFFFF00] =	vst v23;
	v23 =	vld.idx.msk [tilespmem:v58+s15+$0x0], $0xffff;
	v24 =	vor.u32 s31, v12;
	v35 =	vmul.f32 $8.000000000e+00, v35  }
0x216: {  	v55 =	vor.u32 s0, v12;
	v54 =	vld.idx.msk [tilespmem:v53+s15+$0x0], $0xffff;
	v25 =	vmul.f32 $8.000000000e+00, v25;
	[tilespmem:s29+$0xFFFFFFD0] =	vst v29  }
0x217: {  	v22 =	vld.idx.msk [tilespmem:v30+s15+$0x0], $0xffff;
	v30 =	vor.u32 s2, v12;
	[tilespmem:s29+$0xFFFFFCD0] =	vst v35;
	v29 =	vmul.f32 $8.000000000e+00, v34  }
0x218: {  	v56 =	vor.u32 s18, v12;
	v27 =	vld.idx.msk [tilespmem:v27+s15+$0x0], $0xffff;
	[tilespmem:s29+$0xFFFFFD50] =	vst v25;
	v25 =	vmul.f32 $8.000000000e+00, v28  }
0x219: {  	v31 =	vld.idx.msk [tilespmem:v31+s15+$0x0], $0xffff;
	v28 =	vor.u32 s21, v12;
	[tilespmem:s29+$0xFFFFFDD0] =	vst v29;
	v29 =	vmul.f32 $8.000000000e+00, v32  }
0x21a: {  	v59 =	vmul.f32 $8.000000000e+00, v36;
	v57 =	vor.u32 s6, v12;
	v24 =	vld.idx.msk [tilespmem:v24+s15+$0x0], $0xffff;
	[tilespmem:s29+$0xFFFFFE50] =	vst v25  }
0x21b: {  	v36 =	vld.idx.msk [tilespmem:v55+s15+$0x0], $0xffff;
	v25 =	vmul.f32 $8.000000000e+00, v26;
	[tilespmem:s29+$0xFFFFFED0] =	vst v29;
	v29 =	vor.u32 s24, v13  }
0x21c: {  	[tilespmem:s7+$0x0] =	vst v59;
	v59 =	vor.u32 s30, v13;
	v26 =	vmul.f32 $8.000000000e+00, v54;
	v30 =	vld.idx.msk [tilespmem:v30+s15+$0x0], $0xffff  }
0x21d: {  	v60 =	vor.u32 s31, v13;
	v34 =	vld.idx.msk [tilespmem:v56+s15+$0x0], $0xffff;
	[tilespmem:s29+$0xFFFFFF50] =	vst v25;
	v25 =	vmul.f32 $8.000000000e+00, v27  }
0x21e: {  	[tilespmem:s29+$0xFFFFFC50] =	vst v26;
	v61 =	vld.idx.msk [tilespmem:v28+s15+$0x0], $0xffff;
	v26 =	vmul.f32 $8.000000000e+00, v31;
	v28 =	vor.u32 s0, v13  }
0x21f: {  	v39 =	vor.u32 s2, v13;
	v35 =	vld.idx.msk [tilespmem:v57+s15+$0x0], $0xffff;
	v24 =	vmul.f32 $8.000000000e+00, v24;
	[tilespmem:s29+$0xFFFFFFE0] =	vst v25  }
0x220: {  	v31 =	vor.u32 s18, v13;
	[tilespmem:s29+$0xFFFFFCE0] =	vst v26;
	v62 =	vmul.f32 $8.000000000e+00, v36;
	v26 =	vld.idx.msk [tilespmem:v29+s15+$0x0], $0xffff  }
0x221: {  	v25 =	vld.idx.msk [tilespmem:v59+s15+$0x0], $0xffff;
	[tilespmem:s29+$0xFFFFFD60] =	vst v24;
	v29 =	vmul.f32 $8.000000000e+00, v30;
	v30 =	vor.u32 s21, v13  }
0x222: {  	s26 =	simm.s32 $0x16;
	v32 =	vor.u32 s6, v13;
	v27 =	vld.idx.msk [tilespmem:v60+s15+$0x0], $0xffff;
	[tilespmem:s29+$0xFFFFFDE0] =	vst v62;
	v63 =	vmul.f32 $8.000000000e+00, v34  }
0x223: {  	v21 =	vmul.f32 $8.000000000e+00, v21;
	v24 =	vor.u32 s26, v15;
	v28 =	vld.idx.msk [tilespmem:v28+s15+$0x0], $0xffff;
	[tilespmem:s29+$0xFFFFFE60] =	vst v29;
	v34 =	vmul.f32 $8.000000000e+00, v61  }
0x224: {  	s28 =	simm.s32 $0x17;
	v20 =	vmul.f32 $8.000000000e+00, v20;
	v33 =	vor.u32 s24, v14;
	s24 =	simm.s32 $0x18;
	v35 =	vmul.f32 $8.000000000e+00, v35;
	v29 =	vld.idx.msk [tilespmem:v39+s15+$0x0], $0xffff;
	[tilespmem:s29+$0xFFFFFEE0] =	vst v63  }
.LBB2_5:
0x225: {  	p2 =	slt.u32 s24, $0x38;
	v36 =	vor.u32 s28, v15;
	v31 =	vld.idx.msk [tilespmem:v31+s15+$0x0], $0xffff;
	[tilespmem:s29+$0xFFFFFF60] =	vst v34  }
0x226: {  	v34 =	vor.u32 s30, v14;
	v26 =	vmul.f32 $8.000000000e+00, v26;
	s30 =	smov.u32 s23;
	[tilespmem:s29+$0xFFFFFC60] =	vst v35;
	v30 =	vld.idx.msk [tilespmem:v30+s15+$0x0], $0xffff  }
0x227: {  	v25 =	vmul.f32 $8.000000000e+00, v25;
	v35 =	vor.u32 s31, v14;
	s31 =	smov.u32 s25;
	v32 =	vld.idx.msk [tilespmem:v32+s15+$0x0], $0xffff;
	[tilespmem:s7+$0xFFFFFF80] =	vst v21  }
0x228: {  	v21 =	vld.idx.msk [tilespmem:v24+s15+$0x0], $0xffff;
	v24 =	vmul.f32 $8.000000000e+00, v27;
	v27 =	vor.u32 s0, v14;
	[tilespmem:s29+$0xFFFFFFF0] =	vst v26;
	s0 =	smov.u32 s11  }
0x229: {  	v26 =	vor.u32 s2, v14;
	s2 =	smov.u32 s20;
	[tilespmem:s29+$0xFFFFFCF0] =	vst v25;
	v25 =	vmul.f32 $8.000000000e+00, v28;
	v28 =	vld.idx.msk [tilespmem:v33+s15+$0x0], $0xffff  }
0x22a: {  	v33 =	vld.idx.msk [tilespmem:v36+s15+$0x0], $0xffff;
	[tilespmem:s29+$0xFFFFFD70] =	vst v24;
	v24 =	vmul.f32 $8.000000000e+00, v29;
	v29 =	vor.u32 s18, v14;
	s18 =	smov.u32 s22  }
0x22b: {  	v34 =	vld.idx.msk [tilespmem:v34+s15+$0x0], $0xffff;
	[tilespmem:s29+$0xFFFFFDF0] =	vst v25;
	v25 =	vmul.f32 $8.000000000e+00, v31;
	v31 =	vor.u32 s21, v14;
	s21 =	smov.u32 s26  }
0x22c: {  	v36 =	vor.u32 s6, v14;
	s6 =	smov.u32 s10;
	s10 =	smov.u32 s24;
	v35 =	vld.idx.msk [tilespmem:v35+s15+$0x0], $0xffff;
	[tilespmem:s29+$0xFFFFFE70] =	vst v24;
	v24 =	vmul.f32 $8.000000000e+00, v30  }
0x22d: {  	v30 =	vor.u32 s24, v15;
	v32 =	vmul.f32 $8.000000000e+00, v32;
	v27 =	vld.idx.msk [tilespmem:v27+s15+$0x0], $0xffff;
	[tilespmem:s29+$0xFFFFFEF0] =	vst v25  }
0x22e: {  	v25 =	vor.u32 s28, v10;
	v26 =	vld.idx.msk [tilespmem:v26+s15+$0x0], $0xffff;
	[tilespmem:s29+$0xFFFFFF70] =	vst v24  }
0x22f: {  	v24 =	vor.u32 s30, v10;
	v28 =	vmul.f32 $8.000000000e+00, v28;
	[tilespmem:s29+$0xFFFFFC70] =	vst v32;
	v29 =	vld.idx.msk [tilespmem:v29+s15+$0x0], $0xffff  }
0x230: {  	v32 =	vor.u32 s31, v10;
	v33 =	vmul.f32 $8.000000000e+00, v33;
	v31 =	vld.idx.msk [tilespmem:v31+s15+$0x0], $0xffff;
	[tilespmem:s7+$0xFFFFFC80] =	vst v20;
	s7 =	smov.u32 s29  }
0x231: {  	v17 =	vmul.f32 $8.000000000e+00, v17;
	v20 =	vor.u32 s0, v10;
	v34 =	vmul.f32 $8.000000000e+00, v34;
	s29 =	sadd.s32 $0x400, s29;
	v36 =	vld.idx.msk [tilespmem:v36+s15+$0x0], $0xffff;
	[tilespmem:s7+$0x0] =	vst v28  }
0x232: {  	v18 =	vmul.f32 $8.000000000e+00, v18;
	v28 =	vld.idx.msk [tilespmem:v30+s15+$0x0], $0xffff;
	v30 =	vor.u32 s2, v10;
	[tilespmem:s29+$0xFFFFFF90] =	vst v33;
	v33 =	vmul.f32 $8.000000000e+00, v35  }
0x233: {  	v35 =	vor.u32 s18, v10;
	[tilespmem:s29+$0xFFFFFC90] =	vst v17;
	v17 =	vmul.f32 $8.000000000e+00, v19;
	v25 =	vld.idx.msk [tilespmem:v25+s15+$0x0], $0xffff;
	v19 =	vmul.f32 $8.000000000e+00, v27  }
0x234: {  	v27 =	vor.u32 s21, v10;
	v24 =	vld.idx.msk [tilespmem:v24+s15+$0x0], $0xffff;
	[tilespmem:s29+$0xFFFFFD10] =	vst v18;
	v18 =	vmul.f32 $8.000000000e+00, v22;
	v22 =	vmul.f32 $8.000000000e+00, v26  }
0x235: {  	s23 =	sadd.s32 $0x1, s24;
	v26 =	vor.u32 s6, v10;
	v32 =	vld.idx.msk [tilespmem:v32+s15+$0x0], $0xffff;
	[tilespmem:s29+$0xFFFFFD90] =	vst v17;
	v17 =	vmul.f32 $8.000000000e+00, v23;
	v23 =	vmul.f32 $8.000000000e+00, v29  }
0x236: {  	v29 =	vor.u32 s23, v15;
	v37 =	vld.idx.msk [tilespmem:v20+s15+$0x0], $0xffff;
	[tilespmem:s29+$0xFFFFFE10] =	vst v18;
	v18 =	vmul.f32 $8.000000000e+00, v21;
	v21 =	vmul.f32 $8.000000000e+00, v31  }
0x237: {  	v38 =	vor.u32 s28, v8;
	v31 =	vmul.f32 $8.000000000e+00, v16;
	v20 =	vmul.f32 $8.000000000e+00, v36;
	v30 =	vld.idx.msk [tilespmem:v30+s15+$0x0], $0xffff;
	[tilespmem:s29+$0xFFFFFE90] =	vst v17  }
0x238: {  	v36 =	vor.u32 s30, v8;
	v16 =	vmov v28;
	v35 =	vld.idx.msk [tilespmem:v35+s15+$0x0], $0xffff;
	[tilespmem:s29+$0xFFFFFF10] =	vst v18  }
0x239: {  	v18 =	vor.u32 s31, v8;
	v25 =	vmul.f32 $8.000000000e+00, v25;
	[tilespmem:s29+$0xFFFFFC10] =	vst v31;
	v27 =	vld.idx.msk [tilespmem:v27+s15+$0x0], $0xffff  }
0x23a: {  	v28 =	vor.u32 s0, v8;
	v24 =	vmul.f32 $8.000000000e+00, v24;
	v26 =	vld.idx.msk [tilespmem:v26+s15+$0x0], $0xffff;
	[tilespmem:s7+$0xFFFFFD00] =	vst v34  }
0x23b: {  	v31 =	vor.u32 s2, v8;
	v17 =	vld.idx.msk [tilespmem:v29+s15+$0x0], $0xffff;
	v29 =	vmul.f32 $8.000000000e+00, v32;
	[tilespmem:s29+$0xFFFFFFA0] =	vst v25  }
0x23c: {  	v25 =	vor.u32 s18, v8;
	[tilespmem:s29+$0xFFFFFCA0] =	vst v24;
	v24 =	vmul.f32 $8.000000000e+00, v37;
	v32 =	vld.idx.msk [tilespmem:v38+s15+$0x0], $0xffff  }
0x23d: {  	v34 =	vld.idx.msk [tilespmem:v36+s15+$0x0], $0xffff;
	[tilespmem:s29+$0xFFFFFD20] =	vst v29;
	v29 =	vmul.f32 $8.000000000e+00, v30;
	v30 =	vor.u32 s21, v8  }
0x23e: {  	s25 =	sadd.s32 $0x2, s24;
	v36 =	vor.u32 s6, v8;
	v37 =	vld.idx.msk [tilespmem:v18+s15+$0x0], $0xffff;
	[tilespmem:s29+$0xFFFFFDA0] =	vst v24;
	v18 =	vmul.f32 $8.000000000e+00, v35  }
0x23f: {  	v24 =	vor.u32 s25, v15;
	v27 =	vmul.f32 $8.000000000e+00, v27;
	v28 =	vld.idx.msk [tilespmem:v28+s15+$0x0], $0xffff;
	[tilespmem:s29+$0xFFFFFE20] =	vst v29  }
0x240: {  	v26 =	vmul.f32 $8.000000000e+00, v26;
	v29 =	vld.idx.msk [tilespmem:v31+s15+$0x0], $0xffff;
	[tilespmem:s29+$0xFFFFFEA0] =	vst v18;
	v31 =	vor.u32 s28, v9  }
0x241: {  	v35 =	vor.u32 s30, v9;
	v25 =	vld.idx.msk [tilespmem:v25+s15+$0x0], $0xffff;
	[tilespmem:s29+$0xFFFFFF20] =	vst v27  }
0x242: {  	[tilespmem:s29+$0xFFFFFC20] =	vst v26;
	v26 =	vor.u32 s31, v9;
	v27 =	vld.idx.msk [tilespmem:v30+s15+$0x0], $0xffff;
	v30 =	vmul.f32 $8.000000000e+00, v32  }
0x243: {  	v34 =	vmul.f32 $8.000000000e+00, v34;
	v32 =	vld.idx.msk [tilespmem:v36+s15+$0x0], $0xffff;
	v36 =	vor.u32 s0, v9;
	[tilespmem:s7+$0xFFFFFD80] =	vst v33  }
0x244: {  	v33 =	vor.u32 s2, v9;
	v18 =	vld.idx.msk [tilespmem:v24+s15+$0x0], $0xffff;
	v24 =	vmul.f32 $8.000000000e+00, v37;
	[tilespmem:s29+$0xFFFFFFB0] =	vst v30  }
0x245: {  	v28 =	vmul.f32 $8.000000000e+00, v28;
	v30 =	vor.u32 s18, v9;
	[tilespmem:s29+$0xFFFFFCB0] =	vst v34;
	v31 =	vld.idx.msk [tilespmem:v31+s15+$0x0], $0xffff  }
0x246: {  	v34 =	vld.idx.msk [tilespmem:v35+s15+$0x0], $0xffff;
	[tilespmem:s29+$0xFFFFFD30] =	vst v24;
	v24 =	vmul.f32 $8.000000000e+00, v29;
	v29 =	vor.u32 s21, v9  }
0x247: {  	s11 =	sadd.s32 $0x3, s24;
	v35 =	vor.u32 s6, v9;
	v25 =	vmul.f32 $8.000000000e+00, v25;
	v26 =	vld.idx.msk [tilespmem:v26+s15+$0x0], $0xffff;
	[tilespmem:s29+$0xFFFFFDB0] =	vst v28  }
0x248: {  	v28 =	vor.u32 s11, v15;
	v36 =	vld.idx.msk [tilespmem:v36+s15+$0x0], $0xffff;
	[tilespmem:s29+$0xFFFFFE30] =	vst v24;
	v24 =	vmul.f32 $8.000000000e+00, v27  }
0x249: {  	v27 =	vmul.f32 $8.000000000e+00, v32;
	v32 =	vld.idx.msk [tilespmem:v33+s15+$0x0], $0xffff;
	[tilespmem:s29+$0xFFFFFEB0] =	vst v25;
	v25 =	vor.u32 s28, v11  }
0x24a: {  	v33 =	vor.u32 s30, v11;
	v30 =	vld.idx.msk [tilespmem:v30+s15+$0x0], $0xffff;
	[tilespmem:s29+$0xFFFFFF30] =	vst v24  }
0x24b: {  	v24 =	vor.u32 s31, v11;
	[tilespmem:s29+$0xFFFFFC30] =	vst v27;
	v27 =	vld.idx.msk [tilespmem:v29+s15+$0x0], $0xffff;
	v29 =	vmul.f32 $8.000000000e+00, v31  }
0x24c: {  	v34 =	vmul.f32 $8.000000000e+00, v34;
	v31 =	vld.idx.msk [tilespmem:v35+s15+$0x0], $0xffff;
	v35 =	vor.u32 s0, v11;
	[tilespmem:s7+$0xFFFFFE00] =	vst v19  }
0x24d: {  	v26 =	vmul.f32 $8.000000000e+00, v26;
	v19 =	vld.idx.msk [tilespmem:v28+s15+$0x0], $0xffff;
	v28 =	vor.u32 s2, v11;
	[tilespmem:s29+$0xFFFFFFC0] =	vst v29  }
0x24e: {  	v29 =	vmul.f32 $8.000000000e+00, v36;
	[tilespmem:s29+$0xFFFFFCC0] =	vst v34;
	v34 =	vor.u32 s18, v11;
	v25 =	vld.idx.msk [tilespmem:v25+s15+$0x0], $0xffff  }
0x24f: {  	v33 =	vld.idx.msk [tilespmem:v33+s15+$0x0], $0xffff;
	[tilespmem:s29+$0xFFFFFD40] =	vst v26;
	v26 =	vmul.f32 $8.000000000e+00, v32;
	v32 =	vor.u32 s21, v11  }
0x250: {  	s20 =	sadd.s32 $0x4, s24;
	v36 =	vor.u32 s6, v11;
	v24 =	vld.idx.msk [tilespmem:v24+s15+$0x0], $0xffff;
	[tilespmem:s29+$0xFFFFFDC0] =	vst v29;
	v29 =	vmul.f32 $8.000000000e+00, v30  }
0x251: {  	v30 =	vor.u32 s20, v15;
	v35 =	vld.idx.msk [tilespmem:v35+s15+$0x0], $0xffff;
	[tilespmem:s29+$0xFFFFFE40] =	vst v26;
	v26 =	vmul.f32 $8.000000000e+00, v27  }
0x252: {  	v27 =	vmul.f32 $8.000000000e+00, v31;
	v28 =	vld.idx.msk [tilespmem:v28+s15+$0x0], $0xffff;
	[tilespmem:s29+$0xFFFFFEC0] =	vst v29;
	v29 =	vor.u32 s28, v12  }
0x253: {  	v31 =	vor.u32 s30, v12;
	v34 =	vld.idx.msk [tilespmem:v34+s15+$0x0], $0xffff;
	[tilespmem:s29+$0xFFFFFF40] =	vst v26  }
0x254: {  	v26 =	vor.u32 s31, v12;
	v25 =	vmul.f32 $8.000000000e+00, v25;
	[tilespmem:s29+$0xFFFFFC40] =	vst v27;
	v27 =	vld.idx.msk [tilespmem:v32+s15+$0x0], $0xffff  }
0x255: {  	v33 =	vmul.f32 $8.000000000e+00, v33;
	v32 =	vld.idx.msk [tilespmem:v36+s15+$0x0], $0xffff;
	v36 =	vor.u32 s0, v12;
	[tilespmem:s7+$0xFFFFFE80] =	vst v22  }
0x256: {  	v24 =	vmul.f32 $8.000000000e+00, v24;
	v22 =	vld.idx.msk [tilespmem:v30+s15+$0x0], $0xffff;
	v30 =	vor.u32 s2, v12;
	[tilespmem:s29+$0xFFFFFFD0] =	vst v25  }
0x257: {  	v25 =	vmul.f32 $8.000000000e+00, v35;
	[tilespmem:s29+$0xFFFFFCD0] =	vst v33;
	v33 =	vor.u32 s18, v12;
	v29 =	vld.idx.msk [tilespmem:v29+s15+$0x0], $0xffff  }
0x258: {  	v31 =	vld.idx.msk [tilespmem:v31+s15+$0x0], $0xffff;
	[tilespmem:s29+$0xFFFFFD50] =	vst v24;
	v24 =	vmul.f32 $8.000000000e+00, v28;
	v28 =	vor.u32 s21, v12  }
0x259: {  	s22 =	sadd.s32 $0x5, s24;
	v35 =	vor.u32 s6, v12;
	v26 =	vld.idx.msk [tilespmem:v26+s15+$0x0], $0xffff;
	[tilespmem:s29+$0xFFFFFDD0] =	vst v25;
	v25 =	vmul.f32 $8.000000000e+00, v34  }
0x25a: {  	v34 =	vor.u32 s22, v15;
	v36 =	vld.idx.msk [tilespmem:v36+s15+$0x0], $0xffff;
	[tilespmem:s29+$0xFFFFFE50] =	vst v24;
	v24 =	vmul.f32 $8.000000000e+00, v27  }
0x25b: {  	v27 =	vmul.f32 $8.000000000e+00, v32;
	v30 =	vld.idx.msk [tilespmem:v30+s15+$0x0], $0xffff;
	[tilespmem:s29+$0xFFFFFED0] =	vst v25;
	v25 =	vor.u32 s28, v13  }
0x25c: {  	v32 =	vor.u32 s30, v13;
	v33 =	vld.idx.msk [tilespmem:v33+s15+$0x0], $0xffff;
	[tilespmem:s29+$0xFFFFFF50] =	vst v24  }
0x25d: {  	v24 =	vor.u32 s31, v13;
	[tilespmem:s29+$0xFFFFFC50] =	vst v27;
	v37 =	vld.idx.msk [tilespmem:v28+s15+$0x0], $0xffff;
	v27 =	vmul.f32 $8.000000000e+00, v29  }
0x25e: {  	v28 =	vmul.f32 $8.000000000e+00, v31;
	v29 =	vld.idx.msk [tilespmem:v35+s15+$0x0], $0xffff;
	v35 =	vor.u32 s0, v13;
	[tilespmem:s7+$0xFFFFFF00] =	vst v23  }
0x25f: {  	v38 =	vor.u32 s2, v13;
	v23 =	vld.idx.msk [tilespmem:v34+s15+$0x0], $0xffff;
	v34 =	vmul.f32 $8.000000000e+00, v26;
	[tilespmem:s29+$0xFFFFFFE0] =	vst v27  }
.Ltmp3:
0x260: {  	v31 =	vor.u32 s18, v13;
	[tilespmem:s29+$0xFFFFFCE0] =	vst v28;
	v28 =	vmul.f32 $8.000000000e+00, v36;
	v26 =	vld.idx.msk [tilespmem:v25+s15+$0x0], $0xffff;
	(pc) =	sbr.rel @p2 .LBB2_5-.Ltmp3, $4  }
0x261: {  	v25 =	vld.idx.msk [tilespmem:v32+s15+$0x0], $0xffff;
	[tilespmem:s29+$0xFFFFFD60] =	vst v34;
	v34 =	vmul.f32 $8.000000000e+00, v30;
	v30 =	vor.u32 s21, v13  }
0x262: {  	s26 =	sadd.s32 $0x6, s24;
	v32 =	vor.u32 s6, v13;
	v33 =	vmul.f32 $8.000000000e+00, v33;
	v27 =	vld.idx.msk [tilespmem:v24+s15+$0x0], $0xffff;
	[tilespmem:s29+$0xFFFFFDE0] =	vst v28  }
0x263: {  	v24 =	vor.u32 s26, v15;
	v28 =	vld.idx.msk [tilespmem:v35+s15+$0x0], $0xffff;
	[tilespmem:s29+$0xFFFFFE60] =	vst v34;
	v34 =	vmul.f32 $8.000000000e+00, v37  }
0x264: {  	s24 =	sadd.s32 $0x8, s24;
	v35 =	vmul.f32 $8.000000000e+00, v29;
	v29 =	vld.idx.msk [tilespmem:v38+s15+$0x0], $0xffff;
	[tilespmem:s29+$0xFFFFFEE0] =	vst v33;
	v33 =	vor.u32 s28, v14;
	s28 =	sadd.s32 $0x7, s10  }
0x265: {  	[tilespmem:s29+$0xFFFFFF60] =	vst v34  }
0x266: {  	[tilespmem:s7+$0xFFFFFF80] =	vst v21  }
0x267: {  	v26 =	vmul.f32 $8.000000000e+00, v26;
	[tilespmem:s7+$0xFFFFFC80] =	vst v20  }
0x268: {  	v17 =	vmul.f32 $8.000000000e+00, v17;
	[tilespmem:s29+$0xFFFFFC60] =	vst v35  }
0x269: {  	v15 =	vor.u32 s28, v15;
	v31 =	vld.idx.msk [tilespmem:v31+s15+$0x0], $0xffff;
	s24 =	sadd.s32 $0x400, s29;
	v18 =	vmul.f32 $8.000000000e+00, v18;
	[tilespmem:s29+$0xFFFFFFF0] =	vst v26  }
0x26a: {  	v30 =	vld.idx.msk [tilespmem:v30+s15+$0x0], $0xffff;
	v25 =	vmul.f32 $8.000000000e+00, v25;
	[tilespmem:s24+$0xFFFFFC90] =	vst v17  }
0x26b: {  	v21 =	vld.idx.msk [tilespmem:v32+s15+$0x0], $0xffff;
	v27 =	vmul.f32 $8.000000000e+00, v27;
	[tilespmem:s24+$0xFFFFFD10] =	vst v18  }
0x26c: {  	[tilespmem:s29+$0xFFFFFCF0] =	vst v25;
	v25 =	vmul.f32 $8.000000000e+00, v28  }
0x26d: {  	v26 =	vld.idx.msk [tilespmem:v33+s15+$0x0], $0xffff;
	[tilespmem:s29+$0xFFFFFD70] =	vst v27;
	v27 =	vmul.f32 $8.000000000e+00, v29  }
0x26e: {  	v15 =	vld.idx.msk [tilespmem:v15+s15+$0x0], $0xffff;
	[tilespmem:s29+$0xFFFFFDF0] =	vst v25;
	v25 =	vmul.f32 $8.000000000e+00, v31  }
0x26f: {  	v20 =	vld.idx.msk [tilespmem:v24+s15+$0x0], $0xffff;
	v24 =	vor.u32 s25, v10;
	[tilespmem:s29+$0xFFFFFE70] =	vst v27;
	v27 =	vmul.f32 $8.000000000e+00, v30  }
0x270: {  	v21 =	vmul.f32 $8.000000000e+00, v21;
	[tilespmem:s29+$0xFFFFFEF0] =	vst v25;
	v25 =	vor.u32 s30, v14  }
0x271: {  	v17 =	vmul.f32 $8.000000000e+00, v19;
	[tilespmem:s29+$0xFFFFFF70] =	vst v27;
	v27 =	vor.u32 s28, v10  }
0x272: {  	[tilespmem:s29+$0xFFFFFC70] =	vst v21;
	v21 =	vmul.f32 $8.000000000e+00, v26;
	v26 =	vor.u32 s23, v10  }
0x273: {  	[tilespmem:s24+$0xFFFFFD90] =	vst v17;
	v15 =	vmul.f32 $8.000000000e+00, v15  }
0x274: {  	v17 =	vmul.f32 $8.000000000e+00, v23;
	v23 =	vld.idx.msk [tilespmem:v24+s15+$0x0], $0xffff;
	[tilespmem:s29+$0x0] =	vst v21;
	v21 =	vor.u32 s11, v10  }
0x275: {  	[tilespmem:s24+$0xFFFFFF90] =	vst v15;
	v15 =	vld.idx.msk [tilespmem:v25+s15+$0x0], $0xffff;
	v25 =	vor.u32 s20, v10  }
0x276: {  	v16 =	vmul.f32 $8.000000000e+00, v16;
	v19 =	vor.u32 s22, v10;
	v27 =	vld.idx.msk [tilespmem:v27+s15+$0x0], $0xffff  }
0x277: {  	v18 =	vmul.f32 $8.000000000e+00, v22;
	v22 =	vld.idx.msk [tilespmem:v26+s15+$0x0], $0xffff;
	v26 =	vor.u32 s26, v10  }
0x278: {  	[tilespmem:s24+$0xFFFFFC10] =	vst v16;
	v10 =	vor.u32 s10, v10  }
0x279: {  	[tilespmem:s24+$0xFFFFFE10] =	vst v18;
	v18 =	vmul.f32 $8.000000000e+00, v20;
	v20 =	vor.u32 s31, v14;
	v21 =	vld.idx.msk [tilespmem:v21+s15+$0x0], $0xffff  }
0x27a: {  	v24 =	vor.u32 s28, v8;
	[tilespmem:s24+$0xFFFFFE90] =	vst v17;
	v23 =	vmul.f32 $8.000000000e+00, v23;
	v17 =	vld.idx.msk [tilespmem:v25+s15+$0x0], $0xffff  }
0x27b: {  	[tilespmem:s24+$0xFFFFFF10] =	vst v18;
	v18 =	vor.u32 s23, v8;
	v19 =	vld.idx.msk [tilespmem:v19+s15+$0x0], $0xffff;
	v15 =	vmul.f32 $8.000000000e+00, v15  }
0x27c: {  	[tilespmem:s24+$0xFFFFFD20] =	vst v23;
	v25 =	vor.u32 s25, v8;
	v16 =	vmul.f32 $8.000000000e+00, v27;
	v26 =	vld.idx.msk [tilespmem:v26+s15+$0x0], $0xffff  }
0x27d: {  	v22 =	vmul.f32 $8.000000000e+00, v22;
	[tilespmem:s29+$0xFFFFFD00] =	vst v15;
	v10 =	vld.idx.msk [tilespmem:v10+s15+$0x0], $0xffff;
	v15 =	vor.u32 s11, v8  }
0x27e: {  	[tilespmem:s24+$0xFFFFFFA0] =	vst v16;
	v16 =	vld.idx.msk [tilespmem:v20+s15+$0x0], $0xffff;
	v20 =	vor.u32 s20, v8;
	v21 =	vmul.f32 $8.000000000e+00, v21  }
0x27f: {  	[tilespmem:s24+$0xFFFFFCA0] =	vst v22;
	v22 =	vor.u32 s22, v8;
	v24 =	vld.idx.msk [tilespmem:v24+s15+$0x0], $0xffff;
	v17 =	vmul.f32 $8.000000000e+00, v17  }
0x280: {  	v23 =	vor.u32 s26, v8;
	v19 =	vmul.f32 $8.000000000e+00, v19;
	v18 =	vld.idx.msk [tilespmem:v18+s15+$0x0], $0xffff;
	[tilespmem:s24+$0xFFFFFDA0] =	vst v21  }
0x281: {  	v8 =	vor.u32 s10, v8;
	v21 =	vld.idx.msk [tilespmem:v25+s15+$0x0], $0xffff;
	[tilespmem:s24+$0xFFFFFE20] =	vst v17;
	v17 =	vmul.f32 $8.000000000e+00, v26  }
0x282: {  	[tilespmem:s24+$0xFFFFFEA0] =	vst v19;
	v25 =	vor.u32 s0, v14;
	v15 =	vld.idx.msk [tilespmem:v15+s15+$0x0], $0xffff;
	v10 =	vmul.f32 $8.000000000e+00, v10  }
0x283: {  	v16 =	vmul.f32 $8.000000000e+00, v16;
	v19 =	vld.idx.msk [tilespmem:v20+s15+$0x0], $0xffff;
	v20 =	vor.u32 s28, v9;
	[tilespmem:s24+$0xFFFFFF20] =	vst v17  }
0x284: {  	v17 =	vor.u32 s23, v9;
	v22 =	vld.idx.msk [tilespmem:v22+s15+$0x0], $0xffff;
	[tilespmem:s24+$0xFFFFFC20] =	vst v10;
	v10 =	vmul.f32 $8.000000000e+00, v24  }
0x285: {  	v24 =	vor.u32 s25, v9;
	v23 =	vld.idx.msk [tilespmem:v23+s15+$0x0], $0xffff;
	v18 =	vmul.f32 $8.000000000e+00, v18;
	[tilespmem:s29+$0xFFFFFD80] =	vst v16  }
0x286: {  	v8 =	vld.idx.msk [tilespmem:v8+s15+$0x0], $0xffff;
	v16 =	vor.u32 s11, v9;
	v21 =	vmul.f32 $8.000000000e+00, v21;
	[tilespmem:s24+$0xFFFFFFB0] =	vst v10  }
0x287: {  	v10 =	vld.idx.msk [tilespmem:v25+s15+$0x0], $0xffff;
	v25 =	vor.u32 s20, v9;
	[tilespmem:s24+$0xFFFFFCB0] =	vst v18;
	v15 =	vmul.f32 $8.000000000e+00, v15  }
0x288: {  	v18 =	vor.u32 s22, v9;
	v20 =	vld.idx.msk [tilespmem:v20+s15+$0x0], $0xffff;
	[tilespmem:s24+$0xFFFFFD30] =	vst v21;
	v19 =	vmul.f32 $8.000000000e+00, v19  }
0x289: {  	v21 =	vor.u32 s26, v9;
	v17 =	vld.idx.msk [tilespmem:v17+s15+$0x0], $0xffff;
	[tilespmem:s24+$0xFFFFFDB0] =	vst v15;
	v15 =	vmul.f32 $8.000000000e+00, v22  }
0x28a: {  	v9 =	vor.u32 s10, v9;
	v22 =	vld.idx.msk [tilespmem:v24+s15+$0x0], $0xffff;
	[tilespmem:s24+$0xFFFFFE30] =	vst v19;
	v19 =	vmul.f32 $8.000000000e+00, v23  }
0x28b: {  	v23 =	vor.u32 s2, v14;
	v16 =	vld.idx.msk [tilespmem:v16+s15+$0x0], $0xffff;
	v8 =	vmul.f32 $8.000000000e+00, v8;
	[tilespmem:s24+$0xFFFFFEB0] =	vst v15  }
0x28c: {  	v24 =	vor.u32 s28, v11;
	v10 =	vmul.f32 $8.000000000e+00, v10;
	v15 =	vld.idx.msk [tilespmem:v25+s15+$0x0], $0xffff;
	[tilespmem:s24+$0xFFFFFF30] =	vst v19  }
0x28d: {  	v19 =	vor.u32 s23, v11;
	v18 =	vld.idx.msk [tilespmem:v18+s15+$0x0], $0xffff;
	[tilespmem:s24+$0xFFFFFC30] =	vst v8;
	v8 =	vmul.f32 $8.000000000e+00, v20  }
0x28e: {  	v20 =	vor.u32 s25, v11;
	v21 =	vld.idx.msk [tilespmem:v21+s15+$0x0], $0xffff;
	[tilespmem:s29+$0xFFFFFE00] =	vst v10;
	v17 =	vmul.f32 $8.000000000e+00, v17  }
0x28f: {  	v9 =	vld.idx.msk [tilespmem:v9+s15+$0x0], $0xffff;
	v10 =	vor.u32 s11, v11;
	v22 =	vmul.f32 $8.000000000e+00, v22;
	[tilespmem:s24+$0xFFFFFFC0] =	vst v8  }
0x290: {  	v8 =	vld.idx.msk [tilespmem:v23+s15+$0x0], $0xffff;
	v23 =	vor.u32 s20, v11;
	v16 =	vmul.f32 $8.000000000e+00, v16;
	[tilespmem:s24+$0xFFFFFCC0] =	vst v17  }
0x291: {  	v17 =	vor.u32 s22, v11;
	v24 =	vld.idx.msk [tilespmem:v24+s15+$0x0], $0xffff;
	[tilespmem:s24+$0xFFFFFD40] =	vst v22;
	v15 =	vmul.f32 $8.000000000e+00, v15  }
0x292: {  	v22 =	vor.u32 s26, v11;
	v19 =	vld.idx.msk [tilespmem:v19+s15+$0x0], $0xffff;
	[tilespmem:s24+$0xFFFFFDC0] =	vst v16;
	v16 =	vmul.f32 $8.000000000e+00, v18  }
0x293: {  	v11 =	vor.u32 s10, v11;
	v18 =	vld.idx.msk [tilespmem:v20+s15+$0x0], $0xffff;
	[tilespmem:s24+$0xFFFFFE40] =	vst v15;
	v15 =	vmul.f32 $8.000000000e+00, v21  }
0x294: {  	v20 =	vor.u32 s18, v14;
	v10 =	vld.idx.msk [tilespmem:v10+s15+$0x0], $0xffff;
	v9 =	vmul.f32 $8.000000000e+00, v9;
	[tilespmem:s24+$0xFFFFFEC0] =	vst v16  }
0x295: {  	v21 =	vor.u32 s28, v12;
	v8 =	vmul.f32 $8.000000000e+00, v8;
	v16 =	vld.idx.msk [tilespmem:v23+s15+$0x0], $0xffff;
	[tilespmem:s24+$0xFFFFFF40] =	vst v15  }
0x296: {  	v15 =	vor.u32 s23, v12;
	[tilespmem:s24+$0xFFFFFC40] =	vst v9;
	v17 =	vld.idx.msk [tilespmem:v17+s15+$0x0], $0xffff;
	v9 =	vmul.f32 $8.000000000e+00, v24  }
0x297: {  	v23 =	vor.u32 s25, v12;
	v22 =	vld.idx.msk [tilespmem:v22+s15+$0x0], $0xffff;
	v19 =	vmul.f32 $8.000000000e+00, v19;
	[tilespmem:s29+$0xFFFFFE80] =	vst v8  }
0x298: {  	v8 =	vld.idx.msk [tilespmem:v11+s15+$0x0], $0xffff;
	v11 =	vor.u32 s11, v12;
	v18 =	vmul.f32 $8.000000000e+00, v18;
	[tilespmem:s24+$0xFFFFFFD0] =	vst v9  }
0x299: {  	v9 =	vld.idx.msk [tilespmem:v20+s15+$0x0], $0xffff;
	v20 =	vor.u32 s20, v12;
	v10 =	vmul.f32 $8.000000000e+00, v10;
	[tilespmem:s24+$0xFFFFFCD0] =	vst v19  }
0x29a: {  	v19 =	vor.u32 s22, v12;
	v21 =	vld.idx.msk [tilespmem:v21+s15+$0x0], $0xffff;
	[tilespmem:s24+$0xFFFFFD50] =	vst v18;
	v16 =	vmul.f32 $8.000000000e+00, v16  }
0x29b: {  	v15 =	vld.idx.msk [tilespmem:v15+s15+$0x0], $0xffff;
	v18 =	vor.u32 s26, v12;
	[tilespmem:s24+$0xFFFFFDD0] =	vst v10;
	v10 =	vmul.f32 $8.000000000e+00, v17  }
0x29c: {  	v12 =	vor.u32 s10, v12;
	v17 =	vld.idx.msk [tilespmem:v23+s15+$0x0], $0xffff;
	[tilespmem:s24+$0xFFFFFE50] =	vst v16;
	v16 =	vmul.f32 $8.000000000e+00, v22  }
0x29d: {  	v22 =	vor.u32 s21, v14;
	v11 =	vld.idx.msk [tilespmem:v11+s15+$0x0], $0xffff;
	v8 =	vmul.f32 $8.000000000e+00, v8;
	[tilespmem:s24+$0xFFFFFED0] =	vst v10  }
0x29e: {  	v9 =	vmul.f32 $8.000000000e+00, v9;
	v10 =	vld.idx.msk [tilespmem:v20+s15+$0x0], $0xffff;
	v20 =	vor.u32 s28, v13;
	[tilespmem:s24+$0xFFFFFF50] =	vst v16  }
0x29f: {  	v16 =	vor.u32 s23, v13;
	v19 =	vld.idx.msk [tilespmem:v19+s15+$0x0], $0xffff;
	[tilespmem:s24+$0xFFFFFC50] =	vst v8;
	v8 =	vmul.f32 $8.000000000e+00, v21  }
0x2a0: {  	v21 =	vor.u32 s25, v13;
	v18 =	vld.idx.msk [tilespmem:v18+s15+$0x0], $0xffff;
	v15 =	vmul.f32 $8.000000000e+00, v15;
	[tilespmem:s29+$0xFFFFFF00] =	vst v9  }
0x2a1: {  	v9 =	vld.idx.msk [tilespmem:v12+s15+$0x0], $0xffff;
	v12 =	vor.u32 s11, v13;
	v17 =	vmul.f32 $8.000000000e+00, v17;
	[tilespmem:s24+$0xFFFFFFE0] =	vst v8  }
0x2a2: {  	v8 =	vld.idx.msk [tilespmem:v22+s15+$0x0], $0xffff;
	v22 =	vor.u32 s20, v13;
	[tilespmem:s24+$0xFFFFFCE0] =	vst v15;
	v11 =	vmul.f32 $8.000000000e+00, v11  }
0x2a3: {  	v15 =	vor.u32 s22, v13;
	v20 =	vld.idx.msk [tilespmem:v20+s15+$0x0], $0xffff;
	[tilespmem:s24+$0xFFFFFD60] =	vst v17;
	v10 =	vmul.f32 $8.000000000e+00, v10  }
0x2a4: {  	v17 =	vor.u32 s26, v13;
	v16 =	vld.idx.msk [tilespmem:v16+s15+$0x0], $0xffff;
	[tilespmem:s24+$0xFFFFFDE0] =	vst v11;
	v11 =	vmul.f32 $8.000000000e+00, v19  }
0x2a5: {  	v13 =	vor.u32 s10, v13;
	v19 =	vld.idx.msk [tilespmem:v21+s15+$0x0], $0xffff;
	[tilespmem:s24+$0xFFFFFE60] =	vst v10;
	v10 =	vmul.f32 $8.000000000e+00, v18  }
0x2a6: {  	v18 =	vor.u32 s6, v14;
	v12 =	vld.idx.msk [tilespmem:v12+s15+$0x0], $0xffff;
	v9 =	vmul.f32 $8.000000000e+00, v9;
	[tilespmem:s24+$0xFFFFFEE0] =	vst v11  }
0x2a7: {  	v21 =	vor.u32 s28, v14;
	v8 =	vmul.f32 $8.000000000e+00, v8;
	v11 =	vld.idx.msk [tilespmem:v22+s15+$0x0], $0xffff;
	[tilespmem:s24+$0xFFFFFF60] =	vst v10  }
0x2a8: {  	v10 =	vld.idx.msk [tilespmem:v15+s15+$0x0], $0xffff;
	[tilespmem:s24+$0xFFFFFC60] =	vst v9;
	v9 =	vor.u32 s23, v14;
	v15 =	vmul.f32 $8.000000000e+00, v20  }
0x2a9: {  	v17 =	vld.idx.msk [tilespmem:v17+s15+$0x0], $0xffff;
	v20 =	vor.u32 s25, v14;
	v16 =	vmul.f32 $8.000000000e+00, v16;
	[tilespmem:s29+$0xFFFFFF80] =	vst v8  }
0x2aa: {  	v8 =	vld.idx.msk [tilespmem:v13+s15+$0x0], $0xffff;
	v13 =	vmul.f32 $8.000000000e+00, v19;
	v19 =	vor.u32 s11, v14;
	[tilespmem:s24+$0xFFFFFFF0] =	vst v15  }
0x2ab: {  	v15 =	vld.idx.msk [tilespmem:v18+s15+$0x0], $0xffff;
	v12 =	vmul.f32 $8.000000000e+00, v12;
	[tilespmem:s24+$0xFFFFFCF0] =	vst v16;
	v16 =	vor.u32 s20, v14  }
0x2ac: {  	v18 =	vld.idx.msk [tilespmem:v21+s15+$0x0], $0xffff;
	[tilespmem:s24+$0xFFFFFD70] =	vst v13;
	v13 =	vor.u32 s22, v14;
	v11 =	vmul.f32 $8.000000000e+00, v11  }
0x2ad: {  	v9 =	vld.idx.msk [tilespmem:v9+s15+$0x0], $0xffff;
	[tilespmem:s24+$0xFFFFFDF0] =	vst v12;
	v10 =	vmul.f32 $8.000000000e+00, v10;
	v12 =	vor.u32 s26, v14  }
0x2ae: {  	v14 =	vor.u32 s10, v14;
	v20 =	vld.idx.msk [tilespmem:v20+s15+$0x0], $0xffff;
	[tilespmem:s24+$0xFFFFFE70] =	vst v11;
	v11 =	vmul.f32 $8.000000000e+00, v17  }
0x2af: {  	v8 =	vmul.f32 $8.000000000e+00, v8;
	v17 =	vld.idx.msk [tilespmem:v19+s15+$0x0], $0xffff;
	[tilespmem:s24+$0xFFFFFEF0] =	vst v10  }
0x2b0: {  	v10 =	vmul.f32 $8.000000000e+00, v15;
	v15 =	vld.idx.msk [tilespmem:v16+s15+$0x0], $0xffff;
	[tilespmem:s24+$0xFFFFFF70] =	vst v11  }
0x2b1: {  	[tilespmem:s24+$0xFFFFFC70] =	vst v8;
	v8 =	vld.idx.msk [tilespmem:v13+s15+$0x0], $0xffff;
	v11 =	vmul.f32 $8.000000000e+00, v18  }
0x2b2: {  	v12 =	vld.idx.msk [tilespmem:v12+s15+$0x0], $0xffff;
	[tilespmem:s29+$0xFFFFFC80] =	vst v10;
	v9 =	vmul.f32 $8.000000000e+00, v9  }
0x2b3: {  	v10 =	vld.idx.msk [tilespmem:v14+s15+$0x0], $0xffff;
	[tilespmem:s24+$0x0] =	vst v11;
	v11 =	vmul.f32 $8.000000000e+00, v20  }
0x2b4: {  	v13 =	vmul.f32 $8.000000000e+00, v17;
	[tilespmem:s24+$0xFFFFFD00] =	vst v9  }
0x2b5: {  	[tilespmem:s24+$0xFFFFFD80] =	vst v11;
	v9 =	vmul.f32 $8.000000000e+00, v15  }
0x2b6: {  	v8 =	vmul.f32 $8.000000000e+00, v8;
	[tilespmem:s24+$0xFFFFFE00] =	vst v13  }
0x2b7: {  	s23 =	sshll.u32 s4, $0x12;
	v11 =	vmul.f32 $8.000000000e+00, v12;
	[tilespmem:s24+$0xFFFFFE80] =	vst v9  }
0x2b8: {  	s0 =	sor.u32 s5, s23;
	v9 =	vmul.f32 $8.000000000e+00, v10;
	[tilespmem:s24+$0xFFFFFF00] =	vst v8  }
0x2b9: {  	s0 =	sshrl.u32 s0, $0x3;
	[tilespmem:s24+$0xFFFFFF80] =	vst v11  }
0x2ba: {  	s0 =	sadd.s32 s3, s0;
	[tilespmem:s24+$0xFFFFFC80] =	vst v9;
	s24 =	simm.s32 $0x18600  }
0x2bb: {  	[hbm4b:s0+s8] =	stream.strided.scatter [tilespmem:s24], [sflag:$0x6], $0x2000, s9, s8, $0x38;
	[tilespmem:$0x1E600] =	vst v63  }
0x2bc: {  	v8 =	vld @!p1 [tilespmem:s14+$0x280];
	_ =	sdelay $0x4  }
0x2bd: {  	v8 =	vshra.s32 @!p1 v8, $0x1  }
0x2be: {  	[tilespmem:$0x6480] =	vst @!p1 v8  }
0x2bf: {  	v8 =	vld @!p1 [tilespmem:s14+$0x290];
	_ =	sdelay $0x4  }
0x2c0: {  	v8 =	vshra.s32 @!p1 v8, $0x1  }
0x2c1: {  	[tilespmem:$0x6490] =	vst @!p1 v8  }
0x2c2: {  	v8 =	vld @!p1 [tilespmem:s14+$0x2A0];
	_ =	sdelay $0x4  }
0x2c3: {  	v8 =	vshra.s32 @!p1 v8, $0x1  }
0x2c4: {  	[tilespmem:$0x64A0] =	vst @!p1 v8  }
0x2c5: {  	v8 =	vld @!p1 [tilespmem:s14+$0x2B0];
	_ =	sdelay $0x4  }
0x2c6: {  	v8 =	vshra.s32 @!p1 v8, $0x1  }
0x2c7: {  	[tilespmem:$0x64B0] =	vst @!p1 v8  }
0x2c8: {  	v8 =	vld @!p1 [tilespmem:s14+$0x2C0];
	_ =	sdelay $0x4  }
0x2c9: {  	v8 =	vshra.s32 @!p1 v8, $0x1  }
0x2ca: {  	[tilespmem:$0x64C0] =	vst @!p1 v8  }
0x2cb: {  	v8 =	vld @!p1 [tilespmem:s14+$0x2D0];
	_ =	sdelay $0x4  }
0x2cc: {  	v8 =	vshra.s32 @!p1 v8, $0x1  }
0x2cd: {  	[tilespmem:$0x64D0] =	vst @!p1 v8  }
0x2ce: {  	v8 =	vld @!p1 [tilespmem:s14+$0x2E0];
	_ =	sdelay $0x4  }
0x2cf: {  	v8 =	vshra.s32 @!p1 v8, $0x1  }
0x2d0: {  	[tilespmem:$0x64E0] =	vst @!p1 v8  }
0x2d1: {  	v8 =	vld @!p1 [tilespmem:s14+$0x2F0];
	_ =	sdelay $0x4  }
0x2d2: {  	s2 =	simm.s32 @!p1 $0x6480;
	v8 =	vshra.s32 @!p1 v8, $0x1  }
0x2d3: {  	s4 =	simm.s32 @!p1 $0xA600;
	s25 =	simm.s32 $0x3;
	s0 =	simm.s32 @!p1 $0x80;
	[tilespmem:$0x64F0] =	vst @!p1 v8  }
0x2d4: {  	[tilespmem:s4], [sflag:$0x2] =	stream.indirect.gather @!p1 [hbm4b:s1+s0], $0x80, s2, s0, $0xb8;
	[tilespmem:$0x1E600] =	vst v63  }
0x2d5: {  	s4 =	sor.u32 $0x2, s16;
	_ =	swait.ge [sflag:s25], $0x4000  }
0x2d6: {  	s26 =	sshll.u32 s4, $0x7;
	[sflag:s25] =	ssyncset.done $0x0  }
0x2d7: {  	s0 =	sand.u32 $0x3FFFFF80, s26;
	[sflag:s25] =	ssyncadd.s32 $0xFFFFC000  }
0x2d8: {  	v8 =	vld [tilespmem:s0+$0x0];
	_ =	sdelay $0x2  }
0x2d9: {  	v9 =	vld [tilespmem:s0+$0x10]  }
0x2da: {  	v16 =	vld [tilespmem:s0+$0x20]  }
0x2db: {  	v18 =	vld [tilespmem:s0+$0x30];
	v8 =	vshll.u32 v8, $0x6  }
0x2dc: {  	v11 =	vld [tilespmem:s0+$0x40];
	v8 =	vand.u32 $0x40, v8  }
0x2dd: {  	s11 =	simm.s32 $0x0;
	v12 =	vld [tilespmem:s0+$0x50];
	v15 =	vor.u32 v0, v8  }
0x2de: {  	s28 =	simm.s32 $0x7;
	v13 =	vld [tilespmem:s0+$0x60];
	v8 =	vor.u32 s11, v15  }
0x2df: {  	s22 =	simm.s32 $0x1;
	v14 =	vld [tilespmem:s0+$0x70];
	s0 =	simm.s32 @!p0 $0x7;
	v10 =	vor.u32 s28, v15  }
0x2e0: {  	s25 =	simm.s32 $0x3;
	_ =	swait.ge @!p0 [sflag:s0], $0x2000;
	v17 =	vor.u32 s22, v15  }
0x2e1: {  	s23 =	simm.s32 $0x2;
	[sflag:s0] =	ssyncset.done @!p0 $0x0;
	v20 =	vor.u32 s25, v15  }
0x2e2: {  	s20 =	simm.s32 $0x5;
	[sflag:s0] =	ssyncadd.s32 @!p0 $0xFFFFE000;
	v19 =	vor.u32 s23, v15  }
0x2e3: {  	s26 =	simm.s32 $0x4;
	v22 =	vor.u32 s20, v15;
	v21 =	vld.idx.msk [tilespmem:v8+s17+$0x0], $0xffff  }
0x2e4: {  	v8 =	vor.u32 s26, v15;
	v23 =	vld.idx.msk [tilespmem:v10+s17+$0x0], $0xffff  }
0x2e5: {  	s10 =	simm.s32 $0x6;
	v9 =	vshll.u32 v9, $0x6;
	v17 =	vld.idx.msk [tilespmem:v17+s17+$0x0], $0xffff  }
0x2e6: {  	s6 =	simm.s32 $0x8;
	v9 =	vand.u32 $0x40, v9;
	v24 =	vor.u32 s10, v15;
	v20 =	vld.idx.msk [tilespmem:v20+s17+$0x0], $0xffff  }
0x2e7: {  	v10 =	vor.u32 v1, v9;
	v9 =	vld.idx.msk [tilespmem:v19+s17+$0x0], $0xffff;
	v19 =	vor.u32 s6, v15  }
0x2e8: {  	v22 =	vld.idx.msk [tilespmem:v22+s17+$0x0], $0xffff;
	v25 =	vor.u32 s28, v10  }
0x2e9: {  	v26 =	vor.u32 s22, v10;
	v8 =	vld.idx.msk [tilespmem:v8+s17+$0x0], $0xffff;
	v23 =	vmul.f32 $8.000000000e+00, v23  }
0x2ea: {  	s7 =	simm.s32 $0x1A9F0;
	v27 =	vor.u32 s23, v10;
	v28 =	vmul.f32 $8.000000000e+00, v17  }
0x2eb: {  	v24 =	vld.idx.msk [tilespmem:v24+s17+$0x0], $0xffff;
	v29 =	vor.u32 s25, v10;
	v20 =	vmul.f32 $8.000000000e+00, v20;
	[tilespmem:s7+$0xFFFFFF90] =	vst v23  }
0x2ec: {  	v17 =	vld.idx.msk [tilespmem:v19+s17+$0x0], $0xffff;
	v9 =	vmul.f32 $8.000000000e+00, v9;
	[tilespmem:s7+$0xFFFFFC90] =	vst v28;
	v23 =	vor.u32 s20, v10  }
0x2ed: {  	v19 =	vor.u32 s26, v10;
	[tilespmem:s7+$0xFFFFFD90] =	vst v20;
	v20 =	vmul.f32 $8.000000000e+00, v22;
	v25 =	vld.idx.msk [tilespmem:v25+s17+$0x0], $0xffff  }
0x2ee: {  	v16 =	vshll.u32 v16, $0x6;
	[tilespmem:s7+$0xFFFFFD10] =	vst v9;
	v28 =	vor.u32 s10, v10;
	v26 =	vld.idx.msk [tilespmem:v26+s17+$0x0], $0xffff;
	v9 =	vmul.f32 $8.000000000e+00, v8  }
0x2ef: {  	s30 =	simm.s32 $0x9;
	v27 =	vld.idx.msk [tilespmem:v27+s17+$0x0], $0xffff;
	[tilespmem:s7+$0xFFFFFE90] =	vst v20;
	v8 =	vand.u32 $0x40, v16;
	v16 =	vor.u32 s11, v10  }
0x2f0: {  	v22 =	vor.u32 s30, v15;
	v29 =	vld.idx.msk [tilespmem:v29+s17+$0x0], $0xffff;
	[tilespmem:s7+$0xFFFFFE10] =	vst v9;
	v9 =	vmul.f32 $8.000000000e+00, v24  }
0x2f1: {  	v62 =	vor.u32 s6, v10;
	v21 =	vmul.f32 $8.000000000e+00, v21;
	v8 =	vor.u32 v2, v8;
	v23 =	vld.idx.msk [tilespmem:v23+s17+$0x0], $0xffff  }
0x2f2: {  	v17 =	vmul.f32 $8.000000000e+00, v17;
	v20 =	vor.u32 s28, v8;
	v19 =	vld.idx.msk [tilespmem:v19+s17+$0x0], $0xffff;
	[tilespmem:s7+$0xFFFFFF10] =	vst v9  }
0x2f3: {  	s29 =	simm.s32 $0x1ADF0;
	[tilespmem:s7+$0xFFFFFC10] =	vst v21;
	v24 =	vor.u32 s22, v8;
	v25 =	vmul.f32 $8.000000000e+00, v25;
	v21 =	vld.idx.msk [tilespmem:v28+s17+$0x0], $0xffff  }
0x2f4: {  	v30 =	vor.u32 s25, v8;
	[tilespmem:s29+$0xFFFFFC10] =	vst v17;
	v26 =	vmul.f32 $8.000000000e+00, v26;
	v28 =	vld.idx.msk [tilespmem:v16+s17+$0x0], $0xffff  }
0x2f5: {  	v9 =	vor.u32 s23, v8;
	v16 =	vld.idx.msk [tilespmem:v22+s17+$0x0], $0xffff;
	v22 =	vmul.f32 $8.000000000e+00, v27;
	[tilespmem:s7+$0xFFFFFFA0] =	vst v25  }
0x2f6: {  	v34 =	vld.idx.msk [tilespmem:v62+s17+$0x0], $0xffff;
	[tilespmem:s7+$0xFFFFFCA0] =	vst v26;
	v25 =	vmul.f32 $8.000000000e+00, v29;
	v26 =	vor.u32 s20, v8  }
0x2f7: {  	v27 =	vor.u32 s26, v8;
	v20 =	vld.idx.msk [tilespmem:v20+s17+$0x0], $0xffff;
	[tilespmem:s7+$0xFFFFFD20] =	vst v22;
	v23 =	vmul.f32 $8.000000000e+00, v23  }
0x2f8: {  	v18 =	vshll.u32 v18, $0x6;
	v24 =	vld.idx.msk [tilespmem:v24+s17+$0x0], $0xffff;
	v22 =	vor.u32 s10, v8;
	[tilespmem:s7+$0xFFFFFDA0] =	vst v25;
	v19 =	vmul.f32 $8.000000000e+00, v19  }
0x2f9: {  	s31 =	simm.s32 $0xA;
	v18 =	vand.u32 $0x40, v18;
	v29 =	vor.u32 s11, v8;
	v25 =	vld.idx.msk [tilespmem:v30+s17+$0x0], $0xffff;
	[tilespmem:s7+$0xFFFFFEA0] =	vst v23  }
0x2fa: {  	v31 =	vld.idx.msk [tilespmem:v9+s17+$0x0], $0xffff;
	v9 =	vor.u32 v3, v18;
	v18 =	vor.u32 s31, v15;
	[tilespmem:s7+$0xFFFFFE20] =	vst v19;
	v19 =	vmul.f32 $8.000000000e+00, v21  }
0x2fb: {  	v21 =	vmul.f32 $8.000000000e+00, v28;
	v23 =	vor.u32 s28, v9;
	v26 =	vld.idx.msk [tilespmem:v26+s17+$0x0], $0xffff  }
0x2fc: {  	v28 =	vor.u32 s22, v9;
	v27 =	vld.idx.msk [tilespmem:v27+s17+$0x0], $0xffff;
	[tilespmem:s7+$0xFFFFFF20] =	vst v19  }
0x2fd: {  	[tilespmem:s7+$0xFFFFFC20] =	vst v21;
	v19 =	vor.u32 s23, v9;
	v20 =	vmul.f32 $8.000000000e+00, v20;
	v21 =	vld.idx.msk [tilespmem:v22+s17+$0x0], $0xffff  }
0x2fe: {  	v24 =	vmul.f32 $8.000000000e+00, v24;
	v22 =	vld.idx.msk [tilespmem:v29+s17+$0x0], $0xffff;
	v29 =	vor.u32 s25, v9  }
0x2ff: {  	v18 =	vld.idx.msk [tilespmem:v18+s17+$0x0], $0xffff;
	v30 =	vmul.f32 $8.000000000e+00, v31;
	v31 =	vor.u32 s26, v9;
	[tilespmem:s7+$0xFFFFFFB0] =	vst v20  }
0x300: {  	[tilespmem:s7+$0xFFFFFCB0] =	vst v24;
	v20 =	vmul.f32 $8.000000000e+00, v25;
	v24 =	vor.u32 s20, v9;
	v23 =	vld.idx.msk [tilespmem:v23+s17+$0x0], $0xffff  }
0x301: {  	v11 =	vshll.u32 v11, $0x6;
	v25 =	vld.idx.msk [tilespmem:v28+s17+$0x0], $0xffff;
	v28 =	vor.u32 s10, v9;
	[tilespmem:s7+$0xFFFFFD30] =	vst v30;
	v27 =	vmul.f32 $8.000000000e+00, v27  }
0x302: {  	s0 =	simm.s32 $0xB;
	v11 =	vand.u32 $0x40, v11;
	v30 =	vor.u32 s11, v9;
	[tilespmem:s7+$0xFFFFFDB0] =	vst v20;
	v45 =	vld.idx.msk [tilespmem:v19+s17+$0x0], $0xffff;
	v19 =	vmul.f32 $8.000000000e+00, v26  }
0x303: {  	v11 =	vor.u32 v4, v11;
	v20 =	vor.u32 s0, v15;
	v26 =	vld.idx.msk [tilespmem:v29+s17+$0x0], $0xffff;
	[tilespmem:s7+$0xFFFFFE30] =	vst v27;
	v21 =	vmul.f32 $8.000000000e+00, v21  }
0x304: {  	v22 =	vmul.f32 $8.000000000e+00, v22;
	v29 =	vor.u32 s28, v11;
	v27 =	vld.idx.msk [tilespmem:v31+s17+$0x0], $0xffff;
	[tilespmem:s7+$0xFFFFFEB0] =	vst v19  }
0x305: {  	v31 =	vor.u32 s22, v11;
	v24 =	vld.idx.msk [tilespmem:v24+s17+$0x0], $0xffff;
	[tilespmem:s7+$0xFFFFFF30] =	vst v21  }
0x306: {  	[tilespmem:s7+$0xFFFFFC30] =	vst v22;
	v21 =	vor.u32 s23, v11;
	v23 =	vmul.f32 $8.000000000e+00, v23;
	v22 =	vld.idx.msk [tilespmem:v28+s17+$0x0], $0xffff  }
0x307: {  	v25 =	vmul.f32 $8.000000000e+00, v25;
	v28 =	vld.idx.msk [tilespmem:v30+s17+$0x0], $0xffff;
	v30 =	vor.u32 s25, v11  }
0x308: {  	v46 =	vor.u32 s26, v11;
	v19 =	vld.idx.msk [tilespmem:v20+s17+$0x0], $0xffff;
	v20 =	vmul.f32 $8.000000000e+00, v45;
	[tilespmem:s7+$0xFFFFFFC0] =	vst v23  }
0x309: {  	[tilespmem:s7+$0xFFFFFCC0] =	vst v25;
	v25 =	vor.u32 s20, v11;
	v23 =	vmul.f32 $8.000000000e+00, v26;
	v26 =	vld.idx.msk [tilespmem:v29+s17+$0x0], $0xffff  }
0x30a: {  	v29 =	vld.idx.msk [tilespmem:v31+s17+$0x0], $0xffff;
	[tilespmem:s7+$0xFFFFFD40] =	vst v20;
	v20 =	vmul.f32 $8.000000000e+00, v27;
	v27 =	vor.u32 s10, v11  }
0x30b: {  	v12 =	vshll.u32 v12, $0x6;
	v31 =	vor.u32 s11, v11;
	v21 =	vld.idx.msk [tilespmem:v21+s17+$0x0], $0xffff;
	[tilespmem:s7+$0xFFFFFDC0] =	vst v23;
	v23 =	vmul.f32 $8.000000000e+00, v24  }
0x30c: {  	s2 =	simm.s32 $0xC;
	v12 =	vand.u32 $0x40, v12;
	v38 =	vor.u32 s0, v10;
	v30 =	vld.idx.msk [tilespmem:v30+s17+$0x0], $0xffff;
	[tilespmem:s7+$0xFFFFFE40] =	vst v20;
	v20 =	vmul.f32 $8.000000000e+00, v22  }
0x30d: {  	v12 =	vor.u32 v5, v12;
	v24 =	vor.u32 s2, v15;
	v22 =	vmul.f32 $8.000000000e+00, v28;
	v28 =	vld.idx.msk [tilespmem:v46+s17+$0x0], $0xffff;
	[tilespmem:s7+$0xFFFFFEC0] =	vst v23  }
0x30e: {  	v19 =	vmul.f32 $8.000000000e+00, v19;
	v23 =	vor.u32 s28, v12;
	v25 =	vld.idx.msk [tilespmem:v25+s17+$0x0], $0xffff;
	[tilespmem:s7+$0xFFFFFF40] =	vst v20  }
0x30f: {  	v47 =	vor.u32 s22, v12;
	[tilespmem:s7+$0xFFFFFC40] =	vst v22;
	v22 =	vld.idx.msk [tilespmem:v27+s17+$0x0], $0xffff  }
0x310: {  	v20 =	vor.u32 s23, v12;
	v26 =	vmul.f32 $8.000000000e+00, v26;
	[tilespmem:s29+$0xFFFFFD90] =	vst v19;
	v27 =	vld.idx.msk [tilespmem:v31+s17+$0x0], $0xffff  }
0x311: {  	v29 =	vmul.f32 $8.000000000e+00, v29;
	v31 =	vor.u32 s25, v12;
	v63 =	vld.idx.msk [tilespmem:v38+s17+$0x0], $0xffff  }
0x312: {  	v48 =	vor.u32 s26, v12;
	v24 =	vld.idx.msk [tilespmem:v24+s17+$0x0], $0xffff;
	v21 =	vmul.f32 $8.000000000e+00, v21;
	[tilespmem:s7+$0xFFFFFFD0] =	vst v26  }
0x313: {  	[tilespmem:s7+$0xFFFFFCD0] =	vst v29;
	v26 =	vmul.f32 $8.000000000e+00, v30;
	v29 =	vor.u32 s20, v12;
	v23 =	vld.idx.msk [tilespmem:v23+s17+$0x0], $0xffff  }
0x314: {  	v13 =	vshll.u32 v13, $0x6;
	v30 =	vld.idx.msk [tilespmem:v47+s17+$0x0], $0xffff;
	[tilespmem:s7+$0xFFFFFD50] =	vst v21;
	v21 =	vmul.f32 $8.000000000e+00, v28;
	v28 =	vor.u32 s10, v12  }
0x315: {  	s18 =	simm.s32 $0xD;
	v13 =	vand.u32 $0x40, v13;
	v49 =	vor.u32 s11, v12;
	v20 =	vld.idx.msk [tilespmem:v20+s17+$0x0], $0xffff;
	[tilespmem:s7+$0xFFFFFDD0] =	vst v26;
	v25 =	vmul.f32 $8.000000000e+00, v25  }
0x316: {  	v13 =	vor.u32 v6, v13;
	v26 =	vor.u32 s18, v15;
	v31 =	vld.idx.msk [tilespmem:v31+s17+$0x0], $0xffff;
	[tilespmem:s7+$0xFFFFFE50] =	vst v21;
	v21 =	vmul.f32 $8.000000000e+00, v22  }
0x317: {  	v22 =	vmul.f32 $8.000000000e+00, v27;
	v27 =	vld.idx.msk [tilespmem:v48+s17+$0x0], $0xffff;
	[tilespmem:s7+$0xFFFFFED0] =	vst v25;
	v25 =	vor.u32 s28, v13  }
0x318: {  	v50 =	vor.u32 s22, v13;
	v29 =	vld.idx.msk [tilespmem:v29+s17+$0x0], $0xffff;
	[tilespmem:s7+$0xFFFFFF50] =	vst v21  }
0x319: {  	[tilespmem:s7+$0xFFFFFC50] =	vst v22;
	v21 =	vor.u32 s23, v13;
	v22 =	vld.idx.msk [tilespmem:v28+s17+$0x0], $0xffff;
	v23 =	vmul.f32 $8.000000000e+00, v23  }
0x31a: {  	v51 =	vor.u32 s25, v13;
	v28 =	vld.idx.msk [tilespmem:v49+s17+$0x0], $0xffff;
	v30 =	vmul.f32 $8.000000000e+00, v30  }
0x31b: {  	v52 =	vor.u32 s26, v13;
	v26 =	vld.idx.msk [tilespmem:v26+s17+$0x0], $0xffff;
	v20 =	vmul.f32 $8.000000000e+00, v20;
	[tilespmem:s7+$0xFFFFFFE0] =	vst v23  }
0x31c: {  	[tilespmem:s7+$0xFFFFFCE0] =	vst v30;
	v23 =	vmul.f32 $8.000000000e+00, v31;
	v30 =	vor.u32 s20, v13;
	v25 =	vld.idx.msk [tilespmem:v25+s17+$0x0], $0xffff  }
0x31d: {  	v14 =	vshll.u32 v14, $0x6;
	v31 =	vld.idx.msk [tilespmem:v50+s17+$0x0], $0xffff;
	[tilespmem:s7+$0xFFFFFD60] =	vst v20;
	v20 =	vmul.f32 $8.000000000e+00, v27;
	v27 =	vor.u32 s10, v13  }
0x31e: {  	s21 =	simm.s32 $0xE;
	v14 =	vand.u32 $0x40, v14;
	v53 =	vor.u32 s11, v13;
	v21 =	vld.idx.msk [tilespmem:v21+s17+$0x0], $0xffff;
	[tilespmem:s7+$0xFFFFFDE0] =	vst v23;
	v23 =	vmul.f32 $8.000000000e+00, v29  }
0x31f: {  	v14 =	vor.u32 v7, v14;
	v29 =	vor.u32 s21, v15;
	v32 =	vld.idx.msk [tilespmem:v51+s17+$0x0], $0xffff;
	[tilespmem:s7+$0xFFFFFE60] =	vst v20;
	v20 =	vmul.f32 $8.000000000e+00, v22  }
0x320: {  	s24 =	simm.s32 $0xF;
	v22 =	vmul.f32 $8.000000000e+00, v28;
	v28 =	vld.idx.msk [tilespmem:v52+s17+$0x0], $0xffff;
	[tilespmem:s7+$0xFFFFFEE0] =	vst v23;
	v23 =	vor.u32 s28, v14  }
0x321: {  	v54 =	vor.u32 s24, v15;
	v30 =	vld.idx.msk [tilespmem:v30+s17+$0x0], $0xffff;
	[tilespmem:s7+$0xFFFFFF60] =	vst v20  }
0x322: {  	v55 =	vor.u32 s23, v14;
	s23 =	simm.s32 $0x11;
	[tilespmem:s7+$0xFFFFFC60] =	vst v22;
	v20 =	vor.u32 s22, v14;
	v22 =	vld.idx.msk [tilespmem:v27+s17+$0x0], $0xffff;
	v25 =	vmul.f32 $8.000000000e+00, v25  }
0x323: {  	v19 =	vmul.f32 $8.000000000e+00, v26;
	v26 =	vor.u32 s23, v15;
	v27 =	vld.idx.msk [tilespmem:v53+s17+$0x0], $0xffff;
	v31 =	vmul.f32 $8.000000000e+00, v31  }
0x324: {  	v29 =	vld.idx.msk [tilespmem:v29+s17+$0x0], $0xffff;
	v21 =	vmul.f32 $8.000000000e+00, v21;
	[tilespmem:s7+$0xFFFFFFF0] =	vst v25  }
0x325: {  	v25 =	vor.u32 s26, v14;
	[tilespmem:s7+$0xFFFFFCF0] =	vst v31;
	v36 =	vld.idx.msk [tilespmem:v23+s17+$0x0], $0xffff;
	v23 =	vmul.f32 $8.000000000e+00, v32  }
0x326: {  	v56 =	vor.u32 s25, v14;
	v31 =	vld.idx.msk [tilespmem:v54+s17+$0x0], $0xffff;
	[tilespmem:s7+$0xFFFFFD70] =	vst v21;
	v21 =	vmul.f32 $8.000000000e+00, v28  }
0x327: {  	v28 =	vld.idx.msk [tilespmem:v20+s17+$0x0], $0xffff;
	v20 =	vor.u32 s10, v14;
	[tilespmem:s7+$0xFFFFFDF0] =	vst v23  }
0x328: {  	v17 =	vld.idx.msk [tilespmem:v26+s17+$0x0], $0xffff;
	v23 =	vmul.f32 $8.000000000e+00, v30;
	v30 =	vor.u32 s11, v14;
	[tilespmem:s7+$0xFFFFFE70] =	vst v21;
	v21 =	vmul.f32 $8.000000000e+00, v22  }
0x329: {  	v37 =	vor.u32 s24, v10;
	v33 =	vld.idx.msk [tilespmem:v55+s17+$0x0], $0xffff;
	v27 =	vmul.f32 $8.000000000e+00, v27  }
0x32a: {  	v18 =	vmul.f32 $8.000000000e+00, v18;
	v22 =	vld.idx.msk [tilespmem:v25+s17+$0x0], $0xffff;
	[tilespmem:s7+$0xFFFFFF70] =	vst v21;
	v25 =	vor.u32 s30, v10  }
0x32b: {  	v35 =	vld.idx.msk [tilespmem:v56+s17+$0x0], $0xffff;
	[tilespmem:s7+$0xFFFFFC70] =	vst v27;
	v27 =	vor.u32 s31, v10;
	v31 =	vmul.f32 $8.000000000e+00, v31  }
0x32c: {  	v57 =	vor.u32 s20, v14;
	v60 =	vmul.f32 $8.000000000e+00, v16;
	[tilespmem:s29+$0xFFFFFD10] =	vst v18;
	v21 =	vld.idx.msk [tilespmem:v20+s17+$0x0], $0xffff  }
0x32d: {  	v18 =	vmul.f32 $8.000000000e+00, v24;
	[tilespmem:s29+$0xFFFFFF90] =	vst v31;
	v20 =	vld.idx.msk [tilespmem:v30+s17+$0x0], $0xffff;
	v30 =	vor.u32 s2, v10  }
0x32e: {  	[tilespmem:s29+$0xFFFFFC90] =	vst v60;
	v31 =	vor.u32 s18, v10;
	v61 =	vld.idx.msk [tilespmem:v37+s17+$0x0], $0xffff  }
0x32f: {  	v24 =	vor.u32 s21, v10;
	[tilespmem:s29+$0xFFFFFE10] =	vst v18;
	s10 =	simm.s32 $0x10;
	v25 =	vld.idx.msk [tilespmem:v25+s17+$0x0], $0xffff  }
0x330: {  	v58 =	vor.u32 s10, v15;
	v18 =	vmul.f32 $8.000000000e+00, v29;
	[tilespmem:s7+$0xFFFFFEF0] =	vst v23;
	v27 =	vld.idx.msk [tilespmem:v27+s17+$0x0], $0xffff  }
0x331: {  	[tilespmem:s29+$0xFFFFFE90] =	vst v19;
	v19 =	vor.u32 s24, v8;
	v23 =	vld.idx.msk [tilespmem:v57+s17+$0x0], $0xffff;
	v28 =	vmul.f32 $8.000000000e+00, v28  }
0x332: {  	[tilespmem:s29+$0xFFFFFF10] =	vst v18;
	v22 =	vmul.f32 $8.000000000e+00, v22;
	v29 =	vld.idx.msk [tilespmem:v30+s17+$0x0], $0xffff;
	v30 =	vor.u32 s30, v8  }
0x333: {  	v18 =	vor.u32 s31, v8;
	[tilespmem:s7+$0xFFFFFD00] =	vst v28;
	v31 =	vld.idx.msk [tilespmem:v31+s17+$0x0], $0xffff;
	v32 =	vmul.f32 $8.000000000e+00, v61  }
0x334: {  	v40 =	vor.u32 s0, v8;
	v24 =	vld.idx.msk [tilespmem:v24+s17+$0x0], $0xffff;
	[tilespmem:s7+$0xFFFFFE80] =	vst v22;
	v25 =	vmul.f32 $8.000000000e+00, v25  }
0x335: {  	v16 =	vld.idx.msk [tilespmem:v58+s17+$0x0], $0xffff;
	v26 =	vmul.f32 $8.000000000e+00, v27;
	v27 =	vor.u32 s2, v8;
	[tilespmem:s29+$0xFFFFFFA0] =	vst v32  }
0x336: {  	v28 =	vor.u32 s18, v8;
	v19 =	vld.idx.msk [tilespmem:v19+s17+$0x0], $0xffff;
	[tilespmem:s29+$0xFFFFFCA0] =	vst v25;
	v25 =	vmul.f32 $8.000000000e+00, v63  }
0x337: {  	[tilespmem:s29+$0xFFFFFD20] =	vst v26;
	v30 =	vld.idx.msk [tilespmem:v30+s17+$0x0], $0xffff;
	v26 =	vmul.f32 $8.000000000e+00, v29;
	v29 =	vor.u32 s21, v8  }
0x338: {  	v41 =	vor.u32 s6, v8;
	s25 =	simm.s32 $0x12;
	v42 =	vld.idx.msk [tilespmem:v18+s17+$0x0], $0xffff;
	v18 =	vmul.f32 $8.000000000e+00, v31;
	[tilespmem:s29+$0xFFFFFDA0] =	vst v25  }
0x339: {  	v24 =	vmul.f32 $8.000000000e+00, v24;
	v25 =	vor.u32 s25, v15;
	v31 =	vld.idx.msk [tilespmem:v40+s17+$0x0], $0xffff;
	[tilespmem:s29+$0xFFFFFE20] =	vst v26  }
0x33a: {  	v43 =	vor.u32 s24, v9;
	v26 =	vmul.f32 $8.000000000e+00, v34;
	[tilespmem:s29+$0xFFFFFEA0] =	vst v18;
	v27 =	vld.idx.msk [tilespmem:v27+s17+$0x0], $0xffff  }
0x33b: {  	v44 =	vor.u32 s30, v9;
	[tilespmem:s29+$0xFFFFFF20] =	vst v24;
	v18 =	vmul.f32 $8.000000000e+00, v33;
	v28 =	vld.idx.msk [tilespmem:v28+s17+$0x0], $0xffff  }
0x33c: {  	v24 =	vor.u32 s31, v9;
	v19 =	vmul.f32 $8.000000000e+00, v19;
	[tilespmem:s29+$0xFFFFFC20] =	vst v26;
	v26 =	vld.idx.msk [tilespmem:v29+s17+$0x0], $0xffff  }
0x33d: {  	v45 =	vor.u32 s0, v9;
	[tilespmem:s7+$0xFFFFFD80] =	vst v18;
	v29 =	vld.idx.msk [tilespmem:v41+s17+$0x0], $0xffff;
	v30 =	vmul.f32 $8.000000000e+00, v30  }
0x33e: {  	v46 =	vor.u32 s2, v9;
	[tilespmem:s29+$0xFFFFFFB0] =	vst v19;
	v18 =	vld.idx.msk [tilespmem:v25+s17+$0x0], $0xffff;
	v25 =	vmul.f32 $8.000000000e+00, v42  }
0x33f: {  	[tilespmem:s29+$0xFFFFFCB0] =	vst v30;
	v19 =	vmul.f32 $8.000000000e+00, v31;
	v30 =	vor.u32 s18, v9;
	v31 =	vld.idx.msk [tilespmem:v43+s17+$0x0], $0xffff  }
0x340: {  	v33 =	vld.idx.msk [tilespmem:v44+s17+$0x0], $0xffff;
	[tilespmem:s29+$0xFFFFFD30] =	vst v25;
	v25 =	vmul.f32 $8.000000000e+00, v27;
	v27 =	vor.u32 s21, v9  }
0x341: {  	v47 =	vor.u32 s6, v9;
	s11 =	simm.s32 $0x13;
	v24 =	vld.idx.msk [tilespmem:v24+s17+$0x0], $0xffff;
	[tilespmem:s29+$0xFFFFFDB0] =	vst v19;
	v19 =	vmul.f32 $8.000000000e+00, v28  }
0x342: {  	v28 =	vor.u32 s11, v15;
	v32 =	vld.idx.msk [tilespmem:v45+s17+$0x0], $0xffff;
	[tilespmem:s29+$0xFFFFFE30] =	vst v25;
	v25 =	vmul.f32 $8.000000000e+00, v26  }
0x343: {  	v48 =	vor.u32 s24, v11;
	v26 =	vmul.f32 $8.000000000e+00, v29;
	v29 =	vld.idx.msk [tilespmem:v46+s17+$0x0], $0xffff;
	[tilespmem:s29+$0xFFFFFEB0] =	vst v19  }
0x344: {  	v49 =	vor.u32 s30, v11;
	v19 =	vmul.f32 $8.000000000e+00, v35;
	v30 =	vld.idx.msk [tilespmem:v30+s17+$0x0], $0xffff;
	[tilespmem:s29+$0xFFFFFF30] =	vst v25  }
0x345: {  	[tilespmem:s29+$0xFFFFFC30] =	vst v26;
	v25 =	vor.u32 s31, v11;
	v26 =	vld.idx.msk [tilespmem:v27+s17+$0x0], $0xffff;
	v27 =	vmul.f32 $8.000000000e+00, v31  }
0x346: {  	v50 =	vor.u32 s0, v11;
	v31 =	vld.idx.msk [tilespmem:v47+s17+$0x0], $0xffff;
	v33 =	vmul.f32 $8.000000000e+00, v33;
	[tilespmem:s7+$0xFFFFFE00] =	vst v19  }
0x347: {  	v19 =	vld.idx.msk [tilespmem:v28+s17+$0x0], $0xffff;
	v24 =	vmul.f32 $8.000000000e+00, v24;
	v28 =	vor.u32 s2, v11;
	[tilespmem:s29+$0xFFFFFFC0] =	vst v27  }
0x348: {  	v51 =	vor.u32 s18, v11;
	[tilespmem:s29+$0xFFFFFCC0] =	vst v33;
	v27 =	vmul.f32 $8.000000000e+00, v32;
	v52 =	vld.idx.msk [tilespmem:v48+s17+$0x0], $0xffff  }
0x349: {  	s22 =	simm.s32 $0x15;
	v35 =	vld.idx.msk [tilespmem:v49+s17+$0x0], $0xffff;
	[tilespmem:s29+$0xFFFFFD40] =	vst v24;
	v24 =	vmul.f32 $8.000000000e+00, v29;
	v29 =	vor.u32 s21, v11  }
0x34a: {  	v58 =	vor.u32 s22, v15;
	v25 =	vld.idx.msk [tilespmem:v25+s17+$0x0], $0xffff;
	[tilespmem:s29+$0xFFFFFDC0] =	vst v27;
	v27 =	vmul.f32 $8.000000000e+00, v30  }
0x34b: {  	s20 =	simm.s32 $0x14;
	v53 =	vor.u32 s6, v11;
	v34 =	vld.idx.msk [tilespmem:v50+s17+$0x0], $0xffff;
	[tilespmem:s29+$0xFFFFFE40] =	vst v24;
	v24 =	vmul.f32 $8.000000000e+00, v26  }
0x34c: {  	v30 =	vor.u32 s20, v15;
	v26 =	vmul.f32 $8.000000000e+00, v31;
	v28 =	vld.idx.msk [tilespmem:v28+s17+$0x0], $0xffff;
	[tilespmem:s29+$0xFFFFFEC0] =	vst v27  }
0x34d: {  	v23 =	vmul.f32 $8.000000000e+00, v23;
	v27 =	vor.u32 s24, v12;
	v32 =	vld.idx.msk [tilespmem:v51+s17+$0x0], $0xffff;
	[tilespmem:s29+$0xFFFFFF40] =	vst v24  }
0x34e: {  	v31 =	vor.u32 s30, v12;
	[tilespmem:s29+$0xFFFFFC40] =	vst v26;
	v26 =	vld.idx.msk [tilespmem:v29+s17+$0x0], $0xffff;
	v29 =	vmul.f32 $8.000000000e+00, v52  }
0x34f: {  	[tilespmem:s7+$0xFFFFFF00] =	vst v23;
	v23 =	vld.idx.msk [tilespmem:v58+s17+$0x0], $0xffff;
	v24 =	vor.u32 s31, v12;
	v35 =	vmul.f32 $8.000000000e+00, v35  }
0x350: {  	v55 =	vor.u32 s0, v12;
	v54 =	vld.idx.msk [tilespmem:v53+s17+$0x0], $0xffff;
	v25 =	vmul.f32 $8.000000000e+00, v25;
	[tilespmem:s29+$0xFFFFFFD0] =	vst v29  }
0x351: {  	v22 =	vld.idx.msk [tilespmem:v30+s17+$0x0], $0xffff;
	v30 =	vor.u32 s2, v12;
	[tilespmem:s29+$0xFFFFFCD0] =	vst v35;
	v29 =	vmul.f32 $8.000000000e+00, v34  }
0x352: {  	v56 =	vor.u32 s18, v12;
	v27 =	vld.idx.msk [tilespmem:v27+s17+$0x0], $0xffff;
	[tilespmem:s29+$0xFFFFFD50] =	vst v25;
	v25 =	vmul.f32 $8.000000000e+00, v28  }
0x353: {  	v31 =	vld.idx.msk [tilespmem:v31+s17+$0x0], $0xffff;
	v28 =	vor.u32 s21, v12;
	[tilespmem:s29+$0xFFFFFDD0] =	vst v29;
	v29 =	vmul.f32 $8.000000000e+00, v32  }
0x354: {  	v59 =	vmul.f32 $8.000000000e+00, v36;
	v57 =	vor.u32 s6, v12;
	v24 =	vld.idx.msk [tilespmem:v24+s17+$0x0], $0xffff;
	[tilespmem:s29+$0xFFFFFE50] =	vst v25  }
0x355: {  	v36 =	vld.idx.msk [tilespmem:v55+s17+$0x0], $0xffff;
	v25 =	vmul.f32 $8.000000000e+00, v26;
	[tilespmem:s29+$0xFFFFFED0] =	vst v29;
	v29 =	vor.u32 s24, v13  }
0x356: {  	[tilespmem:s7+$0x0] =	vst v59;
	v59 =	vor.u32 s30, v13;
	v26 =	vmul.f32 $8.000000000e+00, v54;
	v30 =	vld.idx.msk [tilespmem:v30+s17+$0x0], $0xffff  }
0x357: {  	v60 =	vor.u32 s31, v13;
	v34 =	vld.idx.msk [tilespmem:v56+s17+$0x0], $0xffff;
	[tilespmem:s29+$0xFFFFFF50] =	vst v25;
	v25 =	vmul.f32 $8.000000000e+00, v27  }
0x358: {  	[tilespmem:s29+$0xFFFFFC50] =	vst v26;
	v61 =	vld.idx.msk [tilespmem:v28+s17+$0x0], $0xffff;
	v26 =	vmul.f32 $8.000000000e+00, v31;
	v28 =	vor.u32 s0, v13  }
0x359: {  	v39 =	vor.u32 s2, v13;
	v35 =	vld.idx.msk [tilespmem:v57+s17+$0x0], $0xffff;
	v24 =	vmul.f32 $8.000000000e+00, v24;
	[tilespmem:s29+$0xFFFFFFE0] =	vst v25  }
0x35a: {  	v31 =	vor.u32 s18, v13;
	[tilespmem:s29+$0xFFFFFCE0] =	vst v26;
	v62 =	vmul.f32 $8.000000000e+00, v36;
	v26 =	vld.idx.msk [tilespmem:v29+s17+$0x0], $0xffff  }
0x35b: {  	v25 =	vld.idx.msk [tilespmem:v59+s17+$0x0], $0xffff;
	[tilespmem:s29+$0xFFFFFD60] =	vst v24;
	v29 =	vmul.f32 $8.000000000e+00, v30;
	v30 =	vor.u32 s21, v13  }
0x35c: {  	s26 =	simm.s32 $0x16;
	v32 =	vor.u32 s6, v13;
	v27 =	vld.idx.msk [tilespmem:v60+s17+$0x0], $0xffff;
	[tilespmem:s29+$0xFFFFFDE0] =	vst v62;
	v63 =	vmul.f32 $8.000000000e+00, v34  }
0x35d: {  	v21 =	vmul.f32 $8.000000000e+00, v21;
	v24 =	vor.u32 s26, v15;
	v28 =	vld.idx.msk [tilespmem:v28+s17+$0x0], $0xffff;
	[tilespmem:s29+$0xFFFFFE60] =	vst v29;
	v34 =	vmul.f32 $8.000000000e+00, v61  }
0x35e: {  	s28 =	simm.s32 $0x17;
	v20 =	vmul.f32 $8.000000000e+00, v20;
	v33 =	vor.u32 s24, v14;
	s24 =	simm.s32 $0x18;
	v35 =	vmul.f32 $8.000000000e+00, v35;
	v29 =	vld.idx.msk [tilespmem:v39+s17+$0x0], $0xffff;
	[tilespmem:s29+$0xFFFFFEE0] =	vst v63  }
.LBB2_7:
0x35f: {  	p2 =	slt.u32 s24, $0x38;
	v36 =	vor.u32 s28, v15;
	v31 =	vld.idx.msk [tilespmem:v31+s17+$0x0], $0xffff;
	[tilespmem:s29+$0xFFFFFF60] =	vst v34  }
0x360: {  	v34 =	vor.u32 s30, v14;
	v26 =	vmul.f32 $8.000000000e+00, v26;
	s30 =	smov.u32 s23;
	[tilespmem:s29+$0xFFFFFC60] =	vst v35;
	v30 =	vld.idx.msk [tilespmem:v30+s17+$0x0], $0xffff  }
0x361: {  	v25 =	vmul.f32 $8.000000000e+00, v25;
	v35 =	vor.u32 s31, v14;
	s31 =	smov.u32 s25;
	v32 =	vld.idx.msk [tilespmem:v32+s17+$0x0], $0xffff;
	[tilespmem:s7+$0xFFFFFF80] =	vst v21  }
0x362: {  	v21 =	vld.idx.msk [tilespmem:v24+s17+$0x0], $0xffff;
	v24 =	vmul.f32 $8.000000000e+00, v27;
	v27 =	vor.u32 s0, v14;
	[tilespmem:s29+$0xFFFFFFF0] =	vst v26;
	s0 =	smov.u32 s11  }
0x363: {  	v26 =	vor.u32 s2, v14;
	s2 =	smov.u32 s20;
	[tilespmem:s29+$0xFFFFFCF0] =	vst v25;
	v25 =	vmul.f32 $8.000000000e+00, v28;
	v28 =	vld.idx.msk [tilespmem:v33+s17+$0x0], $0xffff  }
0x364: {  	v33 =	vld.idx.msk [tilespmem:v36+s17+$0x0], $0xffff;
	[tilespmem:s29+$0xFFFFFD70] =	vst v24;
	v24 =	vmul.f32 $8.000000000e+00, v29;
	v29 =	vor.u32 s18, v14;
	s18 =	smov.u32 s22  }
0x365: {  	v34 =	vld.idx.msk [tilespmem:v34+s17+$0x0], $0xffff;
	[tilespmem:s29+$0xFFFFFDF0] =	vst v25;
	v25 =	vmul.f32 $8.000000000e+00, v31;
	v31 =	vor.u32 s21, v14;
	s21 =	smov.u32 s26  }
0x366: {  	v36 =	vor.u32 s6, v14;
	s6 =	smov.u32 s10;
	s10 =	smov.u32 s24;
	v35 =	vld.idx.msk [tilespmem:v35+s17+$0x0], $0xffff;
	[tilespmem:s29+$0xFFFFFE70] =	vst v24;
	v24 =	vmul.f32 $8.000000000e+00, v30  }
0x367: {  	v30 =	vor.u32 s24, v15;
	v32 =	vmul.f32 $8.000000000e+00, v32;
	v27 =	vld.idx.msk [tilespmem:v27+s17+$0x0], $0xffff;
	[tilespmem:s29+$0xFFFFFEF0] =	vst v25  }
0x368: {  	v25 =	vor.u32 s28, v10;
	v26 =	vld.idx.msk [tilespmem:v26+s17+$0x0], $0xffff;
	[tilespmem:s29+$0xFFFFFF70] =	vst v24  }
0x369: {  	v24 =	vor.u32 s30, v10;
	v28 =	vmul.f32 $8.000000000e+00, v28;
	[tilespmem:s29+$0xFFFFFC70] =	vst v32;
	v29 =	vld.idx.msk [tilespmem:v29+s17+$0x0], $0xffff  }
0x36a: {  	v32 =	vor.u32 s31, v10;
	v33 =	vmul.f32 $8.000000000e+00, v33;
	v31 =	vld.idx.msk [tilespmem:v31+s17+$0x0], $0xffff;
	[tilespmem:s7+$0xFFFFFC80] =	vst v20;
	s7 =	smov.u32 s29  }
0x36b: {  	v17 =	vmul.f32 $8.000000000e+00, v17;
	v20 =	vor.u32 s0, v10;
	v34 =	vmul.f32 $8.000000000e+00, v34;
	s29 =	sadd.s32 $0x400, s29;
	v36 =	vld.idx.msk [tilespmem:v36+s17+$0x0], $0xffff;
	[tilespmem:s7+$0x0] =	vst v28  }
0x36c: {  	v18 =	vmul.f32 $8.000000000e+00, v18;
	v28 =	vld.idx.msk [tilespmem:v30+s17+$0x0], $0xffff;
	v30 =	vor.u32 s2, v10;
	[tilespmem:s29+$0xFFFFFF90] =	vst v33;
	v33 =	vmul.f32 $8.000000000e+00, v35  }
0x36d: {  	v35 =	vor.u32 s18, v10;
	[tilespmem:s29+$0xFFFFFC90] =	vst v17;
	v17 =	vmul.f32 $8.000000000e+00, v19;
	v25 =	vld.idx.msk [tilespmem:v25+s17+$0x0], $0xffff;
	v19 =	vmul.f32 $8.000000000e+00, v27  }
0x36e: {  	v27 =	vor.u32 s21, v10;
	v24 =	vld.idx.msk [tilespmem:v24+s17+$0x0], $0xffff;
	[tilespmem:s29+$0xFFFFFD10] =	vst v18;
	v18 =	vmul.f32 $8.000000000e+00, v22;
	v22 =	vmul.f32 $8.000000000e+00, v26  }
0x36f: {  	s23 =	sadd.s32 $0x1, s24;
	v26 =	vor.u32 s6, v10;
	v32 =	vld.idx.msk [tilespmem:v32+s17+$0x0], $0xffff;
	[tilespmem:s29+$0xFFFFFD90] =	vst v17;
	v17 =	vmul.f32 $8.000000000e+00, v23;
	v23 =	vmul.f32 $8.000000000e+00, v29  }
0x370: {  	v29 =	vor.u32 s23, v15;
	v37 =	vld.idx.msk [tilespmem:v20+s17+$0x0], $0xffff;
	[tilespmem:s29+$0xFFFFFE10] =	vst v18;
	v18 =	vmul.f32 $8.000000000e+00, v21;
	v21 =	vmul.f32 $8.000000000e+00, v31  }
0x371: {  	v38 =	vor.u32 s28, v8;
	v31 =	vmul.f32 $8.000000000e+00, v16;
	v20 =	vmul.f32 $8.000000000e+00, v36;
	v30 =	vld.idx.msk [tilespmem:v30+s17+$0x0], $0xffff;
	[tilespmem:s29+$0xFFFFFE90] =	vst v17  }
0x372: {  	v36 =	vor.u32 s30, v8;
	v16 =	vmov v28;
	v35 =	vld.idx.msk [tilespmem:v35+s17+$0x0], $0xffff;
	[tilespmem:s29+$0xFFFFFF10] =	vst v18  }
0x373: {  	v18 =	vor.u32 s31, v8;
	v25 =	vmul.f32 $8.000000000e+00, v25;
	[tilespmem:s29+$0xFFFFFC10] =	vst v31;
	v27 =	vld.idx.msk [tilespmem:v27+s17+$0x0], $0xffff  }
0x374: {  	v28 =	vor.u32 s0, v8;
	v24 =	vmul.f32 $8.000000000e+00, v24;
	v26 =	vld.idx.msk [tilespmem:v26+s17+$0x0], $0xffff;
	[tilespmem:s7+$0xFFFFFD00] =	vst v34  }
0x375: {  	v31 =	vor.u32 s2, v8;
	v17 =	vld.idx.msk [tilespmem:v29+s17+$0x0], $0xffff;
	v29 =	vmul.f32 $8.000000000e+00, v32;
	[tilespmem:s29+$0xFFFFFFA0] =	vst v25  }
0x376: {  	v25 =	vor.u32 s18, v8;
	[tilespmem:s29+$0xFFFFFCA0] =	vst v24;
	v24 =	vmul.f32 $8.000000000e+00, v37;
	v32 =	vld.idx.msk [tilespmem:v38+s17+$0x0], $0xffff  }
0x377: {  	v34 =	vld.idx.msk [tilespmem:v36+s17+$0x0], $0xffff;
	[tilespmem:s29+$0xFFFFFD20] =	vst v29;
	v29 =	vmul.f32 $8.000000000e+00, v30;
	v30 =	vor.u32 s21, v8  }
0x378: {  	s25 =	sadd.s32 $0x2, s24;
	v36 =	vor.u32 s6, v8;
	v37 =	vld.idx.msk [tilespmem:v18+s17+$0x0], $0xffff;
	[tilespmem:s29+$0xFFFFFDA0] =	vst v24;
	v18 =	vmul.f32 $8.000000000e+00, v35  }
0x379: {  	v24 =	vor.u32 s25, v15;
	v27 =	vmul.f32 $8.000000000e+00, v27;
	v28 =	vld.idx.msk [tilespmem:v28+s17+$0x0], $0xffff;
	[tilespmem:s29+$0xFFFFFE20] =	vst v29  }
0x37a: {  	v26 =	vmul.f32 $8.000000000e+00, v26;
	v29 =	vld.idx.msk [tilespmem:v31+s17+$0x0], $0xffff;
	[tilespmem:s29+$0xFFFFFEA0] =	vst v18;
	v31 =	vor.u32 s28, v9  }
0x37b: {  	v35 =	vor.u32 s30, v9;
	v25 =	vld.idx.msk [tilespmem:v25+s17+$0x0], $0xffff;
	[tilespmem:s29+$0xFFFFFF20] =	vst v27  }
0x37c: {  	[tilespmem:s29+$0xFFFFFC20] =	vst v26;
	v26 =	vor.u32 s31, v9;
	v27 =	vld.idx.msk [tilespmem:v30+s17+$0x0], $0xffff;
	v30 =	vmul.f32 $8.000000000e+00, v32  }
0x37d: {  	v34 =	vmul.f32 $8.000000000e+00, v34;
	v32 =	vld.idx.msk [tilespmem:v36+s17+$0x0], $0xffff;
	v36 =	vor.u32 s0, v9;
	[tilespmem:s7+$0xFFFFFD80] =	vst v33  }
0x37e: {  	v33 =	vor.u32 s2, v9;
	v18 =	vld.idx.msk [tilespmem:v24+s17+$0x0], $0xffff;
	v24 =	vmul.f32 $8.000000000e+00, v37;
	[tilespmem:s29+$0xFFFFFFB0] =	vst v30  }
0x37f: {  	v28 =	vmul.f32 $8.000000000e+00, v28;
	v30 =	vor.u32 s18, v9;
	[tilespmem:s29+$0xFFFFFCB0] =	vst v34;
	v31 =	vld.idx.msk [tilespmem:v31+s17+$0x0], $0xffff  }
0x380: {  	v34 =	vld.idx.msk [tilespmem:v35+s17+$0x0], $0xffff;
	[tilespmem:s29+$0xFFFFFD30] =	vst v24;
	v24 =	vmul.f32 $8.000000000e+00, v29;
	v29 =	vor.u32 s21, v9  }
0x381: {  	s11 =	sadd.s32 $0x3, s24;
	v35 =	vor.u32 s6, v9;
	v25 =	vmul.f32 $8.000000000e+00, v25;
	v26 =	vld.idx.msk [tilespmem:v26+s17+$0x0], $0xffff;
	[tilespmem:s29+$0xFFFFFDB0] =	vst v28  }
0x382: {  	v28 =	vor.u32 s11, v15;
	v36 =	vld.idx.msk [tilespmem:v36+s17+$0x0], $0xffff;
	[tilespmem:s29+$0xFFFFFE30] =	vst v24;
	v24 =	vmul.f32 $8.000000000e+00, v27  }
0x383: {  	v27 =	vmul.f32 $8.000000000e+00, v32;
	v32 =	vld.idx.msk [tilespmem:v33+s17+$0x0], $0xffff;
	[tilespmem:s29+$0xFFFFFEB0] =	vst v25;
	v25 =	vor.u32 s28, v11  }
0x384: {  	v33 =	vor.u32 s30, v11;
	v30 =	vld.idx.msk [tilespmem:v30+s17+$0x0], $0xffff;
	[tilespmem:s29+$0xFFFFFF30] =	vst v24  }
0x385: {  	v24 =	vor.u32 s31, v11;
	[tilespmem:s29+$0xFFFFFC30] =	vst v27;
	v27 =	vld.idx.msk [tilespmem:v29+s17+$0x0], $0xffff;
	v29 =	vmul.f32 $8.000000000e+00, v31  }
0x386: {  	v34 =	vmul.f32 $8.000000000e+00, v34;
	v31 =	vld.idx.msk [tilespmem:v35+s17+$0x0], $0xffff;
	v35 =	vor.u32 s0, v11;
	[tilespmem:s7+$0xFFFFFE00] =	vst v19  }
0x387: {  	v26 =	vmul.f32 $8.000000000e+00, v26;
	v19 =	vld.idx.msk [tilespmem:v28+s17+$0x0], $0xffff;
	v28 =	vor.u32 s2, v11;
	[tilespmem:s29+$0xFFFFFFC0] =	vst v29  }
0x388: {  	v29 =	vmul.f32 $8.000000000e+00, v36;
	[tilespmem:s29+$0xFFFFFCC0] =	vst v34;
	v34 =	vor.u32 s18, v11;
	v25 =	vld.idx.msk [tilespmem:v25+s17+$0x0], $0xffff  }
0x389: {  	v33 =	vld.idx.msk [tilespmem:v33+s17+$0x0], $0xffff;
	[tilespmem:s29+$0xFFFFFD40] =	vst v26;
	v26 =	vmul.f32 $8.000000000e+00, v32;
	v32 =	vor.u32 s21, v11  }
0x38a: {  	s20 =	sadd.s32 $0x4, s24;
	v36 =	vor.u32 s6, v11;
	v24 =	vld.idx.msk [tilespmem:v24+s17+$0x0], $0xffff;
	[tilespmem:s29+$0xFFFFFDC0] =	vst v29;
	v29 =	vmul.f32 $8.000000000e+00, v30  }
0x38b: {  	v30 =	vor.u32 s20, v15;
	v35 =	vld.idx.msk [tilespmem:v35+s17+$0x0], $0xffff;
	[tilespmem:s29+$0xFFFFFE40] =	vst v26;
	v26 =	vmul.f32 $8.000000000e+00, v27  }
0x38c: {  	v27 =	vmul.f32 $8.000000000e+00, v31;
	v28 =	vld.idx.msk [tilespmem:v28+s17+$0x0], $0xffff;
	[tilespmem:s29+$0xFFFFFEC0] =	vst v29;
	v29 =	vor.u32 s28, v12  }
0x38d: {  	v31 =	vor.u32 s30, v12;
	v34 =	vld.idx.msk [tilespmem:v34+s17+$0x0], $0xffff;
	[tilespmem:s29+$0xFFFFFF40] =	vst v26  }
0x38e: {  	v26 =	vor.u32 s31, v12;
	v25 =	vmul.f32 $8.000000000e+00, v25;
	[tilespmem:s29+$0xFFFFFC40] =	vst v27;
	v27 =	vld.idx.msk [tilespmem:v32+s17+$0x0], $0xffff  }
0x38f: {  	v33 =	vmul.f32 $8.000000000e+00, v33;
	v32 =	vld.idx.msk [tilespmem:v36+s17+$0x0], $0xffff;
	v36 =	vor.u32 s0, v12;
	[tilespmem:s7+$0xFFFFFE80] =	vst v22  }
0x390: {  	v24 =	vmul.f32 $8.000000000e+00, v24;
	v22 =	vld.idx.msk [tilespmem:v30+s17+$0x0], $0xffff;
	v30 =	vor.u32 s2, v12;
	[tilespmem:s29+$0xFFFFFFD0] =	vst v25  }
0x391: {  	v25 =	vmul.f32 $8.000000000e+00, v35;
	[tilespmem:s29+$0xFFFFFCD0] =	vst v33;
	v33 =	vor.u32 s18, v12;
	v29 =	vld.idx.msk [tilespmem:v29+s17+$0x0], $0xffff  }
0x392: {  	v31 =	vld.idx.msk [tilespmem:v31+s17+$0x0], $0xffff;
	[tilespmem:s29+$0xFFFFFD50] =	vst v24;
	v24 =	vmul.f32 $8.000000000e+00, v28;
	v28 =	vor.u32 s21, v12  }
0x393: {  	s22 =	sadd.s32 $0x5, s24;
	v35 =	vor.u32 s6, v12;
	v26 =	vld.idx.msk [tilespmem:v26+s17+$0x0], $0xffff;
	[tilespmem:s29+$0xFFFFFDD0] =	vst v25;
	v25 =	vmul.f32 $8.000000000e+00, v34  }
0x394: {  	v34 =	vor.u32 s22, v15;
	v36 =	vld.idx.msk [tilespmem:v36+s17+$0x0], $0xffff;
	[tilespmem:s29+$0xFFFFFE50] =	vst v24;
	v24 =	vmul.f32 $8.000000000e+00, v27  }
0x395: {  	v27 =	vmul.f32 $8.000000000e+00, v32;
	v30 =	vld.idx.msk [tilespmem:v30+s17+$0x0], $0xffff;
	[tilespmem:s29+$0xFFFFFED0] =	vst v25;
	v25 =	vor.u32 s28, v13  }
0x396: {  	v32 =	vor.u32 s30, v13;
	v33 =	vld.idx.msk [tilespmem:v33+s17+$0x0], $0xffff;
	[tilespmem:s29+$0xFFFFFF50] =	vst v24  }
0x397: {  	v24 =	vor.u32 s31, v13;
	[tilespmem:s29+$0xFFFFFC50] =	vst v27;
	v37 =	vld.idx.msk [tilespmem:v28+s17+$0x0], $0xffff;
	v27 =	vmul.f32 $8.000000000e+00, v29  }
0x398: {  	v28 =	vmul.f32 $8.000000000e+00, v31;
	v29 =	vld.idx.msk [tilespmem:v35+s17+$0x0], $0xffff;
	v35 =	vor.u32 s0, v13;
	[tilespmem:s7+$0xFFFFFF00] =	vst v23  }
0x399: {  	v38 =	vor.u32 s2, v13;
	v23 =	vld.idx.msk [tilespmem:v34+s17+$0x0], $0xffff;
	v34 =	vmul.f32 $8.000000000e+00, v26;
	[tilespmem:s29+$0xFFFFFFE0] =	vst v27  }
.Ltmp4:
0x39a: {  	v31 =	vor.u32 s18, v13;
	[tilespmem:s29+$0xFFFFFCE0] =	vst v28;
	v28 =	vmul.f32 $8.000000000e+00, v36;
	v26 =	vld.idx.msk [tilespmem:v25+s17+$0x0], $0xffff;
	(pc) =	sbr.rel @p2 .LBB2_7-.Ltmp4, $4  }
0x39b: {  	v25 =	vld.idx.msk [tilespmem:v32+s17+$0x0], $0xffff;
	[tilespmem:s29+$0xFFFFFD60] =	vst v34;
	v34 =	vmul.f32 $8.000000000e+00, v30;
	v30 =	vor.u32 s21, v13  }
0x39c: {  	s26 =	sadd.s32 $0x6, s24;
	v32 =	vor.u32 s6, v13;
	v33 =	vmul.f32 $8.000000000e+00, v33;
	v27 =	vld.idx.msk [tilespmem:v24+s17+$0x0], $0xffff;
	[tilespmem:s29+$0xFFFFFDE0] =	vst v28  }
0x39d: {  	v24 =	vor.u32 s26, v15;
	v28 =	vld.idx.msk [tilespmem:v35+s17+$0x0], $0xffff;
	[tilespmem:s29+$0xFFFFFE60] =	vst v34;
	v34 =	vmul.f32 $8.000000000e+00, v37  }
0x39e: {  	s24 =	sadd.s32 $0x8, s24;
	v35 =	vmul.f32 $8.000000000e+00, v29;
	v29 =	vld.idx.msk [tilespmem:v38+s17+$0x0], $0xffff;
	[tilespmem:s29+$0xFFFFFEE0] =	vst v33;
	v33 =	vor.u32 s28, v14;
	s28 =	sadd.s32 $0x7, s10  }
0x39f: {  	[tilespmem:s29+$0xFFFFFF60] =	vst v34  }
0x3a0: {  	[tilespmem:s7+$0xFFFFFF80] =	vst v21  }
0x3a1: {  	v26 =	vmul.f32 $8.000000000e+00, v26;
	[tilespmem:s7+$0xFFFFFC80] =	vst v20  }
0x3a2: {  	v17 =	vmul.f32 $8.000000000e+00, v17;
	[tilespmem:s29+$0xFFFFFC60] =	vst v35  }
0x3a3: {  	v15 =	vor.u32 s28, v15;
	v31 =	vld.idx.msk [tilespmem:v31+s17+$0x0], $0xffff;
	s24 =	sadd.s32 $0x400, s29;
	v18 =	vmul.f32 $8.000000000e+00, v18;
	[tilespmem:s29+$0xFFFFFFF0] =	vst v26  }
0x3a4: {  	v30 =	vld.idx.msk [tilespmem:v30+s17+$0x0], $0xffff;
	v25 =	vmul.f32 $8.000000000e+00, v25;
	[tilespmem:s24+$0xFFFFFC90] =	vst v17  }
0x3a5: {  	v21 =	vld.idx.msk [tilespmem:v32+s17+$0x0], $0xffff;
	v27 =	vmul.f32 $8.000000000e+00, v27;
	[tilespmem:s24+$0xFFFFFD10] =	vst v18  }
0x3a6: {  	[tilespmem:s29+$0xFFFFFCF0] =	vst v25;
	v25 =	vmul.f32 $8.000000000e+00, v28  }
0x3a7: {  	v26 =	vld.idx.msk [tilespmem:v33+s17+$0x0], $0xffff;
	[tilespmem:s29+$0xFFFFFD70] =	vst v27;
	v27 =	vmul.f32 $8.000000000e+00, v29  }
0x3a8: {  	v15 =	vld.idx.msk [tilespmem:v15+s17+$0x0], $0xffff;
	[tilespmem:s29+$0xFFFFFDF0] =	vst v25;
	v25 =	vmul.f32 $8.000000000e+00, v31  }
0x3a9: {  	v20 =	vld.idx.msk [tilespmem:v24+s17+$0x0], $0xffff;
	v24 =	vor.u32 s25, v10;
	[tilespmem:s29+$0xFFFFFE70] =	vst v27;
	v27 =	vmul.f32 $8.000000000e+00, v30  }
0x3aa: {  	v21 =	vmul.f32 $8.000000000e+00, v21;
	[tilespmem:s29+$0xFFFFFEF0] =	vst v25;
	v25 =	vor.u32 s30, v14  }
0x3ab: {  	v17 =	vmul.f32 $8.000000000e+00, v19;
	[tilespmem:s29+$0xFFFFFF70] =	vst v27;
	v27 =	vor.u32 s28, v10  }
0x3ac: {  	[tilespmem:s29+$0xFFFFFC70] =	vst v21;
	v21 =	vmul.f32 $8.000000000e+00, v26;
	v26 =	vor.u32 s23, v10  }
0x3ad: {  	[tilespmem:s24+$0xFFFFFD90] =	vst v17;
	v15 =	vmul.f32 $8.000000000e+00, v15  }
0x3ae: {  	v17 =	vmul.f32 $8.000000000e+00, v23;
	v23 =	vld.idx.msk [tilespmem:v24+s17+$0x0], $0xffff;
	[tilespmem:s29+$0x0] =	vst v21;
	v21 =	vor.u32 s11, v10  }
0x3af: {  	[tilespmem:s24+$0xFFFFFF90] =	vst v15;
	v15 =	vld.idx.msk [tilespmem:v25+s17+$0x0], $0xffff;
	v25 =	vor.u32 s20, v10  }
0x3b0: {  	v16 =	vmul.f32 $8.000000000e+00, v16;
	v19 =	vor.u32 s22, v10;
	v27 =	vld.idx.msk [tilespmem:v27+s17+$0x0], $0xffff  }
0x3b1: {  	v18 =	vmul.f32 $8.000000000e+00, v22;
	v22 =	vld.idx.msk [tilespmem:v26+s17+$0x0], $0xffff;
	v26 =	vor.u32 s26, v10  }
0x3b2: {  	[tilespmem:s24+$0xFFFFFC10] =	vst v16;
	v10 =	vor.u32 s10, v10  }
0x3b3: {  	[tilespmem:s24+$0xFFFFFE10] =	vst v18;
	v18 =	vmul.f32 $8.000000000e+00, v20;
	v20 =	vor.u32 s31, v14;
	v21 =	vld.idx.msk [tilespmem:v21+s17+$0x0], $0xffff  }
0x3b4: {  	v24 =	vor.u32 s28, v8;
	[tilespmem:s24+$0xFFFFFE90] =	vst v17;
	v23 =	vmul.f32 $8.000000000e+00, v23;
	v17 =	vld.idx.msk [tilespmem:v25+s17+$0x0], $0xffff  }
0x3b5: {  	[tilespmem:s24+$0xFFFFFF10] =	vst v18;
	v18 =	vor.u32 s23, v8;
	v19 =	vld.idx.msk [tilespmem:v19+s17+$0x0], $0xffff;
	v15 =	vmul.f32 $8.000000000e+00, v15  }
0x3b6: {  	[tilespmem:s24+$0xFFFFFD20] =	vst v23;
	v25 =	vor.u32 s25, v8;
	v16 =	vmul.f32 $8.000000000e+00, v27;
	v26 =	vld.idx.msk [tilespmem:v26+s17+$0x0], $0xffff  }
0x3b7: {  	v22 =	vmul.f32 $8.000000000e+00, v22;
	[tilespmem:s29+$0xFFFFFD00] =	vst v15;
	v10 =	vld.idx.msk [tilespmem:v10+s17+$0x0], $0xffff;
	v15 =	vor.u32 s11, v8  }
0x3b8: {  	[tilespmem:s24+$0xFFFFFFA0] =	vst v16;
	v16 =	vld.idx.msk [tilespmem:v20+s17+$0x0], $0xffff;
	v20 =	vor.u32 s20, v8;
	v21 =	vmul.f32 $8.000000000e+00, v21  }
0x3b9: {  	[tilespmem:s24+$0xFFFFFCA0] =	vst v22;
	v22 =	vor.u32 s22, v8;
	v24 =	vld.idx.msk [tilespmem:v24+s17+$0x0], $0xffff;
	v17 =	vmul.f32 $8.000000000e+00, v17  }
0x3ba: {  	v23 =	vor.u32 s26, v8;
	v19 =	vmul.f32 $8.000000000e+00, v19;
	v18 =	vld.idx.msk [tilespmem:v18+s17+$0x0], $0xffff;
	[tilespmem:s24+$0xFFFFFDA0] =	vst v21  }
0x3bb: {  	v8 =	vor.u32 s10, v8;
	v21 =	vld.idx.msk [tilespmem:v25+s17+$0x0], $0xffff;
	[tilespmem:s24+$0xFFFFFE20] =	vst v17;
	v17 =	vmul.f32 $8.000000000e+00, v26  }
0x3bc: {  	[tilespmem:s24+$0xFFFFFEA0] =	vst v19;
	v25 =	vor.u32 s0, v14;
	v15 =	vld.idx.msk [tilespmem:v15+s17+$0x0], $0xffff;
	v10 =	vmul.f32 $8.000000000e+00, v10  }
0x3bd: {  	v16 =	vmul.f32 $8.000000000e+00, v16;
	v19 =	vld.idx.msk [tilespmem:v20+s17+$0x0], $0xffff;
	v20 =	vor.u32 s28, v9;
	[tilespmem:s24+$0xFFFFFF20] =	vst v17  }
0x3be: {  	v17 =	vor.u32 s23, v9;
	v22 =	vld.idx.msk [tilespmem:v22+s17+$0x0], $0xffff;
	[tilespmem:s24+$0xFFFFFC20] =	vst v10;
	v10 =	vmul.f32 $8.000000000e+00, v24  }
0x3bf: {  	v24 =	vor.u32 s25, v9;
	v23 =	vld.idx.msk [tilespmem:v23+s17+$0x0], $0xffff;
	v18 =	vmul.f32 $8.000000000e+00, v18;
	[tilespmem:s29+$0xFFFFFD80] =	vst v16  }
0x3c0: {  	v8 =	vld.idx.msk [tilespmem:v8+s17+$0x0], $0xffff;
	v16 =	vor.u32 s11, v9;
	v21 =	vmul.f32 $8.000000000e+00, v21;
	[tilespmem:s24+$0xFFFFFFB0] =	vst v10  }
0x3c1: {  	v10 =	vld.idx.msk [tilespmem:v25+s17+$0x0], $0xffff;
	v25 =	vor.u32 s20, v9;
	[tilespmem:s24+$0xFFFFFCB0] =	vst v18;
	v15 =	vmul.f32 $8.000000000e+00, v15  }
0x3c2: {  	v18 =	vor.u32 s22, v9;
	v20 =	vld.idx.msk [tilespmem:v20+s17+$0x0], $0xffff;
	[tilespmem:s24+$0xFFFFFD30] =	vst v21;
	v19 =	vmul.f32 $8.000000000e+00, v19  }
0x3c3: {  	v21 =	vor.u32 s26, v9;
	v17 =	vld.idx.msk [tilespmem:v17+s17+$0x0], $0xffff;
	[tilespmem:s24+$0xFFFFFDB0] =	vst v15;
	v15 =	vmul.f32 $8.000000000e+00, v22  }
0x3c4: {  	v9 =	vor.u32 s10, v9;
	v22 =	vld.idx.msk [tilespmem:v24+s17+$0x0], $0xffff;
	[tilespmem:s24+$0xFFFFFE30] =	vst v19;
	v19 =	vmul.f32 $8.000000000e+00, v23  }
0x3c5: {  	v23 =	vor.u32 s2, v14;
	v16 =	vld.idx.msk [tilespmem:v16+s17+$0x0], $0xffff;
	v8 =	vmul.f32 $8.000000000e+00, v8;
	[tilespmem:s24+$0xFFFFFEB0] =	vst v15  }
0x3c6: {  	v24 =	vor.u32 s28, v11;
	v10 =	vmul.f32 $8.000000000e+00, v10;
	v15 =	vld.idx.msk [tilespmem:v25+s17+$0x0], $0xffff;
	[tilespmem:s24+$0xFFFFFF30] =	vst v19  }
0x3c7: {  	v19 =	vor.u32 s23, v11;
	v18 =	vld.idx.msk [tilespmem:v18+s17+$0x0], $0xffff;
	[tilespmem:s24+$0xFFFFFC30] =	vst v8;
	v8 =	vmul.f32 $8.000000000e+00, v20  }
0x3c8: {  	v20 =	vor.u32 s25, v11;
	v21 =	vld.idx.msk [tilespmem:v21+s17+$0x0], $0xffff;
	[tilespmem:s29+$0xFFFFFE00] =	vst v10;
	v17 =	vmul.f32 $8.000000000e+00, v17  }
0x3c9: {  	v9 =	vld.idx.msk [tilespmem:v9+s17+$0x0], $0xffff;
	v10 =	vor.u32 s11, v11;
	v22 =	vmul.f32 $8.000000000e+00, v22;
	[tilespmem:s24+$0xFFFFFFC0] =	vst v8  }
0x3ca: {  	v8 =	vld.idx.msk [tilespmem:v23+s17+$0x0], $0xffff;
	v23 =	vor.u32 s20, v11;
	v16 =	vmul.f32 $8.000000000e+00, v16;
	[tilespmem:s24+$0xFFFFFCC0] =	vst v17  }
0x3cb: {  	v17 =	vor.u32 s22, v11;
	v24 =	vld.idx.msk [tilespmem:v24+s17+$0x0], $0xffff;
	[tilespmem:s24+$0xFFFFFD40] =	vst v22;
	v15 =	vmul.f32 $8.000000000e+00, v15  }
0x3cc: {  	v22 =	vor.u32 s26, v11;
	v19 =	vld.idx.msk [tilespmem:v19+s17+$0x0], $0xffff;
	[tilespmem:s24+$0xFFFFFDC0] =	vst v16;
	v16 =	vmul.f32 $8.000000000e+00, v18  }
0x3cd: {  	v11 =	vor.u32 s10, v11;
	v18 =	vld.idx.msk [tilespmem:v20+s17+$0x0], $0xffff;
	[tilespmem:s24+$0xFFFFFE40] =	vst v15;
	v15 =	vmul.f32 $8.000000000e+00, v21  }
0x3ce: {  	v20 =	vor.u32 s18, v14;
	v10 =	vld.idx.msk [tilespmem:v10+s17+$0x0], $0xffff;
	v9 =	vmul.f32 $8.000000000e+00, v9;
	[tilespmem:s24+$0xFFFFFEC0] =	vst v16  }
0x3cf: {  	v21 =	vor.u32 s28, v12;
	v8 =	vmul.f32 $8.000000000e+00, v8;
	v16 =	vld.idx.msk [tilespmem:v23+s17+$0x0], $0xffff;
	[tilespmem:s24+$0xFFFFFF40] =	vst v15  }
0x3d0: {  	v15 =	vor.u32 s23, v12;
	[tilespmem:s24+$0xFFFFFC40] =	vst v9;
	v17 =	vld.idx.msk [tilespmem:v17+s17+$0x0], $0xffff;
	v9 =	vmul.f32 $8.000000000e+00, v24  }
0x3d1: {  	v23 =	vor.u32 s25, v12;
	v22 =	vld.idx.msk [tilespmem:v22+s17+$0x0], $0xffff;
	v19 =	vmul.f32 $8.000000000e+00, v19;
	[tilespmem:s29+$0xFFFFFE80] =	vst v8  }
0x3d2: {  	v8 =	vld.idx.msk [tilespmem:v11+s17+$0x0], $0xffff;
	v11 =	vor.u32 s11, v12;
	v18 =	vmul.f32 $8.000000000e+00, v18;
	[tilespmem:s24+$0xFFFFFFD0] =	vst v9  }
0x3d3: {  	v9 =	vld.idx.msk [tilespmem:v20+s17+$0x0], $0xffff;
	v20 =	vor.u32 s20, v12;
	v10 =	vmul.f32 $8.000000000e+00, v10;
	[tilespmem:s24+$0xFFFFFCD0] =	vst v19  }
0x3d4: {  	v19 =	vor.u32 s22, v12;
	v21 =	vld.idx.msk [tilespmem:v21+s17+$0x0], $0xffff;
	[tilespmem:s24+$0xFFFFFD50] =	vst v18;
	v16 =	vmul.f32 $8.000000000e+00, v16  }
0x3d5: {  	v15 =	vld.idx.msk [tilespmem:v15+s17+$0x0], $0xffff;
	v18 =	vor.u32 s26, v12;
	[tilespmem:s24+$0xFFFFFDD0] =	vst v10;
	v10 =	vmul.f32 $8.000000000e+00, v17  }
0x3d6: {  	v12 =	vor.u32 s10, v12;
	v17 =	vld.idx.msk [tilespmem:v23+s17+$0x0], $0xffff;
	[tilespmem:s24+$0xFFFFFE50] =	vst v16;
	v16 =	vmul.f32 $8.000000000e+00, v22  }
0x3d7: {  	v22 =	vor.u32 s21, v14;
	v11 =	vld.idx.msk [tilespmem:v11+s17+$0x0], $0xffff;
	v8 =	vmul.f32 $8.000000000e+00, v8;
	[tilespmem:s24+$0xFFFFFED0] =	vst v10  }
0x3d8: {  	v9 =	vmul.f32 $8.000000000e+00, v9;
	v10 =	vld.idx.msk [tilespmem:v20+s17+$0x0], $0xffff;
	v20 =	vor.u32 s28, v13;
	[tilespmem:s24+$0xFFFFFF50] =	vst v16  }
0x3d9: {  	v16 =	vor.u32 s23, v13;
	v19 =	vld.idx.msk [tilespmem:v19+s17+$0x0], $0xffff;
	[tilespmem:s24+$0xFFFFFC50] =	vst v8;
	v8 =	vmul.f32 $8.000000000e+00, v21  }
0x3da: {  	v21 =	vor.u32 s25, v13;
	v18 =	vld.idx.msk [tilespmem:v18+s17+$0x0], $0xffff;
	v15 =	vmul.f32 $8.000000000e+00, v15;
	[tilespmem:s29+$0xFFFFFF00] =	vst v9  }
0x3db: {  	v9 =	vld.idx.msk [tilespmem:v12+s17+$0x0], $0xffff;
	v12 =	vor.u32 s11, v13;
	v17 =	vmul.f32 $8.000000000e+00, v17;
	[tilespmem:s24+$0xFFFFFFE0] =	vst v8  }
0x3dc: {  	v8 =	vld.idx.msk [tilespmem:v22+s17+$0x0], $0xffff;
	v22 =	vor.u32 s20, v13;
	[tilespmem:s24+$0xFFFFFCE0] =	vst v15;
	v11 =	vmul.f32 $8.000000000e+00, v11  }
0x3dd: {  	v15 =	vor.u32 s22, v13;
	v20 =	vld.idx.msk [tilespmem:v20+s17+$0x0], $0xffff;
	[tilespmem:s24+$0xFFFFFD60] =	vst v17;
	v10 =	vmul.f32 $8.000000000e+00, v10  }
0x3de: {  	v17 =	vor.u32 s26, v13;
	v16 =	vld.idx.msk [tilespmem:v16+s17+$0x0], $0xffff;
	[tilespmem:s24+$0xFFFFFDE0] =	vst v11;
	v11 =	vmul.f32 $8.000000000e+00, v19  }
0x3df: {  	v13 =	vor.u32 s10, v13;
	v19 =	vld.idx.msk [tilespmem:v21+s17+$0x0], $0xffff;
	[tilespmem:s24+$0xFFFFFE60] =	vst v10;
	v10 =	vmul.f32 $8.000000000e+00, v18  }
0x3e0: {  	v18 =	vor.u32 s6, v14;
	v12 =	vld.idx.msk [tilespmem:v12+s17+$0x0], $0xffff;
	v9 =	vmul.f32 $8.000000000e+00, v9;
	[tilespmem:s24+$0xFFFFFEE0] =	vst v11  }
0x3e1: {  	v21 =	vor.u32 s28, v14;
	v8 =	vmul.f32 $8.000000000e+00, v8;
	v11 =	vld.idx.msk [tilespmem:v22+s17+$0x0], $0xffff;
	[tilespmem:s24+$0xFFFFFF60] =	vst v10  }
0x3e2: {  	v10 =	vld.idx.msk [tilespmem:v15+s17+$0x0], $0xffff;
	[tilespmem:s24+$0xFFFFFC60] =	vst v9;
	v9 =	vor.u32 s23, v14;
	v15 =	vmul.f32 $8.000000000e+00, v20  }
0x3e3: {  	v17 =	vld.idx.msk [tilespmem:v17+s17+$0x0], $0xffff;
	v20 =	vor.u32 s25, v14;
	v16 =	vmul.f32 $8.000000000e+00, v16;
	[tilespmem:s29+$0xFFFFFF80] =	vst v8  }
0x3e4: {  	v8 =	vld.idx.msk [tilespmem:v13+s17+$0x0], $0xffff;
	v13 =	vmul.f32 $8.000000000e+00, v19;
	v19 =	vor.u32 s11, v14;
	[tilespmem:s24+$0xFFFFFFF0] =	vst v15  }
0x3e5: {  	v15 =	vld.idx.msk [tilespmem:v18+s17+$0x0], $0xffff;
	v12 =	vmul.f32 $8.000000000e+00, v12;
	[tilespmem:s24+$0xFFFFFCF0] =	vst v16;
	v16 =	vor.u32 s20, v14  }
0x3e6: {  	v18 =	vld.idx.msk [tilespmem:v21+s17+$0x0], $0xffff;
	[tilespmem:s24+$0xFFFFFD70] =	vst v13;
	v13 =	vor.u32 s22, v14;
	v11 =	vmul.f32 $8.000000000e+00, v11  }
0x3e7: {  	v9 =	vld.idx.msk [tilespmem:v9+s17+$0x0], $0xffff;
	[tilespmem:s24+$0xFFFFFDF0] =	vst v12;
	v10 =	vmul.f32 $8.000000000e+00, v10;
	v12 =	vor.u32 s26, v14  }
0x3e8: {  	v14 =	vor.u32 s10, v14;
	v20 =	vld.idx.msk [tilespmem:v20+s17+$0x0], $0xffff;
	[tilespmem:s24+$0xFFFFFE70] =	vst v11;
	v11 =	vmul.f32 $8.000000000e+00, v17  }
0x3e9: {  	v8 =	vmul.f32 $8.000000000e+00, v8;
	v17 =	vld.idx.msk [tilespmem:v19+s17+$0x0], $0xffff;
	[tilespmem:s24+$0xFFFFFEF0] =	vst v10  }
0x3ea: {  	v10 =	vmul.f32 $8.000000000e+00, v15;
	v15 =	vld.idx.msk [tilespmem:v16+s17+$0x0], $0xffff;
	[tilespmem:s24+$0xFFFFFF70] =	vst v11  }
0x3eb: {  	[tilespmem:s24+$0xFFFFFC70] =	vst v8;
	v8 =	vld.idx.msk [tilespmem:v13+s17+$0x0], $0xffff;
	v11 =	vmul.f32 $8.000000000e+00, v18  }
0x3ec: {  	v12 =	vld.idx.msk [tilespmem:v12+s17+$0x0], $0xffff;
	[tilespmem:s29+$0xFFFFFC80] =	vst v10;
	v9 =	vmul.f32 $8.000000000e+00, v9  }
0x3ed: {  	v10 =	vld.idx.msk [tilespmem:v14+s17+$0x0], $0xffff;
	[tilespmem:s24+$0x0] =	vst v11;
	v11 =	vmul.f32 $8.000000000e+00, v20  }
0x3ee: {  	v13 =	vmul.f32 $8.000000000e+00, v17;
	[tilespmem:s24+$0xFFFFFD00] =	vst v9  }
0x3ef: {  	[tilespmem:s24+$0xFFFFFD80] =	vst v11;
	v9 =	vmul.f32 $8.000000000e+00, v15  }
0x3f0: {  	v8 =	vmul.f32 $8.000000000e+00, v8;
	[tilespmem:s24+$0xFFFFFE00] =	vst v13  }
0x3f1: {  	s10 =	sshll.u32 s4, $0x12;
	v11 =	vmul.f32 $8.000000000e+00, v12;
	[tilespmem:s24+$0xFFFFFE80] =	vst v9  }
0x3f2: {  	s0 =	sor.u32 s5, s10;
	v9 =	vmul.f32 $8.000000000e+00, v10;
	[tilespmem:s24+$0xFFFFFF00] =	vst v8  }
0x3f3: {  	s0 =	sshrl.u32 s0, $0x3;
	[tilespmem:s24+$0xFFFFFF80] =	vst v11  }
0x3f4: {  	s11 =	simm.s32 $0x1A600;
	s0 =	sadd.s32 s3, s0;
	[tilespmem:s24+$0xFFFFFC80] =	vst v9  }
0x3f5: {  	[hbm4b:s0+s8] =	stream.strided.scatter [tilespmem:s11], [sflag:$0x7], $0x2000, s9, s8, $0x38;
	[tilespmem:$0x1E600] =	vst v63  }
0x3f6: {  	v8 =	vld @!p1 [tilespmem:s14+$0x300];
	_ =	sdelay $0x4  }
0x3f7: {  	v8 =	vshra.s32 @!p1 v8, $0x1  }
0x3f8: {  	[tilespmem:$0x6500] =	vst @!p1 v8  }
0x3f9: {  	v8 =	vld @!p1 [tilespmem:s14+$0x310];
	_ =	sdelay $0x4  }
0x3fa: {  	v8 =	vshra.s32 @!p1 v8, $0x1  }
0x3fb: {  	[tilespmem:$0x6510] =	vst @!p1 v8  }
0x3fc: {  	v8 =	vld @!p1 [tilespmem:s14+$0x320];
	_ =	sdelay $0x4  }
0x3fd: {  	v8 =	vshra.s32 @!p1 v8, $0x1  }
0x3fe: {  	[tilespmem:$0x6520] =	vst @!p1 v8  }
0x3ff: {  	v8 =	vld @!p1 [tilespmem:s14+$0x330];
	_ =	sdelay $0x4  }
0x400: {  	v8 =	vshra.s32 @!p1 v8, $0x1  }
0x401: {  	[tilespmem:$0x6530] =	vst @!p1 v8  }
0x402: {  	v8 =	vld @!p1 [tilespmem:s14+$0x340];
	_ =	sdelay $0x4  }
0x403: {  	v8 =	vshra.s32 @!p1 v8, $0x1  }
0x404: {  	[tilespmem:$0x6540] =	vst @!p1 v8  }
0x405: {  	v8 =	vld @!p1 [tilespmem:s14+$0x350];
	_ =	sdelay $0x4  }
0x406: {  	v8 =	vshra.s32 @!p1 v8, $0x1  }
0x407: {  	[tilespmem:$0x6550] =	vst @!p1 v8  }
0x408: {  	v8 =	vld @!p1 [tilespmem:s14+$0x360];
	_ =	sdelay $0x4  }
0x409: {  	v8 =	vshra.s32 @!p1 v8, $0x1  }
0x40a: {  	[tilespmem:$0x6560] =	vst @!p1 v8  }
0x40b: {  	v8 =	vld @!p1 [tilespmem:s14+$0x370];
	_ =	sdelay $0x4  }
0x40c: {  	v8 =	vshra.s32 @!p1 v8, $0x1  }
0x40d: {  	s2 =	simm.s32 @!p1 $0x6500;
	s4 =	simm.s32 @!p1 $0xE600;
	s0 =	simm.s32 @!p1 $0x80;
	[tilespmem:$0x6570] =	vst @!p1 v8  }
0x40e: {  	[tilespmem:s4], [sflag:$0x3] =	stream.indirect.gather @!p1 [hbm4b:s1+s0], $0x80, s2, s0, $0xb8;
	[tilespmem:$0x1E600] =	vst v63  }
0x40f: {  	s4 =	sor.u32 $0x3, s16;
	s16 =	simm.s32 $0x4  }
0x410: {  	_ =	swait.ge [sflag:s16], $0x4000  }
0x411: {  	s18 =	sshll.u32 s4, $0x7;
	[sflag:s16] =	ssyncset.done $0x0  }
0x412: {  	s0 =	sand.u32 $0x3FFFFF80, s18;
	[sflag:s16] =	ssyncadd.s32 $0xFFFFC000  }
0x413: {  	v8 =	vld [tilespmem:s0+$0x0];
	_ =	sdelay $0x2  }
0x414: {  	v9 =	vld [tilespmem:s0+$0x10]  }
0x415: {  	v16 =	vld [tilespmem:s0+$0x20]  }
0x416: {  	v18 =	vld [tilespmem:s0+$0x30];
	v8 =	vshll.u32 v8, $0x6  }
0x417: {  	v11 =	vld [tilespmem:s0+$0x40];
	v8 =	vand.u32 $0x40, v8  }
0x418: {  	s11 =	simm.s32 $0x0;
	v12 =	vld [tilespmem:s0+$0x50];
	v15 =	vor.u32 v0, v8  }
0x419: {  	s20 =	simm.s32 $0x7;
	v13 =	vld [tilespmem:s0+$0x60];
	v8 =	vor.u32 s11, v15  }
0x41a: {  	s22 =	simm.s32 $0x1;
	v14 =	vld [tilespmem:s0+$0x70];
	s0 =	simm.s32 @!p0 $0x8;
	v10 =	vor.u32 s20, v15  }
0x41b: {  	s25 =	simm.s32 $0x3;
	_ =	swait.ge @!p0 [sflag:s0], $0x2000;
	v17 =	vor.u32 s22, v15  }
0x41c: {  	s23 =	simm.s32 $0x2;
	[sflag:s0] =	ssyncset.done @!p0 $0x0;
	v20 =	vor.u32 s25, v15  }
0x41d: {  	s10 =	simm.s32 $0x5;
	[sflag:s0] =	ssyncadd.s32 @!p0 $0xFFFFE000;
	v19 =	vor.u32 s23, v15  }
0x41e: {  	s16 =	simm.s32 $0x4;
	v22 =	vor.u32 s10, v15;
	v21 =	vld.idx.msk [tilespmem:v8+s19+$0x0], $0xffff  }
0x41f: {  	v8 =	vor.u32 s16, v15;
	v23 =	vld.idx.msk [tilespmem:v10+s19+$0x0], $0xffff  }
0x420: {  	s31 =	simm.s32 $0x6;
	v9 =	vshll.u32 v9, $0x6;
	v17 =	vld.idx.msk [tilespmem:v17+s19+$0x0], $0xffff  }
0x421: {  	s6 =	simm.s32 $0x8;
	v9 =	vand.u32 $0x40, v9;
	v24 =	vor.u32 s31, v15;
	v20 =	vld.idx.msk [tilespmem:v20+s19+$0x0], $0xffff  }
0x422: {  	v10 =	vor.u32 v1, v9;
	v9 =	vld.idx.msk [tilespmem:v19+s19+$0x0], $0xffff;
	v19 =	vor.u32 s6, v15  }
0x423: {  	v22 =	vld.idx.msk [tilespmem:v22+s19+$0x0], $0xffff;
	v25 =	vor.u32 s20, v10  }
0x424: {  	v26 =	vor.u32 s22, v10;
	v8 =	vld.idx.msk [tilespmem:v8+s19+$0x0], $0xffff;
	v23 =	vmul.f32 $8.000000000e+00, v23  }
0x425: {  	s7 =	simm.s32 $0x1C9F0;
	v27 =	vor.u32 s23, v10;
	v28 =	vmul.f32 $8.000000000e+00, v17  }
0x426: {  	v24 =	vld.idx.msk [tilespmem:v24+s19+$0x0], $0xffff;
	v29 =	vor.u32 s25, v10;
	v20 =	vmul.f32 $8.000000000e+00, v20;
	[tilespmem:s7+$0xFFFFFF90] =	vst v23  }
0x427: {  	v17 =	vld.idx.msk [tilespmem:v19+s19+$0x0], $0xffff;
	v9 =	vmul.f32 $8.000000000e+00, v9;
	[tilespmem:s7+$0xFFFFFC90] =	vst v28;
	v23 =	vor.u32 s10, v10  }
0x428: {  	v19 =	vor.u32 s16, v10;
	[tilespmem:s7+$0xFFFFFD90] =	vst v20;
	v20 =	vmul.f32 $8.000000000e+00, v22;
	v25 =	vld.idx.msk [tilespmem:v25+s19+$0x0], $0xffff  }
0x429: {  	v16 =	vshll.u32 v16, $0x6;
	[tilespmem:s7+$0xFFFFFD10] =	vst v9;
	v28 =	vor.u32 s31, v10;
	v26 =	vld.idx.msk [tilespmem:v26+s19+$0x0], $0xffff;
	v9 =	vmul.f32 $8.000000000e+00, v8  }
0x42a: {  	s29 =	simm.s32 $0x9;
	v27 =	vld.idx.msk [tilespmem:v27+s19+$0x0], $0xffff;
	[tilespmem:s7+$0xFFFFFE90] =	vst v20;
	v8 =	vand.u32 $0x40, v16;
	v16 =	vor.u32 s11, v10  }
0x42b: {  	v22 =	vor.u32 s29, v15;
	v29 =	vld.idx.msk [tilespmem:v29+s19+$0x0], $0xffff;
	[tilespmem:s7+$0xFFFFFE10] =	vst v9;
	v9 =	vmul.f32 $8.000000000e+00, v24  }
0x42c: {  	v21 =	vmul.f32 $8.000000000e+00, v21;
	v8 =	vor.u32 v2, v8;
	v23 =	vld.idx.msk [tilespmem:v23+s19+$0x0], $0xffff  }
0x42d: {  	v20 =	vor.u32 s20, v8;
	v19 =	vld.idx.msk [tilespmem:v19+s19+$0x0], $0xffff;
	[tilespmem:s7+$0xFFFFFF10] =	vst v9  }
0x42e: {  	[tilespmem:s7+$0xFFFFFC10] =	vst v21;
	v24 =	vor.u32 s22, v8;
	v25 =	vmul.f32 $8.000000000e+00, v25;
	v21 =	vld.idx.msk [tilespmem:v28+s19+$0x0], $0xffff  }
0x42f: {  	v30 =	vor.u32 s25, v8;
	v26 =	vmul.f32 $8.000000000e+00, v26;
	v28 =	vld.idx.msk [tilespmem:v16+s19+$0x0], $0xffff  }
0x430: {  	v9 =	vor.u32 s23, v8;
	v16 =	vld.idx.msk [tilespmem:v22+s19+$0x0], $0xffff;
	v22 =	vmul.f32 $8.000000000e+00, v27;
	[tilespmem:s7+$0xFFFFFFA0] =	vst v25  }
0x431: {  	[tilespmem:s7+$0xFFFFFCA0] =	vst v26;
	v25 =	vmul.f32 $8.000000000e+00, v29;
	v26 =	vor.u32 s10, v8  }
0x432: {  	v27 =	vor.u32 s16, v8;
	v20 =	vld.idx.msk [tilespmem:v20+s19+$0x0], $0xffff;
	[tilespmem:s7+$0xFFFFFD20] =	vst v22;
	v23 =	vmul.f32 $8.000000000e+00, v23  }
0x433: {  	v18 =	vshll.u32 v18, $0x6;
	v24 =	vld.idx.msk [tilespmem:v24+s19+$0x0], $0xffff;
	v22 =	vor.u32 s31, v8;
	[tilespmem:s7+$0xFFFFFDA0] =	vst v25;
	v19 =	vmul.f32 $8.000000000e+00, v19  }
0x434: {  	s30 =	simm.s32 $0xA;
	v18 =	vand.u32 $0x40, v18;
	v29 =	vor.u32 s11, v8;
	v25 =	vld.idx.msk [tilespmem:v30+s19+$0x0], $0xffff;
	[tilespmem:s7+$0xFFFFFEA0] =	vst v23  }
0x435: {  	v31 =	vld.idx.msk [tilespmem:v9+s19+$0x0], $0xffff;
	v9 =	vor.u32 v3, v18;
	v18 =	vor.u32 s30, v15;
	[tilespmem:s7+$0xFFFFFE20] =	vst v19;
	v19 =	vmul.f32 $8.000000000e+00, v21  }
0x436: {  	v21 =	vmul.f32 $8.000000000e+00, v28;
	v23 =	vor.u32 s20, v9;
	v26 =	vld.idx.msk [tilespmem:v26+s19+$0x0], $0xffff  }
0x437: {  	v28 =	vor.u32 s22, v9;
	v27 =	vld.idx.msk [tilespmem:v27+s19+$0x0], $0xffff;
	[tilespmem:s7+$0xFFFFFF20] =	vst v19  }
0x438: {  	[tilespmem:s7+$0xFFFFFC20] =	vst v21;
	v19 =	vor.u32 s23, v9;
	v20 =	vmul.f32 $8.000000000e+00, v20;
	v21 =	vld.idx.msk [tilespmem:v22+s19+$0x0], $0xffff  }
0x439: {  	v24 =	vmul.f32 $8.000000000e+00, v24;
	v22 =	vld.idx.msk [tilespmem:v29+s19+$0x0], $0xffff;
	v29 =	vor.u32 s25, v9  }
0x43a: {  	v18 =	vld.idx.msk [tilespmem:v18+s19+$0x0], $0xffff;
	v30 =	vmul.f32 $8.000000000e+00, v31;
	v31 =	vor.u32 s16, v9;
	[tilespmem:s7+$0xFFFFFFB0] =	vst v20  }
0x43b: {  	[tilespmem:s7+$0xFFFFFCB0] =	vst v24;
	v20 =	vmul.f32 $8.000000000e+00, v25;
	v24 =	vor.u32 s10, v9;
	v23 =	vld.idx.msk [tilespmem:v23+s19+$0x0], $0xffff  }
0x43c: {  	v11 =	vshll.u32 v11, $0x6;
	v25 =	vld.idx.msk [tilespmem:v28+s19+$0x0], $0xffff;
	v28 =	vor.u32 s31, v9;
	[tilespmem:s7+$0xFFFFFD30] =	vst v30;
	v27 =	vmul.f32 $8.000000000e+00, v27  }
0x43d: {  	s0 =	simm.s32 $0xB;
	v11 =	vand.u32 $0x40, v11;
	v30 =	vor.u32 s11, v9;
	[tilespmem:s7+$0xFFFFFDB0] =	vst v20;
	v45 =	vld.idx.msk [tilespmem:v19+s19+$0x0], $0xffff;
	v19 =	vmul.f32 $8.000000000e+00, v26  }
0x43e: {  	v11 =	vor.u32 v4, v11;
	v20 =	vor.u32 s0, v15;
	v26 =	vld.idx.msk [tilespmem:v29+s19+$0x0], $0xffff;
	[tilespmem:s7+$0xFFFFFE30] =	vst v27;
	v21 =	vmul.f32 $8.000000000e+00, v21  }
0x43f: {  	v22 =	vmul.f32 $8.000000000e+00, v22;
	v29 =	vor.u32 s20, v11;
	v27 =	vld.idx.msk [tilespmem:v31+s19+$0x0], $0xffff;
	[tilespmem:s7+$0xFFFFFEB0] =	vst v19  }
0x440: {  	v31 =	vor.u32 s22, v11;
	v24 =	vld.idx.msk [tilespmem:v24+s19+$0x0], $0xffff;
	[tilespmem:s7+$0xFFFFFF30] =	vst v21  }
0x441: {  	[tilespmem:s7+$0xFFFFFC30] =	vst v22;
	v21 =	vor.u32 s23, v11;
	v23 =	vmul.f32 $8.000000000e+00, v23;
	v22 =	vld.idx.msk [tilespmem:v28+s19+$0x0], $0xffff  }
0x442: {  	v25 =	vmul.f32 $8.000000000e+00, v25;
	v28 =	vld.idx.msk [tilespmem:v30+s19+$0x0], $0xffff;
	v30 =	vor.u32 s25, v11  }
0x443: {  	v46 =	vor.u32 s16, v11;
	v19 =	vld.idx.msk [tilespmem:v20+s19+$0x0], $0xffff;
	v20 =	vmul.f32 $8.000000000e+00, v45;
	[tilespmem:s7+$0xFFFFFFC0] =	vst v23  }
0x444: {  	[tilespmem:s7+$0xFFFFFCC0] =	vst v25;
	v25 =	vor.u32 s10, v11;
	v23 =	vmul.f32 $8.000000000e+00, v26;
	v26 =	vld.idx.msk [tilespmem:v29+s19+$0x0], $0xffff  }
0x445: {  	v12 =	vshll.u32 v12, $0x6;
	v29 =	vld.idx.msk [tilespmem:v31+s19+$0x0], $0xffff;
	[tilespmem:s7+$0xFFFFFD40] =	vst v20;
	v20 =	vmul.f32 $8.000000000e+00, v27;
	v27 =	vor.u32 s31, v11  }
0x446: {  	s2 =	simm.s32 $0xC;
	v12 =	vand.u32 $0x40, v12;
	v31 =	vor.u32 s11, v11;
	v21 =	vld.idx.msk [tilespmem:v21+s19+$0x0], $0xffff;
	[tilespmem:s7+$0xFFFFFDC0] =	vst v23;
	v23 =	vmul.f32 $8.000000000e+00, v24  }
0x447: {  	v12 =	vor.u32 v5, v12;
	v24 =	vor.u32 s2, v15;
	v30 =	vld.idx.msk [tilespmem:v30+s19+$0x0], $0xffff;
	[tilespmem:s7+$0xFFFFFE40] =	vst v20;
	v20 =	vmul.f32 $8.000000000e+00, v22  }
0x448: {  	v22 =	vmul.f32 $8.000000000e+00, v28;
	v28 =	vld.idx.msk [tilespmem:v46+s19+$0x0], $0xffff;
	[tilespmem:s7+$0xFFFFFEC0] =	vst v23;
	v23 =	vor.u32 s20, v12  }
0x449: {  	v47 =	vor.u32 s22, v12;
	v25 =	vld.idx.msk [tilespmem:v25+s19+$0x0], $0xffff;
	[tilespmem:s7+$0xFFFFFF40] =	vst v20  }
0x44a: {  	[tilespmem:s7+$0xFFFFFC40] =	vst v22;
	v20 =	vor.u32 s23, v12;
	v26 =	vmul.f32 $8.000000000e+00, v26;
	v22 =	vld.idx.msk [tilespmem:v27+s19+$0x0], $0xffff  }
0x44b: {  	v27 =	vld.idx.msk [tilespmem:v31+s19+$0x0], $0xffff;
	v29 =	vmul.f32 $8.000000000e+00, v29;
	v31 =	vor.u32 s25, v12  }
0x44c: {  	v48 =	vor.u32 s16, v12;
	v24 =	vld.idx.msk [tilespmem:v24+s19+$0x0], $0xffff;
	v21 =	vmul.f32 $8.000000000e+00, v21;
	[tilespmem:s7+$0xFFFFFFD0] =	vst v26  }
0x44d: {  	[tilespmem:s7+$0xFFFFFCD0] =	vst v29;
	v26 =	vmul.f32 $8.000000000e+00, v30;
	v29 =	vor.u32 s10, v12;
	v23 =	vld.idx.msk [tilespmem:v23+s19+$0x0], $0xffff  }
0x44e: {  	v13 =	vshll.u32 v13, $0x6;
	v30 =	vld.idx.msk [tilespmem:v47+s19+$0x0], $0xffff;
	[tilespmem:s7+$0xFFFFFD50] =	vst v21;
	v21 =	vmul.f32 $8.000000000e+00, v28;
	v28 =	vor.u32 s31, v12  }
0x44f: {  	s18 =	simm.s32 $0xD;
	v13 =	vand.u32 $0x40, v13;
	v49 =	vor.u32 s11, v12;
	v20 =	vld.idx.msk [tilespmem:v20+s19+$0x0], $0xffff;
	[tilespmem:s7+$0xFFFFFDD0] =	vst v26;
	v25 =	vmul.f32 $8.000000000e+00, v25  }
0x450: {  	v13 =	vor.u32 v6, v13;
	v26 =	vor.u32 s18, v15;
	v31 =	vld.idx.msk [tilespmem:v31+s19+$0x0], $0xffff;
	[tilespmem:s7+$0xFFFFFE50] =	vst v21;
	v21 =	vmul.f32 $8.000000000e+00, v22  }
0x451: {  	v22 =	vmul.f32 $8.000000000e+00, v27;
	v27 =	vld.idx.msk [tilespmem:v48+s19+$0x0], $0xffff;
	[tilespmem:s7+$0xFFFFFED0] =	vst v25;
	v25 =	vor.u32 s20, v13  }
0x452: {  	v50 =	vor.u32 s22, v13;
	v29 =	vld.idx.msk [tilespmem:v29+s19+$0x0], $0xffff;
	[tilespmem:s7+$0xFFFFFF50] =	vst v21  }
0x453: {  	[tilespmem:s7+$0xFFFFFC50] =	vst v22;
	v21 =	vor.u32 s23, v13;
	v22 =	vld.idx.msk [tilespmem:v28+s19+$0x0], $0xffff;
	v23 =	vmul.f32 $8.000000000e+00, v23  }
0x454: {  	v51 =	vor.u32 s25, v13;
	v28 =	vld.idx.msk [tilespmem:v49+s19+$0x0], $0xffff;
	v30 =	vmul.f32 $8.000000000e+00, v30  }
0x455: {  	v14 =	vshll.u32 v14, $0x6;
	v52 =	vor.u32 s16, v13;
	v26 =	vld.idx.msk [tilespmem:v26+s19+$0x0], $0xffff;
	v20 =	vmul.f32 $8.000000000e+00, v20;
	[tilespmem:s7+$0xFFFFFFE0] =	vst v23  }
0x456: {  	v14 =	vand.u32 $0x40, v14;
	[tilespmem:s7+$0xFFFFFCE0] =	vst v30;
	v23 =	vmul.f32 $8.000000000e+00, v31;
	v30 =	vor.u32 s10, v13;
	v25 =	vld.idx.msk [tilespmem:v25+s19+$0x0], $0xffff  }
0x457: {  	v14 =	vor.u32 v7, v14;
	v31 =	vld.idx.msk [tilespmem:v50+s19+$0x0], $0xffff;
	[tilespmem:s7+$0xFFFFFD60] =	vst v20;
	v20 =	vmul.f32 $8.000000000e+00, v27;
	v27 =	vor.u32 s31, v13  }
0x458: {  	v53 =	vor.u32 s11, v13;
	v57 =	vor.u32 s10, v14;
	s10 =	simm.s32 $0x10;
	v21 =	vld.idx.msk [tilespmem:v21+s19+$0x0], $0xffff;
	[tilespmem:s7+$0xFFFFFDE0] =	vst v23;
	v23 =	vmul.f32 $8.000000000e+00, v29  }
0x459: {  	s21 =	simm.s32 $0xE;
	v58 =	vor.u32 s10, v15;
	v32 =	vld.idx.msk [tilespmem:v51+s19+$0x0], $0xffff;
	[tilespmem:s7+$0xFFFFFE60] =	vst v20;
	v20 =	vmul.f32 $8.000000000e+00, v22  }
0x45a: {  	s24 =	simm.s32 $0xF;
	v29 =	vor.u32 s21, v15;
	v22 =	vmul.f32 $8.000000000e+00, v28;
	v28 =	vld.idx.msk [tilespmem:v52+s19+$0x0], $0xffff;
	[tilespmem:s7+$0xFFFFFEE0] =	vst v23  }
0x45b: {  	v54 =	vor.u32 s24, v15;
	v30 =	vld.idx.msk [tilespmem:v30+s19+$0x0], $0xffff;
	[tilespmem:s7+$0xFFFFFF60] =	vst v20  }
0x45c: {  	v23 =	vor.u32 s20, v14;
	[tilespmem:s7+$0xFFFFFC60] =	vst v22;
	v22 =	vld.idx.msk [tilespmem:v27+s19+$0x0], $0xffff;
	v25 =	vmul.f32 $8.000000000e+00, v25  }
0x45d: {  	v20 =	vor.u32 s22, v14;
	v27 =	vld.idx.msk [tilespmem:v53+s19+$0x0], $0xffff;
	v31 =	vmul.f32 $8.000000000e+00, v31  }
0x45e: {  	v55 =	vor.u32 s23, v14;
	v60 =	vmul.f32 $8.000000000e+00, v16;
	v16 =	vld.idx.msk [tilespmem:v58+s19+$0x0], $0xffff;
	v21 =	vmul.f32 $8.000000000e+00, v21;
	[tilespmem:s7+$0xFFFFFFF0] =	vst v25  }
0x45f: {  	v38 =	vor.u32 s0, v10;
	v19 =	vmul.f32 $8.000000000e+00, v19;
	v29 =	vld.idx.msk [tilespmem:v29+s19+$0x0], $0xffff;
	[tilespmem:s7+$0xFFFFFCF0] =	vst v31  }
0x460: {  	v62 =	vor.u32 s6, v10;
	v17 =	vmul.f32 $8.000000000e+00, v17;
	v25 =	vor.u32 s16, v14;
	v31 =	vld.idx.msk [tilespmem:v54+s19+$0x0], $0xffff;
	s16 =	simm.s32 $0x1CDF0;
	[tilespmem:s7+$0xFFFFFD70] =	vst v21  }
0x461: {  	v36 =	vld.idx.msk [tilespmem:v23+s19+$0x0], $0xffff;
	v23 =	vmul.f32 $8.000000000e+00, v32;
	[tilespmem:s16+$0xFFFFFD90] =	vst v19  }
0x462: {  	v56 =	vor.u32 s25, v14;
	v21 =	vmul.f32 $8.000000000e+00, v28;
	[tilespmem:s16+$0xFFFFFC10] =	vst v17;
	v28 =	vld.idx.msk [tilespmem:v20+s19+$0x0], $0xffff  }
0x463: {  	v20 =	vor.u32 s31, v14;
	v33 =	vld.idx.msk [tilespmem:v55+s19+$0x0], $0xffff;
	[tilespmem:s7+$0xFFFFFDF0] =	vst v23  }
0x464: {  	v63 =	vld.idx.msk [tilespmem:v38+s19+$0x0], $0xffff;
	v23 =	vmul.f32 $8.000000000e+00, v30;
	v30 =	vor.u32 s11, v14;
	[tilespmem:s7+$0xFFFFFE70] =	vst v21;
	v21 =	vmul.f32 $8.000000000e+00, v22  }
0x465: {  	v37 =	vor.u32 s24, v10;
	v34 =	vld.idx.msk [tilespmem:v62+s19+$0x0], $0xffff;
	v27 =	vmul.f32 $8.000000000e+00, v27  }
0x466: {  	v18 =	vmul.f32 $8.000000000e+00, v18;
	v22 =	vld.idx.msk [tilespmem:v25+s19+$0x0], $0xffff;
	[tilespmem:s7+$0xFFFFFF70] =	vst v21;
	v25 =	vor.u32 s29, v10  }
0x467: {  	v35 =	vld.idx.msk [tilespmem:v56+s19+$0x0], $0xffff;
	[tilespmem:s7+$0xFFFFFC70] =	vst v27;
	v27 =	vor.u32 s30, v10;
	v31 =	vmul.f32 $8.000000000e+00, v31  }
0x468: {  	[tilespmem:s16+$0xFFFFFD10] =	vst v18;
	v21 =	vld.idx.msk [tilespmem:v20+s19+$0x0], $0xffff  }
0x469: {  	v18 =	vmul.f32 $8.000000000e+00, v24;
	[tilespmem:s16+$0xFFFFFF90] =	vst v31;
	v20 =	vld.idx.msk [tilespmem:v30+s19+$0x0], $0xffff;
	v30 =	vor.u32 s2, v10  }
0x46a: {  	[tilespmem:s16+$0xFFFFFC90] =	vst v60;
	v31 =	vor.u32 s18, v10;
	v61 =	vld.idx.msk [tilespmem:v37+s19+$0x0], $0xffff  }
0x46b: {  	s23 =	simm.s32 $0x11;
	v24 =	vor.u32 s21, v10;
	v19 =	vmul.f32 $8.000000000e+00, v26;
	[tilespmem:s16+$0xFFFFFE10] =	vst v18;
	v25 =	vld.idx.msk [tilespmem:v25+s19+$0x0], $0xffff  }
0x46c: {  	v26 =	vor.u32 s23, v15;
	v18 =	vmul.f32 $8.000000000e+00, v29;
	[tilespmem:s7+$0xFFFFFEF0] =	vst v23;
	v27 =	vld.idx.msk [tilespmem:v27+s19+$0x0], $0xffff  }
0x46d: {  	[tilespmem:s16+$0xFFFFFE90] =	vst v19;
	v19 =	vor.u32 s24, v8;
	v23 =	vld.idx.msk [tilespmem:v57+s19+$0x0], $0xffff;
	v28 =	vmul.f32 $8.000000000e+00, v28  }
0x46e: {  	[tilespmem:s16+$0xFFFFFF10] =	vst v18;
	v22 =	vmul.f32 $8.000000000e+00, v22;
	v29 =	vld.idx.msk [tilespmem:v30+s19+$0x0], $0xffff;
	v30 =	vor.u32 s29, v8  }
0x46f: {  	v18 =	vor.u32 s30, v8;
	[tilespmem:s7+$0xFFFFFD00] =	vst v28;
	v31 =	vld.idx.msk [tilespmem:v31+s19+$0x0], $0xffff;
	v32 =	vmul.f32 $8.000000000e+00, v61  }
0x470: {  	v40 =	vor.u32 s0, v8;
	v24 =	vld.idx.msk [tilespmem:v24+s19+$0x0], $0xffff;
	[tilespmem:s7+$0xFFFFFE80] =	vst v22;
	v25 =	vmul.f32 $8.000000000e+00, v25  }
0x471: {  	v17 =	vld.idx.msk [tilespmem:v26+s19+$0x0], $0xffff;
	v26 =	vmul.f32 $8.000000000e+00, v27;
	v27 =	vor.u32 s2, v8;
	[tilespmem:s16+$0xFFFFFFA0] =	vst v32  }
0x472: {  	v28 =	vor.u32 s18, v8;
	v19 =	vld.idx.msk [tilespmem:v19+s19+$0x0], $0xffff;
	[tilespmem:s16+$0xFFFFFCA0] =	vst v25;
	v25 =	vmul.f32 $8.000000000e+00, v63  }
0x473: {  	[tilespmem:s16+$0xFFFFFD20] =	vst v26;
	v30 =	vld.idx.msk [tilespmem:v30+s19+$0x0], $0xffff;
	v26 =	vmul.f32 $8.000000000e+00, v29;
	v29 =	vor.u32 s21, v8  }
0x474: {  	v41 =	vor.u32 s6, v8;
	s25 =	simm.s32 $0x12;
	v42 =	vld.idx.msk [tilespmem:v18+s19+$0x0], $0xffff;
	v18 =	vmul.f32 $8.000000000e+00, v31;
	[tilespmem:s16+$0xFFFFFDA0] =	vst v25  }
0x475: {  	v24 =	vmul.f32 $8.000000000e+00, v24;
	v25 =	vor.u32 s25, v15;
	v31 =	vld.idx.msk [tilespmem:v40+s19+$0x0], $0xffff;
	[tilespmem:s16+$0xFFFFFE20] =	vst v26  }
0x476: {  	v43 =	vor.u32 s24, v9;
	v26 =	vmul.f32 $8.000000000e+00, v34;
	[tilespmem:s16+$0xFFFFFEA0] =	vst v18;
	v27 =	vld.idx.msk [tilespmem:v27+s19+$0x0], $0xffff  }
0x477: {  	v44 =	vor.u32 s29, v9;
	[tilespmem:s16+$0xFFFFFF20] =	vst v24;
	v18 =	vmul.f32 $8.000000000e+00, v33;
	v28 =	vld.idx.msk [tilespmem:v28+s19+$0x0], $0xffff  }
0x478: {  	v24 =	vor.u32 s30, v9;
	v19 =	vmul.f32 $8.000000000e+00, v19;
	[tilespmem:s16+$0xFFFFFC20] =	vst v26;
	v26 =	vld.idx.msk [tilespmem:v29+s19+$0x0], $0xffff  }
0x479: {  	v45 =	vor.u32 s0, v9;
	[tilespmem:s7+$0xFFFFFD80] =	vst v18;
	v29 =	vld.idx.msk [tilespmem:v41+s19+$0x0], $0xffff;
	v30 =	vmul.f32 $8.000000000e+00, v30  }
0x47a: {  	v46 =	vor.u32 s2, v9;
	[tilespmem:s16+$0xFFFFFFB0] =	vst v19;
	v18 =	vld.idx.msk [tilespmem:v25+s19+$0x0], $0xffff;
	v25 =	vmul.f32 $8.000000000e+00, v42  }
0x47b: {  	[tilespmem:s16+$0xFFFFFCB0] =	vst v30;
	v19 =	vmul.f32 $8.000000000e+00, v31;
	v30 =	vor.u32 s18, v9;
	v31 =	vld.idx.msk [tilespmem:v43+s19+$0x0], $0xffff  }
0x47c: {  	v33 =	vld.idx.msk [tilespmem:v44+s19+$0x0], $0xffff;
	[tilespmem:s16+$0xFFFFFD30] =	vst v25;
	v25 =	vmul.f32 $8.000000000e+00, v27;
	v27 =	vor.u32 s21, v9  }
0x47d: {  	v47 =	vor.u32 s6, v9;
	s11 =	simm.s32 $0x13;
	v24 =	vld.idx.msk [tilespmem:v24+s19+$0x0], $0xffff;
	[tilespmem:s16+$0xFFFFFDB0] =	vst v19;
	v19 =	vmul.f32 $8.000000000e+00, v28  }
0x47e: {  	v28 =	vor.u32 s11, v15;
	v32 =	vld.idx.msk [tilespmem:v45+s19+$0x0], $0xffff;
	[tilespmem:s16+$0xFFFFFE30] =	vst v25;
	v25 =	vmul.f32 $8.000000000e+00, v26  }
0x47f: {  	v48 =	vor.u32 s24, v11;
	v26 =	vmul.f32 $8.000000000e+00, v29;
	v29 =	vld.idx.msk [tilespmem:v46+s19+$0x0], $0xffff;
	[tilespmem:s16+$0xFFFFFEB0] =	vst v19  }
0x480: {  	v49 =	vor.u32 s29, v11;
	v19 =	vmul.f32 $8.000000000e+00, v35;
	v30 =	vld.idx.msk [tilespmem:v30+s19+$0x0], $0xffff;
	[tilespmem:s16+$0xFFFFFF30] =	vst v25  }
0x481: {  	[tilespmem:s16+$0xFFFFFC30] =	vst v26;
	v25 =	vor.u32 s30, v11;
	v26 =	vld.idx.msk [tilespmem:v27+s19+$0x0], $0xffff;
	v27 =	vmul.f32 $8.000000000e+00, v31  }
0x482: {  	v50 =	vor.u32 s0, v11;
	v31 =	vld.idx.msk [tilespmem:v47+s19+$0x0], $0xffff;
	v33 =	vmul.f32 $8.000000000e+00, v33;
	[tilespmem:s7+$0xFFFFFE00] =	vst v19  }
0x483: {  	v19 =	vld.idx.msk [tilespmem:v28+s19+$0x0], $0xffff;
	v24 =	vmul.f32 $8.000000000e+00, v24;
	v28 =	vor.u32 s2, v11;
	[tilespmem:s16+$0xFFFFFFC0] =	vst v27  }
0x484: {  	v51 =	vor.u32 s18, v11;
	[tilespmem:s16+$0xFFFFFCC0] =	vst v33;
	v27 =	vmul.f32 $8.000000000e+00, v32;
	v52 =	vld.idx.msk [tilespmem:v48+s19+$0x0], $0xffff  }
0x485: {  	s22 =	simm.s32 $0x15;
	v35 =	vld.idx.msk [tilespmem:v49+s19+$0x0], $0xffff;
	[tilespmem:s16+$0xFFFFFD40] =	vst v24;
	v24 =	vmul.f32 $8.000000000e+00, v29;
	v29 =	vor.u32 s21, v11  }
0x486: {  	v58 =	vor.u32 s22, v15;
	v25 =	vld.idx.msk [tilespmem:v25+s19+$0x0], $0xffff;
	[tilespmem:s16+$0xFFFFFDC0] =	vst v27;
	v27 =	vmul.f32 $8.000000000e+00, v30  }
0x487: {  	s20 =	simm.s32 $0x14;
	v53 =	vor.u32 s6, v11;
	v34 =	vld.idx.msk [tilespmem:v50+s19+$0x0], $0xffff;
	[tilespmem:s16+$0xFFFFFE40] =	vst v24;
	v24 =	vmul.f32 $8.000000000e+00, v26  }
0x488: {  	v30 =	vor.u32 s20, v15;
	v26 =	vmul.f32 $8.000000000e+00, v31;
	v28 =	vld.idx.msk [tilespmem:v28+s19+$0x0], $0xffff;
	[tilespmem:s16+$0xFFFFFEC0] =	vst v27  }
0x489: {  	v23 =	vmul.f32 $8.000000000e+00, v23;
	v27 =	vor.u32 s24, v12;
	v32 =	vld.idx.msk [tilespmem:v51+s19+$0x0], $0xffff;
	[tilespmem:s16+$0xFFFFFF40] =	vst v24  }
0x48a: {  	v31 =	vor.u32 s29, v12;
	[tilespmem:s16+$0xFFFFFC40] =	vst v26;
	v26 =	vld.idx.msk [tilespmem:v29+s19+$0x0], $0xffff;
	v29 =	vmul.f32 $8.000000000e+00, v52  }
0x48b: {  	[tilespmem:s7+$0xFFFFFF00] =	vst v23;
	v23 =	vld.idx.msk [tilespmem:v58+s19+$0x0], $0xffff;
	v24 =	vor.u32 s30, v12;
	v35 =	vmul.f32 $8.000000000e+00, v35  }
0x48c: {  	v55 =	vor.u32 s0, v12;
	v54 =	vld.idx.msk [tilespmem:v53+s19+$0x0], $0xffff;
	v25 =	vmul.f32 $8.000000000e+00, v25;
	[tilespmem:s16+$0xFFFFFFD0] =	vst v29  }
0x48d: {  	v22 =	vld.idx.msk [tilespmem:v30+s19+$0x0], $0xffff;
	v30 =	vor.u32 s2, v12;
	[tilespmem:s16+$0xFFFFFCD0] =	vst v35;
	v29 =	vmul.f32 $8.000000000e+00, v34  }
0x48e: {  	v56 =	vor.u32 s18, v12;
	v27 =	vld.idx.msk [tilespmem:v27+s19+$0x0], $0xffff;
	[tilespmem:s16+$0xFFFFFD50] =	vst v25;
	v25 =	vmul.f32 $8.000000000e+00, v28  }
0x48f: {  	v31 =	vld.idx.msk [tilespmem:v31+s19+$0x0], $0xffff;
	v28 =	vor.u32 s21, v12;
	[tilespmem:s16+$0xFFFFFDD0] =	vst v29;
	v29 =	vmul.f32 $8.000000000e+00, v32  }
0x490: {  	v59 =	vmul.f32 $8.000000000e+00, v36;
	v57 =	vor.u32 s6, v12;
	v24 =	vld.idx.msk [tilespmem:v24+s19+$0x0], $0xffff;
	[tilespmem:s16+$0xFFFFFE50] =	vst v25  }
0x491: {  	v36 =	vld.idx.msk [tilespmem:v55+s19+$0x0], $0xffff;
	v25 =	vmul.f32 $8.000000000e+00, v26;
	[tilespmem:s16+$0xFFFFFED0] =	vst v29;
	v29 =	vor.u32 s24, v13  }
0x492: {  	[tilespmem:s7+$0x0] =	vst v59;
	v59 =	vor.u32 s29, v13;
	v26 =	vmul.f32 $8.000000000e+00, v54;
	v30 =	vld.idx.msk [tilespmem:v30+s19+$0x0], $0xffff  }
0x493: {  	v60 =	vor.u32 s30, v13;
	v34 =	vld.idx.msk [tilespmem:v56+s19+$0x0], $0xffff;
	[tilespmem:s16+$0xFFFFFF50] =	vst v25;
	v25 =	vmul.f32 $8.000000000e+00, v27  }
0x494: {  	[tilespmem:s16+$0xFFFFFC50] =	vst v26;
	v61 =	vld.idx.msk [tilespmem:v28+s19+$0x0], $0xffff;
	v26 =	vmul.f32 $8.000000000e+00, v31;
	v28 =	vor.u32 s0, v13  }
0x495: {  	v39 =	vor.u32 s2, v13;
	v35 =	vld.idx.msk [tilespmem:v57+s19+$0x0], $0xffff;
	v24 =	vmul.f32 $8.000000000e+00, v24;
	[tilespmem:s16+$0xFFFFFFE0] =	vst v25  }
0x496: {  	v31 =	vor.u32 s18, v13;
	[tilespmem:s16+$0xFFFFFCE0] =	vst v26;
	v62 =	vmul.f32 $8.000000000e+00, v36;
	v26 =	vld.idx.msk [tilespmem:v29+s19+$0x0], $0xffff  }
0x497: {  	v25 =	vld.idx.msk [tilespmem:v59+s19+$0x0], $0xffff;
	[tilespmem:s16+$0xFFFFFD60] =	vst v24;
	v29 =	vmul.f32 $8.000000000e+00, v30;
	v30 =	vor.u32 s21, v13  }
0x498: {  	s26 =	simm.s32 $0x16;
	v32 =	vor.u32 s6, v13;
	v27 =	vld.idx.msk [tilespmem:v60+s19+$0x0], $0xffff;
	[tilespmem:s16+$0xFFFFFDE0] =	vst v62;
	v63 =	vmul.f32 $8.000000000e+00, v34  }
0x499: {  	v21 =	vmul.f32 $8.000000000e+00, v21;
	v24 =	vor.u32 s26, v15;
	v28 =	vld.idx.msk [tilespmem:v28+s19+$0x0], $0xffff;
	[tilespmem:s16+$0xFFFFFE60] =	vst v29;
	v34 =	vmul.f32 $8.000000000e+00, v61  }
0x49a: {  	s28 =	simm.s32 $0x17;
	v20 =	vmul.f32 $8.000000000e+00, v20;
	v33 =	vor.u32 s24, v14;
	s24 =	simm.s32 $0x18;
	v35 =	vmul.f32 $8.000000000e+00, v35;
	v29 =	vld.idx.msk [tilespmem:v39+s19+$0x0], $0xffff;
	[tilespmem:s16+$0xFFFFFEE0] =	vst v63  }
.LBB2_9:
0x49b: {  	p0 =	slt.u32 s24, $0x38;
	v36 =	vor.u32 s28, v15;
	v31 =	vld.idx.msk [tilespmem:v31+s19+$0x0], $0xffff;
	[tilespmem:s16+$0xFFFFFF60] =	vst v34  }
0x49c: {  	v34 =	vor.u32 s29, v14;
	v26 =	vmul.f32 $8.000000000e+00, v26;
	s29 =	smov.u32 s23;
	[tilespmem:s16+$0xFFFFFC60] =	vst v35;
	v30 =	vld.idx.msk [tilespmem:v30+s19+$0x0], $0xffff  }
0x49d: {  	v25 =	vmul.f32 $8.000000000e+00, v25;
	v35 =	vor.u32 s30, v14;
	s30 =	smov.u32 s25;
	v32 =	vld.idx.msk [tilespmem:v32+s19+$0x0], $0xffff;
	[tilespmem:s7+$0xFFFFFF80] =	vst v21  }
0x49e: {  	v21 =	vld.idx.msk [tilespmem:v24+s19+$0x0], $0xffff;
	v24 =	vmul.f32 $8.000000000e+00, v27;
	v27 =	vor.u32 s0, v14;
	[tilespmem:s16+$0xFFFFFFF0] =	vst v26;
	s0 =	smov.u32 s11  }
0x49f: {  	v26 =	vor.u32 s2, v14;
	s2 =	smov.u32 s20;
	[tilespmem:s16+$0xFFFFFCF0] =	vst v25;
	v25 =	vmul.f32 $8.000000000e+00, v28;
	v28 =	vld.idx.msk [tilespmem:v33+s19+$0x0], $0xffff  }
0x4a0: {  	v33 =	vld.idx.msk [tilespmem:v36+s19+$0x0], $0xffff;
	[tilespmem:s16+$0xFFFFFD70] =	vst v24;
	v24 =	vmul.f32 $8.000000000e+00, v29;
	v29 =	vor.u32 s18, v14;
	s18 =	smov.u32 s22  }
0x4a1: {  	v34 =	vld.idx.msk [tilespmem:v34+s19+$0x0], $0xffff;
	[tilespmem:s16+$0xFFFFFDF0] =	vst v25;
	v25 =	vmul.f32 $8.000000000e+00, v31;
	v31 =	vor.u32 s21, v14;
	s21 =	smov.u32 s26  }
0x4a2: {  	v36 =	vor.u32 s6, v14;
	s6 =	smov.u32 s10;
	s10 =	smov.u32 s24;
	v35 =	vld.idx.msk [tilespmem:v35+s19+$0x0], $0xffff;
	[tilespmem:s16+$0xFFFFFE70] =	vst v24;
	v24 =	vmul.f32 $8.000000000e+00, v30  }
0x4a3: {  	v30 =	vor.u32 s24, v15;
	v32 =	vmul.f32 $8.000000000e+00, v32;
	v27 =	vld.idx.msk [tilespmem:v27+s19+$0x0], $0xffff;
	[tilespmem:s16+$0xFFFFFEF0] =	vst v25  }
0x4a4: {  	v25 =	vor.u32 s28, v10;
	v26 =	vld.idx.msk [tilespmem:v26+s19+$0x0], $0xffff;
	[tilespmem:s16+$0xFFFFFF70] =	vst v24  }
0x4a5: {  	v24 =	vor.u32 s29, v10;
	v28 =	vmul.f32 $8.000000000e+00, v28;
	[tilespmem:s16+$0xFFFFFC70] =	vst v32;
	v29 =	vld.idx.msk [tilespmem:v29+s19+$0x0], $0xffff  }
0x4a6: {  	v32 =	vor.u32 s30, v10;
	v33 =	vmul.f32 $8.000000000e+00, v33;
	v31 =	vld.idx.msk [tilespmem:v31+s19+$0x0], $0xffff;
	[tilespmem:s7+$0xFFFFFC80] =	vst v20;
	s7 =	smov.u32 s16  }
0x4a7: {  	v17 =	vmul.f32 $8.000000000e+00, v17;
	v20 =	vor.u32 s0, v10;
	v34 =	vmul.f32 $8.000000000e+00, v34;
	s16 =	sadd.s32 $0x400, s16;
	v36 =	vld.idx.msk [tilespmem:v36+s19+$0x0], $0xffff;
	[tilespmem:s7+$0x0] =	vst v28  }
0x4a8: {  	v18 =	vmul.f32 $8.000000000e+00, v18;
	v28 =	vld.idx.msk [tilespmem:v30+s19+$0x0], $0xffff;
	v30 =	vor.u32 s2, v10;
	[tilespmem:s16+$0xFFFFFF90] =	vst v33;
	v33 =	vmul.f32 $8.000000000e+00, v35  }
0x4a9: {  	v35 =	vor.u32 s18, v10;
	[tilespmem:s16+$0xFFFFFC90] =	vst v17;
	v17 =	vmul.f32 $8.000000000e+00, v19;
	v25 =	vld.idx.msk [tilespmem:v25+s19+$0x0], $0xffff;
	v19 =	vmul.f32 $8.000000000e+00, v27  }
0x4aa: {  	v27 =	vor.u32 s21, v10;
	v24 =	vld.idx.msk [tilespmem:v24+s19+$0x0], $0xffff;
	[tilespmem:s16+$0xFFFFFD10] =	vst v18;
	v18 =	vmul.f32 $8.000000000e+00, v22;
	v22 =	vmul.f32 $8.000000000e+00, v26  }
0x4ab: {  	s23 =	sadd.s32 $0x1, s24;
	v26 =	vor.u32 s6, v10;
	v32 =	vld.idx.msk [tilespmem:v32+s19+$0x0], $0xffff;
	[tilespmem:s16+$0xFFFFFD90] =	vst v17;
	v17 =	vmul.f32 $8.000000000e+00, v23;
	v23 =	vmul.f32 $8.000000000e+00, v29  }
0x4ac: {  	v29 =	vor.u32 s23, v15;
	v37 =	vld.idx.msk [tilespmem:v20+s19+$0x0], $0xffff;
	[tilespmem:s16+$0xFFFFFE10] =	vst v18;
	v18 =	vmul.f32 $8.000000000e+00, v21;
	v21 =	vmul.f32 $8.000000000e+00, v31  }
0x4ad: {  	v38 =	vor.u32 s28, v8;
	v31 =	vmul.f32 $8.000000000e+00, v16;
	v20 =	vmul.f32 $8.000000000e+00, v36;
	v30 =	vld.idx.msk [tilespmem:v30+s19+$0x0], $0xffff;
	[tilespmem:s16+$0xFFFFFE90] =	vst v17  }
0x4ae: {  	v36 =	vor.u32 s29, v8;
	v16 =	vmov v28;
	v35 =	vld.idx.msk [tilespmem:v35+s19+$0x0], $0xffff;
	[tilespmem:s16+$0xFFFFFF10] =	vst v18  }
0x4af: {  	v18 =	vor.u32 s30, v8;
	v25 =	vmul.f32 $8.000000000e+00, v25;
	[tilespmem:s16+$0xFFFFFC10] =	vst v31;
	v27 =	vld.idx.msk [tilespmem:v27+s19+$0x0], $0xffff  }
0x4b0: {  	v28 =	vor.u32 s0, v8;
	v24 =	vmul.f32 $8.000000000e+00, v24;
	v26 =	vld.idx.msk [tilespmem:v26+s19+$0x0], $0xffff;
	[tilespmem:s7+$0xFFFFFD00] =	vst v34  }
0x4b1: {  	v31 =	vor.u32 s2, v8;
	v17 =	vld.idx.msk [tilespmem:v29+s19+$0x0], $0xffff;
	v29 =	vmul.f32 $8.000000000e+00, v32;
	[tilespmem:s16+$0xFFFFFFA0] =	vst v25  }
0x4b2: {  	v25 =	vor.u32 s18, v8;
	[tilespmem:s16+$0xFFFFFCA0] =	vst v24;
	v24 =	vmul.f32 $8.000000000e+00, v37;
	v32 =	vld.idx.msk [tilespmem:v38+s19+$0x0], $0xffff  }
0x4b3: {  	v34 =	vld.idx.msk [tilespmem:v36+s19+$0x0], $0xffff;
	[tilespmem:s16+$0xFFFFFD20] =	vst v29;
	v29 =	vmul.f32 $8.000000000e+00, v30;
	v30 =	vor.u32 s21, v8  }
0x4b4: {  	s25 =	sadd.s32 $0x2, s24;
	v36 =	vor.u32 s6, v8;
	v37 =	vld.idx.msk [tilespmem:v18+s19+$0x0], $0xffff;
	[tilespmem:s16+$0xFFFFFDA0] =	vst v24;
	v18 =	vmul.f32 $8.000000000e+00, v35  }
0x4b5: {  	v24 =	vor.u32 s25, v15;
	v27 =	vmul.f32 $8.000000000e+00, v27;
	v28 =	vld.idx.msk [tilespmem:v28+s19+$0x0], $0xffff;
	[tilespmem:s16+$0xFFFFFE20] =	vst v29  }
0x4b6: {  	v26 =	vmul.f32 $8.000000000e+00, v26;
	v29 =	vld.idx.msk [tilespmem:v31+s19+$0x0], $0xffff;
	[tilespmem:s16+$0xFFFFFEA0] =	vst v18;
	v31 =	vor.u32 s28, v9  }
0x4b7: {  	v35 =	vor.u32 s29, v9;
	v25 =	vld.idx.msk [tilespmem:v25+s19+$0x0], $0xffff;
	[tilespmem:s16+$0xFFFFFF20] =	vst v27  }
0x4b8: {  	[tilespmem:s16+$0xFFFFFC20] =	vst v26;
	v26 =	vor.u32 s30, v9;
	v27 =	vld.idx.msk [tilespmem:v30+s19+$0x0], $0xffff;
	v30 =	vmul.f32 $8.000000000e+00, v32  }
0x4b9: {  	v34 =	vmul.f32 $8.000000000e+00, v34;
	v32 =	vld.idx.msk [tilespmem:v36+s19+$0x0], $0xffff;
	v36 =	vor.u32 s0, v9;
	[tilespmem:s7+$0xFFFFFD80] =	vst v33  }
0x4ba: {  	v33 =	vor.u32 s2, v9;
	v18 =	vld.idx.msk [tilespmem:v24+s19+$0x0], $0xffff;
	v24 =	vmul.f32 $8.000000000e+00, v37;
	[tilespmem:s16+$0xFFFFFFB0] =	vst v30  }
0x4bb: {  	v28 =	vmul.f32 $8.000000000e+00, v28;
	v30 =	vor.u32 s18, v9;
	[tilespmem:s16+$0xFFFFFCB0] =	vst v34;
	v31 =	vld.idx.msk [tilespmem:v31+s19+$0x0], $0xffff  }
0x4bc: {  	v34 =	vld.idx.msk [tilespmem:v35+s19+$0x0], $0xffff;
	[tilespmem:s16+$0xFFFFFD30] =	vst v24;
	v24 =	vmul.f32 $8.000000000e+00, v29;
	v29 =	vor.u32 s21, v9  }
0x4bd: {  	s11 =	sadd.s32 $0x3, s24;
	v35 =	vor.u32 s6, v9;
	v25 =	vmul.f32 $8.000000000e+00, v25;
	v26 =	vld.idx.msk [tilespmem:v26+s19+$0x0], $0xffff;
	[tilespmem:s16+$0xFFFFFDB0] =	vst v28  }
0x4be: {  	v28 =	vor.u32 s11, v15;
	v36 =	vld.idx.msk [tilespmem:v36+s19+$0x0], $0xffff;
	[tilespmem:s16+$0xFFFFFE30] =	vst v24;
	v24 =	vmul.f32 $8.000000000e+00, v27  }
0x4bf: {  	v27 =	vmul.f32 $8.000000000e+00, v32;
	v32 =	vld.idx.msk [tilespmem:v33+s19+$0x0], $0xffff;
	[tilespmem:s16+$0xFFFFFEB0] =	vst v25;
	v25 =	vor.u32 s28, v11  }
0x4c0: {  	v33 =	vor.u32 s29, v11;
	v30 =	vld.idx.msk [tilespmem:v30+s19+$0x0], $0xffff;
	[tilespmem:s16+$0xFFFFFF30] =	vst v24  }
0x4c1: {  	v24 =	vor.u32 s30, v11;
	[tilespmem:s16+$0xFFFFFC30] =	vst v27;
	v27 =	vld.idx.msk [tilespmem:v29+s19+$0x0], $0xffff;
	v29 =	vmul.f32 $8.000000000e+00, v31  }
0x4c2: {  	v34 =	vmul.f32 $8.000000000e+00, v34;
	v31 =	vld.idx.msk [tilespmem:v35+s19+$0x0], $0xffff;
	v35 =	vor.u32 s0, v11;
	[tilespmem:s7+$0xFFFFFE00] =	vst v19  }
0x4c3: {  	v26 =	vmul.f32 $8.000000000e+00, v26;
	v19 =	vld.idx.msk [tilespmem:v28+s19+$0x0], $0xffff;
	v28 =	vor.u32 s2, v11;
	[tilespmem:s16+$0xFFFFFFC0] =	vst v29  }
0x4c4: {  	v29 =	vmul.f32 $8.000000000e+00, v36;
	[tilespmem:s16+$0xFFFFFCC0] =	vst v34;
	v34 =	vor.u32 s18, v11;
	v25 =	vld.idx.msk [tilespmem:v25+s19+$0x0], $0xffff  }
0x4c5: {  	v33 =	vld.idx.msk [tilespmem:v33+s19+$0x0], $0xffff;
	[tilespmem:s16+$0xFFFFFD40] =	vst v26;
	v26 =	vmul.f32 $8.000000000e+00, v32;
	v32 =	vor.u32 s21, v11  }
0x4c6: {  	s20 =	sadd.s32 $0x4, s24;
	v36 =	vor.u32 s6, v11;
	v24 =	vld.idx.msk [tilespmem:v24+s19+$0x0], $0xffff;
	[tilespmem:s16+$0xFFFFFDC0] =	vst v29;
	v29 =	vmul.f32 $8.000000000e+00, v30  }
0x4c7: {  	v30 =	vor.u32 s20, v15;
	v35 =	vld.idx.msk [tilespmem:v35+s19+$0x0], $0xffff;
	[tilespmem:s16+$0xFFFFFE40] =	vst v26;
	v26 =	vmul.f32 $8.000000000e+00, v27  }
0x4c8: {  	v27 =	vmul.f32 $8.000000000e+00, v31;
	v28 =	vld.idx.msk [tilespmem:v28+s19+$0x0], $0xffff;
	[tilespmem:s16+$0xFFFFFEC0] =	vst v29;
	v29 =	vor.u32 s28, v12  }
0x4c9: {  	v31 =	vor.u32 s29, v12;
	v34 =	vld.idx.msk [tilespmem:v34+s19+$0x0], $0xffff;
	[tilespmem:s16+$0xFFFFFF40] =	vst v26  }
0x4ca: {  	v26 =	vor.u32 s30, v12;
	v25 =	vmul.f32 $8.000000000e+00, v25;
	[tilespmem:s16+$0xFFFFFC40] =	vst v27;
	v27 =	vld.idx.msk [tilespmem:v32+s19+$0x0], $0xffff  }
0x4cb: {  	v33 =	vmul.f32 $8.000000000e+00, v33;
	v32 =	vld.idx.msk [tilespmem:v36+s19+$0x0], $0xffff;
	v36 =	vor.u32 s0, v12;
	[tilespmem:s7+$0xFFFFFE80] =	vst v22  }
0x4cc: {  	v24 =	vmul.f32 $8.000000000e+00, v24;
	v22 =	vld.idx.msk [tilespmem:v30+s19+$0x0], $0xffff;
	v30 =	vor.u32 s2, v12;
	[tilespmem:s16+$0xFFFFFFD0] =	vst v25  }
0x4cd: {  	v25 =	vmul.f32 $8.000000000e+00, v35;
	[tilespmem:s16+$0xFFFFFCD0] =	vst v33;
	v33 =	vor.u32 s18, v12;
	v29 =	vld.idx.msk [tilespmem:v29+s19+$0x0], $0xffff  }
0x4ce: {  	v31 =	vld.idx.msk [tilespmem:v31+s19+$0x0], $0xffff;
	[tilespmem:s16+$0xFFFFFD50] =	vst v24;
	v24 =	vmul.f32 $8.000000000e+00, v28;
	v28 =	vor.u32 s21, v12  }
0x4cf: {  	s22 =	sadd.s32 $0x5, s24;
	v35 =	vor.u32 s6, v12;
	v26 =	vld.idx.msk [tilespmem:v26+s19+$0x0], $0xffff;
	[tilespmem:s16+$0xFFFFFDD0] =	vst v25;
	v25 =	vmul.f32 $8.000000000e+00, v34  }
0x4d0: {  	v34 =	vor.u32 s22, v15;
	v36 =	vld.idx.msk [tilespmem:v36+s19+$0x0], $0xffff;
	[tilespmem:s16+$0xFFFFFE50] =	vst v24;
	v24 =	vmul.f32 $8.000000000e+00, v27  }
0x4d1: {  	v27 =	vmul.f32 $8.000000000e+00, v32;
	v30 =	vld.idx.msk [tilespmem:v30+s19+$0x0], $0xffff;
	[tilespmem:s16+$0xFFFFFED0] =	vst v25;
	v25 =	vor.u32 s28, v13  }
0x4d2: {  	v32 =	vor.u32 s29, v13;
	v33 =	vld.idx.msk [tilespmem:v33+s19+$0x0], $0xffff;
	[tilespmem:s16+$0xFFFFFF50] =	vst v24  }
0x4d3: {  	v24 =	vor.u32 s30, v13;
	[tilespmem:s16+$0xFFFFFC50] =	vst v27;
	v37 =	vld.idx.msk [tilespmem:v28+s19+$0x0], $0xffff;
	v27 =	vmul.f32 $8.000000000e+00, v29  }
0x4d4: {  	v28 =	vmul.f32 $8.000000000e+00, v31;
	v29 =	vld.idx.msk [tilespmem:v35+s19+$0x0], $0xffff;
	v35 =	vor.u32 s0, v13;
	[tilespmem:s7+$0xFFFFFF00] =	vst v23  }
0x4d5: {  	v38 =	vor.u32 s2, v13;
	v23 =	vld.idx.msk [tilespmem:v34+s19+$0x0], $0xffff;
	v34 =	vmul.f32 $8.000000000e+00, v26;
	[tilespmem:s16+$0xFFFFFFE0] =	vst v27  }
.Ltmp5:
0x4d6: {  	v31 =	vor.u32 s18, v13;
	[tilespmem:s16+$0xFFFFFCE0] =	vst v28;
	v28 =	vmul.f32 $8.000000000e+00, v36;
	v26 =	vld.idx.msk [tilespmem:v25+s19+$0x0], $0xffff;
	(pc) =	sbr.rel @p0 .LBB2_9-.Ltmp5, $4  }
0x4d7: {  	v25 =	vld.idx.msk [tilespmem:v32+s19+$0x0], $0xffff;
	[tilespmem:s16+$0xFFFFFD60] =	vst v34;
	v34 =	vmul.f32 $8.000000000e+00, v30;
	v30 =	vor.u32 s21, v13  }
0x4d8: {  	s26 =	sadd.s32 $0x6, s24;
	v32 =	vor.u32 s6, v13;
	v33 =	vmul.f32 $8.000000000e+00, v33;
	v27 =	vld.idx.msk [tilespmem:v24+s19+$0x0], $0xffff;
	[tilespmem:s16+$0xFFFFFDE0] =	vst v28  }
0x4d9: {  	v24 =	vor.u32 s26, v15;
	v28 =	vld.idx.msk [tilespmem:v35+s19+$0x0], $0xffff;
	[tilespmem:s16+$0xFFFFFE60] =	vst v34;
	v34 =	vmul.f32 $8.000000000e+00, v37  }
0x4da: {  	s24 =	sadd.s32 $0x8, s24;
	v35 =	vmul.f32 $8.000000000e+00, v29;
	v29 =	vld.idx.msk [tilespmem:v38+s19+$0x0], $0xffff;
	[tilespmem:s16+$0xFFFFFEE0] =	vst v33;
	v33 =	vor.u32 s28, v14;
	s28 =	sadd.s32 $0x7, s10  }
0x4db: {  	[tilespmem:s16+$0xFFFFFF60] =	vst v34  }
0x4dc: {  	[tilespmem:s7+$0xFFFFFF80] =	vst v21  }
0x4dd: {  	v26 =	vmul.f32 $8.000000000e+00, v26;
	[tilespmem:s7+$0xFFFFFC80] =	vst v20  }
0x4de: {  	v17 =	vmul.f32 $8.000000000e+00, v17;
	[tilespmem:s16+$0xFFFFFC60] =	vst v35  }
0x4df: {  	v60 =	vor.u32 s29, v14;
	s29 =	sadd.s32 $0x400, s16;
	v18 =	vmul.f32 $8.000000000e+00, v18;
	[tilespmem:s16+$0xFFFFFFF0] =	vst v26  }
0x4e0: {  	v37 =	vmul.f32 $8.000000000e+00, v22;
	[tilespmem:s29+$0xFFFFFC90] =	vst v17  }
0x4e1: {  	v40 =	vmul.f32 $8.000000000e+00, v23;
	[tilespmem:s29+$0xFFFFFD10] =	vst v18  }
0x4e2: {  	v15 =	vor.u32 s28, v15;
	v16 =	vmul.f32 $8.000000000e+00, v16;
	[tilespmem:s29+$0xFFFFFE10] =	vst v37  }
0x4e3: {  	v31 =	vld.idx.msk [tilespmem:v31+s19+$0x0], $0xffff;
	v63 =	vor.u32 s23, v10;
	v25 =	vmul.f32 $8.000000000e+00, v25;
	[tilespmem:s29+$0xFFFFFE90] =	vst v40  }
0x4e4: {  	v34 =	vor.u32 s20, v10;
	v30 =	vld.idx.msk [tilespmem:v30+s19+$0x0], $0xffff;
	v35 =	vmul.f32 $8.000000000e+00, v19;
	[tilespmem:s29+$0xFFFFFC10] =	vst v16  }
0x4e5: {  	v36 =	vor.u32 s22, v10;
	v55 =	vld.idx.msk [tilespmem:v32+s19+$0x0], $0xffff;
	v27 =	vmul.f32 $8.000000000e+00, v27;
	[tilespmem:s16+$0xFFFFFCF0] =	vst v25  }
0x4e6: {  	v41 =	vor.u32 s10, v10;
	v56 =	vmul.f32 $8.000000000e+00, v28;
	v26 =	vld.idx.msk [tilespmem:v33+s19+$0x0], $0xffff;
	[tilespmem:s29+$0xFFFFFD90] =	vst v35  }
0x4e7: {  	v44 =	vor.u32 s30, v14;
	[tilespmem:s16+$0xFFFFFD70] =	vst v27;
	v57 =	vmul.f32 $8.000000000e+00, v29;
	v15 =	vld.idx.msk [tilespmem:v15+s19+$0x0], $0xffff  }
0x4e8: {  	[tilespmem:s16+$0xFFFFFDF0] =	vst v56;
	v58 =	vmul.f32 $8.000000000e+00, v31;
	v38 =	vld.idx.msk [tilespmem:v63+s19+$0x0], $0xffff  }
0x4e9: {  	v45 =	vld.idx.msk [tilespmem:v34+s19+$0x0], $0xffff;
	[tilespmem:s16+$0xFFFFFE70] =	vst v57;
	v59 =	vmul.f32 $8.000000000e+00, v30  }
0x4ea: {  	v61 =	vor.u32 s28, v10;
	v32 =	vor.u32 s11, v10;
	v19 =	vld.idx.msk [tilespmem:v36+s19+$0x0], $0xffff;
	v21 =	vmul.f32 $8.000000000e+00, v55;
	[tilespmem:s16+$0xFFFFFEF0] =	vst v58  }
0x4eb: {  	v39 =	vor.u32 s26, v10;
	v31 =	vor.u32 s25, v10;
	v10 =	vld.idx.msk [tilespmem:v41+s19+$0x0], $0xffff;
	[tilespmem:s16+$0xFFFFFF70] =	vst v59;
	v62 =	vmul.f32 $8.000000000e+00, v26  }
0x4ec: {  	v51 =	vld.idx.msk [tilespmem:v44+s19+$0x0], $0xffff;
	[tilespmem:s16+$0xFFFFFC70] =	vst v21;
	v15 =	vmul.f32 $8.000000000e+00, v15  }
0x4ed: {  	v30 =	vld.idx.msk [tilespmem:v24+s19+$0x0], $0xffff;
	v57 =	vor.u32 s0, v14;
	[tilespmem:s16+$0x0] =	vst v62;
	v22 =	vmul.f32 $8.000000000e+00, v38  }
0x4ee: {  	v47 =	vor.u32 s23, v8;
	v33 =	vld.idx.msk [tilespmem:v60+s19+$0x0], $0xffff;
	v17 =	vmul.f32 $8.000000000e+00, v45;
	[tilespmem:s29+$0xFFFFFF90] =	vst v15  }
0x4ef: {  	v52 =	vor.u32 s20, v8;
	v21 =	vld.idx.msk [tilespmem:v32+s19+$0x0], $0xffff;
	v19 =	vmul.f32 $8.000000000e+00, v19;
	[tilespmem:s29+$0xFFFFFCA0] =	vst v22  }
0x4f0: {  	v42 =	vld.idx.msk [tilespmem:v31+s19+$0x0], $0xffff;
	v10 =	vmul.f32 $8.000000000e+00, v10;
	[tilespmem:s29+$0xFFFFFE20] =	vst v17  }
0x4f1: {  	v46 =	vor.u32 s28, v8;
	v53 =	vor.u32 s22, v8;
	v16 =	vmul.f32 $8.000000000e+00, v51;
	[tilespmem:s29+$0xFFFFFEA0] =	vst v19;
	v27 =	vld.idx.msk [tilespmem:v61+s19+$0x0], $0xffff  }
0x4f2: {  	v49 =	vor.u32 s25, v8;
	v50 =	vor.u32 s11, v8;
	v43 =	vmul.f32 $8.000000000e+00, v30;
	v28 =	vld.idx.msk [tilespmem:v57+s19+$0x0], $0xffff;
	[tilespmem:s29+$0xFFFFFC20] =	vst v10  }
0x4f3: {  	v54 =	vor.u32 s26, v8;
	v8 =	vor.u32 s10, v8;
	v15 =	vmul.f32 $8.000000000e+00, v33;
	[tilespmem:s16+$0xFFFFFD80] =	vst v16;
	v18 =	vld.idx.msk [tilespmem:v47+s19+$0x0], $0xffff  }
0x4f4: {  	[tilespmem:s29+$0xFFFFFF10] =	vst v43;
	v58 =	vld.idx.msk [tilespmem:v52+s19+$0x0], $0xffff;
	v21 =	vmul.f32 $8.000000000e+00, v21  }
0x4f5: {  	v26 =	vld.idx.msk [tilespmem:v39+s19+$0x0], $0xffff;
	[tilespmem:s16+$0xFFFFFD00] =	vst v15;
	v23 =	vmul.f32 $8.000000000e+00, v42  }
0x4f6: {  	v60 =	vor.u32 s23, v9;
	v22 =	vld.idx.msk [tilespmem:v53+s19+$0x0], $0xffff;
	[tilespmem:s29+$0xFFFFFDA0] =	vst v21;
	v48 =	vmul.f32 $8.000000000e+00, v27  }
0x4f7: {  	v29 =	vor.u32 s20, v9;
	v10 =	vmul.f32 $8.000000000e+00, v28;
	[tilespmem:s29+$0xFFFFFD20] =	vst v23;
	v15 =	vld.idx.msk [tilespmem:v50+s19+$0x0], $0xffff  }
0x4f8: {  	v8 =	vld.idx.msk [tilespmem:v8+s19+$0x0], $0xffff;
	v18 =	vmul.f32 $8.000000000e+00, v18;
	[tilespmem:s29+$0xFFFFFFA0] =	vst v48  }
0x4f9: {  	v30 =	vor.u32 s22, v9;
	v19 =	vmul.f32 $8.000000000e+00, v58;
	[tilespmem:s16+$0xFFFFFE00] =	vst v10;
	v24 =	vld.idx.msk [tilespmem:v46+s19+$0x0], $0xffff  }
0x4fa: {  	v63 =	vor.u32 s11, v9;
	v55 =	vld.idx.msk [tilespmem:v49+s19+$0x0], $0xffff;
	v56 =	vmul.f32 $8.000000000e+00, v26;
	[tilespmem:s29+$0xFFFFFCB0] =	vst v18  }
0x4fb: {  	v33 =	vor.u32 s10, v9;
	v32 =	vmul.f32 $8.000000000e+00, v22;
	[tilespmem:s29+$0xFFFFFE30] =	vst v19;
	v17 =	vld.idx.msk [tilespmem:v60+s19+$0x0], $0xffff  }
0x4fc: {  	v59 =	vor.u32 s28, v9;
	[tilespmem:s29+$0xFFFFFF20] =	vst v56;
	v37 =	vld.idx.msk [tilespmem:v29+s19+$0x0], $0xffff;
	v15 =	vmul.f32 $8.000000000e+00, v15  }
0x4fd: {  	v8 =	vmul.f32 $8.000000000e+00, v8;
	v49 =	vor.u32 s18, v14;
	[tilespmem:s29+$0xFFFFFEB0] =	vst v32;
	v23 =	vld.idx.msk [tilespmem:v54+s19+$0x0], $0xffff  }
0x4fe: {  	v62 =	vor.u32 s25, v9;
	v18 =	vld.idx.msk [tilespmem:v30+s19+$0x0], $0xffff;
	[tilespmem:s29+$0xFFFFFDB0] =	vst v15;
	v61 =	vmul.f32 $8.000000000e+00, v24  }
0x4ff: {  	v39 =	vor.u32 s23, v11;
	[tilespmem:s29+$0xFFFFFC30] =	vst v8;
	v21 =	vmul.f32 $8.000000000e+00, v55;
	v16 =	vld.idx.msk [tilespmem:v63+s19+$0x0], $0xffff  }
0x500: {  	v31 =	vor.u32 s26, v9;
	v9 =	vld.idx.msk [tilespmem:v33+s19+$0x0], $0xffff;
	v17 =	vmul.f32 $8.000000000e+00, v17;
	[tilespmem:s29+$0xFFFFFFB0] =	vst v61  }
0x501: {  	v42 =	vor.u32 s20, v11;
	[tilespmem:s29+$0xFFFFFD30] =	vst v21;
	v15 =	vmul.f32 $8.000000000e+00, v37;
	v20 =	vld.idx.msk [tilespmem:v59+s19+$0x0], $0xffff  }
0x502: {  	v41 =	vor.u32 s11, v11;
	v56 =	vld.idx.msk [tilespmem:v49+s19+$0x0], $0xffff;
	v35 =	vmul.f32 $8.000000000e+00, v23;
	[tilespmem:s29+$0xFFFFFCC0] =	vst v17  }
0x503: {  	v36 =	vor.u32 s2, v14;
	v34 =	vld.idx.msk [tilespmem:v62+s19+$0x0], $0xffff;
	v45 =	vmul.f32 $8.000000000e+00, v18;
	[tilespmem:s29+$0xFFFFFE40] =	vst v15  }
0x504: {  	v38 =	vor.u32 s28, v11;
	[tilespmem:s29+$0xFFFFFF30] =	vst v35;
	v19 =	vld.idx.msk [tilespmem:v39+s19+$0x0], $0xffff;
	v16 =	vmul.f32 $8.000000000e+00, v16  }
0x505: {  	v43 =	vor.u32 s22, v11;
	v9 =	vmul.f32 $8.000000000e+00, v9;
	[tilespmem:s29+$0xFFFFFEC0] =	vst v45;
	v21 =	vld.idx.msk [tilespmem:v31+s19+$0x0], $0xffff  }
0x506: {  	v40 =	vor.u32 s25, v11;
	v50 =	vld.idx.msk [tilespmem:v42+s19+$0x0], $0xffff;
	[tilespmem:s29+$0xFFFFFDC0] =	vst v16;
	v8 =	vmul.f32 $8.000000000e+00, v20  }
0x507: {  	v52 =	vor.u32 s23, v12;
	[tilespmem:s29+$0xFFFFFC40] =	vst v9;
	v9 =	vmul.f32 $8.000000000e+00, v56;
	v10 =	vld.idx.msk [tilespmem:v41+s19+$0x0], $0xffff  }
0x508: {  	v44 =	vor.u32 s26, v11;
	v22 =	vmul.f32 $8.000000000e+00, v34;
	[tilespmem:s29+$0xFFFFFFC0] =	vst v8;
	v8 =	vld.idx.msk [tilespmem:v36+s19+$0x0], $0xffff  }
0x509: {  	v57 =	vor.u32 s20, v12;
	[tilespmem:s16+$0xFFFFFF00] =	vst v9;
	v19 =	vmul.f32 $8.000000000e+00, v19;
	v24 =	vld.idx.msk [tilespmem:v38+s19+$0x0], $0xffff  }
0x50a: {  	v46 =	vor.u32 s10, v11;
	v17 =	vld.idx.msk [tilespmem:v43+s19+$0x0], $0xffff;
	[tilespmem:s29+$0xFFFFFD40] =	vst v22;
	v48 =	vmul.f32 $8.000000000e+00, v21  }
0x50b: {  	v55 =	vor.u32 s11, v12;
	v47 =	vld.idx.msk [tilespmem:v40+s19+$0x0], $0xffff;
	v16 =	vmul.f32 $8.000000000e+00, v50;
	[tilespmem:s29+$0xFFFFFCD0] =	vst v19  }
0x50c: {  	v51 =	vor.u32 s28, v12;
	[tilespmem:s29+$0xFFFFFF40] =	vst v48;
	v15 =	vld.idx.msk [tilespmem:v52+s19+$0x0], $0xffff;
	v10 =	vmul.f32 $8.000000000e+00, v10  }
0x50d: {  	v58 =	vor.u32 s22, v12;
	[tilespmem:s29+$0xFFFFFE50] =	vst v16;
	v22 =	vld.idx.msk [tilespmem:v44+s19+$0x0], $0xffff;
	v8 =	vmul.f32 $8.000000000e+00, v8  }
0x50e: {  	v54 =	vor.u32 s25, v12;
	v25 =	vld.idx.msk [tilespmem:v57+s19+$0x0], $0xffff;
	[tilespmem:s29+$0xFFFFFDD0] =	vst v10;
	v53 =	vmul.f32 $8.000000000e+00, v24  }
0x50f: {  	v60 =	vmul.f32 $8.000000000e+00, v17;
	v38 =	vor.u32 s6, v14;
	[tilespmem:s16+$0xFFFFFE80] =	vst v8;
	v8 =	vld.idx.msk [tilespmem:v46+s19+$0x0], $0xffff  }
0x510: {  	v59 =	vor.u32 s26, v12;
	v18 =	vmul.f32 $8.000000000e+00, v47;
	v11 =	vld.idx.msk [tilespmem:v55+s19+$0x0], $0xffff;
	[tilespmem:s29+$0xFFFFFFD0] =	vst v53  }
0x511: {  	v31 =	vor.u32 s20, v13;
	[tilespmem:s29+$0xFFFFFED0] =	vst v60;
	v15 =	vmul.f32 $8.000000000e+00, v15;
	v21 =	vld.idx.msk [tilespmem:v51+s19+$0x0], $0xffff  }
0x512: {  	v61 =	vor.u32 s10, v12;
	v19 =	vld.idx.msk [tilespmem:v58+s19+$0x0], $0xffff;
	[tilespmem:s29+$0xFFFFFD50] =	vst v18;
	v63 =	vmul.f32 $8.000000000e+00, v22  }
0x513: {  	v62 =	vld.idx.msk [tilespmem:v54+s19+$0x0], $0xffff;
	v24 =	vor.u32 s21, v14;
	v10 =	vmul.f32 $8.000000000e+00, v25;
	[tilespmem:s29+$0xFFFFFCE0] =	vst v15  }
0x514: {  	v30 =	vor.u32 s11, v13;
	v47 =	vld.idx.msk [tilespmem:v38+s19+$0x0], $0xffff;
	[tilespmem:s29+$0xFFFFFF50] =	vst v63;
	v8 =	vmul.f32 $8.000000000e+00, v8  }
0x515: {  	v27 =	vor.u32 s23, v13;
	[tilespmem:s29+$0xFFFFFE60] =	vst v10;
	v18 =	vld.idx.msk [tilespmem:v59+s19+$0x0], $0xffff;
	v11 =	vmul.f32 $8.000000000e+00, v11  }
0x516: {  	v28 =	vor.u32 s25, v13;
	v39 =	vld.idx.msk [tilespmem:v31+s19+$0x0], $0xffff;
	[tilespmem:s29+$0xFFFFFC50] =	vst v8;
	v8 =	vmul.f32 $8.000000000e+00, v21  }
0x517: {  	v26 =	vor.u32 s28, v13;
	v34 =	vmul.f32 $8.000000000e+00, v19;
	[tilespmem:s29+$0xFFFFFDE0] =	vst v11;
	v29 =	vld.idx.msk [tilespmem:v61+s19+$0x0], $0xffff  }
0x518: {  	v33 =	vor.u32 s26, v13;
	v17 =	vmul.f32 $8.000000000e+00, v62;
	[tilespmem:s29+$0xFFFFFFE0] =	vst v8;
	v8 =	vld.idx.msk [tilespmem:v24+s19+$0x0], $0xffff  }
0x519: {  	v32 =	vor.u32 s22, v13;
	[tilespmem:s29+$0xFFFFFEE0] =	vst v34;
	v55 =	vmul.f32 $8.000000000e+00, v47;
	v12 =	vld.idx.msk [tilespmem:v30+s19+$0x0], $0xffff  }
0x51a: {  	v35 =	vor.u32 s10, v13;
	v16 =	vld.idx.msk [tilespmem:v27+s19+$0x0], $0xffff;
	[tilespmem:s29+$0xFFFFFD60] =	vst v17;
	v37 =	vmul.f32 $8.000000000e+00, v18  }
0x51b: {  	v48 =	vor.u32 s20, v14;
	[tilespmem:s16+$0xFFFFFC80] =	vst v55;
	v36 =	vld.idx.msk [tilespmem:v28+s19+$0x0], $0xffff;
	v11 =	vmul.f32 $8.000000000e+00, v39  }
0x51c: {  	v46 =	vor.u32 s11, v14;
	v20 =	vld.idx.msk [tilespmem:v26+s19+$0x0], $0xffff;
	[tilespmem:s29+$0xFFFFFF60] =	vst v37;
	v9 =	vmul.f32 $8.000000000e+00, v29  }
0x51d: {  	v42 =	vor.u32 s23, v14;
	[tilespmem:s29+$0xFFFFFE70] =	vst v11;
	v17 =	vld.idx.msk [tilespmem:v33+s19+$0x0], $0xffff;
	v8 =	vmul.f32 $8.000000000e+00, v8  }
0x51e: {  	v44 =	vor.u32 s25, v14;
	v41 =	vld.idx.msk [tilespmem:v32+s19+$0x0], $0xffff;
	v12 =	vmul.f32 $8.000000000e+00, v12;
	[tilespmem:s29+$0xFFFFFC60] =	vst v9  }
0x51f: {  	v40 =	vor.u32 s28, v14;
	v16 =	vmul.f32 $8.000000000e+00, v16;
	[tilespmem:s16+$0xFFFFFF80] =	vst v8;
	v8 =	vld.idx.msk [tilespmem:v35+s19+$0x0], $0xffff  }
0x520: {  	v51 =	vor.u32 s26, v14;
	v56 =	vld.idx.msk [tilespmem:v48+s19+$0x0], $0xffff;
	v45 =	vmul.f32 $8.000000000e+00, v36;
	[tilespmem:s29+$0xFFFFFDF0] =	vst v12  }
0x521: {  	v50 =	vor.u32 s22, v14;
	[tilespmem:s29+$0xFFFFFCF0] =	vst v16;
	v54 =	vld.idx.msk [tilespmem:v46+s19+$0x0], $0xffff;
	v43 =	vmul.f32 $8.000000000e+00, v20  }
0x522: {  	v52 =	vor.u32 s10, v14;
	[tilespmem:s29+$0xFFFFFD70] =	vst v45;
	v9 =	vld.idx.msk [tilespmem:v42+s19+$0x0], $0xffff;
	v53 =	vmul.f32 $8.000000000e+00, v17  }
0x523: {  	v10 =	vmul.f32 $8.000000000e+00, v41;
	v20 =	vld.idx.msk [tilespmem:v44+s19+$0x0], $0xffff;
	[tilespmem:s29+$0xFFFFFFF0] =	vst v43  }
0x524: {  	v49 =	vld.idx.msk [tilespmem:v40+s19+$0x0], $0xffff;
	[tilespmem:s29+$0xFFFFFF70] =	vst v53;
	v8 =	vmul.f32 $8.000000000e+00, v8  }
0x525: {  	[tilespmem:s29+$0xFFFFFEF0] =	vst v10;
	v61 =	vmul.f32 $8.000000000e+00, v56;
	v12 =	vld.idx.msk [tilespmem:v51+s19+$0x0], $0xffff  }
0x526: {  	v60 =	vmul.f32 $8.000000000e+00, v54;
	[tilespmem:s29+$0xFFFFFC70] =	vst v8;
	v8 =	vld.idx.msk [tilespmem:v50+s19+$0x0], $0xffff  }
0x527: {  	[tilespmem:s29+$0xFFFFFE80] =	vst v61;
	v9 =	vmul.f32 $8.000000000e+00, v9;
	v58 =	vld.idx.msk [tilespmem:v52+s19+$0x0], $0xffff  }
0x528: {  	v59 =	vmul.f32 $8.000000000e+00, v20;
	[tilespmem:s29+$0xFFFFFE00] =	vst v60  }
0x529: {  	[tilespmem:s29+$0xFFFFFD00] =	vst v9;
	v57 =	vmul.f32 $8.000000000e+00, v49  }
0x52a: {  	[tilespmem:s29+$0xFFFFFD80] =	vst v59;
	v62 =	vmul.f32 $8.000000000e+00, v12  }
.Ltmp6:
0x52b: {  	s30 =	sshll.u32 s4, $0x12;
	[tilespmem:s29+$0x0] =	vst v57;
	v8 =	vmul.f32 $8.000000000e+00, v8;
	(pc) =	sbr.rel @p1 .LBB2_12-.Ltmp6, $4  }
0x52c: {  	s0 =	sor.u32 s5, s30;
	[tilespmem:s29+$0xFFFFFF80] =	vst v62;
	v63 =	vmul.f32 $8.000000000e+00, v58  }
0x52d: {  	s0 =	sshrl.u32 s0, $0x3;
	[tilespmem:s29+$0xFFFFFF00] =	vst v8  }
0x52e: {  	s31 =	simm.s32 $0x1C600;
	s0 =	sadd.s32 s3, s0;
	[tilespmem:s29+$0xFFFFFC80] =	vst v63  }
0x52f: {  	[hbm4b:s0+s8] =	stream.strided.scatter [tilespmem:s31], [sflag:$0x8], $0x2000, s9, s8, $0x38;
	[tilespmem:$0x1E600] =	vst v63  }
0x530: {  	v8 =	vld [tilespmem:s14+$0x380];
	_ =	sdelay $0x4  }
0x531: {  	v8 =	vshra.s32 v8, $0x1  }
0x532: {  	[tilespmem:$0x6580] =	vst v8  }
0x533: {  	v8 =	vld [tilespmem:s14+$0x390];
	_ =	sdelay $0x4  }
0x534: {  	v8 =	vshra.s32 v8, $0x1  }
0x535: {  	[tilespmem:$0x6590] =	vst v8  }
0x536: {  	v8 =	vld [tilespmem:s14+$0x3A0];
	_ =	sdelay $0x4  }
0x537: {  	v8 =	vshra.s32 v8, $0x1  }
0x538: {  	[tilespmem:$0x65A0] =	vst v8  }
0x539: {  	v8 =	vld [tilespmem:s14+$0x3B0];
	_ =	sdelay $0x4  }
0x53a: {  	v8 =	vshra.s32 v8, $0x1  }
0x53b: {  	[tilespmem:$0x65B0] =	vst v8  }
0x53c: {  	v8 =	vld [tilespmem:s14+$0x3C0];
	_ =	sdelay $0x4  }
0x53d: {  	v8 =	vshra.s32 v8, $0x1  }
0x53e: {  	[tilespmem:$0x65C0] =	vst v8  }
0x53f: {  	v8 =	vld [tilespmem:s14+$0x3D0];
	_ =	sdelay $0x4  }
0x540: {  	v8 =	vshra.s32 v8, $0x1  }
0x541: {  	[tilespmem:$0x65D0] =	vst v8  }
0x542: {  	v8 =	vld [tilespmem:s14+$0x3E0];
	_ =	sdelay $0x4  }
0x543: {  	v8 =	vshra.s32 v8, $0x1  }
0x544: {  	[tilespmem:$0x65E0] =	vst v8  }
0x545: {  	v8 =	vld [tilespmem:s14+$0x3F0];
	_ =	sdelay $0x2  }
.Ltmp7:
0x546: {  	_ = 	snop;
	(pc) =	sbr.rel .LBB2_2-.Ltmp7, $4  }
0x547: {  	_ = 	snop  }
0x548: {  	v8 =	vshra.s32 v8, $0x1  }
0x549: {  	s0 =	simm.s32 $0x80;
	s2 =	simm.s32 $0x6580;
	s12 =	sadd.s32 $0x1, s12;
	[tilespmem:$0x65F0] =	vst v8  }
0x54a: {  	[tilespmem:s19], [sflag:$0x4] =	stream.indirect.gather [hbm4b:s1+s0], $0x80, s2, s0, $0xb8;
	[tilespmem:$0x1E600] =	vst v63  }
.LBB2_13:
0x54b: {  	_ =	sfence.sel $0x180000  }
0x54c: {  	[bflag:$0x0] =	sbarrier.arrive $0xFFFF  }
0x54d: {  	_ =	strace $0x90000047  }
0x54e: {  	s0 =	stileid.u32;
	[bflag:$0x2] =	sbarrier.arrive $0xFFFF  }
0x54f: {  	p0 =	sne.s32 s0, $0x0;
	s0 =	rddreg [dreg:$0x3]  }
0x550: {  	s0 =	sadd.s32 @!p0 $0x100000, s0  }
0x551: {  	[sflag:s0] =	ssyncadd.tile.s32 @!p0 $0x1;
	_ =	shalt  }
.Lfunc_end2:
_tile_overlayer_lowered:
.L_overlay_start_2:
0x552: {  	(tag) =	ssettag $0x2  }
0x553: {  	s0 =	rddreg [dreg:$0x0];
	s2 =	stileid.u32  }
0x554: {  	s1 =	rddreg [dreg:$0x1];
	p0 =	sne.s32 s2, $0x0  }
0x555: {  	s3 =	rddreg [dreg:$0x2];
	[bflag:$0x3] =	sbarrier.arrive $0xFFFF;
	s2 =	simm.s32 @!p0 $0x1C09  }
0x556: {  	[timem:s3], [sflag:s2] =	dma.local @!p0 [hbm:s0], s1  }
0x557: {  	s0 =	simm.s32 @!p0 $0x9  }
0x558: {  	_ =	swait.ge @!p0 [sflag:s0], s1  }
0x559: {  	s1 =	ssub.s32 @!p0 $0x0, s1;
	[sflag:s0] =	ssyncset.done @!p0 $0x0  }
0x55a: {  	[sflag:s0] =	ssyncadd.s32 @!p0 s1  }
0x55b: {  	[bflag:$0x3] =	sbarrier.arrive $0xFFFF  }
0x55c: {  	_ =	shalt  }

</sc_bundles>
